<compile_context>
chip_gen: v7x
topology: tpu7x:2x2x1
jax: 0.10.2.dev20260603
libtpu: 0.0.44.dev20260713+nightly
codegen_flags: <defaults>
</compile_context>

<pallas_src>
import functools

import jax
import jax.numpy as jnp
from jax import lax
from jax.experimental import pallas as pl
from jax.experimental.pallas import tpu as pltpu
from jax.experimental.pallas import tpu_sc as plsc

D = 128
L = 16
NC = 2
NS = 16
NW = NC * NS
CHUNK = 80


def _distmult(src_i, dst_i, rel_i, z, w):
    E = src_i.shape[0]
    epw = E // NW
    n_chunks = epw // CHUNK
    n_pairs = n_chunks // 2
    mesh = plsc.VectorSubcoreMesh(core_axis_name="c", subcore_axis_name="s")

    @functools.partial(
        pl.kernel,
        mesh=mesh,
        out_type=jax.ShapeDtypeStruct((E,), jnp.float32),
        compiler_params=pltpu.CompilerParams(
            needs_layout_passes=False, use_tc_tiling_on_sc=False),
        scratch_types=[
            pltpu.VMEM((epw,), jnp.int32),
            pltpu.VMEM((epw,), jnp.int32),
            pltpu.VMEM((epw,), jnp.int32),
            pltpu.VMEM((CHUNK, D // 2), jnp.int32),
            pltpu.VMEM((CHUNK, D // 2), jnp.int32),
            pltpu.VMEM((CHUNK, D // 2), jnp.int32),
            pltpu.VMEM((CHUNK, D // 2), jnp.int32),
            pltpu.VMEM((CHUNK, D // 2), jnp.int32),
            pltpu.VMEM((CHUNK, D // 2), jnp.int32),
            pltpu.VMEM((L * L,), jnp.float32),
            pltpu.VMEM((epw,), jnp.float32),
            pltpu.SemaphoreType.DMA,
            pltpu.SemaphoreType.DMA,
        ],
    )
    def k(src_hbm, dst_hbm, rel_hbm, z_hbm, w_hbm, out_hbm,
          sidx, didx, ridx, s0, d0, r0, s1, d1, r1, tsc, outv,
          sem0, sem1):
        wid = lax.axis_index("s") * NC + lax.axis_index("c")
        base = wid * epw
        iota16 = lax.iota(jnp.int32, L) * L

        pltpu.sync_copy(src_hbm.at[pl.ds(base, epw)], sidx)
        pltpu.sync_copy(dst_hbm.at[pl.ds(base, epw)], didx)
        pltpu.sync_copy(rel_hbm.at[pl.ds(base, epw)], ridx)

        def issue(c, sb, db, rb, sem):
            off = c * CHUNK
            pltpu.async_copy(z_hbm.at[sidx.at[pl.ds(off, CHUNK)]], sb, sem)
            pltpu.async_copy(z_hbm.at[didx.at[pl.ds(off, CHUNK)]], db, sem)
            pltpu.async_copy(w_hbm.at[ridx.at[pl.ds(off, CHUNK)]], rb, sem)

        def drain(sb, db, rb, sem):
            dummy = sidx.at[pl.ds(0, CHUNK)]
            pltpu.make_async_copy(z_hbm.at[dummy], sb, sem).wait()
            pltpu.make_async_copy(z_hbm.at[dummy], db, sem).wait()
            pltpu.make_async_copy(z_hbm.at[dummy], rb, sem).wait()

        def compute(c, sb, db, rb):
            def group_body(g, carry):
                for e in range(L):
                    row = g * L + e
                    acc0 = jnp.zeros((L,), jnp.float32)
                    acc1 = jnp.zeros((L,), jnp.float32)
                    for kk in range(D // (2 * L)):
                        s = plsc.bitcast(sb[row, pl.ds(kk * L, L)], jnp.bfloat16)
                        t = plsc.bitcast(db[row, pl.ds(kk * L, L)], jnp.bfloat16)
                        r = plsc.bitcast(rb[row, pl.ds(kk * L, L)], jnp.bfloat16)
                        pa, pb = plsc.unpack(
                            s * t * r, format=plsc.PackFormat.INTERLEAVED)
                        acc0 = acc0 + pa
                        acc1 = acc1 + pb
                    tsc[pl.ds(e * L, L)] = acc0 + acc1
                tot = jnp.zeros((L,), jnp.float32)
                for dd in range(L):
                    tot = tot + plsc.load_gather(tsc, [iota16 + dd])
                outv[pl.ds(c * CHUNK + g * L, L)] = 1.0 / (1.0 + jnp.exp(-tot))
                return carry

            lax.fori_loop(0, CHUNK // L, group_body, 0)

        issue(0, s0, d0, r0, sem0)

        def pair_body(p, carry):
            c0 = 2 * p
            issue(c0 + 1, s1, d1, r1, sem1)
            drain(s0, d0, r0, sem0)
            compute(c0, s0, d0, r0)
            issue(c0 + 2, s0, d0, r0, sem0)
            drain(s1, d1, r1, sem1)
            compute(c0 + 1, s1, d1, r1)
            return carry

        lax.fori_loop(0, n_pairs, pair_body, 0)
        drain(s0, d0, r0, sem0)
        compute(n_chunks - 1, s0, d0, r0)
        pltpu.sync_copy(outv, out_hbm.at[pl.ds(base, epw)])

    return k(src_i, dst_i, rel_i, z, w)


def kernel(z, edge_index, edge_type, weight):
    ei = edge_index.astype(jnp.int32)
    et = edge_type.astype(jnp.int32)
    zb = jax.lax.bitcast_convert_type(
        z.astype(jnp.bfloat16).reshape(z.shape[0], D // 2, 2), jnp.int32)
    wb = jax.lax.bitcast_convert_type(
        weight.astype(jnp.bfloat16).reshape(weight.shape[0], D // 2, 2),
        jnp.int32)
    return _distmult(ei[0], ei[1], et, zb, wb)

# --- scband reference (transcript-rebuilt; emitter-appended) ---
"""Pipeline reference for scband-grip-net-919123001608 (READ-ONLY COPY).

The authoritative reference and input builder live on the scoring server;
editing this copy changes nothing except your own understanding.
"""

import jax, jax.numpy as jnp
import numpy as np

IN_DIM = 128
NUM_ET = 1000
N_NODES = 10000
N_EDGES = 320000


def setup_inputs(seed: int = 0) -> dict:
    key = jax.random.key(seed)
    k1, k2, k3, k4 = jax.random.split(key, 4)
    z = jax.random.normal(k1, (N_NODES, IN_DIM), dtype=jnp.float32)
    edge_index = jax.random.randint(k2, (2, N_EDGES), 0, N_NODES, dtype=jnp.int64)
    edge_type = jax.random.randint(k3, (N_EDGES,), 0, NUM_ET, dtype=jnp.int64)
    # learned DistMult relation weight, init std = 1/sqrt(in_dim) as in reset_parameters
    weight = jax.random.normal(k4, (NUM_ET, IN_DIM), dtype=jnp.float32) * (1.0 / np.sqrt(IN_DIM))
    return {"z": z, "edge_index": edge_index, "edge_type": edge_type, "weight": weight}


def reference(z, edge_index, edge_type, weight):
    # DistMult decoder: score(e) = sigmoid( sum_d z[src,d] * z[dst,d] * W[rel,d] )
    src = jnp.take(z, edge_index[0], axis=0)
    dst = jnp.take(z, edge_index[1], axis=0)
    rel = jnp.take(weight, edge_type, axis=0)
    value = jnp.sum(src * dst * rel, axis=1)
    return jax.nn.sigmoid(value)

if __name__ == "__main__":
    import jax
    _d = setup_inputs()
    print(jax.jit(kernel)(*tuple(_d.values())))

</pallas_src>

<mosaic_0001>
#map = affine_map<(d0, d1) -> (0)>
#map1 = affine_map<(d0, d1) -> (0, 0)>
module attributes {stable_mosaic.version = 14 : i64} {
  func.func @k(%arg0: i32, %arg1: i32, %arg2: memref<320000xi32, #tpu.memory_space<hbm>>, %arg3: memref<320000xi32, #tpu.memory_space<hbm>>, %arg4: memref<320000xi32, #tpu.memory_space<hbm>>, %arg5: memref<10000x64xi32, #tpu.memory_space<hbm>>, %arg6: memref<1000x64xi32, #tpu.memory_space<hbm>>, %arg7: memref<320000xf32, #tpu.memory_space<hbm>>, %arg8: memref<10000xi32, #tpu.memory_space<vmem>>, %arg9: memref<10000xi32, #tpu.memory_space<vmem>>, %arg10: memref<10000xi32, #tpu.memory_space<vmem>>, %arg11: memref<80x64xi32, #tpu.memory_space<vmem>>, %arg12: memref<80x64xi32, #tpu.memory_space<vmem>>, %arg13: memref<80x64xi32, #tpu.memory_space<vmem>>, %arg14: memref<80x64xi32, #tpu.memory_space<vmem>>, %arg15: memref<80x64xi32, #tpu.memory_space<vmem>>, %arg16: memref<80x64xi32, #tpu.memory_space<vmem>>, %arg17: memref<256xf32, #tpu.memory_space<vmem>>, %arg18: memref<10000xf32, #tpu.memory_space<vmem>>, %arg19: memref<!tpu.dma_semaphore, #tpu.memory_space<semaphore_mem>>, %arg20: memref<!tpu.dma_semaphore, #tpu.memory_space<semaphore_mem>>) attributes {dimension_semantics = [#tpu.dimension_semantics<core_parallel>, #tpu.dimension_semantics<subcore_parallel>], iteration_bounds = array<i64: 2, 16>, scalar_prefetch = 0 : i64, scratch_operands = 13 : i64, tpu.core_type = #tpu.core_type<sc_vector_subcore>, window_params = [{transform_indices = #map}, {transform_indices = #map}, {transform_indices = #map}, {transform_indices = #map1}, {transform_indices = #map1}, {transform_indices = #map}]} {
    %mul3A = arith.constant 2 : i32
    %mul3A_0 = arith.muli %arg1, %mul3A : i32
    %add3A = arith.addi %mul3A_0, %arg0 : i32
    %mul3A_1 = arith.constant 10000 : i32
    %mul3A_2 = arith.muli %add3A, %mul3A_1 : i32
    %iota3A = tpu.iota {dimensions = array<i32: 0>} : vector<16xi32>
    %mul3A_3 = arith.constant 16 : i32
    %mul3A_4 = vector.broadcast %mul3A_3 : i32 to vector<16xi32>
    %mul3A_5 = arith.muli %iota3A, %mul3A_4 : vector<16xi32>
    "tpu.region"() ({
      %run_scoped3A = tpu.sem_alloc : memref<!tpu.dma_semaphore, #tpu.memory_space<semaphore_mem>>
      %dma_start3A_45 = tpu.memref_slice %arg2[%mul3A_2] : memref<320000xi32, #tpu.memory_space<hbm>> -> memref<10000xi32, #tpu.memory_space<hbm>>
      %dma_start3A_46 = tpu.memref_slice %arg2[%mul3A_2] : memref<320000xi32, #tpu.memory_space<hbm>> -> memref<10000xi32, #tpu.memory_space<hbm>>
      tpu.enqueue_dma source(%dma_start3A_46 : memref<10000xi32, #tpu.memory_space<hbm>>) target(%arg8 : memref<10000xi32, #tpu.memory_space<vmem>>) target_semaphore(%run_scoped3A : memref<!tpu.dma_semaphore, #tpu.memory_space<semaphore_mem>>)
      %dma_wait3A_47 = tpu.memref_slice %arg2[%mul3A_2] : memref<320000xi32, #tpu.memory_space<hbm>> -> memref<10000xi32, #tpu.memory_space<hbm>>
      %dma_wait3A_48 = tpu.memref_slice %arg2[%mul3A_2] : memref<320000xi32, #tpu.memory_space<hbm>> -> memref<10000xi32, #tpu.memory_space<hbm>>
      tpu.wait_dma2 semaphore(%run_scoped3A : memref<!tpu.dma_semaphore, #tpu.memory_space<semaphore_mem>>) src(%dma_wait3A_48 : memref<10000xi32, #tpu.memory_space<hbm>>) dst(%arg8 : memref<10000xi32, #tpu.memory_space<vmem>>)
      tpu.yield
    }) : () -> ()
    "tpu.region"() ({
      %run_scoped3A = tpu.sem_alloc : memref<!tpu.dma_semaphore, #tpu.memory_space<semaphore_mem>>
      %dma_start3A_45 = tpu.memref_slice %arg3[%mul3A_2] : memref<320000xi32, #tpu.memory_space<hbm>> -> memref<10000xi32, #tpu.memory_space<hbm>>
      %dma_start3A_46 = tpu.memref_slice %arg3[%mul3A_2] : memref<320000xi32, #tpu.memory_space<hbm>> -> memref<10000xi32, #tpu.memory_space<hbm>>
      tpu.enqueue_dma source(%dma_start3A_46 : memref<10000xi32, #tpu.memory_space<hbm>>) target(%arg9 : memref<10000xi32, #tpu.memory_space<vmem>>) target_semaphore(%run_scoped3A : memref<!tpu.dma_semaphore, #tpu.memory_space<semaphore_mem>>)
      %dma_wait3A_47 = tpu.memref_slice %arg3[%mul3A_2] : memref<320000xi32, #tpu.memory_space<hbm>> -> memref<10000xi32, #tpu.memory_space<hbm>>
      %dma_wait3A_48 = tpu.memref_slice %arg3[%mul3A_2] : memref<320000xi32, #tpu.memory_space<hbm>> -> memref<10000xi32, #tpu.memory_space<hbm>>
      tpu.wait_dma2 semaphore(%run_scoped3A : memref<!tpu.dma_semaphore, #tpu.memory_space<semaphore_mem>>) src(%dma_wait3A_48 : memref<10000xi32, #tpu.memory_space<hbm>>) dst(%arg9 : memref<10000xi32, #tpu.memory_space<vmem>>)
      tpu.yield
    }) : () -> ()
    "tpu.region"() ({
      %run_scoped3A = tpu.sem_alloc : memref<!tpu.dma_semaphore, #tpu.memory_space<semaphore_mem>>
      %dma_start3A_45 = tpu.memref_slice %arg4[%mul3A_2] : memref<320000xi32, #tpu.memory_space<hbm>> -> memref<10000xi32, #tpu.memory_space<hbm>>
      %dma_start3A_46 = tpu.memref_slice %arg4[%mul3A_2] : memref<320000xi32, #tpu.memory_space<hbm>> -> memref<10000xi32, #tpu.memory_space<hbm>>
      tpu.enqueue_dma source(%dma_start3A_46 : memref<10000xi32, #tpu.memory_space<hbm>>) target(%arg10 : memref<10000xi32, #tpu.memory_space<vmem>>) target_semaphore(%run_scoped3A : memref<!tpu.dma_semaphore, #tpu.memory_space<semaphore_mem>>)
      %dma_wait3A_47 = tpu.memref_slice %arg4[%mul3A_2] : memref<320000xi32, #tpu.memory_space<hbm>> -> memref<10000xi32, #tpu.memory_space<hbm>>
      %dma_wait3A_48 = tpu.memref_slice %arg4[%mul3A_2] : memref<320000xi32, #tpu.memory_space<hbm>> -> memref<10000xi32, #tpu.memory_space<hbm>>
      tpu.wait_dma2 semaphore(%run_scoped3A : memref<!tpu.dma_semaphore, #tpu.memory_space<semaphore_mem>>) src(%dma_wait3A_48 : memref<10000xi32, #tpu.memory_space<hbm>>) dst(%arg10 : memref<10000xi32, #tpu.memory_space<vmem>>)
      tpu.yield
    }) : () -> ()
    %dma_start3A = arith.constant 0 : i32
    %dma_start3A_6 = tpu.memref_slice %arg8[%dma_start3A] : memref<10000xi32, #tpu.memory_space<vmem>> -> memref<80xi32, #tpu.memory_space<vmem>>
    %dma_start3A_7 = arith.constant 0 : i32
    %dma_start3A_8 = arith.constant 0 : i32
    %dma_start3A_9 = tpu.memref_slice %arg5[%dma_start3A_7, %dma_start3A_8] : memref<10000x64xi32, #tpu.memory_space<hbm>> -> memref<10000x64xi32, #tpu.memory_space<hbm>>
    tpu.enqueue_indirect_dma source(%dma_start3A_9 : memref<10000x64xi32, #tpu.memory_space<hbm>>) target(%arg11 : memref<80x64xi32, #tpu.memory_space<vmem>>) offsets(%dma_start3A_6 : memref<80xi32, #tpu.memory_space<vmem>>) semaphore(%arg19 : memref<!tpu.dma_semaphore, #tpu.memory_space<semaphore_mem>>)
    %dma_start3A_10 = arith.constant 0 : i32
    %dma_start3A_11 = tpu.memref_slice %arg9[%dma_start3A_10] : memref<10000xi32, #tpu.memory_space<vmem>> -> memref<80xi32, #tpu.memory_space<vmem>>
    %dma_start3A_12 = arith.constant 0 : i32
    %dma_start3A_13 = arith.constant 0 : i32
    %dma_start3A_14 = tpu.memref_slice %arg5[%dma_start3A_12, %dma_start3A_13] : memref<10000x64xi32, #tpu.memory_space<hbm>> -> memref<10000x64xi32, #tpu.memory_space<hbm>>
    tpu.enqueue_indirect_dma source(%dma_start3A_14 : memref<10000x64xi32, #tpu.memory_space<hbm>>) target(%arg12 : memref<80x64xi32, #tpu.memory_space<vmem>>) offsets(%dma_start3A_11 : memref<80xi32, #tpu.memory_space<vmem>>) semaphore(%arg19 : memref<!tpu.dma_semaphore, #tpu.memory_space<semaphore_mem>>)
    %dma_start3A_15 = arith.constant 0 : i32
    %dma_start3A_16 = tpu.memref_slice %arg10[%dma_start3A_15] : memref<10000xi32, #tpu.memory_space<vmem>> -> memref<80xi32, #tpu.memory_space<vmem>>
    %dma_start3A_17 = arith.constant 0 : i32
    %dma_start3A_18 = arith.constant 0 : i32
    %dma_start3A_19 = tpu.memref_slice %arg6[%dma_start3A_17, %dma_start3A_18] : memref<1000x64xi32, #tpu.memory_space<hbm>> -> memref<1000x64xi32, #tpu.memory_space<hbm>>
    tpu.enqueue_indirect_dma source(%dma_start3A_19 : memref<1000x64xi32, #tpu.memory_space<hbm>>) target(%arg13 : memref<80x64xi32, #tpu.memory_space<vmem>>) offsets(%dma_start3A_16 : memref<80xi32, #tpu.memory_space<vmem>>) semaphore(%arg19 : memref<!tpu.dma_semaphore, #tpu.memory_space<semaphore_mem>>)
    %scan3A = arith.constant 0 : i32
    %scan3A_20 = arith.constant 0 : i32
    %scan3A_21 = arith.constant 62 : i32
    %scan3A_22 = arith.addi %scan3A_20, %scan3A_21 : i32
    %scan3A_23 = arith.constant 1 : i32
    scf.for %scan3A_45 = %scan3A_20 to %scan3A_22 step %scan3A_23  : i32 {
      %mul3A_46 = arith.constant 2 : i32
      %mul3A_47 = arith.muli %mul3A_46, %scan3A_45 : i32
      %add3A_48 = arith.constant 1 : i32
      %add3A_49 = arith.addi %mul3A_47, %add3A_48 : i32
      %mul3A_50 = arith.constant 80 : i32
      %mul3A_51 = arith.muli %add3A_49, %mul3A_50 : i32
      %dma_start3A_52 = tpu.memref_slice %arg8[%mul3A_51] : memref<10000xi32, #tpu.memory_space<vmem>> -> memref<80xi32, #tpu.memory_space<vmem>>
      %dma_start3A_53 = arith.constant 0 : i32
      %dma_start3A_54 = arith.constant 0 : i32
      %dma_start3A_55 = tpu.memref_slice %arg5[%dma_start3A_53, %dma_start3A_54] : memref<10000x64xi32, #tpu.memory_space<hbm>> -> memref<10000x64xi32, #tpu.memory_space<hbm>>
      tpu.enqueue_indirect_dma source(%dma_start3A_55 : memref<10000x64xi32, #tpu.memory_space<hbm>>) target(%arg14 : memref<80x64xi32, #tpu.memory_space<vmem>>) offsets(%dma_start3A_52 : memref<80xi32, #tpu.memory_space<vmem>>) semaphore(%arg20 : memref<!tpu.dma_semaphore, #tpu.memory_space<semaphore_mem>>)
      %dma_start3A_56 = tpu.memref_slice %arg9[%mul3A_51] : memref<10000xi32, #tpu.memory_space<vmem>> -> memref<80xi32, #tpu.memory_space<vmem>>
      %dma_start3A_57 = arith.constant 0 : i32
      %dma_start3A_58 = arith.constant 0 : i32
      %dma_start3A_59 = tpu.memref_slice %arg5[%dma_start3A_57, %dma_start3A_58] : memref<10000x64xi32, #tpu.memory_space<hbm>> -> memref<10000x64xi32, #tpu.memory_space<hbm>>
      tpu.enqueue_indirect_dma source(%dma_start3A_59 : memref<10000x64xi32, #tpu.memory_space<hbm>>) target(%arg15 : memref<80x64xi32, #tpu.memory_space<vmem>>) offsets(%dma_start3A_56 : memref<80xi32, #tpu.memory_space<vmem>>) semaphore(%arg20 : memref<!tpu.dma_semaphore, #tpu.memory_space<semaphore_mem>>)
      %dma_start3A_60 = tpu.memref_slice %arg10[%mul3A_51] : memref<10000xi32, #tpu.memory_space<vmem>> -> memref<80xi32, #tpu.memory_space<vmem>>
      %dma_start3A_61 = arith.constant 0 : i32
      %dma_start3A_62 = arith.constant 0 : i32
      %dma_start3A_63 = tpu.memref_slice %arg6[%dma_start3A_61, %dma_start3A_62] : memref<1000x64xi32, #tpu.memory_space<hbm>> -> memref<1000x64xi32, #tpu.memory_space<hbm>>
      tpu.enqueue_indirect_dma source(%dma_start3A_63 : memref<1000x64xi32, #tpu.memory_space<hbm>>) target(%arg16 : memref<80x64xi32, #tpu.memory_space<vmem>>) offsets(%dma_start3A_60 : memref<80xi32, #tpu.memory_space<vmem>>) semaphore(%arg20 : memref<!tpu.dma_semaphore, #tpu.memory_space<semaphore_mem>>)
      %dma_wait3A_64 = arith.constant 0 : i32
      %dma_wait3A_65 = tpu.memref_slice %arg8[%dma_wait3A_64] : memref<10000xi32, #tpu.memory_space<vmem>> -> memref<80xi32, #tpu.memory_space<vmem>>
      %dma_wait3A_66 = arith.constant 0 : i32
      %dma_wait3A_67 = arith.constant 0 : i32
      %dma_wait3A_68 = tpu.memref_slice %arg5[%dma_wait3A_66, %dma_wait3A_67] : memref<10000x64xi32, #tpu.memory_space<hbm>> -> memref<10000x64xi32, #tpu.memory_space<hbm>>
      tpu.wait_indirect_dma semaphore(%arg19 : memref<!tpu.dma_semaphore, #tpu.memory_space<semaphore_mem>>) src(%dma_wait3A_68 : memref<10000x64xi32, #tpu.memory_space<hbm>>) dst(%arg11 : memref<80x64xi32, #tpu.memory_space<vmem>>)
      %dma_wait3A_69 = arith.constant 0 : i32
      %dma_wait3A_70 = tpu.memref_slice %arg8[%dma_wait3A_69] : memref<10000xi32, #tpu.memory_space<vmem>> -> memref<80xi32, #tpu.memory_space<vmem>>
      %dma_wait3A_71 = arith.constant 0 : i32
      %dma_wait3A_72 = arith.constant 0 : i32
      %dma_wait3A_73 = tpu.memref_slice %arg5[%dma_wait3A_71, %dma_wait3A_72] : memref<10000x64xi32, #tpu.memory_space<hbm>> -> memref<10000x64xi32, #tpu.memory_space<hbm>>
      tpu.wait_indirect_dma semaphore(%arg19 : memref<!tpu.dma_semaphore, #tpu.memory_space<semaphore_mem>>) src(%dma_wait3A_73 : memref<10000x64xi32, #tpu.memory_space<hbm>>) dst(%arg12 : memref<80x64xi32, #tpu.memory_space<vmem>>)
      %dma_wait3A_74 = arith.constant 0 : i32
      %dma_wait3A_75 = tpu.memref_slice %arg8[%dma_wait3A_74] : memref<10000xi32, #tpu.memory_space<vmem>> -> memref<80xi32, #tpu.memory_space<vmem>>
      %dma_wait3A_76 = arith.constant 0 : i32
      %dma_wait3A_77 = arith.constant 0 : i32
      %dma_wait3A_78 = tpu.memref_slice %arg5[%dma_wait3A_76, %dma_wait3A_77] : memref<10000x64xi32, #tpu.memory_space<hbm>> -> memref<10000x64xi32, #tpu.memory_space<hbm>>
      tpu.wait_indirect_dma semaphore(%arg19 : memref<!tpu.dma_semaphore, #tpu.memory_space<semaphore_mem>>) src(%dma_wait3A_78 : memref<10000x64xi32, #tpu.memory_space<hbm>>) dst(%arg13 : memref<80x64xi32, #tpu.memory_space<vmem>>)
      %scan3A_79 = arith.constant 0 : i32
      %scan3A_80 = arith.constant 0 : i32
      %scan3A_81 = arith.constant 5 : i32
      %scan3A_82 = arith.addi %scan3A_80, %scan3A_81 : i32
      %scan3A_83 = arith.constant 1 : i32
      scf.for %scan3A_124 = %scan3A_80 to %scan3A_82 step %scan3A_83  : i32 {
        %mul3A_125 = arith.constant 16 : i32
        %mul3A_126 = arith.muli %scan3A_124, %mul3A_125 : i32
        %add3A_127 = arith.constant 0 : i32
        %add3A_128 = arith.addi %mul3A_126, %add3A_127 : i32
        %broadcast_in_dim3A = arith.constant 0.000000e+00 : f32
        %broadcast_in_dim3A_129 = vector.broadcast %broadcast_in_dim3A : f32 to vector<16xf32>
        %broadcast_in_dim3A_130 = arith.constant 0.000000e+00 : f32
        %broadcast_in_dim3A_131 = vector.broadcast %broadcast_in_dim3A_130 : f32 to vector<16xf32>
        %get3A = arith.index_cast %add3A_128 : i32 to index
        %get3A_132 = arith.constant 0 : index
        %get3A_133 = tpu.vector_load %arg11[%get3A, %get3A_132] {strides = array<i32>} : memref<80x64xi32, #tpu.memory_space<vmem>>, vector<16xi32>,
        %bitcast3A = vector.bitcast %get3A_133 : vector<16xi32> to vector<32xbf16>
        %get3A_134 = arith.index_cast %add3A_128 : i32 to index
        %get3A_135 = arith.constant 0 : index
        %get3A_136 = tpu.vector_load %arg12[%get3A_134, %get3A_135] {strides = array<i32>} : memref<80x64xi32, #tpu.memory_space<vmem>>, vector<16xi32>,
        %bitcast3A_137 = vector.bitcast %get3A_136 : vector<16xi32> to vector<32xbf16>
        %get3A_138 = arith.index_cast %add3A_128 : i32 to index
        %get3A_139 = arith.constant 0 : index
        %get3A_140 = tpu.vector_load %arg13[%get3A_138, %get3A_139] {strides = array<i32>} : memref<80x64xi32, #tpu.memory_space<vmem>>, vector<16xi32>,
        %bitcast3A_141 = vector.bitcast %get3A_140 : vector<16xi32> to vector<32xbf16>
        %mul3A_142 = arith.mulf %bitcast3A, %bitcast3A_137 : vector<32xbf16>
        %mul3A_143 = arith.mulf %mul3A_142, %bitcast3A_141 : vector<32xbf16>
        %unpack3A = tpu.unpack_subelements %mul3A_143, 0 {pack_format = #tpu.pack_format<interleaved>} : vector<32xbf16> -> vector<16xf32>
        %unpack3A_144 = tpu.unpack_subelements %mul3A_143, 1 {pack_format = #tpu.pack_format<interleaved>} : vector<32xbf16> -> vector<16xf32>
        %add3A_145 = arith.addf %broadcast_in_dim3A_129, %unpack3A : vector<16xf32>
        %add3A_146 = arith.addf %broadcast_in_dim3A_131, %unpack3A_144 : vector<16xf32>
        %get3A_147 = arith.index_cast %add3A_128 : i32 to index
        %get3A_148 = arith.constant 16 : index
        %get3A_149 = tpu.vector_load %arg11[%get3A_147, %get3A_148] {strides = array<i32>} : memref<80x64xi32, #tpu.memory_space<vmem>>, vector<16xi32>,
        %bitcast3A_150 = vector.bitcast %get3A_149 : vector<16xi32> to vector<32xbf16>
        %get3A_151 = arith.index_cast %add3A_128 : i32 to index
        %get3A_152 = arith.constant 16 : index
        %get3A_153 = tpu.vector_load %arg12[%get3A_151, %get3A_152] {strides = array<i32>} : memref<80x64xi32, #tpu.memory_space<vmem>>, vector<16xi32>,
        %bitcast3A_154 = vector.bitcast %get3A_153 : vector<16xi32> to vector<32xbf16>
        %get3A_155 = arith.index_cast %add3A_128 : i32 to index
        %get3A_156 = arith.constant 16 : index
        %get3A_157 = tpu.vector_load %arg13[%get3A_155, %get3A_156] {strides = array<i32>} : memref<80x64xi32, #tpu.memory_space<vmem>>, vector<16xi32>,
        %bitcast3A_158 = vector.bitcast %get3A_157 : vector<16xi32> to vector<32xbf16>
        %mul3A_159 = arith.mulf %bitcast3A_150, %bitcast3A_154 : vector<32xbf16>
        %mul3A_160 = arith.mulf %mul3A_159, %bitcast3A_158 : vector<32xbf16>
        %unpack3A_161 = tpu.unpack_subelements %mul3A_160, 0 {pack_format = #tpu.pack_format<interleaved>} : vector<32xbf16> -> vector<16xf32>
        %unpack3A_162 = tpu.unpack_subelements %mul3A_160, 1 {pack_format = #tpu.pack_format<interleaved>} : vector<32xbf16> -> vector<16xf32>
        %add3A_163 = arith.addf %add3A_145, %unpack3A_161 : vector<16xf32>
        %add3A_164 = arith.addf %add3A_146, %unpack3A_162 : vector<16xf32>
        %get3A_165 = arith.index_cast %add3A_128 : i32 to index
        %get3A_166 = arith.constant 32 : index
        %get3A_167 = tpu.vector_load %arg11[%get3A_165, %get3A_166] {strides = array<i32>} : memref<80x64xi32, #tpu.memory_space<vmem>>, vector<16xi32>,
        %bitcast3A_168 = vector.bitcast %get3A_167 : vector<16xi32> to vector<32xbf16>
        %get3A_169 = arith.index_cast %add3A_128 : i32 to index
        %get3A_170 = arith.constant 32 : index
        %get3A_171 = tpu.vector_load %arg12[%get3A_169, %get3A_170] {strides = array<i32>} : memref<80x64xi32, #tpu.memory_space<vmem>>, vector<16xi32>,
        %bitcast3A_172 = vector.bitcast %get3A_171 : vector<16xi32> to vector<32xbf16>
        %get3A_173 = arith.index_cast %add3A_128 : i32 to index
        %get3A_174 = arith.constant 32 : index
        %get3A_175 = tpu.vector_load %arg13[%get3A_173, %get3A_174] {strides = array<i32>} : memref<80x64xi32, #tpu.memory_space<vmem>>, vector<16xi32>,
        %bitcast3A_176 = vector.bitcast %get3A_175 : vector<16xi32> to vector<32xbf16>
        %mul3A_177 = arith.mulf %bitcast3A_168, %bitcast3A_172 : vector<32xbf16>
        %mul3A_178 = arith.mulf %mul3A_177, %bitcast3A_176 : vector<32xbf16>
        %unpack3A_179 = tpu.unpack_subelements %mul3A_178, 0 {pack_format = #tpu.pack_format<interleaved>} : vector<32xbf16> -> vector<16xf32>
        %unpack3A_180 = tpu.unpack_subelements %mul3A_178, 1 {pack_format = #tpu.pack_format<interleaved>} : vector<32xbf16> -> vector<16xf32>
        %add3A_181 = arith.addf %add3A_163, %unpack3A_179 : vector<16xf32>
        %add3A_182 = arith.addf %add3A_164, %unpack3A_180 : vector<16xf32>
        %get3A_183 = arith.index_cast %add3A_128 : i32 to index
        %get3A_184 = arith.constant 48 : index
        %get3A_185 = tpu.vector_load %arg11[%get3A_183, %get3A_184] {strides = array<i32>} : memref<80x64xi32, #tpu.memory_space<vmem>>, vector<16xi32>,
        %bitcast3A_186 = vector.bitcast %get3A_185 : vector<16xi32> to vector<32xbf16>
        %get3A_187 = arith.index_cast %add3A_128 : i32 to index
        %get3A_188 = arith.constant 48 : index
        %get3A_189 = tpu.vector_load %arg12[%get3A_187, %get3A_188] {strides = array<i32>} : memref<80x64xi32, #tpu.memory_space<vmem>>, vector<16xi32>,
        %bitcast3A_190 = vector.bitcast %get3A_189 : vector<16xi32> to vector<32xbf16>
        %get3A_191 = arith.index_cast %add3A_128 : i32 to index
        %get3A_192 = arith.constant 48 : index
        %get3A_193 = tpu.vector_load %arg13[%get3A_191, %get3A_192] {strides = array<i32>} : memref<80x64xi32, #tpu.memory_space<vmem>>, vector<16xi32>,
        %bitcast3A_194 = vector.bitcast %get3A_193 : vector<16xi32> to vector<32xbf16>
        %mul3A_195 = arith.mulf %bitcast3A_186, %bitcast3A_190 : vector<32xbf16>
        %mul3A_196 = arith.mulf %mul3A_195, %bitcast3A_194 : vector<32xbf16>
        %unpack3A_197 = tpu.unpack_subelements %mul3A_196, 0 {pack_format = #tpu.pack_format<interleaved>} : vector<32xbf16> -> vector<16xf32>
        %unpack3A_198 = tpu.unpack_subelements %mul3A_196, 1 {pack_format = #tpu.pack_format<interleaved>} : vector<32xbf16> -> vector<16xf32>
        %add3A_199 = arith.addf %add3A_181, %unpack3A_197 : vector<16xf32>
        %add3A_200 = arith.addf %add3A_182, %unpack3A_198 : vector<16xf32>
        %add3A_201 = arith.addf %add3A_199, %add3A_200 : vector<16xf32>
        %swap3A = arith.constant 0 : index
        %swap3A_202 = tpu.vector_load %arg17[%swap3A] {strides = array<i32>} : memref<256xf32, #tpu.memory_space<vmem>>, vector<16xf32>,
        tpu.vector_store %arg17[%swap3A], %add3A_201 {strides = array<i32>} : memref<256xf32, #tpu.memory_space<vmem>>, vector<16xf32>,
        %mul3A_203 = arith.constant 16 : i32
        %mul3A_204 = arith.muli %scan3A_124, %mul3A_203 : i32
        %add3A_205 = arith.constant 1 : i32
        %add3A_206 = arith.addi %mul3A_204, %add3A_205 : i32
        %broadcast_in_dim3A_207 = arith.constant 0.000000e+00 : f32
        %broadcast_in_dim3A_208 = vector.broadcast %broadcast_in_dim3A_207 : f32 to vector<16xf32>
        %broadcast_in_dim3A_209 = arith.constant 0.000000e+00 : f32
        %broadcast_in_dim3A_210 = vector.broadcast %broadcast_in_dim3A_209 : f32 to vector<16xf32>
        %get3A_211 = arith.index_cast %add3A_206 : i32 to index
        %get3A_212 = arith.constant 0 : index
        %get3A_213 = tpu.vector_load %arg11[%get3A_211, %get3A_212] {strides = array<i32>} : memref<80x64xi32, #tpu.memory_space<vmem>>, vector<16xi32>,
        %bitcast3A_214 = vector.bitcast %get3A_213 : vector<16xi32> to vector<32xbf16>
        %get3A_215 = arith.index_cast %add3A_206 : i32 to index
        %get3A_216 = arith.constant 0 : index
        %get3A_217 = tpu.vector_load %arg12[%get3A_215, %get3A_216] {strides = array<i32>} : memref<80x64xi32, #tpu.memory_space<vmem>>, vector<16xi32>,
        %bitcast3A_218 = vector.bitcast %get3A_217 : vector<16xi32> to vector<32xbf16>
        %get3A_219 = arith.index_cast %add3A_206 : i32 to index
        %get3A_220 = arith.constant 0 : index
        %get3A_221 = tpu.vector_load %arg13[%get3A_219, %get3A_220] {strides = array<i32>} : memref<80x64xi32, #tpu.memory_space<vmem>>, vector<16xi32>,
        %bitcast3A_222 = vector.bitcast %get3A_221 : vector<16xi32> to vector<32xbf16>
        %mul3A_223 = arith.mulf %bitcast3A_214, %bitcast3A_218 : vector<32xbf16>
        %mul3A_224 = arith.mulf %mul3A_223, %bitcast3A_222 : vector<32xbf16>
        %unpack3A_225 = tpu.unpack_subelements %mul3A_224, 0 {pack_format = #tpu.pack_format<interleaved>} : vector<32xbf16> -> vector<16xf32>
        %unpack3A_226 = tpu.unpack_subelements %mul3A_224, 1 {pack_format = #tpu.pack_format<interleaved>} : vector<32xbf16> -> vector<16xf32>
        %add3A_227 = arith.addf %broadcast_in_dim3A_208, %unpack3A_225 : vector<16xf32>
        %add3A_228 = arith.addf %broadcast_in_dim3A_210, %unpack3A_226 : vector<16xf32>
        %get3A_229 = arith.index_cast %add3A_206 : i32 to index
        %get3A_230 = arith.constant 16 : index
        %get3A_231 = tpu.vector_load %arg11[%get3A_229, %get3A_230] {strides = array<i32>} : memref<80x64xi32, #tpu.memory_space<vmem>>, vector<16xi32>,
        %bitcast3A_232 = vector.bitcast %get3A_231 : vector<16xi32> to vector<32xbf16>
        %get3A_233 = arith.index_cast %add3A_206 : i32 to index
        %get3A_234 = arith.constant 16 : index
        %get3A_235 = tpu.vector_load %arg12[%get3A_233, %get3A_234] {strides = array<i32>} : memref<80x64xi32, #tpu.memory_space<vmem>>, vector<16xi32>,
        %bitcast3A_236 = vector.bitcast %get3A_235 : vector<16xi32> to vector<32xbf16>
        %get3A_237 = arith.index_cast %add3A_206 : i32 to index
        %get3A_238 = arith.constant 16 : index
        %get3A_239 = tpu.vector_load %arg13[%get3A_237, %get3A_238] {strides = array<i32>} : memref<80x64xi32, #tpu.memory_space<vmem>>, vector<16xi32>,
        %bitcast3A_240 = vector.bitcast %get3A_239 : vector<16xi32> to vector<32xbf16>
        %mul3A_241 = arith.mulf %bitcast3A_232, %bitcast3A_236 : vector<32xbf16>
        %mul3A_242 = arith.mulf %mul3A_241, %bitcast3A_240 : vector<32xbf16>
        %unpack3A_243 = tpu.unpack_subelements %mul3A_242, 0 {pack_format = #tpu.pack_format<interleaved>} : vector<32xbf16> -> vector<16xf32>
        %unpack3A_244 = tpu.unpack_subelements %mul3A_242, 1 {pack_format = #tpu.pack_format<interleaved>} : vector<32xbf16> -> vector<16xf32>
        %add3A_245 = arith.addf %add3A_227, %unpack3A_243 : vector<16xf32>
        %add3A_246 = arith.addf %add3A_228, %unpack3A_244 : vector<16xf32>
        %get3A_247 = arith.index_cast %add3A_206 : i32 to index
        %get3A_248 = arith.constant 32 : index
        %get3A_249 = tpu.vector_load %arg11[%get3A_247, %get3A_248] {strides = array<i32>} : memref<80x64xi32, #tpu.memory_space<vmem>>, vector<16xi32>,
        %bitcast3A_250 = vector.bitcast %get3A_249 : vector<16xi32> to vector<32xbf16>
        %get3A_251 = arith.index_cast %add3A_206 : i32 to index
        %get3A_252 = arith.constant 32 : index
        %get3A_253 = tpu.vector_load %arg12[%get3A_251, %get3A_252] {strides = array<i32>} : memref<80x64xi32, #tpu.memory_space<vmem>>, vector<16xi32>,
        %bitcast3A_254 = vector.bitcast %get3A_253 : vector<16xi32> to vector<32xbf16>
        %get3A_255 = arith.index_cast %add3A_206 : i32 to index
        %get3A_256 = arith.constant 32 : index
        %get3A_257 = tpu.vector_load %arg13[%get3A_255, %get3A_256] {strides = array<i32>} : memref<80x64xi32, #tpu.memory_space<vmem>>, vector<16xi32>,
        %bitcast3A_258 = vector.bitcast %get3A_257 : vector<16xi32> to vector<32xbf16>
        %mul3A_259 = arith.mulf %bitcast3A_250, %bitcast3A_254 : vector<32xbf16>
        %mul3A_260 = arith.mulf %mul3A_259, %bitcast3A_258 : vector<32xbf16>
        %unpack3A_261 = tpu.unpack_subelements %mul3A_260, 0 {pack_format = #tpu.pack_format<interleaved>} : vector<32xbf16> -> vector<16xf32>
        %unpack3A_262 = tpu.unpack_subelements %mul3A_260, 1 {pack_format = #tpu.pack_format<interleaved>} : vector<32xbf16> -> vector<16xf32>
        %add3A_263 = arith.addf %add3A_245, %unpack3A_261 : vector<16xf32>
        %add3A_264 = arith.addf %add3A_246, %unpack3A_262 : vector<16xf32>
        %get3A_265 = arith.index_cast %add3A_206 : i32 to index
        %get3A_266 = arith.constant 48 : index
        %get3A_267 = tpu.vector_load %arg11[%get3A_265, %get3A_266] {strides = array<i32>} : memref<80x64xi32, #tpu.memory_space<vmem>>, vector<16xi32>,
        %bitcast3A_268 = vector.bitcast %get3A_267 : vector<16xi32> to vector<32xbf16>
        %get3A_269 = arith.index_cast %add3A_206 : i32 to index
        %get3A_270 = arith.constant 48 : index
        %get3A_271 = tpu.vector_load %arg12[%get3A_269, %get3A_270] {strides = array<i32>} : memref<80x64xi32, #tpu.memory_space<vmem>>, vector<16xi32>,
        %bitcast3A_272 = vector.bitcast %get3A_271 : vector<16xi32> to vector<32xbf16>
        %get3A_273 = arith.index_cast %add3A_206 : i32 to index
        %get3A_274 = arith.constant 48 : index
        %get3A_275 = tpu.vector_load %arg13[%get3A_273, %get3A_274] {strides = array<i32>} : memref<80x64xi32, #tpu.memory_space<vmem>>, vector<16xi32>,
        %bitcast3A_276 = vector.bitcast %get3A_275 : vector<16xi32> to vector<32xbf16>
        %mul3A_277 = arith.mulf %bitcast3A_268, %bitcast3A_272 : vector<32xbf16>
        %mul3A_278 = arith.mulf %mul3A_277, %bitcast3A_276 : vector<32xbf16>
        %unpack3A_279 = tpu.unpack_subelements %mul3A_278, 0 {pack_format = #tpu.pack_format<interleaved>} : vector<32xbf16> -> vector<16xf32>
        %unpack3A_280 = tpu.unpack_subelements %mul3A_278, 1 {pack_format = #tpu.pack_format<interleaved>} : vector<32xbf16> -> vector<16xf32>
        %add3A_281 = arith.addf %add3A_263, %unpack3A_279 : vector<16xf32>
        %add3A_282 = arith.addf %add3A_264, %unpack3A_280 : vector<16xf32>
        %add3A_283 = arith.addf %add3A_281, %add3A_282 : vector<16xf32>
        %swap3A_284 = arith.constant 16 : index
        %swap3A_285 = tpu.vector_load %arg17[%swap3A_284] {strides = array<i32>} : memref<256xf32, #tpu.memory_space<vmem>>, vector<16xf32>,
        tpu.vector_store %arg17[%swap3A_284], %add3A_283 {strides = array<i32>} : memref<256xf32, #tpu.memory_space<vmem>>, vector<16xf32>,
        %mul3A_286 = arith.constant 16 : i32
        %mul3A_287 = arith.muli %scan3A_124, %mul3A_286 : i32
        %add3A_288 = arith.constant 2 : i32
        %add3A_289 = arith.addi %mul3A_287, %add3A_288 : i32
        %broadcast_in_dim3A_290 = arith.constant 0.000000e+00 : f32
        %broadcast_in_dim3A_291 = vector.broadcast %broadcast_in_dim3A_290 : f32 to vector<16xf32>
        %broadcast_in_dim3A_292 = arith.constant 0.000000e+00 : f32
        %broadcast_in_dim3A_293 = vector.broadcast %broadcast_in_dim3A_292 : f32 to vector<16xf32>
        %get3A_294 = arith.index_cast %add3A_289 : i32 to index
        %get3A_295 = arith.constant 0 : index
        %get3A_296 = tpu.vector_load %arg11[%get3A_294, %get3A_295] {strides = array<i32>} : memref<80x64xi32, #tpu.memory_space<vmem>>, vector<16xi32>,
        %bitcast3A_297 = vector.bitcast %get3A_296 : vector<16xi32> to vector<32xbf16>
        %get3A_298 = arith.index_cast %add3A_289 : i32 to index
        %get3A_299 = arith.constant 0 : index
        %get3A_300 = tpu.vector_load %arg12[%get3A_298, %get3A_299] {strides = array<i32>} : memref<80x64xi32, #tpu.memory_space<vmem>>, vector<16xi32>,
        %bitcast3A_301 = vector.bitcast %get3A_300 : vector<16xi32> to vector<32xbf16>
        %get3A_302 = arith.index_cast %add3A_289 : i32 to index
        %get3A_303 = arith.constant 0 : index
        %get3A_304 = tpu.vector_load %arg13[%get3A_302, %get3A_303] {strides = array<i32>} : memref<80x64xi32, #tpu.memory_space<vmem>>, vector<16xi32>,
        %bitcast3A_305 = vector.bitcast %get3A_304 : vector<16xi32> to vector<32xbf16>
        %mul3A_306 = arith.mulf %bitcast3A_297, %bitcast3A_301 : vector<32xbf16>
        %mul3A_307 = arith.mulf %mul3A_306, %bitcast3A_305 : vector<32xbf16>
        %unpack3A_308 = tpu.unpack_subelements %mul3A_307, 0 {pack_format = #tpu.pack_format<interleaved>} : vector<32xbf16> -> vector<16xf32>
        %unpack3A_309 = tpu.unpack_subelements %mul3A_307, 1 {pack_format = #tpu.pack_format<interleaved>} : vector<32xbf16> -> vector<16xf32>
        %add3A_310 = arith.addf %broadcast_in_dim3A_291, %unpack3A_308 : vector<16xf32>
        %add3A_311 = arith.addf %broadcast_in_dim3A_293, %unpack3A_309 : vector<16xf32>
        %get3A_312 = arith.index_cast %add3A_289 : i32 to index
        %get3A_313 = arith.constant 16 : index
        %get3A_314 = tpu.vector_load %arg11[%get3A_312, %get3A_313] {strides = array<i32>} : memref<80x64xi32, #tpu.memory_space<vmem>>, vector<16xi32>,
        %bitcast3A_315 = vector.bitcast %get3A_314 : vector<16xi32> to vector<32xbf16>
        %get3A_316 = arith.index_cast %add3A_289 : i32 to index
        %get3A_317 = arith.constant 16 : index
        %get3A_318 = tpu.vector_load %arg12[%get3A_316, %get3A_317] {strides = array<i32>} : memref<80x64xi32, #tpu.memory_space<vmem>>, vector<16xi32>,
        %bitcast3A_319 = vector.bitcast %get3A_318 : vector<16xi32> to vector<32xbf16>
        %get3A_320 = arith.index_cast %add3A_289 : i32 to index
        %get3A_321 = arith.constant 16 : index
        %get3A_322 = tpu.vector_load %arg13[%get3A_320, %get3A_321] {strides = array<i32>} : memref<80x64xi32, #tpu.memory_space<vmem>>, vector<16xi32>,
        %bitcast3A_323 = vector.bitcast %get3A_322 : vector<16xi32> to vector<32xbf16>
        %mul3A_324 = arith.mulf %bitcast3A_315, %bitcast3A_319 : vector<32xbf16>
        %mul3A_325 = arith.mulf %mul3A_324, %bitcast3A_323 : vector<32xbf16>
        %unpack3A_326 = tpu.unpack_subelements %mul3A_325, 0 {pack_format = #tpu.pack_format<interleaved>} : vector<32xbf16> -> vector<16xf32>
        %unpack3A_327 = tpu.unpack_subelements %mul3A_325, 1 {pack_format = #tpu.pack_format<interleaved>} : vector<32xbf16> -> vector<16xf32>
        %add3A_328 = arith.addf %add3A_310, %unpack3A_326 : vector<16xf32>
        %add3A_329 = arith.addf %add3A_311, %unpack3A_327 : vector<16xf32>
        %get3A_330 = arith.index_cast %add3A_289 : i32 to index
        %get3A_331 = arith.constant 32 : index
        %get3A_332 = tpu.vector_load %arg11[%get3A_330, %get3A_331] {strides = array<i32>} : memref<80x64xi32, #tpu.memory_space<vmem>>, vector<16xi32>,
        %bitcast3A_333 = vector.bitcast %get3A_332 : vector<16xi32> to vector<32xbf16>
        %get3A_334 = arith.index_cast %add3A_289 : i32 to index
        %get3A_335 = arith.constant 32 : index
        %get3A_336 = tpu.vector_load %arg12[%get3A_334, %get3A_335] {strides = array<i32>} : memref<80x64xi32, #tpu.memory_space<vmem>>, vector<16xi32>,
        %bitcast3A_337 = vector.bitcast %get3A_336 : vector<16xi32> to vector<32xbf16>
        %get3A_338 = arith.index_cast %add3A_289 : i32 to index
        %get3A_339 = arith.constant 32 : index
        %get3A_340 = tpu.vector_load %arg13[%get3A_338, %get3A_339] {strides = array<i32>} : memref<80x64xi32, #tpu.memory_space<vmem>>, vector<16xi32>,
        %bitcast3A_341 = vector.bitcast %get3A_340 : vector<16xi32> to vector<32xbf16>
        %mul3A_342 = arith.mulf %bitcast3A_333, %bitcast3A_337 : vector<32xbf16>
        %mul3A_343 = arith.mulf %mul3A_342, %bitcast3A_341 : vector<32xbf16>
        %unpack3A_344 = tpu.unpack_subelements %mul3A_343, 0 {pack_format = #tpu.pack_format<interleaved>} : vector<32xbf16> -> vector<16xf32>
        %unpack3A_345 = tpu.unpack_subelements %mul3A_343, 1 {pack_format = #tpu.pack_format<interleaved>} : vector<32xbf16> -> vector<16xf32>
        %add3A_346 = arith.addf %add3A_328, %unpack3A_344 : vector<16xf32>
        %add3A_347 = arith.addf %add3A_329, %unpack3A_345 : vector<16xf32>
        %get3A_348 = arith.index_cast %add3A_289 : i32 to index
        %get3A_349 = arith.constant 48 : index
        %get3A_350 = tpu.vector_load %arg11[%get3A_348, %get3A_349] {strides = array<i32>} : memref<80x64xi32, #tpu.memory_space<vmem>>, vector<16xi32>,
        %bitcast3A_351 = vector.bitcast %get3A_350 : vector<16xi32> to vector<32xbf16>
        %get3A_352 = arith.index_cast %add3A_289 : i32 to index
        %get3A_353 = arith.constant 48 : index
        %get3A_354 = tpu.vector_load %arg12[%get3A_352, %get3A_353] {strides = array<i32>} : memref<80x64xi32, #tpu.memory_space<vmem>>, vector<16xi32>,
        %bitcast3A_355 = vector.bitcast %get3A_354 : vector<16xi32> to vector<32xbf16>
        %get3A_356 = arith.index_cast %add3A_289 : i32 to index
        %get3A_357 = arith.constant 48 : index
        %get3A_358 = tpu.vector_load %arg13[%get3A_356, %get3A_357] {strides = array<i32>} : memref<80x64xi32, #tpu.memory_space<vmem>>, vector<16xi32>,
        %bitcast3A_359 = vector.bitcast %get3A_358 : vector<16xi32> to vector<32xbf16>
        %mul3A_360 = arith.mulf %bitcast3A_351, %bitcast3A_355 : vector<32xbf16>
        %mul3A_361 = arith.mulf %mul3A_360, %bitcast3A_359 : vector<32xbf16>
        %unpack3A_362 = tpu.unpack_subelements %mul3A_361, 0 {pack_format = #tpu.pack_format<interleaved>} : vector<32xbf16> -> vector<16xf32>
        %unpack3A_363 = tpu.unpack_subelements %mul3A_361, 1 {pack_format = #tpu.pack_format<interleaved>} : vector<32xbf16> -> vector<16xf32>
        %add3A_364 = arith.addf %add3A_346, %unpack3A_362 : vector<16xf32>
        %add3A_365 = arith.addf %add3A_347, %unpack3A_363 : vector<16xf32>
        %add3A_366 = arith.addf %add3A_364, %add3A_365 : vector<16xf32>
        %swap3A_367 = arith.constant 32 : index
        %swap3A_368 = tpu.vector_load %arg17[%swap3A_367] {strides = array<i32>} : memref<256xf32, #tpu.memory_space<vmem>>, vector<16xf32>,
        tpu.vector_store %arg17[%swap3A_367], %add3A_366 {strides = array<i32>} : memref<256xf32, #tpu.memory_space<vmem>>, vector<16xf32>,
        %mul3A_369 = arith.constant 16 : i32
        %mul3A_370 = arith.muli %scan3A_124, %mul3A_369 : i32
        %add3A_371 = arith.constant 3 : i32
        %add3A_372 = arith.addi %mul3A_370, %add3A_371 : i32
        %broadcast_in_dim3A_373 = arith.constant 0.000000e+00 : f32
        %broadcast_in_dim3A_374 = vector.broadcast %broadcast_in_dim3A_373 : f32 to vector<16xf32>
        %broadcast_in_dim3A_375 = arith.constant 0.000000e+00 : f32
        %broadcast_in_dim3A_376 = vector.broadcast %broadcast_in_dim3A_375 : f32 to vector<16xf32>
        %get3A_377 = arith.index_cast %add3A_372 : i32 to index
        %get3A_378 = arith.constant 0 : index
        %get3A_379 = tpu.vector_load %arg11[%get3A_377, %get3A_378] {strides = array<i32>} : memref<80x64xi32, #tpu.memory_space<vmem>>, vector<16xi32>,
        %bitcast3A_380 = vector.bitcast %get3A_379 : vector<16xi32> to vector<32xbf16>
        %get3A_381 = arith.index_cast %add3A_372 : i32 to index
        %get3A_382 = arith.constant 0 : index
        %get3A_383 = tpu.vector_load %arg12[%get3A_381, %get3A_382] {strides = array<i32>} : memref<80x64xi32, #tpu.memory_space<vmem>>, vector<16xi32>,
        %bitcast3A_384 = vector.bitcast %get3A_383 : vector<16xi32> to vector<32xbf16>
        %get3A_385 = arith.index_cast %add3A_372 : i32 to index
        %get3A_386 = arith.constant 0 : index
        %get3A_387 = tpu.vector_load %arg13[%get3A_385, %get3A_386] {strides = array<i32>} : memref<80x64xi32, #tpu.memory_space<vmem>>, vector<16xi32>,
        %bitcast3A_388 = vector.bitcast %get3A_387 : vector<16xi32> to vector<32xbf16>
        %mul3A_389 = arith.mulf %bitcast3A_380, %bitcast3A_384 : vector<32xbf16>
        %mul3A_390 = arith.mulf %mul3A_389, %bitcast3A_388 : vector<32xbf16>
        %unpack3A_391 = tpu.unpack_subelements %mul3A_390, 0 {pack_format = #tpu.pack_format<interleaved>} : vector<32xbf16> -> vector<16xf32>
        %unpack3A_392 = tpu.unpack_subelements %mul3A_390, 1 {pack_format = #tpu.pack_format<interleaved>} : vector<32xbf16> -> vector<16xf32>
        %add3A_393 = arith.addf %broadcast_in_dim3A_374, %unpack3A_391 : vector<16xf32>
        %add3A_394 = arith.addf %broadcast_in_dim3A_376, %unpack3A_392 : vector<16xf32>
        %get3A_395 = arith.index_cast %add3A_372 : i32 to index
        %get3A_396 = arith.constant 16 : index
        %get3A_397 = tpu.vector_load %arg11[%get3A_395, %get3A_396] {strides = array<i32>} : memref<80x64xi32, #tpu.memory_space<vmem>>, vector<16xi32>,
        %bitcast3A_398 = vector.bitcast %get3A_397 : vector<16xi32> to vector<32xbf16>
        %get3A_399 = arith.index_cast %add3A_372 : i32 to index
        %get3A_400 = arith.constant 16 : index
        %get3A_401 = tpu.vector_load %arg12[%get3A_399, %get3A_400] {strides = array<i32>} : memref<80x64xi32, #tpu.memory_space<vmem>>, vector<16xi32>,
        %bitcast3A_402 = vector.bitcast %get3A_401 : vector<16xi32> to vector<32xbf16>
        %get3A_403 = arith.index_cast %add3A_372 : i32 to index
        %get3A_404 = arith.constant 16 : index
        %get3A_405 = tpu.vector_load %arg13[%get3A_403, %get3A_404] {strides = array<i32>} : memref<80x64xi32, #tpu.memory_space<vmem>>, vector<16xi32>,
        %bitcast3A_406 = vector.bitcast %get3A_405 : vector<16xi32> to vector<32xbf16>
        %mul3A_407 = arith.mulf %bitcast3A_398, %bitcast3A_402 : vector<32xbf16>
        %mul3A_408 = arith.mulf %mul3A_407, %bitcast3A_406 : vector<32xbf16>
        %unpack3A_409 = tpu.unpack_subelements %mul3A_408, 0 {pack_format = #tpu.pack_format<interleaved>} : vector<32xbf16> -> vector<16xf32>
        %unpack3A_410 = tpu.unpack_subelements %mul3A_408, 1 {pack_format = #tpu.pack_format<interleaved>} : vector<32xbf16> -> vector<16xf32>
        %add3A_411 = arith.addf %add3A_393, %unpack3A_409 : vector<16xf32>
        %add3A_412 = arith.addf %add3A_394, %unpack3A_410 : vector<16xf32>
        %get3A_413 = arith.index_cast %add3A_372 : i32 to index
        %get3A_414 = arith.constant 32 : index
        %get3A_415 = tpu.vector_load %arg11[%get3A_413, %get3A_414] {strides = array<i32>} : memref<80x64xi32, #tpu.memory_space<vmem>>, vector<16xi32>,
        %bitcast3A_416 = vector.bitcast %get3A_415 : vector<16xi32> to vector<32xbf16>
        %get3A_417 = arith.index_cast %add3A_372 : i32 to index
        %get3A_418 = arith.constant 32 : index
        %get3A_419 = tpu.vector_load %arg12[%get3A_417, %get3A_418] {strides = array<i32>} : memref<80x64xi32, #tpu.memory_space<vmem>>, vector<16xi32>,
        %bitcast3A_420 = vector.bitcast %get3A_419 : vector<16xi32> to vector<32xbf16>
        %get3A_421 = arith.index_cast %add3A_372 : i32 to index
        %get3A_422 = arith.constant 32 : index
        %get3A_423 = tpu.vector_load %arg13[%get3A_421, %get3A_422] {strides = array<i32>} : memref<80x64xi32, #tpu.memory_space<vmem>>, vector<16xi32>,
        %bitcast3A_424 = vector.bitcast %get3A_423 : vector<16xi32> to vector<32xbf16>
        %mul3A_425 = arith.mulf %bitcast3A_416, %bitcast3A_420 : vector<32xbf16>
        %mul3A_426 = arith.mulf %mul3A_425, %bitcast3A_424 : vector<32xbf16>
        %unpack3A_427 = tpu.unpack_subelements %mul3A_426, 0 {pack_format = #tpu.pack_format<interleaved>} : vector<32xbf16> -> vector<16xf32>
        %unpack3A_428 = tpu.unpack_subelements %mul3A_426, 1 {pack_format = #tpu.pack_format<interleaved>} : vector<32xbf16> -> vector<16xf32>
        %add3A_429 = arith.addf %add3A_411, %unpack3A_427 : vector<16xf32>
        %add3A_430 = arith.addf %add3A_412, %unpack3A_428 : vector<16xf32>
        %get3A_431 = arith.index_cast %add3A_372 : i32 to index
        %get3A_432 = arith.constant 48 : index
        %get3A_433 = tpu.vector_load %arg11[%get3A_431, %get3A_432] {strides = array<i32>} : memref<80x64xi32, #tpu.memory_space<vmem>>, vector<16xi32>,
        %bitcast3A_434 = vector.bitcast %get3A_433 : vector<16xi32> to vector<32xbf16>
        %get3A_435 = arith.index_cast %add3A_372 : i32 to index
        %get3A_436 = arith.constant 48 : index
        %get3A_437 = tpu.vector_load %arg12[%get3A_435, %get3A_436] {strides = array<i32>} : memref<80x64xi32, #tpu.memory_space<vmem>>, vector<16xi32>,
        %bitcast3A_438 = vector.bitcast %get3A_437 : vector<16xi32> to vector<32xbf16>
        %get3A_439 = arith.index_cast %add3A_372 : i32 to index
        %get3A_440 = arith.constant 48 : index
        %get3A_441 = tpu.vector_load %arg13[%get3A_439, %get3A_440] {strides = array<i32>} : memref<80x64xi32, #tpu.memory_space<vmem>>, vector<16xi32>,
        %bitcast3A_442 = vector.bitcast %get3A_441 : vector<16xi32> to vector<32xbf16>
        %mul3A_443 = arith.mulf %bitcast3A_434, %bitcast3A_438 : vector<32xbf16>
        %mul3A_444 = arith.mulf %mul3A_443, %bitcast3A_442 : vector<32xbf16>
        %unpack3A_445 = tpu.unpack_subelements %mul3A_444, 0 {pack_format = #tpu.pack_format<interleaved>} : vector<32xbf16> -> vector<16xf32>
        %unpack3A_446 = tpu.unpack_subelements %mul3A_444, 1 {pack_format = #tpu.pack_format<interleaved>} : vector<32xbf16> -> vector<16xf32>
        %add3A_447 = arith.addf %add3A_429, %unpack3A_445 : vector<16xf32>
        %add3A_448 = arith.addf %add3A_430, %unpack3A_446 : vector<16xf32>
        %add3A_449 = arith.addf %add3A_447, %add3A_448 : vector<16xf32>
        %swap3A_450 = arith.constant 48 : index
        %swap3A_451 = tpu.vector_load %arg17[%swap3A_450] {strides = array<i32>} : memref<256xf32, #tpu.memory_space<vmem>>, vector<16xf32>,
        tpu.vector_store %arg17[%swap3A_450], %add3A_449 {strides = array<i32>} : memref<256xf32, #tpu.memory_space<vmem>>, vector<16xf32>,
        %mul3A_452 = arith.constant 16 : i32
        %mul3A_453 = arith.muli %scan3A_124, %mul3A_452 : i32
        %add3A_454 = arith.constant 4 : i32
        %add3A_455 = arith.addi %mul3A_453, %add3A_454 : i32
        %broadcast_in_dim3A_456 = arith.constant 0.000000e+00 : f32
        %broadcast_in_dim3A_457 = vector.broadcast %broadcast_in_dim3A_456 : f32 to vector<16xf32>
        %broadcast_in_dim3A_458 = arith.constant 0.000000e+00 : f32
        %broadcast_in_dim3A_459 = vector.broadcast %broadcast_in_dim3A_458 : f32 to vector<16xf32>
        %get3A_460 = arith.index_cast %add3A_455 : i32 to index
        %get3A_461 = arith.constant 0 : index
        %get3A_462 = tpu.vector_load %arg11[%get3A_460, %get3A_461] {strides = array<i32>} : memref<80x64xi32, #tpu.memory_space<vmem>>, vector<16xi32>,
        %bitcast3A_463 = vector.bitcast %get3A_462 : vector<16xi32> to vector<32xbf16>
        %get3A_464 = arith.index_cast %add3A_455 : i32 to index
        %get3A_465 = arith.constant 0 : index
        %get3A_466 = tpu.vector_load %arg12[%get3A_464, %get3A_465] {strides = array<i32>} : memref<80x64xi32, #tpu.memory_space<vmem>>, vector<16xi32>,
        %bitcast3A_467 = vector.bitcast %get3A_466 : vector<16xi32> to vector<32xbf16>
        %get3A_468 = arith.index_cast %add3A_455 : i32 to index
        %get3A_469 = arith.constant 0 : index
        %get3A_470 = tpu.vector_load %arg13[%get3A_468, %get3A_469] {strides = array<i32>} : memref<80x64xi32, #tpu.memory_space<vmem>>, vector<16xi32>,
        %bitcast3A_471 = vector.bitcast %get3A_470 : vector<16xi32> to vector<32xbf16>
        %mul3A_472 = arith.mulf %bitcast3A_463, %bitcast3A_467 : vector<32xbf16>
        %mul3A_473 = arith.mulf %mul3A_472, %bitcast3A_471 : vector<32xbf16>
        %unpack3A_474 = tpu.unpack_subelements %mul3A_473, 0 {pack_format = #tpu.pack_format<interleaved>} : vector<32xbf16> -> vector<16xf32>
        %unpack3A_475 = tpu.unpack_subelements %mul3A_473, 1 {pack_format = #tpu.pack_format<interleaved>} : vector<32xbf16> -> vector<16xf32>
        %add3A_476 = arith.addf %broadcast_in_dim3A_457, %unpack3A_474 : vector<16xf32>
        %add3A_477 = arith.addf %broadcast_in_dim3A_459, %unpack3A_475 : vector<16xf32>
        %get3A_478 = arith.index_cast %add3A_455 : i32 to index
        %get3A_479 = arith.constant 16 : index
        %get3A_480 = tpu.vector_load %arg11[%get3A_478, %get3A_479] {strides = array<i32>} : memref<80x64xi32, #tpu.memory_space<vmem>>, vector<16xi32>,
        %bitcast3A_481 = vector.bitcast %get3A_480 : vector<16xi32> to vector<32xbf16>
        %get3A_482 = arith.index_cast %add3A_455 : i32 to index
        %get3A_483 = arith.constant 16 : index
        %get3A_484 = tpu.vector_load %arg12[%get3A_482, %get3A_483] {strides = array<i32>} : memref<80x64xi32, #tpu.memory_space<vmem>>, vector<16xi32>,
        %bitcast3A_485 = vector.bitcast %get3A_484 : vector<16xi32> to vector<32xbf16>
        %get3A_486 = arith.index_cast %add3A_455 : i32 to index
        %get3A_487 = arith.constant 16 : index
        %get3A_488 = tpu.vector_load %arg13[%get3A_486, %get3A_487] {strides = array<i32>} : memref<80x64xi32, #tpu.memory_space<vmem>>, vector<16xi32>,
        %bitcast3A_489 = vector.bitcast %get3A_488 : vector<16xi32> to vector<32xbf16>
        %mul3A_490 = arith.mulf %bitcast3A_481, %bitcast3A_485 : vector<32xbf16>
        %mul3A_491 = arith.mulf %mul3A_490, %bitcast3A_489 : vector<32xbf16>
        %unpack3A_492 = tpu.unpack_subelements %mul3A_491, 0 {pack_format = #tpu.pack_format<interleaved>} : vector<32xbf16> -> vector<16xf32>
        %unpack3A_493 = tpu.unpack_subelements %mul3A_491, 1 {pack_format = #tpu.pack_format<interleaved>} : vector<32xbf16> -> vector<16xf32>
        %add3A_494 = arith.addf %add3A_476, %unpack3A_492 : vector<16xf32>
        %add3A_495 = arith.addf %add3A_477, %unpack3A_493 : vector<16xf32>
        %get3A_496 = arith.index_cast %add3A_455 : i32 to index
        %get3A_497 = arith.constant 32 : index
        %get3A_498 = tpu.vector_load %arg11[%get3A_496, %get3A_497] {strides = array<i32>} : memref<80x64xi32, #tpu.memory_space<vmem>>, vector<16xi32>,
        %bitcast3A_499 = vector.bitcast %get3A_498 : vector<16xi32> to vector<32xbf16>
        %get3A_500 = arith.index_cast %add3A_455 : i32 to index
        %get3A_501 = arith.constant 32 : index
        %get3A_502 = tpu.vector_load %arg12[%get3A_500, %get3A_501] {strides = array<i32>} : memref<80x64xi32, #tpu.memory_space<vmem>>, vector<16xi32>,
        %bitcast3A_503 = vector.bitcast %get3A_502 : vector<16xi32> to vector<32xbf16>
        %get3A_504 = arith.index_cast %add3A_455 : i32 to index
        %get3A_505 = arith.constant 32 : index
        %get3A_506 = tpu.vector_load %arg13[%get3A_504, %get3A_505] {strides = array<i32>} : memref<80x64xi32, #tpu.memory_space<vmem>>, vector<16xi32>,
        %bitcast3A_507 = vector.bitcast %get3A_506 : vector<16xi32> to vector<32xbf16>
        %mul3A_508 = arith.mulf %bitcast3A_499, %bitcast3A_503 : vector<32xbf16>
        %mul3A_509 = arith.mulf %mul3A_508, %bitcast3A_507 : vector<32xbf16>
        %unpack3A_510 = tpu.unpack_subelements %mul3A_509, 0 {pack_format = #tpu.pack_format<interleaved>} : vector<32xbf16> -> vector<16xf32>
        %unpack3A_511 = tpu.unpack_subelements %mul3A_509, 1 {pack_format = #tpu.pack_format<interleaved>} : vector<32xbf16> -> vector<16xf32>
        %add3A_512 = arith.addf %add3A_494, %unpack3A_510 : vector<16xf32>
        %add3A_513 = arith.addf %add3A_495, %unpack3A_511 : vector<16xf32>
        %get3A_514 = arith.index_cast %add3A_455 : i32 to index
        %get3A_515 = arith.constant 48 : index
        %get3A_516 = tpu.vector_load %arg11[%get3A_514, %get3A_515] {strides = array<i32>} : memref<80x64xi32, #tpu.memory_space<vmem>>, vector<16xi32>,
        %bitcast3A_517 = vector.bitcast %get3A_516 : vector<16xi32> to vector<32xbf16>
        %get3A_518 = arith.index_cast %add3A_455 : i32 to index
        %get3A_519 = arith.constant 48 : index
        %get3A_520 = tpu.vector_load %arg12[%get3A_518, %get3A_519] {strides = array<i32>} : memref<80x64xi32, #tpu.memory_space<vmem>>, vector<16xi32>,
        %bitcast3A_521 = vector.bitcast %get3A_520 : vector<16xi32> to vector<32xbf16>
        %get3A_522 = arith.index_cast %add3A_455 : i32 to index
        %get3A_523 = arith.constant 48 : index
        %get3A_524 = tpu.vector_load %arg13[%get3A_522, %get3A_523] {strides = array<i32>} : memref<80x64xi32, #tpu.memory_space<vmem>>, vector<16xi32>,
        %bitcast3A_525 = vector.bitcast %get3A_524 : vector<16xi32> to vector<32xbf16>
        %mul3A_526 = arith.mulf %bitcast3A_517, %bitcast3A_521 : vector<32xbf16>
        %mul3A_527 = arith.mulf %mul3A_526, %bitcast3A_525 : vector<32xbf16>
        %unpack3A_528 = tpu.unpack_subelements %mul3A_527, 0 {pack_format = #tpu.pack_format<interleaved>} : vector<32xbf16> -> vector<16xf32>
        %unpack3A_529 = tpu.unpack_subelements %mul3A_527, 1 {pack_format = #tpu.pack_format<interleaved>} : vector<32xbf16> -> vector<16xf32>
        %add3A_530 = arith.addf %add3A_512, %unpack3A_528 : vector<16xf32>
        %add3A_531 = arith.addf %add3A_513, %unpack3A_529 : vector<16xf32>
        %add3A_532 = arith.addf %add3A_530, %add3A_531 : vector<16xf32>
        %swap3A_533 = arith.constant 64 : index
        %swap3A_534 = tpu.vector_load %arg17[%swap3A_533] {strides = array<i32>} : memref<256xf32, #tpu.memory_space<vmem>>, vector<16xf32>,
        tpu.vector_store %arg17[%swap3A_533], %add3A_532 {strides = array<i32>} : memref<256xf32, #tpu.memory_space<vmem>>, vector<16xf32>,
        %mul3A_535 = arith.constant 16 : i32
        %mul3A_536 = arith.muli %scan3A_124, %mul3A_535 : i32
        %add3A_537 = arith.constant 5 : i32
        %add3A_538 = arith.addi %mul3A_536, %add3A_537 : i32
        %broadcast_in_dim3A_539 = arith.constant 0.000000e+00 : f32
        %broadcast_in_dim3A_540 = vector.broadcast %broadcast_in_dim3A_539 : f32 to vector<16xf32>
        %broadcast_in_dim3A_541 = arith.constant 0.000000e+00 : f32
        %broadcast_in_dim3A_542 = vector.broadcast %broadcast_in_dim3A_541 : f32 to vector<16xf32>
        %get3A_543 = arith.index_cast %add3A_538 : i32 to index
        %get3A_544 = arith.constant 0 : index
        %get3A_545 = tpu.vector_load %arg11[%get3A_543, %get3A_544] {strides = array<i32>} : memref<80x64xi32, #tpu.memory_space<vmem>>, vector<16xi32>,
        %bitcast3A_546 = vector.bitcast %get3A_545 : vector<16xi32> to vector<32xbf16>
        %get3A_547 = arith.index_cast %add3A_538 : i32 to index
        %get3A_548 = arith.constant 0 : index
        %get3A_549 = tpu.vector_load %arg12[%get3A_547, %get3A_548] {strides = array<i32>} : memref<80x64xi32, #tpu.memory_space<vmem>>, vector<16xi32>,
        %bitcast3A_550 = vector.bitcast %get3A_549 : vector<16xi32> to vector<32xbf16>
        %get3A_551 = arith.index_cast %add3A_538 : i32 to index
        %get3A_552 = arith.constant 0 : index
        %get3A_553 = tpu.vector_load %arg13[%get3A_551, %get3A_552] {strides = array<i32>} : memref<80x64xi32, #tpu.memory_space<vmem>>, vector<16xi32>,
        %bitcast3A_554 = vector.bitcast %get3A_553 : vector<16xi32> to vector<32xbf16>
        %mul3A_555 = arith.mulf %bitcast3A_546, %bitcast3A_550 : vector<32xbf16>
        %mul3A_556 = arith.mulf %mul3A_555, %bitcast3A_554 : vector<32xbf16>
        %unpack3A_557 = tpu.unpack_subelements %mul3A_556, 0 {pack_format = #tpu.pack_format<interleaved>} : vector<32xbf16> -> vector<16xf32>
        %unpack3A_558 = tpu.unpack_subelements %mul3A_556, 1 {pack_format = #tpu.pack_format<interleaved>} : vector<32xbf16> -> vector<16xf32>
        %add3A_559 = arith.addf %broadcast_in_dim3A_540, %unpack3A_557 : vector<16xf32>
        %add3A_560 = arith.addf %broadcast_in_dim3A_542, %unpack3A_558 : vector<16xf32>
        %get3A_561 = arith.index_cast %add3A_538 : i32 to index
        %get3A_562 = arith.constant 16 : index
        %get3A_563 = tpu.vector_load %arg11[%get3A_561, %get3A_562] {strides = array<i32>} : memref<80x64xi32, #tpu.memory_space<vmem>>, vector<16xi32>,
        %bitcast3A_564 = vector.bitcast %get3A_563 : vector<16xi32> to vector<32xbf16>
        %get3A_565 = arith.index_cast %add3A_538 : i32 to index
        %get3A_566 = arith.constant 16 : index
        %get3A_567 = tpu.vector_load %arg12[%get3A_565, %get3A_566] {strides = array<i32>} : memref<80x64xi32, #tpu.memory_space<vmem>>, vector<16xi32>,
        %bitcast3A_568 = vector.bitcast %get3A_567 : vector<16xi32> to vector<32xbf16>
        %get3A_569 = arith.index_cast %add3A_538 : i32 to index
        %get3A_570 = arith.constant 16 : index
        %get3A_571 = tpu.vector_load %arg13[%get3A_569, %get3A_570] {strides = array<i32>} : memref<80x64xi32, #tpu.memory_space<vmem>>, vector<16xi32>,
        %bitcast3A_572 = vector.bitcast %get3A_571 : vector<16xi32> to vector<32xbf16>
        %mul3A_573 = arith.mulf %bitcast3A_564, %bitcast3A_568 : vector<32xbf16>
        %mul3A_574 = arith.mulf %mul3A_573, %bitcast3A_572 : vector<32xbf16>
        %unpack3A_575 = tpu.unpack_subelements %mul3A_574, 0 {pack_format = #tpu.pack_format<interleaved>} : vector<32xbf16> -> vector<16xf32>
        %unpack3A_576 = tpu.unpack_subelements %mul3A_574, 1 {pack_format = #tpu.pack_format<interleaved>} : vector<32xbf16> -> vector<16xf32>
        %add3A_577 = arith.addf %add3A_559, %unpack3A_575 : vector<16xf32>
        %add3A_578 = arith.addf %add3A_560, %unpack3A_576 : vector<16xf32>
        %get3A_579 = arith.index_cast %add3A_538 : i32 to index
        %get3A_580 = arith.constant 32 : index
        %get3A_581 = tpu.vector_load %arg11[%get3A_579, %get3A_580] {strides = array<i32>} : memref<80x64xi32, #tpu.memory_space<vmem>>, vector<16xi32>,
        %bitcast3A_582 = vector.bitcast %get3A_581 : vector<16xi32> to vector<32xbf16>
        %get3A_583 = arith.index_cast %add3A_538 : i32 to index
        %get3A_584 = arith.constant 32 : index
        %get3A_585 = tpu.vector_load %arg12[%get3A_583, %get3A_584] {strides = array<i32>} : memref<80x64xi32, #tpu.memory_space<vmem>>, vector<16xi32>,
        %bitcast3A_586 = vector.bitcast %get3A_585 : vector<16xi32> to vector<32xbf16>
        %get3A_587 = arith.index_cast %add3A_538 : i32 to index
        %get3A_588 = arith.constant 32 : index
        %get3A_589 = tpu.vector_load %arg13[%get3A_587, %get3A_588] {strides = array<i32>} : memref<80x64xi32, #tpu.memory_space<vmem>>, vector<16xi32>,
        %bitcast3A_590 = vector.bitcast %get3A_589 : vector<16xi32> to vector<32xbf16>
        %mul3A_591 = arith.mulf %bitcast3A_582, %bitcast3A_586 : vector<32xbf16>
        %mul3A_592 = arith.mulf %mul3A_591, %bitcast3A_590 : vector<32xbf16>
        %unpack3A_593 = tpu.unpack_subelements %mul3A_592, 0 {pack_format = #tpu.pack_format<interleaved>} : vector<32xbf16> -> vector<16xf32>
        %unpack3A_594 = tpu.unpack_subelements %mul3A_592, 1 {pack_format = #tpu.pack_format<interleaved>} : vector<32xbf16> -> vector<16xf32>
        %add3A_595 = arith.addf %add3A_577, %unpack3A_593 : vector<16xf32>
        %add3A_596 = arith.addf %add3A_578, %unpack3A_594 : vector<16xf32>
        %get3A_597 = arith.index_cast %add3A_538 : i32 to index
        %get3A_598 = arith.constant 48 : index
        %get3A_599 = tpu.vector_load %arg11[%get3A_597, %get3A_598] {strides = array<i32>} : memref<80x64xi32, #tpu.memory_space<vmem>>, vector<16xi32>,
        %bitcast3A_600 = vector.bitcast %get3A_599 : vector<16xi32> to vector<32xbf16>
        %get3A_601 = arith.index_cast %add3A_538 : i32 to index
        %get3A_602 = arith.constant 48 : index
        %get3A_603 = tpu.vector_load %arg12[%get3A_601, %get3A_602] {strides = array<i32>} : memref<80x64xi32, #tpu.memory_space<vmem>>, vector<16xi32>,
        %bitcast3A_604 = vector.bitcast %get3A_603 : vector<16xi32> to vector<32xbf16>
        %get3A_605 = arith.index_cast %add3A_538 : i32 to index
        %get3A_606 = arith.constant 48 : index
        %get3A_607 = tpu.vector_load %arg13[%get3A_605, %get3A_606] {strides = array<i32>} : memref<80x64xi32, #tpu.memory_space<vmem>>, vector<16xi32>,
        %bitcast3A_608 = vector.bitcast %get3A_607 : vector<16xi32> to vector<32xbf16>
        %mul3A_609 = arith.mulf %bitcast3A_600, %bitcast3A_604 : vector<32xbf16>
        %mul3A_610 = arith.mulf %mul3A_609, %bitcast3A_608 : vector<32xbf16>
        %unpack3A_611 = tpu.unpack_subelements %mul3A_610, 0 {pack_format = #tpu.pack_format<interleaved>} : vector<32xbf16> -> vector<16xf32>
        %unpack3A_612 = tpu.unpack_subelements %mul3A_610, 1 {pack_format = #tpu.pack_format<interleaved>} : vector<32xbf16> -> vector<16xf32>
        %add3A_613 = arith.addf %add3A_595, %unpack3A_611 : vector<16xf32>
        %add3A_614 = arith.addf %add3A_596, %unpack3A_612 : vector<16xf32>
        %add3A_615 = arith.addf %add3A_613, %add3A_614 : vector<16xf32>
        %swap3A_616 = arith.constant 80 : index
        %swap3A_617 = tpu.vector_load %arg17[%swap3A_616] {strides = array<i32>} : memref<256xf32, #tpu.memory_space<vmem>>, vector<16xf32>,
        tpu.vector_store %arg17[%swap3A_616], %add3A_615 {strides = array<i32>} : memref<256xf32, #tpu.memory_space<vmem>>, vector<16xf32>,
        %mul3A_618 = arith.constant 16 : i32
        %mul3A_619 = arith.muli %scan3A_124, %mul3A_618 : i32
        %add3A_620 = arith.constant 6 : i32
        %add3A_621 = arith.addi %mul3A_619, %add3A_620 : i32
        %broadcast_in_dim3A_622 = arith.constant 0.000000e+00 : f32
        %broadcast_in_dim3A_623 = vector.broadcast %broadcast_in_dim3A_622 : f32 to vector<16xf32>
        %broadcast_in_dim3A_624 = arith.constant 0.000000e+00 : f32
        %broadcast_in_dim3A_625 = vector.broadcast %broadcast_in_dim3A_624 : f32 to vector<16xf32>
        %get3A_626 = arith.index_cast %add3A_621 : i32 to index
        %get3A_627 = arith.constant 0 : index
        %get3A_628 = tpu.vector_load %arg11[%get3A_626, %get3A_627] {strides = array<i32>} : memref<80x64xi32, #tpu.memory_space<vmem>>, vector<16xi32>,
        %bitcast3A_629 = vector.bitcast %get3A_628 : vector<16xi32> to vector<32xbf16>
        %get3A_630 = arith.index_cast %add3A_621 : i32 to index
        %get3A_631 = arith.constant 0 : index
        %get3A_632 = tpu.vector_load %arg12[%get3A_630, %get3A_631] {strides = array<i32>} : memref<80x64xi32, #tpu.memory_space<vmem>>, vector<16xi32>,
        %bitcast3A_633 = vector.bitcast %get3A_632 : vector<16xi32> to vector<32xbf16>
        %get3A_634 = arith.index_cast %add3A_621 : i32 to index
        %get3A_635 = arith.constant 0 : index
        %get3A_636 = tpu.vector_load %arg13[%get3A_634, %get3A_635] {strides = array<i32>} : memref<80x64xi32, #tpu.memory_space<vmem>>, vector<16xi32>,
        %bitcast3A_637 = vector.bitcast %get3A_636 : vector<16xi32> to vector<32xbf16>
        %mul3A_638 = arith.mulf %bitcast3A_629, %bitcast3A_633 : vector<32xbf16>
        %mul3A_639 = arith.mulf %mul3A_638, %bitcast3A_637 : vector<32xbf16>
        %unpack3A_640 = tpu.unpack_subelements %mul3A_639, 0 {pack_format = #tpu.pack_format<interleaved>} : vector<32xbf16> -> vector<16xf32>
        %unpack3A_641 = tpu.unpack_subelements %mul3A_639, 1 {pack_format = #tpu.pack_format<interleaved>} : vector<32xbf16> -> vector<16xf32>
        %add3A_642 = arith.addf %broadcast_in_dim3A_623, %unpack3A_640 : vector<16xf32>
        %add3A_643 = arith.addf %broadcast_in_dim3A_625, %unpack3A_641 : vector<16xf32>
        %get3A_644 = arith.index_cast %add3A_621 : i32 to index
        %get3A_645 = arith.constant 16 : index
        %get3A_646 = tpu.vector_load %arg11[%get3A_644, %get3A_645] {strides = array<i32>} : memref<80x64xi32, #tpu.memory_space<vmem>>, vector<16xi32>,
        %bitcast3A_647 = vector.bitcast %get3A_646 : vector<16xi32> to vector<32xbf16>
        %get3A_648 = arith.index_cast %add3A_621 : i32 to index
        %get3A_649 = arith.constant 16 : index
        %get3A_650 = tpu.vector_load %arg12[%get3A_648, %get3A_649] {strides = array<i32>} : memref<80x64xi32, #tpu.memory_space<vmem>>, vector<16xi32>,
        %bitcast3A_651 = vector.bitcast %get3A_650 : vector<16xi32> to vector<32xbf16>
        %get3A_652 = arith.index_cast %add3A_621 : i32 to index
        %get3A_653 = arith.constant 16 : index
        %get3A_654 = tpu.vector_load %arg13[%get3A_652, %get3A_653] {strides = array<i32>} : memref<80x64xi32, #tpu.memory_space<vmem>>, vector<16xi32>,
        %bitcast3A_655 = vector.bitcast %get3A_654 : vector<16xi32> to vector<32xbf16>
        %mul3A_656 = arith.mulf %bitcast3A_647, %bitcast3A_651 : vector<32xbf16>
        %mul3A_657 = arith.mulf %mul3A_656, %bitcast3A_655 : vector<32xbf16>
        %unpack3A_658 = tpu.unpack_subelements %mul3A_657, 0 {pack_format = #tpu.pack_format<interleaved>} : vector<32xbf16> -> vector<16xf32>
        %unpack3A_659 = tpu.unpack_subelements %mul3A_657, 1 {pack_format = #tpu.pack_format<interleaved>} : vector<32xbf16> -> vector<16xf32>
        %add3A_660 = arith.addf %add3A_642, %unpack3A_658 : vector<16xf32>
        %add3A_661 = arith.addf %add3A_643, %unpack3A_659 : vector<16xf32>
        %get3A_662 = arith.index_cast %add3A_621 : i32 to index
        %get3A_663 = arith.constant 32 : index
        %get3A_664 = tpu.vector_load %arg11[%get3A_662, %get3A_663] {strides = array<i32>} : memref<80x64xi32, #tpu.memory_space<vmem>>, vector<16xi32>,
        %bitcast3A_665 = vector.bitcast %get3A_664 : vector<16xi32> to vector<32xbf16>
        %get3A_666 = arith.index_cast %add3A_621 : i32 to index
        %get3A_667 = arith.constant 32 : index
        %get3A_668 = tpu.vector_load %arg12[%get3A_666, %get3A_667] {strides = array<i32>} : memref<80x64xi32, #tpu.memory_space<vmem>>, vector<16xi32>,
        %bitcast3A_669 = vector.bitcast %get3A_668 : vector<16xi32> to vector<32xbf16>
        %get3A_670 = arith.index_cast %add3A_621 : i32 to index
        %get3A_671 = arith.constant 32 : index
        %get3A_672 = tpu.vector_load %arg13[%get3A_670, %get3A_671] {strides = array<i32>} : memref<80x64xi32, #tpu.memory_space<vmem>>, vector<16xi32>,
        %bitcast3A_673 = vector.bitcast %get3A_672 : vector<16xi32> to vector<32xbf16>
        %mul3A_674 = arith.mulf %bitcast3A_665, %bitcast3A_669 : vector<32xbf16>
        %mul3A_675 = arith.mulf %mul3A_674, %bitcast3A_673 : vector<32xbf16>
        %unpack3A_676 = tpu.unpack_subelements %mul3A_675, 0 {pack_format = #tpu.pack_format<interleaved>} : vector<32xbf16> -> vector<16xf32>
        %unpack3A_677 = tpu.unpack_subelements %mul3A_675, 1 {pack_format = #tpu.pack_format<interleaved>} : vector<32xbf16> -> vector<16xf32>
        %add3A_678 = arith.addf %add3A_660, %unpack3A_676 : vector<16xf32>
        %add3A_679 = arith.addf %add3A_661, %unpack3A_677 : vector<16xf32>
        %get3A_680 = arith.index_cast %add3A_621 : i32 to index
        %get3A_681 = arith.constant 48 : index
        %get3A_682 = tpu.vector_load %arg11[%get3A_680, %get3A_681] {strides = array<i32>} : memref<80x64xi32, #tpu.memory_space<vmem>>, vector<16xi32>,
        %bitcast3A_683 = vector.bitcast %get3A_682 : vector<16xi32> to vector<32xbf16>
        %get3A_684 = arith.index_cast %add3A_621 : i32 to index
        %get3A_685 = arith.constant 48 : index
        %get3A_686 = tpu.vector_load %arg12[%get3A_684, %get3A_685] {strides = array<i32>} : memref<80x64xi32, #tpu.memory_space<vmem>>, vector<16xi32>,
        %bitcast3A_687 = vector.bitcast %get3A_686 : vector<16xi32> to vector<32xbf16>
        %get3A_688 = arith.index_cast %add3A_621 : i32 to index
        %get3A_689 = arith.constant 48 : index
        %get3A_690 = tpu.vector_load %arg13[%get3A_688, %get3A_689] {strides = array<i32>} : memref<80x64xi32, #tpu.memory_space<vmem>>, vector<16xi32>,
        %bitcast3A_691 = vector.bitcast %get3A_690 : vector<16xi32> to vector<32xbf16>
        %mul3A_692 = arith.mulf %bitcast3A_683, %bitcast3A_687 : vector<32xbf16>
        %mul3A_693 = arith.mulf %mul3A_692, %bitcast3A_691 : vector<32xbf16>
        %unpack3A_694 = tpu.unpack_subelements %mul3A_693, 0 {pack_format = #tpu.pack_format<interleaved>} : vector<32xbf16> -> vector<16xf32>
        %unpack3A_695 = tpu.unpack_subelements %mul3A_693, 1 {pack_format = #tpu.pack_format<interleaved>} : vector<32xbf16> -> vector<16xf32>
        %add3A_696 = arith.addf %add3A_678, %unpack3A_694 : vector<16xf32>
        %add3A_697 = arith.addf %add3A_679, %unpack3A_695 : vector<16xf32>
        %add3A_698 = arith.addf %add3A_696, %add3A_697 : vector<16xf32>
        %swap3A_699 = arith.constant 96 : index
        %swap3A_700 = tpu.vector_load %arg17[%swap3A_699] {strides = array<i32>} : memref<256xf32, #tpu.memory_space<vmem>>, vector<16xf32>,
        tpu.vector_store %arg17[%swap3A_699], %add3A_698 {strides = array<i32>} : memref<256xf32, #tpu.memory_space<vmem>>, vector<16xf32>,
        %mul3A_701 = arith.constant 16 : i32
        %mul3A_702 = arith.muli %scan3A_124, %mul3A_701 : i32
        %add3A_703 = arith.constant 7 : i32
        %add3A_704 = arith.addi %mul3A_702, %add3A_703 : i32
        %broadcast_in_dim3A_705 = arith.constant 0.000000e+00 : f32
        %broadcast_in_dim3A_706 = vector.broadcast %broadcast_in_dim3A_705 : f32 to vector<16xf32>
        %broadcast_in_dim3A_707 = arith.constant 0.000000e+00 : f32
        %broadcast_in_dim3A_708 = vector.broadcast %broadcast_in_dim3A_707 : f32 to vector<16xf32>
        %get3A_709 = arith.index_cast %add3A_704 : i32 to index
        %get3A_710 = arith.constant 0 : index
        %get3A_711 = tpu.vector_load %arg11[%get3A_709, %get3A_710] {strides = array<i32>} : memref<80x64xi32, #tpu.memory_space<vmem>>, vector<16xi32>,
        %bitcast3A_712 = vector.bitcast %get3A_711 : vector<16xi32> to vector<32xbf16>
        %get3A_713 = arith.index_cast %add3A_704 : i32 to index
        %get3A_714 = arith.constant 0 : index
        %get3A_715 = tpu.vector_load %arg12[%get3A_713, %get3A_714] {strides = array<i32>} : memref<80x64xi32, #tpu.memory_space<vmem>>, vector<16xi32>,
        %bitcast3A_716 = vector.bitcast %get3A_715 : vector<16xi32> to vector<32xbf16>
        %get3A_717 = arith.index_cast %add3A_704 : i32 to index
        %get3A_718 = arith.constant 0 : index
        %get3A_719 = tpu.vector_load %arg13[%get3A_717, %get3A_718] {strides = array<i32>} : memref<80x64xi32, #tpu.memory_space<vmem>>, vector<16xi32>,
        %bitcast3A_720 = vector.bitcast %get3A_719 : vector<16xi32> to vector<32xbf16>
        %mul3A_721 = arith.mulf %bitcast3A_712, %bitcast3A_716 : vector<32xbf16>
        %mul3A_722 = arith.mulf %mul3A_721, %bitcast3A_720 : vector<32xbf16>
        %unpack3A_723 = tpu.unpack_subelements %mul3A_722, 0 {pack_format = #tpu.pack_format<interleaved>} : vector<32xbf16> -> vector<16xf32>
        %unpack3A_724 = tpu.unpack_subelements %mul3A_722, 1 {pack_format = #tpu.pack_format<interleaved>} : vector<32xbf16> -> vector<16xf32>
        %add3A_725 = arith.addf %broadcast_in_dim3A_706, %unpack3A_723 : vector<16xf32>
        %add3A_726 = arith.addf %broadcast_in_dim3A_708, %unpack3A_724 : vector<16xf32>
        %get3A_727 = arith.index_cast %add3A_704 : i32 to index
        %get3A_728 = arith.constant 16 : index
        %get3A_729 = tpu.vector_load %arg11[%get3A_727, %get3A_728] {strides = array<i32>} : memref<80x64xi32, #tpu.memory_space<vmem>>, vector<16xi32>,
        %bitcast3A_730 = vector.bitcast %get3A_729 : vector<16xi32> to vector<32xbf16>
        %get3A_731 = arith.index_cast %add3A_704 : i32 to index
        %get3A_732 = arith.constant 16 : index
        %get3A_733 = tpu.vector_load %arg12[%get3A_731, %get3A_732] {strides = array<i32>} : memref<80x64xi32, #tpu.memory_space<vmem>>, vector<16xi32>,
        %bitcast3A_734 = vector.bitcast %get3A_733 : vector<16xi32> to vector<32xbf16>
        %get3A_735 = arith.index_cast %add3A_704 : i32 to index
        %get3A_736 = arith.constant 16 : index
        %get3A_737 = tpu.vector_load %arg13[%get3A_735, %get3A_736] {strides = array<i32>} : memref<80x64xi32, #tpu.memory_space<vmem>>, vector<16xi32>,
        %bitcast3A_738 = vector.bitcast %get3A_737 : vector<16xi32> to vector<32xbf16>
        %mul3A_739 = arith.mulf %bitcast3A_730, %bitcast3A_734 : vector<32xbf16>
        %mul3A_740 = arith.mulf %mul3A_739, %bitcast3A_738 : vector<32xbf16>
        %unpack3A_741 = tpu.unpack_subelements %mul3A_740, 0 {pack_format = #tpu.pack_format<interleaved>} : vector<32xbf16> -> vector<16xf32>
        %unpack3A_742 = tpu.unpack_subelements %mul3A_740, 1 {pack_format = #tpu.pack_format<interleaved>} : vector<32xbf16> -> vector<16xf32>
        %add3A_743 = arith.addf %add3A_725, %unpack3A_741 : vector<16xf32>
        %add3A_744 = arith.addf %add3A_726, %unpack3A_742 : vector<16xf32>
        %get3A_745 = arith.index_cast %add3A_704 : i32 to index
        %get3A_746 = arith.constant 32 : index
        %get3A_747 = tpu.vector_load %arg11[%get3A_745, %get3A_746] {strides = array<i32>} : memref<80x64xi32, #tpu.memory_space<vmem>>, vector<16xi32>,
        %bitcast3A_748 = vector.bitcast %get3A_747 : vector<16xi32> to vector<32xbf16>
        %get3A_749 = arith.index_cast %add3A_704 : i32 to index
        %get3A_750 = arith.constant 32 : index
        %get3A_751 = tpu.vector_load %arg12[%get3A_749, %get3A_750] {strides = array<i32>} : memref<80x64xi32, #tpu.memory_space<vmem>>, vector<16xi32>,
        %bitcast3A_752 = vector.bitcast %get3A_751 : vector<16xi32> to vector<32xbf16>
        %get3A_753 = arith.index_cast %add3A_704 : i32 to index
        %get3A_754 = arith.constant 32 : index
        %get3A_755 = tpu.vector_load %arg13[%get3A_753, %get3A_754] {strides = array<i32>} : memref<80x64xi32, #tpu.memory_space<vmem>>, vector<16xi32>,
        %bitcast3A_756 = vector.bitcast %get3A_755 : vector<16xi32> to vector<32xbf16>
        %mul3A_757 = arith.mulf %bitcast3A_748, %bitcast3A_752 : vector<32xbf16>
        %mul3A_758 = arith.mulf %mul3A_757, %bitcast3A_756 : vector<32xbf16>
        %unpack3A_759 = tpu.unpack_subelements %mul3A_758, 0 {pack_format = #tpu.pack_format<interleaved>} : vector<32xbf16> -> vector<16xf32>
        %unpack3A_760 = tpu.unpack_subelements %mul3A_758, 1 {pack_format = #tpu.pack_format<interleaved>} : vector<32xbf16> -> vector<16xf32>
        %add3A_761 = arith.addf %add3A_743, %unpack3A_759 : vector<16xf32>
        %add3A_762 = arith.addf %add3A_744, %unpack3A_760 : vector<16xf32>
        %get3A_763 = arith.index_cast %add3A_704 : i32 to index
        %get3A_764 = arith.constant 48 : index
        %get3A_765 = tpu.vector_load %arg11[%get3A_763, %get3A_764] {strides = array<i32>} : memref<80x64xi32, #tpu.memory_space<vmem>>, vector<16xi32>,
        %bitcast3A_766 = vector.bitcast %get3A_765 : vector<16xi32> to vector<32xbf16>
        %get3A_767 = arith.index_cast %add3A_704 : i32 to index
        %get3A_768 = arith.constant 48 : index
        %get3A_769 = tpu.vector_load %arg12[%get3A_767, %get3A_768] {strides = array<i32>} : memref<80x64xi32, #tpu.memory_space<vmem>>, vector<16xi32>,
        %bitcast3A_770 = vector.bitcast %get3A_769 : vector<16xi32> to vector<32xbf16>
        %get3A_771 = arith.index_cast %add3A_704 : i32 to index
        %get3A_772 = arith.constant 48 : index
        %get3A_773 = tpu.vector_load %arg13[%get3A_771, %get3A_772] {strides = array<i32>} : memref<80x64xi32, #tpu.memory_space<vmem>>, vector<16xi32>,
        %bitcast3A_774 = vector.bitcast %get3A_773 : vector<16xi32> to vector<32xbf16>
        %mul3A_775 = arith.mulf %bitcast3A_766, %bitcast3A_770 : vector<32xbf16>
        %mul3A_776 = arith.mulf %mul3A_775, %bitcast3A_774 : vector<32xbf16>
        %unpack3A_777 = tpu.unpack_subelements %mul3A_776, 0 {pack_format = #tpu.pack_format<interleaved>} : vector<32xbf16> -> vector<16xf32>
        %unpack3A_778 = tpu.unpack_subelements %mul3A_776, 1 {pack_format = #tpu.pack_format<interleaved>} : vector<32xbf16> -> vector<16xf32>
        %add3A_779 = arith.addf %add3A_761, %unpack3A_777 : vector<16xf32>
        %add3A_780 = arith.addf %add3A_762, %unpack3A_778 : vector<16xf32>
        %add3A_781 = arith.addf %add3A_779, %add3A_780 : vector<16xf32>
        %swap3A_782 = arith.constant 112 : index
        %swap3A_783 = tpu.vector_load %arg17[%swap3A_782] {strides = array<i32>} : memref<256xf32, #tpu.memory_space<vmem>>, vector<16xf32>,
        tpu.vector_store %arg17[%swap3A_782], %add3A_781 {strides = array<i32>} : memref<256xf32, #tpu.memory_space<vmem>>, vector<16xf32>,
        %mul3A_784 = arith.constant 16 : i32
        %mul3A_785 = arith.muli %scan3A_124, %mul3A_784 : i32
        %add3A_786 = arith.constant 8 : i32
        %add3A_787 = arith.addi %mul3A_785, %add3A_786 : i32
        %broadcast_in_dim3A_788 = arith.constant 0.000000e+00 : f32
        %broadcast_in_dim3A_789 = vector.broadcast %broadcast_in_dim3A_788 : f32 to vector<16xf32>
        %broadcast_in_dim3A_790 = arith.constant 0.000000e+00 : f32
        %broadcast_in_dim3A_791 = vector.broadcast %broadcast_in_dim3A_790 : f32 to vector<16xf32>
        %get3A_792 = arith.index_cast %add3A_787 : i32 to index
        %get3A_793 = arith.constant 0 : index
        %get3A_794 = tpu.vector_load %arg11[%get3A_792, %get3A_793] {strides = array<i32>} : memref<80x64xi32, #tpu.memory_space<vmem>>, vector<16xi32>,
        %bitcast3A_795 = vector.bitcast %get3A_794 : vector<16xi32> to vector<32xbf16>
        %get3A_796 = arith.index_cast %add3A_787 : i32 to index
        %get3A_797 = arith.constant 0 : index
        %get3A_798 = tpu.vector_load %arg12[%get3A_796, %get3A_797] {strides = array<i32>} : memref<80x64xi32, #tpu.memory_space<vmem>>, vector<16xi32>,
        %bitcast3A_799 = vector.bitcast %get3A_798 : vector<16xi32> to vector<32xbf16>
        %get3A_800 = arith.index_cast %add3A_787 : i32 to index
        %get3A_801 = arith.constant 0 : index
        %get3A_802 = tpu.vector_load %arg13[%get3A_800, %get3A_801] {strides = array<i32>} : memref<80x64xi32, #tpu.memory_space<vmem>>, vector<16xi32>,
        %bitcast3A_803 = vector.bitcast %get3A_802 : vector<16xi32> to vector<32xbf16>
        %mul3A_804 = arith.mulf %bitcast3A_795, %bitcast3A_799 : vector<32xbf16>
        %mul3A_805 = arith.mulf %mul3A_804, %bitcast3A_803 : vector<32xbf16>
        %unpack3A_806 = tpu.unpack_subelements %mul3A_805, 0 {pack_format = #tpu.pack_format<interleaved>} : vector<32xbf16> -> vector<16xf32>
        %unpack3A_807 = tpu.unpack_subelements %mul3A_805, 1 {pack_format = #tpu.pack_format<interleaved>} : vector<32xbf16> -> vector<16xf32>
        %add3A_808 = arith.addf %broadcast_in_dim3A_789, %unpack3A_806 : vector<16xf32>
        %add3A_809 = arith.addf %broadcast_in_dim3A_791, %unpack3A_807 : vector<16xf32>
        %get3A_810 = arith.index_cast %add3A_787 : i32 to index
        %get3A_811 = arith.constant 16 : index
        %get3A_812 = tpu.vector_load %arg11[%get3A_810, %get3A_811] {strides = array<i32>} : memref<80x64xi32, #tpu.memory_space<vmem>>, vector<16xi32>,
        %bitcast3A_813 = vector.bitcast %get3A_812 : vector<16xi32> to vector<32xbf16>
        %get3A_814 = arith.index_cast %add3A_787 : i32 to index
        %get3A_815 = arith.constant 16 : index
        %get3A_816 = tpu.vector_load %arg12[%get3A_814, %get3A_815] {strides = array<i32>} : memref<80x64xi32, #tpu.memory_space<vmem>>, vector<16xi32>,
        %bitcast3A_817 = vector.bitcast %get3A_816 : vector<16xi32> to vector<32xbf16>
        %get3A_818 = arith.index_cast %add3A_787 : i32 to index
        %get3A_819 = arith.constant 16 : index
        %get3A_820 = tpu.vector_load %arg13[%get3A_818, %get3A_819] {strides = array<i32>} : memref<80x64xi32, #tpu.memory_space<vmem>>, vector<16xi32>,
        %bitcast3A_821 = vector.bitcast %get3A_820 : vector<16xi32> to vector<32xbf16>
        %mul3A_822 = arith.mulf %bitcast3A_813, %bitcast3A_817 : vector<32xbf16>
        %mul3A_823 = arith.mulf %mul3A_822, %bitcast3A_821 : vector<32xbf16>
        %unpack3A_824 = tpu.unpack_subelements %mul3A_823, 0 {pack_format = #tpu.pack_format<interleaved>} : vector<32xbf16> -> vector<16xf32>
        %unpack3A_825 = tpu.unpack_subelements %mul3A_823, 1 {pack_format = #tpu.pack_format<interleaved>} : vector<32xbf16> -> vector<16xf32>
        %add3A_826 = arith.addf %add3A_808, %unpack3A_824 : vector<16xf32>
        %add3A_827 = arith.addf %add3A_809, %unpack3A_825 : vector<16xf32>
        %get3A_828 = arith.index_cast %add3A_787 : i32 to index
        %get3A_829 = arith.constant 32 : index
        %get3A_830 = tpu.vector_load %arg11[%get3A_828, %get3A_829] {strides = array<i32>} : memref<80x64xi32, #tpu.memory_space<vmem>>, vector<16xi32>,
        %bitcast3A_831 = vector.bitcast %get3A_830 : vector<16xi32> to vector<32xbf16>
        %get3A_832 = arith.index_cast %add3A_787 : i32 to index
        %get3A_833 = arith.constant 32 : index
        %get3A_834 = tpu.vector_load %arg12[%get3A_832, %get3A_833] {strides = array<i32>} : memref<80x64xi32, #tpu.memory_space<vmem>>, vector<16xi32>,
        %bitcast3A_835 = vector.bitcast %get3A_834 : vector<16xi32> to vector<32xbf16>
        %get3A_836 = arith.index_cast %add3A_787 : i32 to index
        %get3A_837 = arith.constant 32 : index
        %get3A_838 = tpu.vector_load %arg13[%get3A_836, %get3A_837] {strides = array<i32>} : memref<80x64xi32, #tpu.memory_space<vmem>>, vector<16xi32>,
        %bitcast3A_839 = vector.bitcast %get3A_838 : vector<16xi32> to vector<32xbf16>
        %mul3A_840 = arith.mulf %bitcast3A_831, %bitcast3A_835 : vector<32xbf16>
        %mul3A_841 = arith.mulf %mul3A_840, %bitcast3A_839 : vector<32xbf16>
        %unpack3A_842 = tpu.unpack_subelements %mul3A_841, 0 {pack_format = #tpu.pack_format<interleaved>} : vector<32xbf16> -> vector<16xf32>
        %unpack3A_843 = tpu.unpack_subelements %mul3A_841, 1 {pack_format = #tpu.pack_format<interleaved>} : vector<32xbf16> -> vector<16xf32>
        %add3A_844 = arith.addf %add3A_826, %unpack3A_842 : vector<16xf32>
        %add3A_845 = arith.addf %add3A_827, %unpack3A_843 : vector<16xf32>
        %get3A_846 = arith.index_cast %add3A_787 : i32 to index
        %get3A_847 = arith.constant 48 : index
        %get3A_848 = tpu.vector_load %arg11[%get3A_846, %get3A_847] {strides = array<i32>} : memref<80x64xi32, #tpu.memory_space<vmem>>, vector<16xi32>,
        %bitcast3A_849 = vector.bitcast %get3A_848 : vector<16xi32> to vector<32xbf16>
        %get3A_850 = arith.index_cast %add3A_787 : i32 to index
        %get3A_851 = arith.constant 48 : index
        %get3A_852 = tpu.vector_load %arg12[%get3A_850, %get3A_851] {strides = array<i32>} : memref<80x64xi32, #tpu.memory_space<vmem>>, vector<16xi32>,
        %bitcast3A_853 = vector.bitcast %get3A_852 : vector<16xi32> to vector<32xbf16>
        %get3A_854 = arith.index_cast %add3A_787 : i32 to index
        %get3A_855 = arith.constant 48 : index
        %get3A_856 = tpu.vector_load %arg13[%get3A_854, %get3A_855] {strides = array<i32>} : memref<80x64xi32, #tpu.memory_space<vmem>>, vector<16xi32>,
        %bitcast3A_857 = vector.bitcast %get3A_856 : vector<16xi32> to vector<32xbf16>
        %mul3A_858 = arith.mulf %bitcast3A_849, %bitcast3A_853 : vector<32xbf16>
        %mul3A_859 = arith.mulf %mul3A_858, %bitcast3A_857 : vector<32xbf16>
        %unpack3A_860 = tpu.unpack_subelements %mul3A_859, 0 {pack_format = #tpu.pack_format<interleaved>} : vector<32xbf16> -> vector<16xf32>
        %unpack3A_861 = tpu.unpack_subelements %mul3A_859, 1 {pack_format = #tpu.pack_format<interleaved>} : vector<32xbf16> -> vector<16xf32>
        %add3A_862 = arith.addf %add3A_844, %unpack3A_860 : vector<16xf32>
        %add3A_863 = arith.addf %add3A_845, %unpack3A_861 : vector<16xf32>
        %add3A_864 = arith.addf %add3A_862, %add3A_863 : vector<16xf32>
        %swap3A_865 = arith.constant 128 : index
        %swap3A_866 = tpu.vector_load %arg17[%swap3A_865] {strides = array<i32>} : memref<256xf32, #tpu.memory_space<vmem>>, vector<16xf32>,
        tpu.vector_store %arg17[%swap3A_865], %add3A_864 {strides = array<i32>} : memref<256xf32, #tpu.memory_space<vmem>>, vector<16xf32>,
        %mul3A_867 = arith.constant 16 : i32
        %mul3A_868 = arith.muli %scan3A_124, %mul3A_867 : i32
        %add3A_869 = arith.constant 9 : i32
        %add3A_870 = arith.addi %mul3A_868, %add3A_869 : i32
        %broadcast_in_dim3A_871 = arith.constant 0.000000e+00 : f32
        %broadcast_in_dim3A_872 = vector.broadcast %broadcast_in_dim3A_871 : f32 to vector<16xf32>
        %broadcast_in_dim3A_873 = arith.constant 0.000000e+00 : f32
        %broadcast_in_dim3A_874 = vector.broadcast %broadcast_in_dim3A_873 : f32 to vector<16xf32>
        %get3A_875 = arith.index_cast %add3A_870 : i32 to index
        %get3A_876 = arith.constant 0 : index
        %get3A_877 = tpu.vector_load %arg11[%get3A_875, %get3A_876] {strides = array<i32>} : memref<80x64xi32, #tpu.memory_space<vmem>>, vector<16xi32>,
        %bitcast3A_878 = vector.bitcast %get3A_877 : vector<16xi32> to vector<32xbf16>
        %get3A_879 = arith.index_cast %add3A_870 : i32 to index
        %get3A_880 = arith.constant 0 : index
        %get3A_881 = tpu.vector_load %arg12[%get3A_879, %get3A_880] {strides = array<i32>} : memref<80x64xi32, #tpu.memory_space<vmem>>, vector<16xi32>,
        %bitcast3A_882 = vector.bitcast %get3A_881 : vector<16xi32> to vector<32xbf16>
        %get3A_883 = arith.index_cast %add3A_870 : i32 to index
        %get3A_884 = arith.constant 0 : index
        %get3A_885 = tpu.vector_load %arg13[%get3A_883, %get3A_884] {strides = array<i32>} : memref<80x64xi32, #tpu.memory_space<vmem>>, vector<16xi32>,
        %bitcast3A_886 = vector.bitcast %get3A_885 : vector<16xi32> to vector<32xbf16>
        %mul3A_887 = arith.mulf %bitcast3A_878, %bitcast3A_882 : vector<32xbf16>
        %mul3A_888 = arith.mulf %mul3A_887, %bitcast3A_886 : vector<32xbf16>
        %unpack3A_889 = tpu.unpack_subelements %mul3A_888, 0 {pack_format = #tpu.pack_format<interleaved>} : vector<32xbf16> -> vector<16xf32>
        %unpack3A_890 = tpu.unpack_subelements %mul3A_888, 1 {pack_format = #tpu.pack_format<interleaved>} : vector<32xbf16> -> vector<16xf32>
        %add3A_891 = arith.addf %broadcast_in_dim3A_872, %unpack3A_889 : vector<16xf32>
        %add3A_892 = arith.addf %broadcast_in_dim3A_874, %unpack3A_890 : vector<16xf32>
        %get3A_893 = arith.index_cast %add3A_870 : i32 to index
        %get3A_894 = arith.constant 16 : index
        %get3A_895 = tpu.vector_load %arg11[%get3A_893, %get3A_894] {strides = array<i32>} : memref<80x64xi32, #tpu.memory_space<vmem>>, vector<16xi32>,
        %bitcast3A_896 = vector.bitcast %get3A_895 : vector<16xi32> to vector<32xbf16>
        %get3A_897 = arith.index_cast %add3A_870 : i32 to index
        %get3A_898 = arith.constant 16 : index
        %get3A_899 = tpu.vector_load %arg12[%get3A_897, %get3A_898] {strides = array<i32>} : memref<80x64xi32, #tpu.memory_space<vmem>>, vector<16xi32>,
        %bitcast3A_900 = vector.bitcast %get3A_899 : vector<16xi32> to vector<32xbf16>
        %get3A_901 = arith.index_cast %add3A_870 : i32 to index
        %get3A_902 = arith.constant 16 : index
        %get3A_903 = tpu.vector_load %arg13[%get3A_901, %get3A_902] {strides = array<i32>} : memref<80x64xi32, #tpu.memory_space<vmem>>, vector<16xi32>,
        %bitcast3A_904 = vector.bitcast %get3A_903 : vector<16xi32> to vector<32xbf16>
        %mul3A_905 = arith.mulf %bitcast3A_896, %bitcast3A_900 : vector<32xbf16>
        %mul3A_906 = arith.mulf %mul3A_905, %bitcast3A_904 : vector<32xbf16>
        %unpack3A_907 = tpu.unpack_subelements %mul3A_906, 0 {pack_format = #tpu.pack_format<interleaved>} : vector<32xbf16> -> vector<16xf32>
        %unpack3A_908 = tpu.unpack_subelements %mul3A_906, 1 {pack_format = #tpu.pack_format<interleaved>} : vector<32xbf16> -> vector<16xf32>
        %add3A_909 = arith.addf %add3A_891, %unpack3A_907 : vector<16xf32>
        %add3A_910 = arith.addf %add3A_892, %unpack3A_908 : vector<16xf32>
        %get3A_911 = arith.index_cast %add3A_870 : i32 to index
        %get3A_912 = arith.constant 32 : index
        %get3A_913 = tpu.vector_load %arg11[%get3A_911, %get3A_912] {strides = array<i32>} : memref<80x64xi32, #tpu.memory_space<vmem>>, vector<16xi32>,
        %bitcast3A_914 = vector.bitcast %get3A_913 : vector<16xi32> to vector<32xbf16>
        %get3A_915 = arith.index_cast %add3A_870 : i32 to index
        %get3A_916 = arith.constant 32 : index
        %get3A_917 = tpu.vector_load %arg12[%get3A_915, %get3A_916] {strides = array<i32>} : memref<80x64xi32, #tpu.memory_space<vmem>>, vector<16xi32>,
        %bitcast3A_918 = vector.bitcast %get3A_917 : vector<16xi32> to vector<32xbf16>
        %get3A_919 = arith.index_cast %add3A_870 : i32 to index
        %get3A_920 = arith.constant 32 : index
        %get3A_921 = tpu.vector_load %arg13[%get3A_919, %get3A_920] {strides = array<i32>} : memref<80x64xi32, #tpu.memory_space<vmem>>, vector<16xi32>,
        %bitcast3A_922 = vector.bitcast %get3A_921 : vector<16xi32> to vector<32xbf16>
        %mul3A_923 = arith.mulf %bitcast3A_914, %bitcast3A_918 : vector<32xbf16>
        %mul3A_924 = arith.mulf %mul3A_923, %bitcast3A_922 : vector<32xbf16>
        %unpack3A_925 = tpu.unpack_subelements %mul3A_924, 0 {pack_format = #tpu.pack_format<interleaved>} : vector<32xbf16> -> vector<16xf32>
        %unpack3A_926 = tpu.unpack_subelements %mul3A_924, 1 {pack_format = #tpu.pack_format<interleaved>} : vector<32xbf16> -> vector<16xf32>
        %add3A_927 = arith.addf %add3A_909, %unpack3A_925 : vector<16xf32>
        %add3A_928 = arith.addf %add3A_910, %unpack3A_926 : vector<16xf32>
        %get3A_929 = arith.index_cast %add3A_870 : i32 to index
        %get3A_930 = arith.constant 48 : index
        %get3A_931 = tpu.vector_load %arg11[%get3A_929, %get3A_930] {strides = array<i32>} : memref<80x64xi32, #tpu.memory_space<vmem>>, vector<16xi32>,
        %bitcast3A_932 = vector.bitcast %get3A_931 : vector<16xi32> to vector<32xbf16>
        %get3A_933 = arith.index_cast %add3A_870 : i32 to index
        %get3A_934 = arith.constant 48 : index
        %get3A_935 = tpu.vector_load %arg12[%get3A_933, %get3A_934] {strides = array<i32>} : memref<80x64xi32, #tpu.memory_space<vmem>>, vector<16xi32>,
        %bitcast3A_936 = vector.bitcast %get3A_935 : vector<16xi32> to vector<32xbf16>
        %get3A_937 = arith.index_cast %add3A_870 : i32 to index
        %get3A_938 = arith.constant 48 : index
        %get3A_939 = tpu.vector_load %arg13[%get3A_937, %get3A_938] {strides = array<i32>} : memref<80x64xi32, #tpu.memory_space<vmem>>, vector<16xi32>,
        %bitcast3A_940 = vector.bitcast %get3A_939 : vector<16xi32> to vector<32xbf16>
        %mul3A_941 = arith.mulf %bitcast3A_932, %bitcast3A_936 : vector<32xbf16>
        %mul3A_942 = arith.mulf %mul3A_941, %bitcast3A_940 : vector<32xbf16>
        %unpack3A_943 = tpu.unpack_subelements %mul3A_942, 0 {pack_format = #tpu.pack_format<interleaved>} : vector<32xbf16> -> vector<16xf32>
        %unpack3A_944 = tpu.unpack_subelements %mul3A_942, 1 {pack_format = #tpu.pack_format<interleaved>} : vector<32xbf16> -> vector<16xf32>
        %add3A_945 = arith.addf %add3A_927, %unpack3A_943 : vector<16xf32>
        %add3A_946 = arith.addf %add3A_928, %unpack3A_944 : vector<16xf32>
        %add3A_947 = arith.addf %add3A_945, %add3A_946 : vector<16xf32>
        %swap3A_948 = arith.constant 144 : index
        %swap3A_949 = tpu.vector_load %arg17[%swap3A_948] {strides = array<i32>} : memref<256xf32, #tpu.memory_space<vmem>>, vector<16xf32>,
        tpu.vector_store %arg17[%swap3A_948], %add3A_947 {strides = array<i32>} : memref<256xf32, #tpu.memory_space<vmem>>, vector<16xf32>,
        %mul3A_950 = arith.constant 16 : i32
        %mul3A_951 = arith.muli %scan3A_124, %mul3A_950 : i32
        %add3A_952 = arith.constant 10 : i32
        %add3A_953 = arith.addi %mul3A_951, %add3A_952 : i32
        %broadcast_in_dim3A_954 = arith.constant 0.000000e+00 : f32
        %broadcast_in_dim3A_955 = vector.broadcast %broadcast_in_dim3A_954 : f32 to vector<16xf32>
        %broadcast_in_dim3A_956 = arith.constant 0.000000e+00 : f32
        %broadcast_in_dim3A_957 = vector.broadcast %broadcast_in_dim3A_956 : f32 to vector<16xf32>
        %get3A_958 = arith.index_cast %add3A_953 : i32 to index
        %get3A_959 = arith.constant 0 : index
        %get3A_960 = tpu.vector_load %arg11[%get3A_958, %get3A_959] {strides = array<i32>} : memref<80x64xi32, #tpu.memory_space<vmem>>, vector<16xi32>,
        %bitcast3A_961 = vector.bitcast %get3A_960 : vector<16xi32> to vector<32xbf16>
        %get3A_962 = arith.index_cast %add3A_953 : i32 to index
        %get3A_963 = arith.constant 0 : index
        %get3A_964 = tpu.vector_load %arg12[%get3A_962, %get3A_963] {strides = array<i32>} : memref<80x64xi32, #tpu.memory_space<vmem>>, vector<16xi32>,
        %bitcast3A_965 = vector.bitcast %get3A_964 : vector<16xi32> to vector<32xbf16>
        %get3A_966 = arith.index_cast %add3A_953 : i32 to index
        %get3A_967 = arith.constant 0 : index
        %get3A_968 = tpu.vector_load %arg13[%get3A_966, %get3A_967] {strides = array<i32>} : memref<80x64xi32, #tpu.memory_space<vmem>>, vector<16xi32>,
        %bitcast3A_969 = vector.bitcast %get3A_968 : vector<16xi32> to vector<32xbf16>
        %mul3A_970 = arith.mulf %bitcast3A_961, %bitcast3A_965 : vector<32xbf16>
        %mul3A_971 = arith.mulf %mul3A_970, %bitcast3A_969 : vector<32xbf16>
        %unpack3A_972 = tpu.unpack_subelements %mul3A_971, 0 {pack_format = #tpu.pack_format<interleaved>} : vector<32xbf16> -> vector<16xf32>
        %unpack3A_973 = tpu.unpack_subelements %mul3A_971, 1 {pack_format = #tpu.pack_format<interleaved>} : vector<32xbf16> -> vector<16xf32>
        %add3A_974 = arith.addf %broadcast_in_dim3A_955, %unpack3A_972 : vector<16xf32>
        %add3A_975 = arith.addf %broadcast_in_dim3A_957, %unpack3A_973 : vector<16xf32>
        %get3A_976 = arith.index_cast %add3A_953 : i32 to index
        %get3A_977 = arith.constant 16 : index
        %get3A_978 = tpu.vector_load %arg11[%get3A_976, %get3A_977] {strides = array<i32>} : memref<80x64xi32, #tpu.memory_space<vmem>>, vector<16xi32>,
        %bitcast3A_979 = vector.bitcast %get3A_978 : vector<16xi32> to vector<32xbf16>
        %get3A_980 = arith.index_cast %add3A_953 : i32 to index
        %get3A_981 = arith.constant 16 : index
        %get3A_982 = tpu.vector_load %arg12[%get3A_980, %get3A_981] {strides = array<i32>} : memref<80x64xi32, #tpu.memory_space<vmem>>, vector<16xi32>,
        %bitcast3A_983 = vector.bitcast %get3A_982 : vector<16xi32> to vector<32xbf16>
        %get3A_984 = arith.index_cast %add3A_953 : i32 to index
        %get3A_985 = arith.constant 16 : index
        %get3A_986 = tpu.vector_load %arg13[%get3A_984, %get3A_985] {strides = array<i32>} : memref<80x64xi32, #tpu.memory_space<vmem>>, vector<16xi32>,
        %bitcast3A_987 = vector.bitcast %get3A_986 : vector<16xi32> to vector<32xbf16>
        %mul3A_988 = arith.mulf %bitcast3A_979, %bitcast3A_983 : vector<32xbf16>
        %mul3A_989 = arith.mulf %mul3A_988, %bitcast3A_987 : vector<32xbf16>
        %unpack3A_990 = tpu.unpack_subelements %mul3A_989, 0 {pack_format = #tpu.pack_format<interleaved>} : vector<32xbf16> -> vector<16xf32>
        %unpack3A_991 = tpu.unpack_subelements %mul3A_989, 1 {pack_format = #tpu.pack_format<interleaved>} : vector<32xbf16> -> vector<16xf32>
        %add3A_992 = arith.addf %add3A_974, %unpack3A_990 : vector<16xf32>
        %add3A_993 = arith.addf %add3A_975, %unpack3A_991 : vector<16xf32>
        %get3A_994 = arith.index_cast %add3A_953 : i32 to index
        %get3A_995 = arith.constant 32 : index
        %get3A_996 = tpu.vector_load %arg11[%get3A_994, %get3A_995] {strides = array<i32>} : memref<80x64xi32, #tpu.memory_space<vmem>>, vector<16xi32>,
        %bitcast3A_997 = vector.bitcast %get3A_996 : vector<16xi32> to vector<32xbf16>
        %get3A_998 = arith.index_cast %add3A_953 : i32 to index
        %get3A_999 = arith.constant 32 : index
        %get3A_1000 = tpu.vector_load %arg12[%get3A_998, %get3A_999] {strides = array<i32>} : memref<80x64xi32, #tpu.memory_space<vmem>>, vector<16xi32>,
        %bitcast3A_1001 = vector.bitcast %get3A_1000 : vector<16xi32> to vector<32xbf16>
        %get3A_1002 = arith.index_cast %add3A_953 : i32 to index
        %get3A_1003 = arith.constant 32 : index
        %get3A_1004 = tpu.vector_load %arg13[%get3A_1002, %get3A_1003] {strides = array<i32>} : memref<80x64xi32, #tpu.memory_space<vmem>>, vector<16xi32>,
        %bitcast3A_1005 = vector.bitcast %get3A_1004 : vector<16xi32> to vector<32xbf16>
        %mul3A_1006 = arith.mulf %bitcast3A_997, %bitcast3A_1001 : vector<32xbf16>
        %mul3A_1007 = arith.mulf %mul3A_1006, %bitcast3A_1005 : vector<32xbf16>
        %unpack3A_1008 = tpu.unpack_subelements %mul3A_1007, 0 {pack_format = #tpu.pack_format<interleaved>} : vector<32xbf16> -> vector<16xf32>
        %unpack3A_1009 = tpu.unpack_subelements %mul3A_1007, 1 {pack_format = #tpu.pack_format<interleaved>} : vector<32xbf16> -> vector<16xf32>
        %add3A_1010 = arith.addf %add3A_992, %unpack3A_1008 : vector<16xf32>
        %add3A_1011 = arith.addf %add3A_993, %unpack3A_1009 : vector<16xf32>
        %get3A_1012 = arith.index_cast %add3A_953 : i32 to index
        %get3A_1013 = arith.constant 48 : index
        %get3A_1014 = tpu.vector_load %arg11[%get3A_1012, %get3A_1013] {strides = array<i32>} : memref<80x64xi32, #tpu.memory_space<vmem>>, vector<16xi32>,
        %bitcast3A_1015 = vector.bitcast %get3A_1014 : vector<16xi32> to vector<32xbf16>
        %get3A_1016 = arith.index_cast %add3A_953 : i32 to index
        %get3A_1017 = arith.constant 48 : index
        %get3A_1018 = tpu.vector_load %arg12[%get3A_1016, %get3A_1017] {strides = array<i32>} : memref<80x64xi32, #tpu.memory_space<vmem>>, vector<16xi32>,
        %bitcast3A_1019 = vector.bitcast %get3A_1018 : vector<16xi32> to vector<32xbf16>
        %get3A_1020 = arith.index_cast %add3A_953 : i32 to index
        %get3A_1021 = arith.constant 48 : index
        %get3A_1022 = tpu.vector_load %arg13[%get3A_1020, %get3A_1021] {strides = array<i32>} : memref<80x64xi32, #tpu.memory_space<vmem>>, vector<16xi32>,
        %bitcast3A_1023 = vector.bitcast %get3A_1022 : vector<16xi32> to vector<32xbf16>
        %mul3A_1024 = arith.mulf %bitcast3A_1015, %bitcast3A_1019 : vector<32xbf16>
        %mul3A_1025 = arith.mulf %mul3A_1024, %bitcast3A_1023 : vector<32xbf16>
        %unpack3A_1026 = tpu.unpack_subelements %mul3A_1025, 0 {pack_format = #tpu.pack_format<interleaved>} : vector<32xbf16> -> vector<16xf32>
        %unpack3A_1027 = tpu.unpack_subelements %mul3A_1025, 1 {pack_format = #tpu.pack_format<interleaved>} : vector<32xbf16> -> vector<16xf32>
        %add3A_1028 = arith.addf %add3A_1010, %unpack3A_1026 : vector<16xf32>
        %add3A_1029 = arith.addf %add3A_1011, %unpack3A_1027 : vector<16xf32>
        %add3A_1030 = arith.addf %add3A_1028, %add3A_1029 : vector<16xf32>
        %swap3A_1031 = arith.constant 160 : index
        %swap3A_1032 = tpu.vector_load %arg17[%swap3A_1031] {strides = array<i32>} : memref<256xf32, #tpu.memory_space<vmem>>, vector<16xf32>,
        tpu.vector_store %arg17[%swap3A_1031], %add3A_1030 {strides = array<i32>} : memref<256xf32, #tpu.memory_space<vmem>>, vector<16xf32>,
        %mul3A_1033 = arith.constant 16 : i32
        %mul3A_1034 = arith.muli %scan3A_124, %mul3A_1033 : i32
        %add3A_1035 = arith.constant 11 : i32
        %add3A_1036 = arith.addi %mul3A_1034, %add3A_1035 : i32
        %broadcast_in_dim3A_1037 = arith.constant 0.000000e+00 : f32
        %broadcast_in_dim3A_1038 = vector.broadcast %broadcast_in_dim3A_1037 : f32 to vector<16xf32>
        %broadcast_in_dim3A_1039 = arith.constant 0.000000e+00 : f32
        %broadcast_in_dim3A_1040 = vector.broadcast %broadcast_in_dim3A_1039 : f32 to vector<16xf32>
        %get3A_1041 = arith.index_cast %add3A_1036 : i32 to index
        %get3A_1042 = arith.constant 0 : index
        %get3A_1043 = tpu.vector_load %arg11[%get3A_1041, %get3A_1042] {strides = array<i32>} : memref<80x64xi32, #tpu.memory_space<vmem>>, vector<16xi32>,
        %bitcast3A_1044 = vector.bitcast %get3A_1043 : vector<16xi32> to vector<32xbf16>
        %get3A_1045 = arith.index_cast %add3A_1036 : i32 to index
        %get3A_1046 = arith.constant 0 : index
        %get3A_1047 = tpu.vector_load %arg12[%get3A_1045, %get3A_1046] {strides = array<i32>} : memref<80x64xi32, #tpu.memory_space<vmem>>, vector<16xi32>,
        %bitcast3A_1048 = vector.bitcast %get3A_1047 : vector<16xi32> to vector<32xbf16>
        %get3A_1049 = arith.index_cast %add3A_1036 : i32 to index
        %get3A_1050 = arith.constant 0 : index
        %get3A_1051 = tpu.vector_load %arg13[%get3A_1049, %get3A_1050] {strides = array<i32>} : memref<80x64xi32, #tpu.memory_space<vmem>>, vector<16xi32>,
        %bitcast3A_1052 = vector.bitcast %get3A_1051 : vector<16xi32> to vector<32xbf16>
        %mul3A_1053 = arith.mulf %bitcast3A_1044, %bitcast3A_1048 : vector<32xbf16>
        %mul3A_1054 = arith.mulf %mul3A_1053, %bitcast3A_1052 : vector<32xbf16>
        %unpack3A_1055 = tpu.unpack_subelements %mul3A_1054, 0 {pack_format = #tpu.pack_format<interleaved>} : vector<32xbf16> -> vector<16xf32>
        %unpack3A_1056 = tpu.unpack_subelements %mul3A_1054, 1 {pack_format = #tpu.pack_format<interleaved>} : vector<32xbf16> -> vector<16xf32>
        %add3A_1057 = arith.addf %broadcast_in_dim3A_1038, %unpack3A_1055 : vector<16xf32>
        %add3A_1058 = arith.addf %broadcast_in_dim3A_1040, %unpack3A_1056 : vector<16xf32>
        %get3A_1059 = arith.index_cast %add3A_1036 : i32 to index
        %get3A_1060 = arith.constant 16 : index
        %get3A_1061 = tpu.vector_load %arg11[%get3A_1059, %get3A_1060] {strides = array<i32>} : memref<80x64xi32, #tpu.memory_space<vmem>>, vector<16xi32>,
        %bitcast3A_1062 = vector.bitcast %get3A_1061 : vector<16xi32> to vector<32xbf16>
        %get3A_1063 = arith.index_cast %add3A_1036 : i32 to index
        %get3A_1064 = arith.constant 16 : index
        %get3A_1065 = tpu.vector_load %arg12[%get3A_1063, %get3A_1064] {strides = array<i32>} : memref<80x64xi32, #tpu.memory_space<vmem>>, vector<16xi32>,
        %bitcast3A_1066 = vector.bitcast %get3A_1065 : vector<16xi32> to vector<32xbf16>
        %get3A_1067 = arith.index_cast %add3A_1036 : i32 to index
        %get3A_1068 = arith.constant 16 : index
        %get3A_1069 = tpu.vector_load %arg13[%get3A_1067, %get3A_1068] {strides = array<i32>} : memref<80x64xi32, #tpu.memory_space<vmem>>, vector<16xi32>,
        %bitcast3A_1070 = vector.bitcast %get3A_1069 : vector<16xi32> to vector<32xbf16>
        %mul3A_1071 = arith.mulf %bitcast3A_1062, %bitcast3A_1066 : vector<32xbf16>
        %mul3A_1072 = arith.mulf %mul3A_1071, %bitcast3A_1070 : vector<32xbf16>
        %unpack3A_1073 = tpu.unpack_subelements %mul3A_1072, 0 {pack_format = #tpu.pack_format<interleaved>} : vector<32xbf16> -> vector<16xf32>
        %unpack3A_1074 = tpu.unpack_subelements %mul3A_1072, 1 {pack_format = #tpu.pack_format<interleaved>} : vector<32xbf16> -> vector<16xf32>
        %add3A_1075 = arith.addf %add3A_1057, %unpack3A_1073 : vector<16xf32>
        %add3A_1076 = arith.addf %add3A_1058, %unpack3A_1074 : vector<16xf32>
        %get3A_1077 = arith.index_cast %add3A_1036 : i32 to index
        %get3A_1078 = arith.constant 32 : index
        %get3A_1079 = tpu.vector_load %arg11[%get3A_1077, %get3A_1078] {strides = array<i32>} : memref<80x64xi32, #tpu.memory_space<vmem>>, vector<16xi32>,
        %bitcast3A_1080 = vector.bitcast %get3A_1079 : vector<16xi32> to vector<32xbf16>
        %get3A_1081 = arith.index_cast %add3A_1036 : i32 to index
        %get3A_1082 = arith.constant 32 : index
        %get3A_1083 = tpu.vector_load %arg12[%get3A_1081, %get3A_1082] {strides = array<i32>} : memref<80x64xi32, #tpu.memory_space<vmem>>, vector<16xi32>,
        %bitcast3A_1084 = vector.bitcast %get3A_1083 : vector<16xi32> to vector<32xbf16>
        %get3A_1085 = arith.index_cast %add3A_1036 : i32 to index
        %get3A_1086 = arith.constant 32 : index
        %get3A_1087 = tpu.vector_load %arg13[%get3A_1085, %get3A_1086] {strides = array<i32>} : memref<80x64xi32, #tpu.memory_space<vmem>>, vector<16xi32>,
        %bitcast3A_1088 = vector.bitcast %get3A_1087 : vector<16xi32> to vector<32xbf16>
        %mul3A_1089 = arith.mulf %bitcast3A_1080, %bitcast3A_1084 : vector<32xbf16>
        %mul3A_1090 = arith.mulf %mul3A_1089, %bitcast3A_1088 : vector<32xbf16>
        %unpack3A_1091 = tpu.unpack_subelements %mul3A_1090, 0 {pack_format = #tpu.pack_format<interleaved>} : vector<32xbf16> -> vector<16xf32>
        %unpack3A_1092 = tpu.unpack_subelements %mul3A_1090, 1 {pack_format = #tpu.pack_format<interleaved>} : vector<32xbf16> -> vector<16xf32>
        %add3A_1093 = arith.addf %add3A_1075, %unpack3A_1091 : vector<16xf32>
        %add3A_1094 = arith.addf %add3A_1076, %unpack3A_1092 : vector<16xf32>
        %get3A_1095 = arith.index_cast %add3A_1036 : i32 to index
        %get3A_1096 = arith.constant 48 : index
        %get3A_1097 = tpu.vector_load %arg11[%get3A_1095, %get3A_1096] {strides = array<i32>} : memref<80x64xi32, #tpu.memory_space<vmem>>, vector<16xi32>,
        %bitcast3A_1098 = vector.bitcast %get3A_1097 : vector<16xi32> to vector<32xbf16>
        %get3A_1099 = arith.index_cast %add3A_1036 : i32 to index
        %get3A_1100 = arith.constant 48 : index
        %get3A_1101 = tpu.vector_load %arg12[%get3A_1099, %get3A_1100] {strides = array<i32>} : memref<80x64xi32, #tpu.memory_space<vmem>>, vector<16xi32>,
        %bitcast3A_1102 = vector.bitcast %get3A_1101 : vector<16xi32> to vector<32xbf16>
        %get3A_1103 = arith.index_cast %add3A_1036 : i32 to index
        %get3A_1104 = arith.constant 48 : index
        %get3A_1105 = tpu.vector_load %arg13[%get3A_1103, %get3A_1104] {strides = array<i32>} : memref<80x64xi32, #tpu.memory_space<vmem>>, vector<16xi32>,
        %bitcast3A_1106 = vector.bitcast %get3A_1105 : vector<16xi32> to vector<32xbf16>
        %mul3A_1107 = arith.mulf %bitcast3A_1098, %bitcast3A_1102 : vector<32xbf16>
        %mul3A_1108 = arith.mulf %mul3A_1107, %bitcast3A_1106 : vector<32xbf16>
        %unpack3A_1109 = tpu.unpack_subelements %mul3A_1108, 0 {pack_format = #tpu.pack_format<interleaved>} : vector<32xbf16> -> vector<16xf32>
        %unpack3A_1110 = tpu.unpack_subelements %mul3A_1108, 1 {pack_format = #tpu.pack_format<interleaved>} : vector<32xbf16> -> vector<16xf32>
        %add3A_1111 = arith.addf %add3A_1093, %unpack3A_1109 : vector<16xf32>
        %add3A_1112 = arith.addf %add3A_1094, %unpack3A_1110 : vector<16xf32>
        %add3A_1113 = arith.addf %add3A_1111, %add3A_1112 : vector<16xf32>
        %swap3A_1114 = arith.constant 176 : index
        %swap3A_1115 = tpu.vector_load %arg17[%swap3A_1114] {strides = array<i32>} : memref<256xf32, #tpu.memory_space<vmem>>, vector<16xf32>,
        tpu.vector_store %arg17[%swap3A_1114], %add3A_1113 {strides = array<i32>} : memref<256xf32, #tpu.memory_space<vmem>>, vector<16xf32>,
        %mul3A_1116 = arith.constant 16 : i32
        %mul3A_1117 = arith.muli %scan3A_124, %mul3A_1116 : i32
        %add3A_1118 = arith.constant 12 : i32
        %add3A_1119 = arith.addi %mul3A_1117, %add3A_1118 : i32
        %broadcast_in_dim3A_1120 = arith.constant 0.000000e+00 : f32
        %broadcast_in_dim3A_1121 = vector.broadcast %broadcast_in_dim3A_1120 : f32 to vector<16xf32>
        %broadcast_in_dim3A_1122 = arith.constant 0.000000e+00 : f32
        %broadcast_in_dim3A_1123 = vector.broadcast %broadcast_in_dim3A_1122 : f32 to vector<16xf32>
        %get3A_1124 = arith.index_cast %add3A_1119 : i32 to index
        %get3A_1125 = arith.constant 0 : index
        %get3A_1126 = tpu.vector_load %arg11[%get3A_1124, %get3A_1125] {strides = array<i32>} : memref<80x64xi32, #tpu.memory_space<vmem>>, vector<16xi32>,
        %bitcast3A_1127 = vector.bitcast %get3A_1126 : vector<16xi32> to vector<32xbf16>
        %get3A_1128 = arith.index_cast %add3A_1119 : i32 to index
        %get3A_1129 = arith.constant 0 : index
        %get3A_1130 = tpu.vector_load %arg12[%get3A_1128, %get3A_1129] {strides = array<i32>} : memref<80x64xi32, #tpu.memory_space<vmem>>, vector<16xi32>,
        %bitcast3A_1131 = vector.bitcast %get3A_1130 : vector<16xi32> to vector<32xbf16>
        %get3A_1132 = arith.index_cast %add3A_1119 : i32 to index
        %get3A_1133 = arith.constant 0 : index
        %get3A_1134 = tpu.vector_load %arg13[%get3A_1132, %get3A_1133] {strides = array<i32>} : memref<80x64xi32, #tpu.memory_space<vmem>>, vector<16xi32>,
        %bitcast3A_1135 = vector.bitcast %get3A_1134 : vector<16xi32> to vector<32xbf16>
        %mul3A_1136 = arith.mulf %bitcast3A_1127, %bitcast3A_1131 : vector<32xbf16>
        %mul3A_1137 = arith.mulf %mul3A_1136, %bitcast3A_1135 : vector<32xbf16>
        %unpack3A_1138 = tpu.unpack_subelements %mul3A_1137, 0 {pack_format = #tpu.pack_format<interleaved>} : vector<32xbf16> -> vector<16xf32>
        %unpack3A_1139 = tpu.unpack_subelements %mul3A_1137, 1 {pack_format = #tpu.pack_format<interleaved>} : vector<32xbf16> -> vector<16xf32>
        %add3A_1140 = arith.addf %broadcast_in_dim3A_1121, %unpack3A_1138 : vector<16xf32>
        %add3A_1141 = arith.addf %broadcast_in_dim3A_1123, %unpack3A_1139 : vector<16xf32>
        %get3A_1142 = arith.index_cast %add3A_1119 : i32 to index
        %get3A_1143 = arith.constant 16 : index
        %get3A_1144 = tpu.vector_load %arg11[%get3A_1142, %get3A_1143] {strides = array<i32>} : memref<80x64xi32, #tpu.memory_space<vmem>>, vector<16xi32>,
        %bitcast3A_1145 = vector.bitcast %get3A_1144 : vector<16xi32> to vector<32xbf16>
        %get3A_1146 = arith.index_cast %add3A_1119 : i32 to index
        %get3A_1147 = arith.constant 16 : index
        %get3A_1148 = tpu.vector_load %arg12[%get3A_1146, %get3A_1147] {strides = array<i32>} : memref<80x64xi32, #tpu.memory_space<vmem>>, vector<16xi32>,
        %bitcast3A_1149 = vector.bitcast %get3A_1148 : vector<16xi32> to vector<32xbf16>
        %get3A_1150 = arith.index_cast %add3A_1119 : i32 to index
        %get3A_1151 = arith.constant 16 : index
        %get3A_1152 = tpu.vector_load %arg13[%get3A_1150, %get3A_1151] {strides = array<i32>} : memref<80x64xi32, #tpu.memory_space<vmem>>, vector<16xi32>,
        %bitcast3A_1153 = vector.bitcast %get3A_1152 : vector<16xi32> to vector<32xbf16>
        %mul3A_1154 = arith.mulf %bitcast3A_1145, %bitcast3A_1149 : vector<32xbf16>
        %mul3A_1155 = arith.mulf %mul3A_1154, %bitcast3A_1153 : vector<32xbf16>
        %unpack3A_1156 = tpu.unpack_subelements %mul3A_1155, 0 {pack_format = #tpu.pack_format<interleaved>} : vector<32xbf16> -> vector<16xf32>
        %unpack3A_1157 = tpu.unpack_subelements %mul3A_1155, 1 {pack_format = #tpu.pack_format<interleaved>} : vector<32xbf16> -> vector<16xf32>
        %add3A_1158 = arith.addf %add3A_1140, %unpack3A_1156 : vector<16xf32>
        %add3A_1159 = arith.addf %add3A_1141, %unpack3A_1157 : vector<16xf32>
        %get3A_1160 = arith.index_cast %add3A_1119 : i32 to index
        %get3A_1161 = arith.constant 32 : index
        %get3A_1162 = tpu.vector_load %arg11[%get3A_1160, %get3A_1161] {strides = array<i32>} : memref<80x64xi32, #tpu.memory_space<vmem>>, vector<16xi32>,
        %bitcast3A_1163 = vector.bitcast %get3A_1162 : vector<16xi32> to vector<32xbf16>
        %get3A_1164 = arith.index_cast %add3A_1119 : i32 to index
        %get3A_1165 = arith.constant 32 : index
        %get3A_1166 = tpu.vector_load %arg12[%get3A_1164, %get3A_1165] {strides = array<i32>} : memref<80x64xi32, #tpu.memory_space<vmem>>, vector<16xi32>,
        %bitcast3A_1167 = vector.bitcast %get3A_1166 : vector<16xi32> to vector<32xbf16>
        %get3A_1168 = arith.index_cast %add3A_1119 : i32 to index
        %get3A_1169 = arith.constant 32 : index
        %get3A_1170 = tpu.vector_load %arg13[%get3A_1168, %get3A_1169] {strides = array<i32>} : memref<80x64xi32, #tpu.memory_space<vmem>>, vector<16xi32>,
        %bitcast3A_1171 = vector.bitcast %get3A_1170 : vector<16xi32> to vector<32xbf16>
        %mul3A_1172 = arith.mulf %bitcast3A_1163, %bitcast3A_1167 : vector<32xbf16>
        %mul3A_1173 = arith.mulf %mul3A_1172, %bitcast3A_1171 : vector<32xbf16>
        %unpack3A_1174 = tpu.unpack_subelements %mul3A_1173, 0 {pack_format = #tpu.pack_format<interleaved>} : vector<32xbf16> -> vector<16xf32>
        %unpack3A_1175 = tpu.unpack_subelements %mul3A_1173, 1 {pack_format = #tpu.pack_format<interleaved>} : vector<32xbf16> -> vector<16xf32>
        %add3A_1176 = arith.addf %add3A_1158, %unpack3A_1174 : vector<16xf32>
        %add3A_1177 = arith.addf %add3A_1159, %unpack3A_1175 : vector<16xf32>
        %get3A_1178 = arith.index_cast %add3A_1119 : i32 to index
        %get3A_1179 = arith.constant 48 : index
        %get3A_1180 = tpu.vector_load %arg11[%get3A_1178, %get3A_1179] {strides = array<i32>} : memref<80x64xi32, #tpu.memory_space<vmem>>, vector<16xi32>,
        %bitcast3A_1181 = vector.bitcast %get3A_1180 : vector<16xi32> to vector<32xbf16>
        %get3A_1182 = arith.index_cast %add3A_1119 : i32 to index
        %get3A_1183 = arith.constant 48 : index
        %get3A_1184 = tpu.vector_load %arg12[%get3A_1182, %get3A_1183] {strides = array<i32>} : memref<80x64xi32, #tpu.memory_space<vmem>>, vector<16xi32>,
        %bitcast3A_1185 = vector.bitcast %get3A_1184 : vector<16xi32> to vector<32xbf16>
        %get3A_1186 = arith.index_cast %add3A_1119 : i32 to index
        %get3A_1187 = arith.constant 48 : index
        %get3A_1188 = tpu.vector_load %arg13[%get3A_1186, %get3A_1187] {strides = array<i32>} : memref<80x64xi32, #tpu.memory_space<vmem>>, vector<16xi32>,
        %bitcast3A_1189 = vector.bitcast %get3A_1188 : vector<16xi32> to vector<32xbf16>
        %mul3A_1190 = arith.mulf %bitcast3A_1181, %bitcast3A_1185 : vector<32xbf16>
        %mul3A_1191 = arith.mulf %mul3A_1190, %bitcast3A_1189 : vector<32xbf16>
        %unpack3A_1192 = tpu.unpack_subelements %mul3A_1191, 0 {pack_format = #tpu.pack_format<interleaved>} : vector<32xbf16> -> vector<16xf32>
        %unpack3A_1193 = tpu.unpack_subelements %mul3A_1191, 1 {pack_format = #tpu.pack_format<interleaved>} : vector<32xbf16> -> vector<16xf32>
        %add3A_1194 = arith.addf %add3A_1176, %unpack3A_1192 : vector<16xf32>
        %add3A_1195 = arith.addf %add3A_1177, %unpack3A_1193 : vector<16xf32>
        %add3A_1196 = arith.addf %add3A_1194, %add3A_1195 : vector<16xf32>
        %swap3A_1197 = arith.constant 192 : index
        %swap3A_1198 = tpu.vector_load %arg17[%swap3A_1197] {strides = array<i32>} : memref<256xf32, #tpu.memory_space<vmem>>, vector<16xf32>,
        tpu.vector_store %arg17[%swap3A_1197], %add3A_1196 {strides = array<i32>} : memref<256xf32, #tpu.memory_space<vmem>>, vector<16xf32>,
        %mul3A_1199 = arith.constant 16 : i32
        %mul3A_1200 = arith.muli %scan3A_124, %mul3A_1199 : i32
        %add3A_1201 = arith.constant 13 : i32
        %add3A_1202 = arith.addi %mul3A_1200, %add3A_1201 : i32
        %broadcast_in_dim3A_1203 = arith.constant 0.000000e+00 : f32
        %broadcast_in_dim3A_1204 = vector.broadcast %broadcast_in_dim3A_1203 : f32 to vector<16xf32>
        %broadcast_in_dim3A_1205 = arith.constant 0.000000e+00 : f32
        %broadcast_in_dim3A_1206 = vector.broadcast %broadcast_in_dim3A_1205 : f32 to vector<16xf32>
        %get3A_1207 = arith.index_cast %add3A_1202 : i32 to index
        %get3A_1208 = arith.constant 0 : index
        %get3A_1209 = tpu.vector_load %arg11[%get3A_1207, %get3A_1208] {strides = array<i32>} : memref<80x64xi32, #tpu.memory_space<vmem>>, vector<16xi32>,
        %bitcast3A_1210 = vector.bitcast %get3A_1209 : vector<16xi32> to vector<32xbf16>
        %get3A_1211 = arith.index_cast %add3A_1202 : i32 to index
        %get3A_1212 = arith.constant 0 : index
        %get3A_1213 = tpu.vector_load %arg12[%get3A_1211, %get3A_1212] {strides = array<i32>} : memref<80x64xi32, #tpu.memory_space<vmem>>, vector<16xi32>,
        %bitcast3A_1214 = vector.bitcast %get3A_1213 : vector<16xi32> to vector<32xbf16>
        %get3A_1215 = arith.index_cast %add3A_1202 : i32 to index
        %get3A_1216 = arith.constant 0 : index
        %get3A_1217 = tpu.vector_load %arg13[%get3A_1215, %get3A_1216] {strides = array<i32>} : memref<80x64xi32, #tpu.memory_space<vmem>>, vector<16xi32>,
        %bitcast3A_1218 = vector.bitcast %get3A_1217 : vector<16xi32> to vector<32xbf16>
        %mul3A_1219 = arith.mulf %bitcast3A_1210, %bitcast3A_1214 : vector<32xbf16>
        %mul3A_1220 = arith.mulf %mul3A_1219, %bitcast3A_1218 : vector<32xbf16>
        %unpack3A_1221 = tpu.unpack_subelements %mul3A_1220, 0 {pack_format = #tpu.pack_format<interleaved>} : vector<32xbf16> -> vector<16xf32>
        %unpack3A_1222 = tpu.unpack_subelements %mul3A_1220, 1 {pack_format = #tpu.pack_format<interleaved>} : vector<32xbf16> -> vector<16xf32>
        %add3A_1223 = arith.addf %broadcast_in_dim3A_1204, %unpack3A_1221 : vector<16xf32>
        %add3A_1224 = arith.addf %broadcast_in_dim3A_1206, %unpack3A_1222 : vector<16xf32>
        %get3A_1225 = arith.index_cast %add3A_1202 : i32 to index
        %get3A_1226 = arith.constant 16 : index
        %get3A_1227 = tpu.vector_load %arg11[%get3A_1225, %get3A_1226] {strides = array<i32>} : memref<80x64xi32, #tpu.memory_space<vmem>>, vector<16xi32>,
        %bitcast3A_1228 = vector.bitcast %get3A_1227 : vector<16xi32> to vector<32xbf16>
        %get3A_1229 = arith.index_cast %add3A_1202 : i32 to index
        %get3A_1230 = arith.constant 16 : index
        %get3A_1231 = tpu.vector_load %arg12[%get3A_1229, %get3A_1230] {strides = array<i32>} : memref<80x64xi32, #tpu.memory_space<vmem>>, vector<16xi32>,
        %bitcast3A_1232 = vector.bitcast %get3A_1231 : vector<16xi32> to vector<32xbf16>
        %get3A_1233 = arith.index_cast %add3A_1202 : i32 to index
        %get3A_1234 = arith.constant 16 : index
        %get3A_1235 = tpu.vector_load %arg13[%get3A_1233, %get3A_1234] {strides = array<i32>} : memref<80x64xi32, #tpu.memory_space<vmem>>, vector<16xi32>,
        %bitcast3A_1236 = vector.bitcast %get3A_1235 : vector<16xi32> to vector<32xbf16>
        %mul3A_1237 = arith.mulf %bitcast3A_1228, %bitcast3A_1232 : vector<32xbf16>
        %mul3A_1238 = arith.mulf %mul3A_1237, %bitcast3A_1236 : vector<32xbf16>
        %unpack3A_1239 = tpu.unpack_subelements %mul3A_1238, 0 {pack_format = #tpu.pack_format<interleaved>} : vector<32xbf16> -> vector<16xf32>
        %unpack3A_1240 = tpu.unpack_subelements %mul3A_1238, 1 {pack_format = #tpu.pack_format<interleaved>} : vector<32xbf16> -> vector<16xf32>
        %add3A_1241 = arith.addf %add3A_1223, %unpack3A_1239 : vector<16xf32>
        %add3A_1242 = arith.addf %add3A_1224, %unpack3A_1240 : vector<16xf32>
        %get3A_1243 = arith.index_cast %add3A_1202 : i32 to index
        %get3A_1244 = arith.constant 32 : index
        %get3A_1245 = tpu.vector_load %arg11[%get3A_1243, %get3A_1244] {strides = array<i32>} : memref<80x64xi32, #tpu.memory_space<vmem>>, vector<16xi32>,
        %bitcast3A_1246 = vector.bitcast %get3A_1245 : vector<16xi32> to vector<32xbf16>
        %get3A_1247 = arith.index_cast %add3A_1202 : i32 to index
        %get3A_1248 = arith.constant 32 : index
        %get3A_1249 = tpu.vector_load %arg12[%get3A_1247, %get3A_1248] {strides = array<i32>} : memref<80x64xi32, #tpu.memory_space<vmem>>, vector<16xi32>,
        %bitcast3A_1250 = vector.bitcast %get3A_1249 : vector<16xi32> to vector<32xbf16>
        %get3A_1251 = arith.index_cast %add3A_1202 : i32 to index
        %get3A_1252 = arith.constant 32 : index
        %get3A_1253 = tpu.vector_load %arg13[%get3A_1251, %get3A_1252] {strides = array<i32>} : memref<80x64xi32, #tpu.memory_space<vmem>>, vector<16xi32>,
        %bitcast3A_1254 = vector.bitcast %get3A_1253 : vector<16xi32> to vector<32xbf16>
        %mul3A_1255 = arith.mulf %bitcast3A_1246, %bitcast3A_1250 : vector<32xbf16>
        %mul3A_1256 = arith.mulf %mul3A_1255, %bitcast3A_1254 : vector<32xbf16>
        %unpack3A_1257 = tpu.unpack_subelements %mul3A_1256, 0 {pack_format = #tpu.pack_format<interleaved>} : vector<32xbf16> -> vector<16xf32>
        %unpack3A_1258 = tpu.unpack_subelements %mul3A_1256, 1 {pack_format = #tpu.pack_format<interleaved>} : vector<32xbf16> -> vector<16xf32>
        %add3A_1259 = arith.addf %add3A_1241, %unpack3A_1257 : vector<16xf32>
        %add3A_1260 = arith.addf %add3A_1242, %unpack3A_1258 : vector<16xf32>
        %get3A_1261 = arith.index_cast %add3A_1202 : i32 to index
        %get3A_1262 = arith.constant 48 : index
        %get3A_1263 = tpu.vector_load %arg11[%get3A_1261, %get3A_1262] {strides = array<i32>} : memref<80x64xi32, #tpu.memory_space<vmem>>, vector<16xi32>,
        %bitcast3A_1264 = vector.bitcast %get3A_1263 : vector<16xi32> to vector<32xbf16>
        %get3A_1265 = arith.index_cast %add3A_1202 : i32 to index
        %get3A_1266 = arith.constant 48 : index
        %get3A_1267 = tpu.vector_load %arg12[%get3A_1265, %get3A_1266] {strides = array<i32>} : memref<80x64xi32, #tpu.memory_space<vmem>>, vector<16xi32>,
        %bitcast3A_1268 = vector.bitcast %get3A_1267 : vector<16xi32> to vector<32xbf16>
        %get3A_1269 = arith.index_cast %add3A_1202 : i32 to index
        %get3A_1270 = arith.constant 48 : index
        %get3A_1271 = tpu.vector_load %arg13[%get3A_1269, %get3A_1270] {strides = array<i32>} : memref<80x64xi32, #tpu.memory_space<vmem>>, vector<16xi32>,
        %bitcast3A_1272 = vector.bitcast %get3A_1271 : vector<16xi32> to vector<32xbf16>
        %mul3A_1273 = arith.mulf %bitcast3A_1264, %bitcast3A_1268 : vector<32xbf16>
        %mul3A_1274 = arith.mulf %mul3A_1273, %bitcast3A_1272 : vector<32xbf16>
        %unpack3A_1275 = tpu.unpack_subelements %mul3A_1274, 0 {pack_format = #tpu.pack_format<interleaved>} : vector<32xbf16> -> vector<16xf32>
        %unpack3A_1276 = tpu.unpack_subelements %mul3A_1274, 1 {pack_format = #tpu.pack_format<interleaved>} : vector<32xbf16> -> vector<16xf32>
        %add3A_1277 = arith.addf %add3A_1259, %unpack3A_1275 : vector<16xf32>
        %add3A_1278 = arith.addf %add3A_1260, %unpack3A_1276 : vector<16xf32>
        %add3A_1279 = arith.addf %add3A_1277, %add3A_1278 : vector<16xf32>
        %swap3A_1280 = arith.constant 208 : index
        %swap3A_1281 = tpu.vector_load %arg17[%swap3A_1280] {strides = array<i32>} : memref<256xf32, #tpu.memory_space<vmem>>, vector<16xf32>,
        tpu.vector_store %arg17[%swap3A_1280], %add3A_1279 {strides = array<i32>} : memref<256xf32, #tpu.memory_space<vmem>>, vector<16xf32>,
        %mul3A_1282 = arith.constant 16 : i32
        %mul3A_1283 = arith.muli %scan3A_124, %mul3A_1282 : i32
        %add3A_1284 = arith.constant 14 : i32
        %add3A_1285 = arith.addi %mul3A_1283, %add3A_1284 : i32
        %broadcast_in_dim3A_1286 = arith.constant 0.000000e+00 : f32
        %broadcast_in_dim3A_1287 = vector.broadcast %broadcast_in_dim3A_1286 : f32 to vector<16xf32>
        %broadcast_in_dim3A_1288 = arith.constant 0.000000e+00 : f32
        %broadcast_in_dim3A_1289 = vector.broadcast %broadcast_in_dim3A_1288 : f32 to vector<16xf32>
        %get3A_1290 = arith.index_cast %add3A_1285 : i32 to index
        %get3A_1291 = arith.constant 0 : index
        %get3A_1292 = tpu.vector_load %arg11[%get3A_1290, %get3A_1291] {strides = array<i32>} : memref<80x64xi32, #tpu.memory_space<vmem>>, vector<16xi32>,
        %bitcast3A_1293 = vector.bitcast %get3A_1292 : vector<16xi32> to vector<32xbf16>
        %get3A_1294 = arith.index_cast %add3A_1285 : i32 to index
        %get3A_1295 = arith.constant 0 : index
        %get3A_1296 = tpu.vector_load %arg12[%get3A_1294, %get3A_1295] {strides = array<i32>} : memref<80x64xi32, #tpu.memory_space<vmem>>, vector<16xi32>,
        %bitcast3A_1297 = vector.bitcast %get3A_1296 : vector<16xi32> to vector<32xbf16>
        %get3A_1298 = arith.index_cast %add3A_1285 : i32 to index
        %get3A_1299 = arith.constant 0 : index
        %get3A_1300 = tpu.vector_load %arg13[%get3A_1298, %get3A_1299] {strides = array<i32>} : memref<80x64xi32, #tpu.memory_space<vmem>>, vector<16xi32>,
        %bitcast3A_1301 = vector.bitcast %get3A_1300 : vector<16xi32> to vector<32xbf16>
        %mul3A_1302 = arith.mulf %bitcast3A_1293, %bitcast3A_1297 : vector<32xbf16>
        %mul3A_1303 = arith.mulf %mul3A_1302, %bitcast3A_1301 : vector<32xbf16>
        %unpack3A_1304 = tpu.unpack_subelements %mul3A_1303, 0 {pack_format = #tpu.pack_format<interleaved>} : vector<32xbf16> -> vector<16xf32>
        %unpack3A_1305 = tpu.unpack_subelements %mul3A_1303, 1 {pack_format = #tpu.pack_format<interleaved>} : vector<32xbf16> -> vector<16xf32>
        %add3A_1306 = arith.addf %broadcast_in_dim3A_1287, %unpack3A_1304 : vector<16xf32>
        %add3A_1307 = arith.addf %broadcast_in_dim3A_1289, %unpack3A_1305 : vector<16xf32>
        %get3A_1308 = arith.index_cast %add3A_1285 : i32 to index
        %get3A_1309 = arith.constant 16 : index
        %get3A_1310 = tpu.vector_load %arg11[%get3A_1308, %get3A_1309] {strides = array<i32>} : memref<80x64xi32, #tpu.memory_space<vmem>>, vector<16xi32>,
        %bitcast3A_1311 = vector.bitcast %get3A_1310 : vector<16xi32> to vector<32xbf16>
        %get3A_1312 = arith.index_cast %add3A_1285 : i32 to index
        %get3A_1313 = arith.constant 16 : index
        %get3A_1314 = tpu.vector_load %arg12[%get3A_1312, %get3A_1313] {strides = array<i32>} : memref<80x64xi32, #tpu.memory_space<vmem>>, vector<16xi32>,
        %bitcast3A_1315 = vector.bitcast %get3A_1314 : vector<16xi32> to vector<32xbf16>
        %get3A_1316 = arith.index_cast %add3A_1285 : i32 to index
        %get3A_1317 = arith.constant 16 : index
        %get3A_1318 = tpu.vector_load %arg13[%get3A_1316, %get3A_1317] {strides = array<i32>} : memref<80x64xi32, #tpu.memory_space<vmem>>, vector<16xi32>,
        %bitcast3A_1319 = vector.bitcast %get3A_1318 : vector<16xi32> to vector<32xbf16>
        %mul3A_1320 = arith.mulf %bitcast3A_1311, %bitcast3A_1315 : vector<32xbf16>
        %mul3A_1321 = arith.mulf %mul3A_1320, %bitcast3A_1319 : vector<32xbf16>
        %unpack3A_1322 = tpu.unpack_subelements %mul3A_1321, 0 {pack_format = #tpu.pack_format<interleaved>} : vector<32xbf16> -> vector<16xf32>
        %unpack3A_1323 = tpu.unpack_subelements %mul3A_1321, 1 {pack_format = #tpu.pack_format<interleaved>} : vector<32xbf16> -> vector<16xf32>
        %add3A_1324 = arith.addf %add3A_1306, %unpack3A_1322 : vector<16xf32>
        %add3A_1325 = arith.addf %add3A_1307, %unpack3A_1323 : vector<16xf32>
        %get3A_1326 = arith.index_cast %add3A_1285 : i32 to index
        %get3A_1327 = arith.constant 32 : index
        %get3A_1328 = tpu.vector_load %arg11[%get3A_1326, %get3A_1327] {strides = array<i32>} : memref<80x64xi32, #tpu.memory_space<vmem>>, vector<16xi32>,
        %bitcast3A_1329 = vector.bitcast %get3A_1328 : vector<16xi32> to vector<32xbf16>
        %get3A_1330 = arith.index_cast %add3A_1285 : i32 to index
        %get3A_1331 = arith.constant 32 : index
        %get3A_1332 = tpu.vector_load %arg12[%get3A_1330, %get3A_1331] {strides = array<i32>} : memref<80x64xi32, #tpu.memory_space<vmem>>, vector<16xi32>,
        %bitcast3A_1333 = vector.bitcast %get3A_1332 : vector<16xi32> to vector<32xbf16>
        %get3A_1334 = arith.index_cast %add3A_1285 : i32 to index
        %get3A_1335 = arith.constant 32 : index
        %get3A_1336 = tpu.vector_load %arg13[%get3A_1334, %get3A_1335] {strides = array<i32>} : memref<80x64xi32, #tpu.memory_space<vmem>>, vector<16xi32>,
        %bitcast3A_1337 = vector.bitcast %get3A_1336 : vector<16xi32> to vector<32xbf16>
        %mul3A_1338 = arith.mulf %bitcast3A_1329, %bitcast3A_1333 : vector<32xbf16>
        %mul3A_1339 = arith.mulf %mul3A_1338, %bitcast3A_1337 : vector<32xbf16>
        %unpack3A_1340 = tpu.unpack_subelements %mul3A_1339, 0 {pack_format = #tpu.pack_format<interleaved>} : vector<32xbf16> -> vector<16xf32>
        %unpack3A_1341 = tpu.unpack_subelements %mul3A_1339, 1 {pack_format = #tpu.pack_format<interleaved>} : vector<32xbf16> -> vector<16xf32>
        %add3A_1342 = arith.addf %add3A_1324, %unpack3A_1340 : vector<16xf32>
        %add3A_1343 = arith.addf %add3A_1325, %unpack3A_1341 : vector<16xf32>
        %get3A_1344 = arith.index_cast %add3A_1285 : i32 to index
        %get3A_1345 = arith.constant 48 : index
        %get3A_1346 = tpu.vector_load %arg11[%get3A_1344, %get3A_1345] {strides = array<i32>} : memref<80x64xi32, #tpu.memory_space<vmem>>, vector<16xi32>,
        %bitcast3A_1347 = vector.bitcast %get3A_1346 : vector<16xi32> to vector<32xbf16>
        %get3A_1348 = arith.index_cast %add3A_1285 : i32 to index
        %get3A_1349 = arith.constant 48 : index
        %get3A_1350 = tpu.vector_load %arg12[%get3A_1348, %get3A_1349] {strides = array<i32>} : memref<80x64xi32, #tpu.memory_space<vmem>>, vector<16xi32>,
        %bitcast3A_1351 = vector.bitcast %get3A_1350 : vector<16xi32> to vector<32xbf16>
        %get3A_1352 = arith.index_cast %add3A_1285 : i32 to index
        %get3A_1353 = arith.constant 48 : index
        %get3A_1354 = tpu.vector_load %arg13[%get3A_1352, %get3A_1353] {strides = array<i32>} : memref<80x64xi32, #tpu.memory_space<vmem>>, vector<16xi32>,
        %bitcast3A_1355 = vector.bitcast %get3A_1354 : vector<16xi32> to vector<32xbf16>
        %mul3A_1356 = arith.mulf %bitcast3A_1347, %bitcast3A_1351 : vector<32xbf16>
        %mul3A_1357 = arith.mulf %mul3A_1356, %bitcast3A_1355 : vector<32xbf16>
        %unpack3A_1358 = tpu.unpack_subelements %mul3A_1357, 0 {pack_format = #tpu.pack_format<interleaved>} : vector<32xbf16> -> vector<16xf32>
        %unpack3A_1359 = tpu.unpack_subelements %mul3A_1357, 1 {pack_format = #tpu.pack_format<interleaved>} : vector<32xbf16> -> vector<16xf32>
        %add3A_1360 = arith.addf %add3A_1342, %unpack3A_1358 : vector<16xf32>
        %add3A_1361 = arith.addf %add3A_1343, %unpack3A_1359 : vector<16xf32>
        %add3A_1362 = arith.addf %add3A_1360, %add3A_1361 : vector<16xf32>
        %swap3A_1363 = arith.constant 224 : index
        %swap3A_1364 = tpu.vector_load %arg17[%swap3A_1363] {strides = array<i32>} : memref<256xf32, #tpu.memory_space<vmem>>, vector<16xf32>,
        tpu.vector_store %arg17[%swap3A_1363], %add3A_1362 {strides = array<i32>} : memref<256xf32, #tpu.memory_space<vmem>>, vector<16xf32>,
        %mul3A_1365 = arith.constant 16 : i32
        %mul3A_1366 = arith.muli %scan3A_124, %mul3A_1365 : i32
        %add3A_1367 = arith.constant 15 : i32
        %add3A_1368 = arith.addi %mul3A_1366, %add3A_1367 : i32
        %broadcast_in_dim3A_1369 = arith.constant 0.000000e+00 : f32
        %broadcast_in_dim3A_1370 = vector.broadcast %broadcast_in_dim3A_1369 : f32 to vector<16xf32>
        %broadcast_in_dim3A_1371 = arith.constant 0.000000e+00 : f32
        %broadcast_in_dim3A_1372 = vector.broadcast %broadcast_in_dim3A_1371 : f32 to vector<16xf32>
        %get3A_1373 = arith.index_cast %add3A_1368 : i32 to index
        %get3A_1374 = arith.constant 0 : index
        %get3A_1375 = tpu.vector_load %arg11[%get3A_1373, %get3A_1374] {strides = array<i32>} : memref<80x64xi32, #tpu.memory_space<vmem>>, vector<16xi32>,
        %bitcast3A_1376 = vector.bitcast %get3A_1375 : vector<16xi32> to vector<32xbf16>
        %get3A_1377 = arith.index_cast %add3A_1368 : i32 to index
        %get3A_1378 = arith.constant 0 : index
        %get3A_1379 = tpu.vector_load %arg12[%get3A_1377, %get3A_1378] {strides = array<i32>} : memref<80x64xi32, #tpu.memory_space<vmem>>, vector<16xi32>,
        %bitcast3A_1380 = vector.bitcast %get3A_1379 : vector<16xi32> to vector<32xbf16>
        %get3A_1381 = arith.index_cast %add3A_1368 : i32 to index
        %get3A_1382 = arith.constant 0 : index
        %get3A_1383 = tpu.vector_load %arg13[%get3A_1381, %get3A_1382] {strides = array<i32>} : memref<80x64xi32, #tpu.memory_space<vmem>>, vector<16xi32>,
        %bitcast3A_1384 = vector.bitcast %get3A_1383 : vector<16xi32> to vector<32xbf16>
        %mul3A_1385 = arith.mulf %bitcast3A_1376, %bitcast3A_1380 : vector<32xbf16>
        %mul3A_1386 = arith.mulf %mul3A_1385, %bitcast3A_1384 : vector<32xbf16>
        %unpack3A_1387 = tpu.unpack_subelements %mul3A_1386, 0 {pack_format = #tpu.pack_format<interleaved>} : vector<32xbf16> -> vector<16xf32>
        %unpack3A_1388 = tpu.unpack_subelements %mul3A_1386, 1 {pack_format = #tpu.pack_format<interleaved>} : vector<32xbf16> -> vector<16xf32>
        %add3A_1389 = arith.addf %broadcast_in_dim3A_1370, %unpack3A_1387 : vector<16xf32>
        %add3A_1390 = arith.addf %broadcast_in_dim3A_1372, %unpack3A_1388 : vector<16xf32>
        %get3A_1391 = arith.index_cast %add3A_1368 : i32 to index
        %get3A_1392 = arith.constant 16 : index
        %get3A_1393 = tpu.vector_load %arg11[%get3A_1391, %get3A_1392] {strides = array<i32>} : memref<80x64xi32, #tpu.memory_space<vmem>>, vector<16xi32>,
        %bitcast3A_1394 = vector.bitcast %get3A_1393 : vector<16xi32> to vector<32xbf16>
        %get3A_1395 = arith.index_cast %add3A_1368 : i32 to index
        %get3A_1396 = arith.constant 16 : index
        %get3A_1397 = tpu.vector_load %arg12[%get3A_1395, %get3A_1396] {strides = array<i32>} : memref<80x64xi32, #tpu.memory_space<vmem>>, vector<16xi32>,
        %bitcast3A_1398 = vector.bitcast %get3A_1397 : vector<16xi32> to vector<32xbf16>
        %get3A_1399 = arith.index_cast %add3A_1368 : i32 to index
        %get3A_1400 = arith.constant 16 : index
        %get3A_1401 = tpu.vector_load %arg13[%get3A_1399, %get3A_1400] {strides = array<i32>} : memref<80x64xi32, #tpu.memory_space<vmem>>, vector<16xi32>,
        %bitcast3A_1402 = vector.bitcast %get3A_1401 : vector<16xi32> to vector<32xbf16>
        %mul3A_1403 = arith.mulf %bitcast3A_1394, %bitcast3A_1398 : vector<32xbf16>
        %mul3A_1404 = arith.mulf %mul3A_1403, %bitcast3A_1402 : vector<32xbf16>
        %unpack3A_1405 = tpu.unpack_subelements %mul3A_1404, 0 {pack_format = #tpu.pack_format<interleaved>} : vector<32xbf16> -> vector<16xf32>
        %unpack3A_1406 = tpu.unpack_subelements %mul3A_1404, 1 {pack_format = #tpu.pack_format<interleaved>} : vector<32xbf16> -> vector<16xf32>
        %add3A_1407 = arith.addf %add3A_1389, %unpack3A_1405 : vector<16xf32>
        %add3A_1408 = arith.addf %add3A_1390, %unpack3A_1406 : vector<16xf32>
        %get3A_1409 = arith.index_cast %add3A_1368 : i32 to index
        %get3A_1410 = arith.constant 32 : index
        %get3A_1411 = tpu.vector_load %arg11[%get3A_1409, %get3A_1410] {strides = array<i32>} : memref<80x64xi32, #tpu.memory_space<vmem>>, vector<16xi32>,
        %bitcast3A_1412 = vector.bitcast %get3A_1411 : vector<16xi32> to vector<32xbf16>
        %get3A_1413 = arith.index_cast %add3A_1368 : i32 to index
        %get3A_1414 = arith.constant 32 : index
        %get3A_1415 = tpu.vector_load %arg12[%get3A_1413, %get3A_1414] {strides = array<i32>} : memref<80x64xi32, #tpu.memory_space<vmem>>, vector<16xi32>,
        %bitcast3A_1416 = vector.bitcast %get3A_1415 : vector<16xi32> to vector<32xbf16>
        %get3A_1417 = arith.index_cast %add3A_1368 : i32 to index
        %get3A_1418 = arith.constant 32 : index
        %get3A_1419 = tpu.vector_load %arg13[%get3A_1417, %get3A_1418] {strides = array<i32>} : memref<80x64xi32, #tpu.memory_space<vmem>>, vector<16xi32>,
        %bitcast3A_1420 = vector.bitcast %get3A_1419 : vector<16xi32> to vector<32xbf16>
        %mul3A_1421 = arith.mulf %bitcast3A_1412, %bitcast3A_1416 : vector<32xbf16>
        %mul3A_1422 = arith.mulf %mul3A_1421, %bitcast3A_1420 : vector<32xbf16>
        %unpack3A_1423 = tpu.unpack_subelements %mul3A_1422, 0 {pack_format = #tpu.pack_format<interleaved>} : vector<32xbf16> -> vector<16xf32>
        %unpack3A_1424 = tpu.unpack_subelements %mul3A_1422, 1 {pack_format = #tpu.pack_format<interleaved>} : vector<32xbf16> -> vector<16xf32>
        %add3A_1425 = arith.addf %add3A_1407, %unpack3A_1423 : vector<16xf32>
        %add3A_1426 = arith.addf %add3A_1408, %unpack3A_1424 : vector<16xf32>
        %get3A_1427 = arith.index_cast %add3A_1368 : i32 to index
        %get3A_1428 = arith.constant 48 : index
        %get3A_1429 = tpu.vector_load %arg11[%get3A_1427, %get3A_1428] {strides = array<i32>} : memref<80x64xi32, #tpu.memory_space<vmem>>, vector<16xi32>,
        %bitcast3A_1430 = vector.bitcast %get3A_1429 : vector<16xi32> to vector<32xbf16>
        %get3A_1431 = arith.index_cast %add3A_1368 : i32 to index
        %get3A_1432 = arith.constant 48 : index
        %get3A_1433 = tpu.vector_load %arg12[%get3A_1431, %get3A_1432] {strides = array<i32>} : memref<80x64xi32, #tpu.memory_space<vmem>>, vector<16xi32>,
        %bitcast3A_1434 = vector.bitcast %get3A_1433 : vector<16xi32> to vector<32xbf16>
        %get3A_1435 = arith.index_cast %add3A_1368 : i32 to index
        %get3A_1436 = arith.constant 48 : index
        %get3A_1437 = tpu.vector_load %arg13[%get3A_1435, %get3A_1436] {strides = array<i32>} : memref<80x64xi32, #tpu.memory_space<vmem>>, vector<16xi32>,
        %bitcast3A_1438 = vector.bitcast %get3A_1437 : vector<16xi32> to vector<32xbf16>
        %mul3A_1439 = arith.mulf %bitcast3A_1430, %bitcast3A_1434 : vector<32xbf16>
        %mul3A_1440 = arith.mulf %mul3A_1439, %bitcast3A_1438 : vector<32xbf16>
        %unpack3A_1441 = tpu.unpack_subelements %mul3A_1440, 0 {pack_format = #tpu.pack_format<interleaved>} : vector<32xbf16> -> vector<16xf32>
        %unpack3A_1442 = tpu.unpack_subelements %mul3A_1440, 1 {pack_format = #tpu.pack_format<interleaved>} : vector<32xbf16> -> vector<16xf32>
        %add3A_1443 = arith.addf %add3A_1425, %unpack3A_1441 : vector<16xf32>
        %add3A_1444 = arith.addf %add3A_1426, %unpack3A_1442 : vector<16xf32>
        %add3A_1445 = arith.addf %add3A_1443, %add3A_1444 : vector<16xf32>
        %swap3A_1446 = arith.constant 240 : index
        %swap3A_1447 = tpu.vector_load %arg17[%swap3A_1446] {strides = array<i32>} : memref<256xf32, #tpu.memory_space<vmem>>, vector<16xf32>,
        tpu.vector_store %arg17[%swap3A_1446], %add3A_1445 {strides = array<i32>} : memref<256xf32, #tpu.memory_space<vmem>>, vector<16xf32>,
        %broadcast_in_dim3A_1448 = arith.constant 0.000000e+00 : f32
        %broadcast_in_dim3A_1449 = vector.broadcast %broadcast_in_dim3A_1448 : f32 to vector<16xf32>
        %add3A_1450 = arith.constant 0 : i32
        %add3A_1451 = vector.broadcast %add3A_1450 : i32 to vector<16xi32>
        %add3A_1452 = arith.addi %mul3A_5, %add3A_1451 : vector<16xi32>
        %gather3A = tpu.vector_load_idx %arg17[%add3A_1452] : memref<256xf32, #tpu.memory_space<vmem>>[vector<16xi32>], vector<16xf32>,
        %add3A_1453 = arith.addf %broadcast_in_dim3A_1449, %gather3A : vector<16xf32>
        %add3A_1454 = arith.constant 1 : i32
        %add3A_1455 = vector.broadcast %add3A_1454 : i32 to vector<16xi32>
        %add3A_1456 = arith.addi %mul3A_5, %add3A_1455 : vector<16xi32>
        %gather3A_1457 = tpu.vector_load_idx %arg17[%add3A_1456] : memref<256xf32, #tpu.memory_space<vmem>>[vector<16xi32>], vector<16xf32>,
        %add3A_1458 = arith.addf %add3A_1453, %gather3A_1457 : vector<16xf32>
        %add3A_1459 = arith.constant 2 : i32
        %add3A_1460 = vector.broadcast %add3A_1459 : i32 to vector<16xi32>
        %add3A_1461 = arith.addi %mul3A_5, %add3A_1460 : vector<16xi32>
        %gather3A_1462 = tpu.vector_load_idx %arg17[%add3A_1461] : memref<256xf32, #tpu.memory_space<vmem>>[vector<16xi32>], vector<16xf32>,
        %add3A_1463 = arith.addf %add3A_1458, %gather3A_1462 : vector<16xf32>
        %add3A_1464 = arith.constant 3 : i32
        %add3A_1465 = vector.broadcast %add3A_1464 : i32 to vector<16xi32>
        %add3A_1466 = arith.addi %mul3A_5, %add3A_1465 : vector<16xi32>
        %gather3A_1467 = tpu.vector_load_idx %arg17[%add3A_1466] : memref<256xf32, #tpu.memory_space<vmem>>[vector<16xi32>], vector<16xf32>,
        %add3A_1468 = arith.addf %add3A_1463, %gather3A_1467 : vector<16xf32>
        %add3A_1469 = arith.constant 4 : i32
        %add3A_1470 = vector.broadcast %add3A_1469 : i32 to vector<16xi32>
        %add3A_1471 = arith.addi %mul3A_5, %add3A_1470 : vector<16xi32>
        %gather3A_1472 = tpu.vector_load_idx %arg17[%add3A_1471] : memref<256xf32, #tpu.memory_space<vmem>>[vector<16xi32>], vector<16xf32>,
        %add3A_1473 = arith.addf %add3A_1468, %gather3A_1472 : vector<16xf32>
        %add3A_1474 = arith.constant 5 : i32
        %add3A_1475 = vector.broadcast %add3A_1474 : i32 to vector<16xi32>
        %add3A_1476 = arith.addi %mul3A_5, %add3A_1475 : vector<16xi32>
        %gather3A_1477 = tpu.vector_load_idx %arg17[%add3A_1476] : memref<256xf32, #tpu.memory_space<vmem>>[vector<16xi32>], vector<16xf32>,
        %add3A_1478 = arith.addf %add3A_1473, %gather3A_1477 : vector<16xf32>
        %add3A_1479 = arith.constant 6 : i32
        %add3A_1480 = vector.broadcast %add3A_1479 : i32 to vector<16xi32>
        %add3A_1481 = arith.addi %mul3A_5, %add3A_1480 : vector<16xi32>
        %gather3A_1482 = tpu.vector_load_idx %arg17[%add3A_1481] : memref<256xf32, #tpu.memory_space<vmem>>[vector<16xi32>], vector<16xf32>,
        %add3A_1483 = arith.addf %add3A_1478, %gather3A_1482 : vector<16xf32>
        %add3A_1484 = arith.constant 7 : i32
        %add3A_1485 = vector.broadcast %add3A_1484 : i32 to vector<16xi32>
        %add3A_1486 = arith.addi %mul3A_5, %add3A_1485 : vector<16xi32>
        %gather3A_1487 = tpu.vector_load_idx %arg17[%add3A_1486] : memref<256xf32, #tpu.memory_space<vmem>>[vector<16xi32>], vector<16xf32>,
        %add3A_1488 = arith.addf %add3A_1483, %gather3A_1487 : vector<16xf32>
        %add3A_1489 = arith.constant 8 : i32
        %add3A_1490 = vector.broadcast %add3A_1489 : i32 to vector<16xi32>
        %add3A_1491 = arith.addi %mul3A_5, %add3A_1490 : vector<16xi32>
        %gather3A_1492 = tpu.vector_load_idx %arg17[%add3A_1491] : memref<256xf32, #tpu.memory_space<vmem>>[vector<16xi32>], vector<16xf32>,
        %add3A_1493 = arith.addf %add3A_1488, %gather3A_1492 : vector<16xf32>
        %add3A_1494 = arith.constant 9 : i32
        %add3A_1495 = vector.broadcast %add3A_1494 : i32 to vector<16xi32>
        %add3A_1496 = arith.addi %mul3A_5, %add3A_1495 : vector<16xi32>
        %gather3A_1497 = tpu.vector_load_idx %arg17[%add3A_1496] : memref<256xf32, #tpu.memory_space<vmem>>[vector<16xi32>], vector<16xf32>,
        %add3A_1498 = arith.addf %add3A_1493, %gather3A_1497 : vector<16xf32>
        %add3A_1499 = arith.constant 10 : i32
        %add3A_1500 = vector.broadcast %add3A_1499 : i32 to vector<16xi32>
        %add3A_1501 = arith.addi %mul3A_5, %add3A_1500 : vector<16xi32>
        %gather3A_1502 = tpu.vector_load_idx %arg17[%add3A_1501] : memref<256xf32, #tpu.memory_space<vmem>>[vector<16xi32>], vector<16xf32>,
        %add3A_1503 = arith.addf %add3A_1498, %gather3A_1502 : vector<16xf32>
        %add3A_1504 = arith.constant 11 : i32
        %add3A_1505 = vector.broadcast %add3A_1504 : i32 to vector<16xi32>
        %add3A_1506 = arith.addi %mul3A_5, %add3A_1505 : vector<16xi32>
        %gather3A_1507 = tpu.vector_load_idx %arg17[%add3A_1506] : memref<256xf32, #tpu.memory_space<vmem>>[vector<16xi32>], vector<16xf32>,
        %add3A_1508 = arith.addf %add3A_1503, %gather3A_1507 : vector<16xf32>
        %add3A_1509 = arith.constant 12 : i32
        %add3A_1510 = vector.broadcast %add3A_1509 : i32 to vector<16xi32>
        %add3A_1511 = arith.addi %mul3A_5, %add3A_1510 : vector<16xi32>
        %gather3A_1512 = tpu.vector_load_idx %arg17[%add3A_1511] : memref<256xf32, #tpu.memory_space<vmem>>[vector<16xi32>], vector<16xf32>,
        %add3A_1513 = arith.addf %add3A_1508, %gather3A_1512 : vector<16xf32>
        %add3A_1514 = arith.constant 13 : i32
        %add3A_1515 = vector.broadcast %add3A_1514 : i32 to vector<16xi32>
        %add3A_1516 = arith.addi %mul3A_5, %add3A_1515 : vector<16xi32>
        %gather3A_1517 = tpu.vector_load_idx %arg17[%add3A_1516] : memref<256xf32, #tpu.memory_space<vmem>>[vector<16xi32>], vector<16xf32>,
        %add3A_1518 = arith.addf %add3A_1513, %gather3A_1517 : vector<16xf32>
        %add3A_1519 = arith.constant 14 : i32
        %add3A_1520 = vector.broadcast %add3A_1519 : i32 to vector<16xi32>
        %add3A_1521 = arith.addi %mul3A_5, %add3A_1520 : vector<16xi32>
        %gather3A_1522 = tpu.vector_load_idx %arg17[%add3A_1521] : memref<256xf32, #tpu.memory_space<vmem>>[vector<16xi32>], vector<16xf32>,
        %add3A_1523 = arith.addf %add3A_1518, %gather3A_1522 : vector<16xf32>
        %add3A_1524 = arith.constant 15 : i32
        %add3A_1525 = vector.broadcast %add3A_1524 : i32 to vector<16xi32>
        %add3A_1526 = arith.addi %mul3A_5, %add3A_1525 : vector<16xi32>
        %gather3A_1527 = tpu.vector_load_idx %arg17[%add3A_1526] : memref<256xf32, #tpu.memory_space<vmem>>[vector<16xi32>], vector<16xf32>,
        %add3A_1528 = arith.addf %add3A_1523, %gather3A_1527 : vector<16xf32>
        %neg3A = arith.constant 0.000000e+00 : f32
        %neg3A_1529 = vector.broadcast %neg3A : f32 to vector<16xf32>
        %neg3A_1530 = arith.subf %neg3A_1529, %add3A_1528 : vector<16xf32>
        %exp3A = math.exp %neg3A_1530 : vector<16xf32>
        %add3A_1531 = arith.constant 1.000000e+00 : f32
        %add3A_1532 = vector.broadcast %add3A_1531 : f32 to vector<16xf32>
        %add3A_1533 = arith.addf %add3A_1532, %exp3A : vector<16xf32>
        %div3A = arith.constant 1.000000e+00 : f32
        %div3A_1534 = vector.broadcast %div3A : f32 to vector<16xf32>
        %div3A_1535 = arith.divf %div3A_1534, %add3A_1533 : vector<16xf32>
        %mul3A_1536 = arith.constant 80 : i32
        %mul3A_1537 = arith.muli %mul3A_47, %mul3A_1536 : i32
        %mul3A_1538 = arith.constant 16 : i32
        %mul3A_1539 = arith.muli %scan3A_124, %mul3A_1538 : i32
        %add3A_1540 = arith.addi %mul3A_1537, %mul3A_1539 : i32
        %swap3A_1541 = arith.index_cast %add3A_1540 : i32 to index
        %swap3A_1542 = tpu.vector_load %arg18[%swap3A_1541] {strides = array<i32>} : memref<10000xf32, #tpu.memory_space<vmem>>, vector<16xf32>,
        tpu.vector_store %arg18[%swap3A_1541], %div3A_1535 {strides = array<i32>} : memref<10000xf32, #tpu.memory_space<vmem>>, vector<16xf32>,
      }
      %scan3A_84 = arith.constant 5 : i32
      %add3A_85 = arith.constant 2 : i32
      %add3A_86 = arith.addi %mul3A_47, %add3A_85 : i32
      %mul3A_87 = arith.constant 80 : i32
      %mul3A_88 = arith.muli %add3A_86, %mul3A_87 : i32
      %dma_start3A_89 = tpu.memref_slice %arg8[%mul3A_88] : memref<10000xi32, #tpu.memory_space<vmem>> -> memref<80xi32, #tpu.memory_space<vmem>>
      %dma_start3A_90 = arith.constant 0 : i32
      %dma_start3A_91 = arith.constant 0 : i32
      %dma_start3A_92 = tpu.memref_slice %arg5[%dma_start3A_90, %dma_start3A_91] : memref<10000x64xi32, #tpu.memory_space<hbm>> -> memref<10000x64xi32, #tpu.memory_space<hbm>>
      tpu.enqueue_indirect_dma source(%dma_start3A_92 : memref<10000x64xi32, #tpu.memory_space<hbm>>) target(%arg11 : memref<80x64xi32, #tpu.memory_space<vmem>>) offsets(%dma_start3A_89 : memref<80xi32, #tpu.memory_space<vmem>>) semaphore(%arg19 : memref<!tpu.dma_semaphore, #tpu.memory_space<semaphore_mem>>)
      %dma_start3A_93 = tpu.memref_slice %arg9[%mul3A_88] : memref<10000xi32, #tpu.memory_space<vmem>> -> memref<80xi32, #tpu.memory_space<vmem>>
      %dma_start3A_94 = arith.constant 0 : i32
      %dma_start3A_95 = arith.constant 0 : i32
      %dma_start3A_96 = tpu.memref_slice %arg5[%dma_start3A_94, %dma_start3A_95] : memref<10000x64xi32, #tpu.memory_space<hbm>> -> memref<10000x64xi32, #tpu.memory_space<hbm>>
      tpu.enqueue_indirect_dma source(%dma_start3A_96 : memref<10000x64xi32, #tpu.memory_space<hbm>>) target(%arg12 : memref<80x64xi32, #tpu.memory_space<vmem>>) offsets(%dma_start3A_93 : memref<80xi32, #tpu.memory_space<vmem>>) semaphore(%arg19 : memref<!tpu.dma_semaphore, #tpu.memory_space<semaphore_mem>>)
      %dma_start3A_97 = tpu.memref_slice %arg10[%mul3A_88] : memref<10000xi32, #tpu.memory_space<vmem>> -> memref<80xi32, #tpu.memory_space<vmem>>
      %dma_start3A_98 = arith.constant 0 : i32
      %dma_start3A_99 = arith.constant 0 : i32
      %dma_start3A_100 = tpu.memref_slice %arg6[%dma_start3A_98, %dma_start3A_99] : memref<1000x64xi32, #tpu.memory_space<hbm>> -> memref<1000x64xi32, #tpu.memory_space<hbm>>
      tpu.enqueue_indirect_dma source(%dma_start3A_100 : memref<1000x64xi32, #tpu.memory_space<hbm>>) target(%arg13 : memref<80x64xi32, #tpu.memory_space<vmem>>) offsets(%dma_start3A_97 : memref<80xi32, #tpu.memory_space<vmem>>) semaphore(%arg19 : memref<!tpu.dma_semaphore, #tpu.memory_space<semaphore_mem>>)
      %dma_wait3A_101 = arith.constant 0 : i32
      %dma_wait3A_102 = tpu.memref_slice %arg8[%dma_wait3A_101] : memref<10000xi32, #tpu.memory_space<vmem>> -> memref<80xi32, #tpu.memory_space<vmem>>
      %dma_wait3A_103 = arith.constant 0 : i32
      %dma_wait3A_104 = arith.constant 0 : i32
      %dma_wait3A_105 = tpu.memref_slice %arg5[%dma_wait3A_103, %dma_wait3A_104] : memref<10000x64xi32, #tpu.memory_space<hbm>> -> memref<10000x64xi32, #tpu.memory_space<hbm>>
      tpu.wait_indirect_dma semaphore(%arg20 : memref<!tpu.dma_semaphore, #tpu.memory_space<semaphore_mem>>) src(%dma_wait3A_105 : memref<10000x64xi32, #tpu.memory_space<hbm>>) dst(%arg14 : memref<80x64xi32, #tpu.memory_space<vmem>>)
      %dma_wait3A_106 = arith.constant 0 : i32
      %dma_wait3A_107 = tpu.memref_slice %arg8[%dma_wait3A_106] : memref<10000xi32, #tpu.memory_space<vmem>> -> memref<80xi32, #tpu.memory_space<vmem>>
      %dma_wait3A_108 = arith.constant 0 : i32
      %dma_wait3A_109 = arith.constant 0 : i32
      %dma_wait3A_110 = tpu.memref_slice %arg5[%dma_wait3A_108, %dma_wait3A_109] : memref<10000x64xi32, #tpu.memory_space<hbm>> -> memref<10000x64xi32, #tpu.memory_space<hbm>>
      tpu.wait_indirect_dma semaphore(%arg20 : memref<!tpu.dma_semaphore, #tpu.memory_space<semaphore_mem>>) src(%dma_wait3A_110 : memref<10000x64xi32, #tpu.memory_space<hbm>>) dst(%arg15 : memref<80x64xi32, #tpu.memory_space<vmem>>)
      %dma_wait3A_111 = arith.constant 0 : i32
      %dma_wait3A_112 = tpu.memref_slice %arg8[%dma_wait3A_111] : memref<10000xi32, #tpu.memory_space<vmem>> -> memref<80xi32, #tpu.memory_space<vmem>>
      %dma_wait3A_113 = arith.constant 0 : i32
      %dma_wait3A_114 = arith.constant 0 : i32
      %dma_wait3A_115 = tpu.memref_slice %arg5[%dma_wait3A_113, %dma_wait3A_114] : memref<10000x64xi32, #tpu.memory_space<hbm>> -> memref<10000x64xi32, #tpu.memory_space<hbm>>
      tpu.wait_indirect_dma semaphore(%arg20 : memref<!tpu.dma_semaphore, #tpu.memory_space<semaphore_mem>>) src(%dma_wait3A_115 : memref<10000x64xi32, #tpu.memory_space<hbm>>) dst(%arg16 : memref<80x64xi32, #tpu.memory_space<vmem>>)
      %add3A_116 = arith.constant 1 : i32
      %add3A_117 = arith.addi %mul3A_47, %add3A_116 : i32
      %scan3A_118 = arith.constant 0 : i32
      %scan3A_119 = arith.constant 0 : i32
      %scan3A_120 = arith.constant 5 : i32
      %scan3A_121 = arith.addi %scan3A_119, %scan3A_120 : i32
      %scan3A_122 = arith.constant 1 : i32
      scf.for %scan3A_124 = %scan3A_119 to %scan3A_121 step %scan3A_122  : i32 {
        %mul3A_125 = arith.constant 16 : i32
        %mul3A_126 = arith.muli %scan3A_124, %mul3A_125 : i32
        %add3A_127 = arith.constant 0 : i32
        %add3A_128 = arith.addi %mul3A_126, %add3A_127 : i32
        %broadcast_in_dim3A = arith.constant 0.000000e+00 : f32
        %broadcast_in_dim3A_129 = vector.broadcast %broadcast_in_dim3A : f32 to vector<16xf32>
        %broadcast_in_dim3A_130 = arith.constant 0.000000e+00 : f32
        %broadcast_in_dim3A_131 = vector.broadcast %broadcast_in_dim3A_130 : f32 to vector<16xf32>
        %get3A = arith.index_cast %add3A_128 : i32 to index
        %get3A_132 = arith.constant 0 : index
        %get3A_133 = tpu.vector_load %arg14[%get3A, %get3A_132] {strides = array<i32>} : memref<80x64xi32, #tpu.memory_space<vmem>>, vector<16xi32>,
        %bitcast3A = vector.bitcast %get3A_133 : vector<16xi32> to vector<32xbf16>
        %get3A_134 = arith.index_cast %add3A_128 : i32 to index
        %get3A_135 = arith.constant 0 : index
        %get3A_136 = tpu.vector_load %arg15[%get3A_134, %get3A_135] {strides = array<i32>} : memref<80x64xi32, #tpu.memory_space<vmem>>, vector<16xi32>,
        %bitcast3A_137 = vector.bitcast %get3A_136 : vector<16xi32> to vector<32xbf16>
        %get3A_138 = arith.index_cast %add3A_128 : i32 to index
        %get3A_139 = arith.constant 0 : index
        %get3A_140 = tpu.vector_load %arg16[%get3A_138, %get3A_139] {strides = array<i32>} : memref<80x64xi32, #tpu.memory_space<vmem>>, vector<16xi32>,
        %bitcast3A_141 = vector.bitcast %get3A_140 : vector<16xi32> to vector<32xbf16>
        %mul3A_142 = arith.mulf %bitcast3A, %bitcast3A_137 : vector<32xbf16>
        %mul3A_143 = arith.mulf %mul3A_142, %bitcast3A_141 : vector<32xbf16>
        %unpack3A = tpu.unpack_subelements %mul3A_143, 0 {pack_format = #tpu.pack_format<interleaved>} : vector<32xbf16> -> vector<16xf32>
        %unpack3A_144 = tpu.unpack_subelements %mul3A_143, 1 {pack_format = #tpu.pack_format<interleaved>} : vector<32xbf16> -> vector<16xf32>
        %add3A_145 = arith.addf %broadcast_in_dim3A_129, %unpack3A : vector<16xf32>
        %add3A_146 = arith.addf %broadcast_in_dim3A_131, %unpack3A_144 : vector<16xf32>
        %get3A_147 = arith.index_cast %add3A_128 : i32 to index
        %get3A_148 = arith.constant 16 : index
        %get3A_149 = tpu.vector_load %arg14[%get3A_147, %get3A_148] {strides = array<i32>} : memref<80x64xi32, #tpu.memory_space<vmem>>, vector<16xi32>,
        %bitcast3A_150 = vector.bitcast %get3A_149 : vector<16xi32> to vector<32xbf16>
        %get3A_151 = arith.index_cast %add3A_128 : i32 to index
        %get3A_152 = arith.constant 16 : index
        %get3A_153 = tpu.vector_load %arg15[%get3A_151, %get3A_152] {strides = array<i32>} : memref<80x64xi32, #tpu.memory_space<vmem>>, vector<16xi32>,
        %bitcast3A_154 = vector.bitcast %get3A_153 : vector<16xi32> to vector<32xbf16>
        %get3A_155 = arith.index_cast %add3A_128 : i32 to index
        %get3A_156 = arith.constant 16 : index
        %get3A_157 = tpu.vector_load %arg16[%get3A_155, %get3A_156] {strides = array<i32>} : memref<80x64xi32, #tpu.memory_space<vmem>>, vector<16xi32>,
        %bitcast3A_158 = vector.bitcast %get3A_157 : vector<16xi32> to vector<32xbf16>
        %mul3A_159 = arith.mulf %bitcast3A_150, %bitcast3A_154 : vector<32xbf16>
        %mul3A_160 = arith.mulf %mul3A_159, %bitcast3A_158 : vector<32xbf16>
        %unpack3A_161 = tpu.unpack_subelements %mul3A_160, 0 {pack_format = #tpu.pack_format<interleaved>} : vector<32xbf16> -> vector<16xf32>
        %unpack3A_162 = tpu.unpack_subelements %mul3A_160, 1 {pack_format = #tpu.pack_format<interleaved>} : vector<32xbf16> -> vector<16xf32>
        %add3A_163 = arith.addf %add3A_145, %unpack3A_161 : vector<16xf32>
        %add3A_164 = arith.addf %add3A_146, %unpack3A_162 : vector<16xf32>
        %get3A_165 = arith.index_cast %add3A_128 : i32 to index
        %get3A_166 = arith.constant 32 : index
        %get3A_167 = tpu.vector_load %arg14[%get3A_165, %get3A_166] {strides = array<i32>} : memref<80x64xi32, #tpu.memory_space<vmem>>, vector<16xi32>,
        %bitcast3A_168 = vector.bitcast %get3A_167 : vector<16xi32> to vector<32xbf16>
        %get3A_169 = arith.index_cast %add3A_128 : i32 to index
        %get3A_170 = arith.constant 32 : index
        %get3A_171 = tpu.vector_load %arg15[%get3A_169, %get3A_170] {strides = array<i32>} : memref<80x64xi32, #tpu.memory_space<vmem>>, vector<16xi32>,
        %bitcast3A_172 = vector.bitcast %get3A_171 : vector<16xi32> to vector<32xbf16>
        %get3A_173 = arith.index_cast %add3A_128 : i32 to index
        %get3A_174 = arith.constant 32 : index
        %get3A_175 = tpu.vector_load %arg16[%get3A_173, %get3A_174] {strides = array<i32>} : memref<80x64xi32, #tpu.memory_space<vmem>>, vector<16xi32>,
        %bitcast3A_176 = vector.bitcast %get3A_175 : vector<16xi32> to vector<32xbf16>
        %mul3A_177 = arith.mulf %bitcast3A_168, %bitcast3A_172 : vector<32xbf16>
        %mul3A_178 = arith.mulf %mul3A_177, %bitcast3A_176 : vector<32xbf16>
        %unpack3A_179 = tpu.unpack_subelements %mul3A_178, 0 {pack_format = #tpu.pack_format<interleaved>} : vector<32xbf16> -> vector<16xf32>
        %unpack3A_180 = tpu.unpack_subelements %mul3A_178, 1 {pack_format = #tpu.pack_format<interleaved>} : vector<32xbf16> -> vector<16xf32>
        %add3A_181 = arith.addf %add3A_163, %unpack3A_179 : vector<16xf32>
        %add3A_182 = arith.addf %add3A_164, %unpack3A_180 : vector<16xf32>
        %get3A_183 = arith.index_cast %add3A_128 : i32 to index
        %get3A_184 = arith.constant 48 : index
        %get3A_185 = tpu.vector_load %arg14[%get3A_183, %get3A_184] {strides = array<i32>} : memref<80x64xi32, #tpu.memory_space<vmem>>, vector<16xi32>,
        %bitcast3A_186 = vector.bitcast %get3A_185 : vector<16xi32> to vector<32xbf16>
        %get3A_187 = arith.index_cast %add3A_128 : i32 to index
        %get3A_188 = arith.constant 48 : index
        %get3A_189 = tpu.vector_load %arg15[%get3A_187, %get3A_188] {strides = array<i32>} : memref<80x64xi32, #tpu.memory_space<vmem>>, vector<16xi32>,
        %bitcast3A_190 = vector.bitcast %get3A_189 : vector<16xi32> to vector<32xbf16>
        %get3A_191 = arith.index_cast %add3A_128 : i32 to index
        %get3A_192 = arith.constant 48 : index
        %get3A_193 = tpu.vector_load %arg16[%get3A_191, %get3A_192] {strides = array<i32>} : memref<80x64xi32, #tpu.memory_space<vmem>>, vector<16xi32>,
        %bitcast3A_194 = vector.bitcast %get3A_193 : vector<16xi32> to vector<32xbf16>
        %mul3A_195 = arith.mulf %bitcast3A_186, %bitcast3A_190 : vector<32xbf16>
        %mul3A_196 = arith.mulf %mul3A_195, %bitcast3A_194 : vector<32xbf16>
        %unpack3A_197 = tpu.unpack_subelements %mul3A_196, 0 {pack_format = #tpu.pack_format<interleaved>} : vector<32xbf16> -> vector<16xf32>
        %unpack3A_198 = tpu.unpack_subelements %mul3A_196, 1 {pack_format = #tpu.pack_format<interleaved>} : vector<32xbf16> -> vector<16xf32>
        %add3A_199 = arith.addf %add3A_181, %unpack3A_197 : vector<16xf32>
        %add3A_200 = arith.addf %add3A_182, %unpack3A_198 : vector<16xf32>
        %add3A_201 = arith.addf %add3A_199, %add3A_200 : vector<16xf32>
        %swap3A = arith.constant 0 : index
        %swap3A_202 = tpu.vector_load %arg17[%swap3A] {strides = array<i32>} : memref<256xf32, #tpu.memory_space<vmem>>, vector<16xf32>,
        tpu.vector_store %arg17[%swap3A], %add3A_201 {strides = array<i32>} : memref<256xf32, #tpu.memory_space<vmem>>, vector<16xf32>,
        %mul3A_203 = arith.constant 16 : i32
        %mul3A_204 = arith.muli %scan3A_124, %mul3A_203 : i32
        %add3A_205 = arith.constant 1 : i32
        %add3A_206 = arith.addi %mul3A_204, %add3A_205 : i32
        %broadcast_in_dim3A_207 = arith.constant 0.000000e+00 : f32
        %broadcast_in_dim3A_208 = vector.broadcast %broadcast_in_dim3A_207 : f32 to vector<16xf32>
        %broadcast_in_dim3A_209 = arith.constant 0.000000e+00 : f32
        %broadcast_in_dim3A_210 = vector.broadcast %broadcast_in_dim3A_209 : f32 to vector<16xf32>
        %get3A_211 = arith.index_cast %add3A_206 : i32 to index
        %get3A_212 = arith.constant 0 : index
        %get3A_213 = tpu.vector_load %arg14[%get3A_211, %get3A_212] {strides = array<i32>} : memref<80x64xi32, #tpu.memory_space<vmem>>, vector<16xi32>,
        %bitcast3A_214 = vector.bitcast %get3A_213 : vector<16xi32> to vector<32xbf16>
        %get3A_215 = arith.index_cast %add3A_206 : i32 to index
        %get3A_216 = arith.constant 0 : index
        %get3A_217 = tpu.vector_load %arg15[%get3A_215, %get3A_216] {strides = array<i32>} : memref<80x64xi32, #tpu.memory_space<vmem>>, vector<16xi32>,
        %bitcast3A_218 = vector.bitcast %get3A_217 : vector<16xi32> to vector<32xbf16>
        %get3A_219 = arith.index_cast %add3A_206 : i32 to index
        %get3A_220 = arith.constant 0 : index
        %get3A_221 = tpu.vector_load %arg16[%get3A_219, %get3A_220] {strides = array<i32>} : memref<80x64xi32, #tpu.memory_space<vmem>>, vector<16xi32>,
        %bitcast3A_222 = vector.bitcast %get3A_221 : vector<16xi32> to vector<32xbf16>
        %mul3A_223 = arith.mulf %bitcast3A_214, %bitcast3A_218 : vector<32xbf16>
        %mul3A_224 = arith.mulf %mul3A_223, %bitcast3A_222 : vector<32xbf16>
        %unpack3A_225 = tpu.unpack_subelements %mul3A_224, 0 {pack_format = #tpu.pack_format<interleaved>} : vector<32xbf16> -> vector<16xf32>
        %unpack3A_226 = tpu.unpack_subelements %mul3A_224, 1 {pack_format = #tpu.pack_format<interleaved>} : vector<32xbf16> -> vector<16xf32>
        %add3A_227 = arith.addf %broadcast_in_dim3A_208, %unpack3A_225 : vector<16xf32>
        %add3A_228 = arith.addf %broadcast_in_dim3A_210, %unpack3A_226 : vector<16xf32>
        %get3A_229 = arith.index_cast %add3A_206 : i32 to index
        %get3A_230 = arith.constant 16 : index
        %get3A_231 = tpu.vector_load %arg14[%get3A_229, %get3A_230] {strides = array<i32>} : memref<80x64xi32, #tpu.memory_space<vmem>>, vector<16xi32>,
        %bitcast3A_232 = vector.bitcast %get3A_231 : vector<16xi32> to vector<32xbf16>
        %get3A_233 = arith.index_cast %add3A_206 : i32 to index
        %get3A_234 = arith.constant 16 : index
        %get3A_235 = tpu.vector_load %arg15[%get3A_233, %get3A_234] {strides = array<i32>} : memref<80x64xi32, #tpu.memory_space<vmem>>, vector<16xi32>,
        %bitcast3A_236 = vector.bitcast %get3A_235 : vector<16xi32> to vector<32xbf16>
        %get3A_237 = arith.index_cast %add3A_206 : i32 to index
        %get3A_238 = arith.constant 16 : index
        %get3A_239 = tpu.vector_load %arg16[%get3A_237, %get3A_238] {strides = array<i32>} : memref<80x64xi32, #tpu.memory_space<vmem>>, vector<16xi32>,
        %bitcast3A_240 = vector.bitcast %get3A_239 : vector<16xi32> to vector<32xbf16>
        %mul3A_241 = arith.mulf %bitcast3A_232, %bitcast3A_236 : vector<32xbf16>
        %mul3A_242 = arith.mulf %mul3A_241, %bitcast3A_240 : vector<32xbf16>
        %unpack3A_243 = tpu.unpack_subelements %mul3A_242, 0 {pack_format = #tpu.pack_format<interleaved>} : vector<32xbf16> -> vector<16xf32>
        %unpack3A_244 = tpu.unpack_subelements %mul3A_242, 1 {pack_format = #tpu.pack_format<interleaved>} : vector<32xbf16> -> vector<16xf32>
        %add3A_245 = arith.addf %add3A_227, %unpack3A_243 : vector<16xf32>
        %add3A_246 = arith.addf %add3A_228, %unpack3A_244 : vector<16xf32>
        %get3A_247 = arith.index_cast %add3A_206 : i32 to index
        %get3A_248 = arith.constant 32 : index
        %get3A_249 = tpu.vector_load %arg14[%get3A_247, %get3A_248] {strides = array<i32>} : memref<80x64xi32, #tpu.memory_space<vmem>>, vector<16xi32>,
        %bitcast3A_250 = vector.bitcast %get3A_249 : vector<16xi32> to vector<32xbf16>
        %get3A_251 = arith.index_cast %add3A_206 : i32 to index
        %get3A_252 = arith.constant 32 : index
        %get3A_253 = tpu.vector_load %arg15[%get3A_251, %get3A_252] {strides = array<i32>} : memref<80x64xi32, #tpu.memory_space<vmem>>, vector<16xi32>,
        %bitcast3A_254 = vector.bitcast %get3A_253 : vector<16xi32> to vector<32xbf16>
        %get3A_255 = arith.index_cast %add3A_206 : i32 to index
        %get3A_256 = arith.constant 32 : index
        %get3A_257 = tpu.vector_load %arg16[%get3A_255, %get3A_256] {strides = array<i32>} : memref<80x64xi32, #tpu.memory_space<vmem>>, vector<16xi32>,
        %bitcast3A_258 = vector.bitcast %get3A_257 : vector<16xi32> to vector<32xbf16>
        %mul3A_259 = arith.mulf %bitcast3A_250, %bitcast3A_254 : vector<32xbf16>
        %mul3A_260 = arith.mulf %mul3A_259, %bitcast3A_258 : vector<32xbf16>
        %unpack3A_261 = tpu.unpack_subelements %mul3A_260, 0 {pack_format = #tpu.pack_format<interleaved>} : vector<32xbf16> -> vector<16xf32>
        %unpack3A_262 = tpu.unpack_subelements %mul3A_260, 1 {pack_format = #tpu.pack_format<interleaved>} : vector<32xbf16> -> vector<16xf32>
        %add3A_263 = arith.addf %add3A_245, %unpack3A_261 : vector<16xf32>
        %add3A_264 = arith.addf %add3A_246, %unpack3A_262 : vector<16xf32>
        %get3A_265 = arith.index_cast %add3A_206 : i32 to index
        %get3A_266 = arith.constant 48 : index
        %get3A_267 = tpu.vector_load %arg14[%get3A_265, %get3A_266] {strides = array<i32>} : memref<80x64xi32, #tpu.memory_space<vmem>>, vector<16xi32>,
        %bitcast3A_268 = vector.bitcast %get3A_267 : vector<16xi32> to vector<32xbf16>
        %get3A_269 = arith.index_cast %add3A_206 : i32 to index
        %get3A_270 = arith.constant 48 : index
        %get3A_271 = tpu.vector_load %arg15[%get3A_269, %get3A_270] {strides = array<i32>} : memref<80x64xi32, #tpu.memory_space<vmem>>, vector<16xi32>,
        %bitcast3A_272 = vector.bitcast %get3A_271 : vector<16xi32> to vector<32xbf16>
        %get3A_273 = arith.index_cast %add3A_206 : i32 to index
        %get3A_274 = arith.constant 48 : index
        %get3A_275 = tpu.vector_load %arg16[%get3A_273, %get3A_274] {strides = array<i32>} : memref<80x64xi32, #tpu.memory_space<vmem>>, vector<16xi32>,
        %bitcast3A_276 = vector.bitcast %get3A_275 : vector<16xi32> to vector<32xbf16>
        %mul3A_277 = arith.mulf %bitcast3A_268, %bitcast3A_272 : vector<32xbf16>
        %mul3A_278 = arith.mulf %mul3A_277, %bitcast3A_276 : vector<32xbf16>
        %unpack3A_279 = tpu.unpack_subelements %mul3A_278, 0 {pack_format = #tpu.pack_format<interleaved>} : vector<32xbf16> -> vector<16xf32>
        %unpack3A_280 = tpu.unpack_subelements %mul3A_278, 1 {pack_format = #tpu.pack_format<interleaved>} : vector<32xbf16> -> vector<16xf32>
        %add3A_281 = arith.addf %add3A_263, %unpack3A_279 : vector<16xf32>
        %add3A_282 = arith.addf %add3A_264, %unpack3A_280 : vector<16xf32>
        %add3A_283 = arith.addf %add3A_281, %add3A_282 : vector<16xf32>
        %swap3A_284 = arith.constant 16 : index
        %swap3A_285 = tpu.vector_load %arg17[%swap3A_284] {strides = array<i32>} : memref<256xf32, #tpu.memory_space<vmem>>, vector<16xf32>,
        tpu.vector_store %arg17[%swap3A_284], %add3A_283 {strides = array<i32>} : memref<256xf32, #tpu.memory_space<vmem>>, vector<16xf32>,
        %mul3A_286 = arith.constant 16 : i32
        %mul3A_287 = arith.muli %scan3A_124, %mul3A_286 : i32
        %add3A_288 = arith.constant 2 : i32
        %add3A_289 = arith.addi %mul3A_287, %add3A_288 : i32
        %broadcast_in_dim3A_290 = arith.constant 0.000000e+00 : f32
        %broadcast_in_dim3A_291 = vector.broadcast %broadcast_in_dim3A_290 : f32 to vector<16xf32>
        %broadcast_in_dim3A_292 = arith.constant 0.000000e+00 : f32
        %broadcast_in_dim3A_293 = vector.broadcast %broadcast_in_dim3A_292 : f32 to vector<16xf32>
        %get3A_294 = arith.index_cast %add3A_289 : i32 to index
        %get3A_295 = arith.constant 0 : index
        %get3A_296 = tpu.vector_load %arg14[%get3A_294, %get3A_295] {strides = array<i32>} : memref<80x64xi32, #tpu.memory_space<vmem>>, vector<16xi32>,
        %bitcast3A_297 = vector.bitcast %get3A_296 : vector<16xi32> to vector<32xbf16>
        %get3A_298 = arith.index_cast %add3A_289 : i32 to index
        %get3A_299 = arith.constant 0 : index
        %get3A_300 = tpu.vector_load %arg15[%get3A_298, %get3A_299] {strides = array<i32>} : memref<80x64xi32, #tpu.memory_space<vmem>>, vector<16xi32>,
        %bitcast3A_301 = vector.bitcast %get3A_300 : vector<16xi32> to vector<32xbf16>
        %get3A_302 = arith.index_cast %add3A_289 : i32 to index
        %get3A_303 = arith.constant 0 : index
        %get3A_304 = tpu.vector_load %arg16[%get3A_302, %get3A_303] {strides = array<i32>} : memref<80x64xi32, #tpu.memory_space<vmem>>, vector<16xi32>,
        %bitcast3A_305 = vector.bitcast %get3A_304 : vector<16xi32> to vector<32xbf16>
        %mul3A_306 = arith.mulf %bitcast3A_297, %bitcast3A_301 : vector<32xbf16>
        %mul3A_307 = arith.mulf %mul3A_306, %bitcast3A_305 : vector<32xbf16>
        %unpack3A_308 = tpu.unpack_subelements %mul3A_307, 0 {pack_format = #tpu.pack_format<interleaved>} : vector<32xbf16> -> vector<16xf32>
        %unpack3A_309 = tpu.unpack_subelements %mul3A_307, 1 {pack_format = #tpu.pack_format<interleaved>} : vector<32xbf16> -> vector<16xf32>
        %add3A_310 = arith.addf %broadcast_in_dim3A_291, %unpack3A_308 : vector<16xf32>
        %add3A_311 = arith.addf %broadcast_in_dim3A_293, %unpack3A_309 : vector<16xf32>
        %get3A_312 = arith.index_cast %add3A_289 : i32 to index
        %get3A_313 = arith.constant 16 : index
        %get3A_314 = tpu.vector_load %arg14[%get3A_312, %get3A_313] {strides = array<i32>} : memref<80x64xi32, #tpu.memory_space<vmem>>, vector<16xi32>,
        %bitcast3A_315 = vector.bitcast %get3A_314 : vector<16xi32> to vector<32xbf16>
        %get3A_316 = arith.index_cast %add3A_289 : i32 to index
        %get3A_317 = arith.constant 16 : index
        %get3A_318 = tpu.vector_load %arg15[%get3A_316, %get3A_317] {strides = array<i32>} : memref<80x64xi32, #tpu.memory_space<vmem>>, vector<16xi32>,
        %bitcast3A_319 = vector.bitcast %get3A_318 : vector<16xi32> to vector<32xbf16>
        %get3A_320 = arith.index_cast %add3A_289 : i32 to index
        %get3A_321 = arith.constant 16 : index
        %get3A_322 = tpu.vector_load %arg16[%get3A_320, %get3A_321] {strides = array<i32>} : memref<80x64xi32, #tpu.memory_space<vmem>>, vector<16xi32>,
        %bitcast3A_323 = vector.bitcast %get3A_322 : vector<16xi32> to vector<32xbf16>
        %mul3A_324 = arith.mulf %bitcast3A_315, %bitcast3A_319 : vector<32xbf16>
        %mul3A_325 = arith.mulf %mul3A_324, %bitcast3A_323 : vector<32xbf16>
        %unpack3A_326 = tpu.unpack_subelements %mul3A_325, 0 {pack_format = #tpu.pack_format<interleaved>} : vector<32xbf16> -> vector<16xf32>
        %unpack3A_327 = tpu.unpack_subelements %mul3A_325, 1 {pack_format = #tpu.pack_format<interleaved>} : vector<32xbf16> -> vector<16xf32>
        %add3A_328 = arith.addf %add3A_310, %unpack3A_326 : vector<16xf32>
        %add3A_329 = arith.addf %add3A_311, %unpack3A_327 : vector<16xf32>
        %get3A_330 = arith.index_cast %add3A_289 : i32 to index
        %get3A_331 = arith.constant 32 : index
        %get3A_332 = tpu.vector_load %arg14[%get3A_330, %get3A_331] {strides = array<i32>} : memref<80x64xi32, #tpu.memory_space<vmem>>, vector<16xi32>,
        %bitcast3A_333 = vector.bitcast %get3A_332 : vector<16xi32> to vector<32xbf16>
        %get3A_334 = arith.index_cast %add3A_289 : i32 to index
        %get3A_335 = arith.constant 32 : index
        %get3A_336 = tpu.vector_load %arg15[%get3A_334, %get3A_335] {strides = array<i32>} : memref<80x64xi32, #tpu.memory_space<vmem>>, vector<16xi32>,
        %bitcast3A_337 = vector.bitcast %get3A_336 : vector<16xi32> to vector<32xbf16>
        %get3A_338 = arith.index_cast %add3A_289 : i32 to index
        %get3A_339 = arith.constant 32 : index
        %get3A_340 = tpu.vector_load %arg16[%get3A_338, %get3A_339] {strides = array<i32>} : memref<80x64xi32, #tpu.memory_space<vmem>>, vector<16xi32>,
        %bitcast3A_341 = vector.bitcast %get3A_340 : vector<16xi32> to vector<32xbf16>
        %mul3A_342 = arith.mulf %bitcast3A_333, %bitcast3A_337 : vector<32xbf16>
        %mul3A_343 = arith.mulf %mul3A_342, %bitcast3A_341 : vector<32xbf16>
        %unpack3A_344 = tpu.unpack_subelements %mul3A_343, 0 {pack_format = #tpu.pack_format<interleaved>} : vector<32xbf16> -> vector<16xf32>
        %unpack3A_345 = tpu.unpack_subelements %mul3A_343, 1 {pack_format = #tpu.pack_format<interleaved>} : vector<32xbf16> -> vector<16xf32>
        %add3A_346 = arith.addf %add3A_328, %unpack3A_344 : vector<16xf32>
        %add3A_347 = arith.addf %add3A_329, %unpack3A_345 : vector<16xf32>
        %get3A_348 = arith.index_cast %add3A_289 : i32 to index
        %get3A_349 = arith.constant 48 : index
        %get3A_350 = tpu.vector_load %arg14[%get3A_348, %get3A_349] {strides = array<i32>} : memref<80x64xi32, #tpu.memory_space<vmem>>, vector<16xi32>,
        %bitcast3A_351 = vector.bitcast %get3A_350 : vector<16xi32> to vector<32xbf16>
        %get3A_352 = arith.index_cast %add3A_289 : i32 to index
        %get3A_353 = arith.constant 48 : index
        %get3A_354 = tpu.vector_load %arg15[%get3A_352, %get3A_353] {strides = array<i32>} : memref<80x64xi32, #tpu.memory_space<vmem>>, vector<16xi32>,
        %bitcast3A_355 = vector.bitcast %get3A_354 : vector<16xi32> to vector<32xbf16>
        %get3A_356 = arith.index_cast %add3A_289 : i32 to index
        %get3A_357 = arith.constant 48 : index
        %get3A_358 = tpu.vector_load %arg16[%get3A_356, %get3A_357] {strides = array<i32>} : memref<80x64xi32, #tpu.memory_space<vmem>>, vector<16xi32>,
        %bitcast3A_359 = vector.bitcast %get3A_358 : vector<16xi32> to vector<32xbf16>
        %mul3A_360 = arith.mulf %bitcast3A_351, %bitcast3A_355 : vector<32xbf16>
        %mul3A_361 = arith.mulf %mul3A_360, %bitcast3A_359 : vector<32xbf16>
        %unpack3A_362 = tpu.unpack_subelements %mul3A_361, 0 {pack_format = #tpu.pack_format<interleaved>} : vector<32xbf16> -> vector<16xf32>
        %unpack3A_363 = tpu.unpack_subelements %mul3A_361, 1 {pack_format = #tpu.pack_format<interleaved>} : vector<32xbf16> -> vector<16xf32>
        %add3A_364 = arith.addf %add3A_346, %unpack3A_362 : vector<16xf32>
        %add3A_365 = arith.addf %add3A_347, %unpack3A_363 : vector<16xf32>
        %add3A_366 = arith.addf %add3A_364, %add3A_365 : vector<16xf32>
        %swap3A_367 = arith.constant 32 : index
        %swap3A_368 = tpu.vector_load %arg17[%swap3A_367] {strides = array<i32>} : memref<256xf32, #tpu.memory_space<vmem>>, vector<16xf32>,
        tpu.vector_store %arg17[%swap3A_367], %add3A_366 {strides = array<i32>} : memref<256xf32, #tpu.memory_space<vmem>>, vector<16xf32>,
        %mul3A_369 = arith.constant 16 : i32
        %mul3A_370 = arith.muli %scan3A_124, %mul3A_369 : i32
        %add3A_371 = arith.constant 3 : i32
        %add3A_372 = arith.addi %mul3A_370, %add3A_371 : i32
        %broadcast_in_dim3A_373 = arith.constant 0.000000e+00 : f32
        %broadcast_in_dim3A_374 = vector.broadcast %broadcast_in_dim3A_373 : f32 to vector<16xf32>
        %broadcast_in_dim3A_375 = arith.constant 0.000000e+00 : f32
        %broadcast_in_dim3A_376 = vector.broadcast %broadcast_in_dim3A_375 : f32 to vector<16xf32>
        %get3A_377 = arith.index_cast %add3A_372 : i32 to index
        %get3A_378 = arith.constant 0 : index
        %get3A_379 = tpu.vector_load %arg14[%get3A_377, %get3A_378] {strides = array<i32>} : memref<80x64xi32, #tpu.memory_space<vmem>>, vector<16xi32>,
        %bitcast3A_380 = vector.bitcast %get3A_379 : vector<16xi32> to vector<32xbf16>
        %get3A_381 = arith.index_cast %add3A_372 : i32 to index
        %get3A_382 = arith.constant 0 : index
        %get3A_383 = tpu.vector_load %arg15[%get3A_381, %get3A_382] {strides = array<i32>} : memref<80x64xi32, #tpu.memory_space<vmem>>, vector<16xi32>,
        %bitcast3A_384 = vector.bitcast %get3A_383 : vector<16xi32> to vector<32xbf16>
        %get3A_385 = arith.index_cast %add3A_372 : i32 to index
        %get3A_386 = arith.constant 0 : index
        %get3A_387 = tpu.vector_load %arg16[%get3A_385, %get3A_386] {strides = array<i32>} : memref<80x64xi32, #tpu.memory_space<vmem>>, vector<16xi32>,
        %bitcast3A_388 = vector.bitcast %get3A_387 : vector<16xi32> to vector<32xbf16>
        %mul3A_389 = arith.mulf %bitcast3A_380, %bitcast3A_384 : vector<32xbf16>
        %mul3A_390 = arith.mulf %mul3A_389, %bitcast3A_388 : vector<32xbf16>
        %unpack3A_391 = tpu.unpack_subelements %mul3A_390, 0 {pack_format = #tpu.pack_format<interleaved>} : vector<32xbf16> -> vector<16xf32>
        %unpack3A_392 = tpu.unpack_subelements %mul3A_390, 1 {pack_format = #tpu.pack_format<interleaved>} : vector<32xbf16> -> vector<16xf32>
        %add3A_393 = arith.addf %broadcast_in_dim3A_374, %unpack3A_391 : vector<16xf32>
        %add3A_394 = arith.addf %broadcast_in_dim3A_376, %unpack3A_392 : vector<16xf32>
        %get3A_395 = arith.index_cast %add3A_372 : i32 to index
        %get3A_396 = arith.constant 16 : index
        %get3A_397 = tpu.vector_load %arg14[%get3A_395, %get3A_396] {strides = array<i32>} : memref<80x64xi32, #tpu.memory_space<vmem>>, vector<16xi32>,
        %bitcast3A_398 = vector.bitcast %get3A_397 : vector<16xi32> to vector<32xbf16>
        %get3A_399 = arith.index_cast %add3A_372 : i32 to index
        %get3A_400 = arith.constant 16 : index
        %get3A_401 = tpu.vector_load %arg15[%get3A_399, %get3A_400] {strides = array<i32>} : memref<80x64xi32, #tpu.memory_space<vmem>>, vector<16xi32>,
        %bitcast3A_402 = vector.bitcast %get3A_401 : vector<16xi32> to vector<32xbf16>
        %get3A_403 = arith.index_cast %add3A_372 : i32 to index
        %get3A_404 = arith.constant 16 : index
        %get3A_405 = tpu.vector_load %arg16[%get3A_403, %get3A_404] {strides = array<i32>} : memref<80x64xi32, #tpu.memory_space<vmem>>, vector<16xi32>,
        %bitcast3A_406 = vector.bitcast %get3A_405 : vector<16xi32> to vector<32xbf16>
        %mul3A_407 = arith.mulf %bitcast3A_398, %bitcast3A_402 : vector<32xbf16>
        %mul3A_408 = arith.mulf %mul3A_407, %bitcast3A_406 : vector<32xbf16>
        %unpack3A_409 = tpu.unpack_subelements %mul3A_408, 0 {pack_format = #tpu.pack_format<interleaved>} : vector<32xbf16> -> vector<16xf32>
        %unpack3A_410 = tpu.unpack_subelements %mul3A_408, 1 {pack_format = #tpu.pack_format<interleaved>} : vector<32xbf16> -> vector<16xf32>
        %add3A_411 = arith.addf %add3A_393, %unpack3A_409 : vector<16xf32>
        %add3A_412 = arith.addf %add3A_394, %unpack3A_410 : vector<16xf32>
        %get3A_413 = arith.index_cast %add3A_372 : i32 to index
        %get3A_414 = arith.constant 32 : index
        %get3A_415 = tpu.vector_load %arg14[%get3A_413, %get3A_414] {strides = array<i32>} : memref<80x64xi32, #tpu.memory_space<vmem>>, vector<16xi32>,
        %bitcast3A_416 = vector.bitcast %get3A_415 : vector<16xi32> to vector<32xbf16>
        %get3A_417 = arith.index_cast %add3A_372 : i32 to index
        %get3A_418 = arith.constant 32 : index
        %get3A_419 = tpu.vector_load %arg15[%get3A_417, %get3A_418] {strides = array<i32>} : memref<80x64xi32, #tpu.memory_space<vmem>>, vector<16xi32>,
        %bitcast3A_420 = vector.bitcast %get3A_419 : vector<16xi32> to vector<32xbf16>
        %get3A_421 = arith.index_cast %add3A_372 : i32 to index
        %get3A_422 = arith.constant 32 : index
        %get3A_423 = tpu.vector_load %arg16[%get3A_421, %get3A_422] {strides = array<i32>} : memref<80x64xi32, #tpu.memory_space<vmem>>, vector<16xi32>,
        %bitcast3A_424 = vector.bitcast %get3A_423 : vector<16xi32> to vector<32xbf16>
        %mul3A_425 = arith.mulf %bitcast3A_416, %bitcast3A_420 : vector<32xbf16>
        %mul3A_426 = arith.mulf %mul3A_425, %bitcast3A_424 : vector<32xbf16>
        %unpack3A_427 = tpu.unpack_subelements %mul3A_426, 0 {pack_format = #tpu.pack_format<interleaved>} : vector<32xbf16> -> vector<16xf32>
        %unpack3A_428 = tpu.unpack_subelements %mul3A_426, 1 {pack_format = #tpu.pack_format<interleaved>} : vector<32xbf16> -> vector<16xf32>
        %add3A_429 = arith.addf %add3A_411, %unpack3A_427 : vector<16xf32>
        %add3A_430 = arith.addf %add3A_412, %unpack3A_428 : vector<16xf32>
        %get3A_431 = arith.index_cast %add3A_372 : i32 to index
        %get3A_432 = arith.constant 48 : index
        %get3A_433 = tpu.vector_load %arg14[%get3A_431, %get3A_432] {strides = array<i32>} : memref<80x64xi32, #tpu.memory_space<vmem>>, vector<16xi32>,
        %bitcast3A_434 = vector.bitcast %get3A_433 : vector<16xi32> to vector<32xbf16>
        %get3A_435 = arith.index_cast %add3A_372 : i32 to index
        %get3A_436 = arith.constant 48 : index
        %get3A_437 = tpu.vector_load %arg15[%get3A_435, %get3A_436] {strides = array<i32>} : memref<80x64xi32, #tpu.memory_space<vmem>>, vector<16xi32>,
        %bitcast3A_438 = vector.bitcast %get3A_437 : vector<16xi32> to vector<32xbf16>
        %get3A_439 = arith.index_cast %add3A_372 : i32 to index
        %get3A_440 = arith.constant 48 : index
        %get3A_441 = tpu.vector_load %arg16[%get3A_439, %get3A_440] {strides = array<i32>} : memref<80x64xi32, #tpu.memory_space<vmem>>, vector<16xi32>,
        %bitcast3A_442 = vector.bitcast %get3A_441 : vector<16xi32> to vector<32xbf16>
        %mul3A_443 = arith.mulf %bitcast3A_434, %bitcast3A_438 : vector<32xbf16>
        %mul3A_444 = arith.mulf %mul3A_443, %bitcast3A_442 : vector<32xbf16>
        %unpack3A_445 = tpu.unpack_subelements %mul3A_444, 0 {pack_format = #tpu.pack_format<interleaved>} : vector<32xbf16> -> vector<16xf32>
        %unpack3A_446 = tpu.unpack_subelements %mul3A_444, 1 {pack_format = #tpu.pack_format<interleaved>} : vector<32xbf16> -> vector<16xf32>
        %add3A_447 = arith.addf %add3A_429, %unpack3A_445 : vector<16xf32>
        %add3A_448 = arith.addf %add3A_430, %unpack3A_446 : vector<16xf32>
        %add3A_449 = arith.addf %add3A_447, %add3A_448 : vector<16xf32>
        %swap3A_450 = arith.constant 48 : index
        %swap3A_451 = tpu.vector_load %arg17[%swap3A_450] {strides = array<i32>} : memref<256xf32, #tpu.memory_space<vmem>>, vector<16xf32>,
        tpu.vector_store %arg17[%swap3A_450], %add3A_449 {strides = array<i32>} : memref<256xf32, #tpu.memory_space<vmem>>, vector<16xf32>,
        %mul3A_452 = arith.constant 16 : i32
        %mul3A_453 = arith.muli %scan3A_124, %mul3A_452 : i32
        %add3A_454 = arith.constant 4 : i32
        %add3A_455 = arith.addi %mul3A_453, %add3A_454 : i32
        %broadcast_in_dim3A_456 = arith.constant 0.000000e+00 : f32
        %broadcast_in_dim3A_457 = vector.broadcast %broadcast_in_dim3A_456 : f32 to vector<16xf32>
        %broadcast_in_dim3A_458 = arith.constant 0.000000e+00 : f32
        %broadcast_in_dim3A_459 = vector.broadcast %broadcast_in_dim3A_458 : f32 to vector<16xf32>
        %get3A_460 = arith.index_cast %add3A_455 : i32 to index
        %get3A_461 = arith.constant 0 : index
        %get3A_462 = tpu.vector_load %arg14[%get3A_460, %get3A_461] {strides = array<i32>} : memref<80x64xi32, #tpu.memory_space<vmem>>, vector<16xi32>,
        %bitcast3A_463 = vector.bitcast %get3A_462 : vector<16xi32> to vector<32xbf16>
        %get3A_464 = arith.index_cast %add3A_455 : i32 to index
        %get3A_465 = arith.constant 0 : index
        %get3A_466 = tpu.vector_load %arg15[%get3A_464, %get3A_465] {strides = array<i32>} : memref<80x64xi32, #tpu.memory_space<vmem>>, vector<16xi32>,
        %bitcast3A_467 = vector.bitcast %get3A_466 : vector<16xi32> to vector<32xbf16>
        %get3A_468 = arith.index_cast %add3A_455 : i32 to index
        %get3A_469 = arith.constant 0 : index
        %get3A_470 = tpu.vector_load %arg16[%get3A_468, %get3A_469] {strides = array<i32>} : memref<80x64xi32, #tpu.memory_space<vmem>>, vector<16xi32>,
        %bitcast3A_471 = vector.bitcast %get3A_470 : vector<16xi32> to vector<32xbf16>
        %mul3A_472 = arith.mulf %bitcast3A_463, %bitcast3A_467 : vector<32xbf16>
        %mul3A_473 = arith.mulf %mul3A_472, %bitcast3A_471 : vector<32xbf16>
        %unpack3A_474 = tpu.unpack_subelements %mul3A_473, 0 {pack_format = #tpu.pack_format<interleaved>} : vector<32xbf16> -> vector<16xf32>
        %unpack3A_475 = tpu.unpack_subelements %mul3A_473, 1 {pack_format = #tpu.pack_format<interleaved>} : vector<32xbf16> -> vector<16xf32>
        %add3A_476 = arith.addf %broadcast_in_dim3A_457, %unpack3A_474 : vector<16xf32>
        %add3A_477 = arith.addf %broadcast_in_dim3A_459, %unpack3A_475 : vector<16xf32>
        %get3A_478 = arith.index_cast %add3A_455 : i32 to index
        %get3A_479 = arith.constant 16 : index
        %get3A_480 = tpu.vector_load %arg14[%get3A_478, %get3A_479] {strides = array<i32>} : memref<80x64xi32, #tpu.memory_space<vmem>>, vector<16xi32>,
        %bitcast3A_481 = vector.bitcast %get3A_480 : vector<16xi32> to vector<32xbf16>
        %get3A_482 = arith.index_cast %add3A_455 : i32 to index
        %get3A_483 = arith.constant 16 : index
        %get3A_484 = tpu.vector_load %arg15[%get3A_482, %get3A_483] {strides = array<i32>} : memref<80x64xi32, #tpu.memory_space<vmem>>, vector<16xi32>,
        %bitcast3A_485 = vector.bitcast %get3A_484 : vector<16xi32> to vector<32xbf16>
        %get3A_486 = arith.index_cast %add3A_455 : i32 to index
        %get3A_487 = arith.constant 16 : index
        %get3A_488 = tpu.vector_load %arg16[%get3A_486, %get3A_487] {strides = array<i32>} : memref<80x64xi32, #tpu.memory_space<vmem>>, vector<16xi32>,
        %bitcast3A_489 = vector.bitcast %get3A_488 : vector<16xi32> to vector<32xbf16>
        %mul3A_490 = arith.mulf %bitcast3A_481, %bitcast3A_485 : vector<32xbf16>
        %mul3A_491 = arith.mulf %mul3A_490, %bitcast3A_489 : vector<32xbf16>
        %unpack3A_492 = tpu.unpack_subelements %mul3A_491, 0 {pack_format = #tpu.pack_format<interleaved>} : vector<32xbf16> -> vector<16xf32>
        %unpack3A_493 = tpu.unpack_subelements %mul3A_491, 1 {pack_format = #tpu.pack_format<interleaved>} : vector<32xbf16> -> vector<16xf32>
        %add3A_494 = arith.addf %add3A_476, %unpack3A_492 : vector<16xf32>
        %add3A_495 = arith.addf %add3A_477, %unpack3A_493 : vector<16xf32>
        %get3A_496 = arith.index_cast %add3A_455 : i32 to index
        %get3A_497 = arith.constant 32 : index
        %get3A_498 = tpu.vector_load %arg14[%get3A_496, %get3A_497] {strides = array<i32>} : memref<80x64xi32, #tpu.memory_space<vmem>>, vector<16xi32>,
        %bitcast3A_499 = vector.bitcast %get3A_498 : vector<16xi32> to vector<32xbf16>
        %get3A_500 = arith.index_cast %add3A_455 : i32 to index
        %get3A_501 = arith.constant 32 : index
        %get3A_502 = tpu.vector_load %arg15[%get3A_500, %get3A_501] {strides = array<i32>} : memref<80x64xi32, #tpu.memory_space<vmem>>, vector<16xi32>,
        %bitcast3A_503 = vector.bitcast %get3A_502 : vector<16xi32> to vector<32xbf16>
        %get3A_504 = arith.index_cast %add3A_455 : i32 to index
        %get3A_505 = arith.constant 32 : index
        %get3A_506 = tpu.vector_load %arg16[%get3A_504, %get3A_505] {strides = array<i32>} : memref<80x64xi32, #tpu.memory_space<vmem>>, vector<16xi32>,
        %bitcast3A_507 = vector.bitcast %get3A_506 : vector<16xi32> to vector<32xbf16>
        %mul3A_508 = arith.mulf %bitcast3A_499, %bitcast3A_503 : vector<32xbf16>
        %mul3A_509 = arith.mulf %mul3A_508, %bitcast3A_507 : vector<32xbf16>
        %unpack3A_510 = tpu.unpack_subelements %mul3A_509, 0 {pack_format = #tpu.pack_format<interleaved>} : vector<32xbf16> -> vector<16xf32>
        %unpack3A_511 = tpu.unpack_subelements %mul3A_509, 1 {pack_format = #tpu.pack_format<interleaved>} : vector<32xbf16> -> vector<16xf32>
        %add3A_512 = arith.addf %add3A_494, %unpack3A_510 : vector<16xf32>
        %add3A_513 = arith.addf %add3A_495, %unpack3A_511 : vector<16xf32>
        %get3A_514 = arith.index_cast %add3A_455 : i32 to index
        %get3A_515 = arith.constant 48 : index
        %get3A_516 = tpu.vector_load %arg14[%get3A_514, %get3A_515] {strides = array<i32>} : memref<80x64xi32, #tpu.memory_space<vmem>>, vector<16xi32>,
        %bitcast3A_517 = vector.bitcast %get3A_516 : vector<16xi32> to vector<32xbf16>
        %get3A_518 = arith.index_cast %add3A_455 : i32 to index
        %get3A_519 = arith.constant 48 : index
        %get3A_520 = tpu.vector_load %arg15[%get3A_518, %get3A_519] {strides = array<i32>} : memref<80x64xi32, #tpu.memory_space<vmem>>, vector<16xi32>,
        %bitcast3A_521 = vector.bitcast %get3A_520 : vector<16xi32> to vector<32xbf16>
        %get3A_522 = arith.index_cast %add3A_455 : i32 to index
        %get3A_523 = arith.constant 48 : index
        %get3A_524 = tpu.vector_load %arg16[%get3A_522, %get3A_523] {strides = array<i32>} : memref<80x64xi32, #tpu.memory_space<vmem>>, vector<16xi32>,
        %bitcast3A_525 = vector.bitcast %get3A_524 : vector<16xi32> to vector<32xbf16>
        %mul3A_526 = arith.mulf %bitcast3A_517, %bitcast3A_521 : vector<32xbf16>
        %mul3A_527 = arith.mulf %mul3A_526, %bitcast3A_525 : vector<32xbf16>
        %unpack3A_528 = tpu.unpack_subelements %mul3A_527, 0 {pack_format = #tpu.pack_format<interleaved>} : vector<32xbf16> -> vector<16xf32>
        %unpack3A_529 = tpu.unpack_subelements %mul3A_527, 1 {pack_format = #tpu.pack_format<interleaved>} : vector<32xbf16> -> vector<16xf32>
        %add3A_530 = arith.addf %add3A_512, %unpack3A_528 : vector<16xf32>
        %add3A_531 = arith.addf %add3A_513, %unpack3A_529 : vector<16xf32>
        %add3A_532 = arith.addf %add3A_530, %add3A_531 : vector<16xf32>
        %swap3A_533 = arith.constant 64 : index
        %swap3A_534 = tpu.vector_load %arg17[%swap3A_533] {strides = array<i32>} : memref<256xf32, #tpu.memory_space<vmem>>, vector<16xf32>,
        tpu.vector_store %arg17[%swap3A_533], %add3A_532 {strides = array<i32>} : memref<256xf32, #tpu.memory_space<vmem>>, vector<16xf32>,
        %mul3A_535 = arith.constant 16 : i32
        %mul3A_536 = arith.muli %scan3A_124, %mul3A_535 : i32
        %add3A_537 = arith.constant 5 : i32
        %add3A_538 = arith.addi %mul3A_536, %add3A_537 : i32
        %broadcast_in_dim3A_539 = arith.constant 0.000000e+00 : f32
        %broadcast_in_dim3A_540 = vector.broadcast %broadcast_in_dim3A_539 : f32 to vector<16xf32>
        %broadcast_in_dim3A_541 = arith.constant 0.000000e+00 : f32
        %broadcast_in_dim3A_542 = vector.broadcast %broadcast_in_dim3A_541 : f32 to vector<16xf32>
        %get3A_543 = arith.index_cast %add3A_538 : i32 to index
        %get3A_544 = arith.constant 0 : index
        %get3A_545 = tpu.vector_load %arg14[%get3A_543, %get3A_544] {strides = array<i32>} : memref<80x64xi32, #tpu.memory_space<vmem>>, vector<16xi32>,
        %bitcast3A_546 = vector.bitcast %get3A_545 : vector<16xi32> to vector<32xbf16>
        %get3A_547 = arith.index_cast %add3A_538 : i32 to index
        %get3A_548 = arith.constant 0 : index
        %get3A_549 = tpu.vector_load %arg15[%get3A_547, %get3A_548] {strides = array<i32>} : memref<80x64xi32, #tpu.memory_space<vmem>>, vector<16xi32>,
        %bitcast3A_550 = vector.bitcast %get3A_549 : vector<16xi32> to vector<32xbf16>
        %get3A_551 = arith.index_cast %add3A_538 : i32 to index
        %get3A_552 = arith.constant 0 : index
        %get3A_553 = tpu.vector_load %arg16[%get3A_551, %get3A_552] {strides = array<i32>} : memref<80x64xi32, #tpu.memory_space<vmem>>, vector<16xi32>,
        %bitcast3A_554 = vector.bitcast %get3A_553 : vector<16xi32> to vector<32xbf16>
        %mul3A_555 = arith.mulf %bitcast3A_546, %bitcast3A_550 : vector<32xbf16>
        %mul3A_556 = arith.mulf %mul3A_555, %bitcast3A_554 : vector<32xbf16>
        %unpack3A_557 = tpu.unpack_subelements %mul3A_556, 0 {pack_format = #tpu.pack_format<interleaved>} : vector<32xbf16> -> vector<16xf32>
        %unpack3A_558 = tpu.unpack_subelements %mul3A_556, 1 {pack_format = #tpu.pack_format<interleaved>} : vector<32xbf16> -> vector<16xf32>
        %add3A_559 = arith.addf %broadcast_in_dim3A_540, %unpack3A_557 : vector<16xf32>
        %add3A_560 = arith.addf %broadcast_in_dim3A_542, %unpack3A_558 : vector<16xf32>
        %get3A_561 = arith.index_cast %add3A_538 : i32 to index
        %get3A_562 = arith.constant 16 : index
        %get3A_563 = tpu.vector_load %arg14[%get3A_561, %get3A_562] {strides = array<i32>} : memref<80x64xi32, #tpu.memory_space<vmem>>, vector<16xi32>,
        %bitcast3A_564 = vector.bitcast %get3A_563 : vector<16xi32> to vector<32xbf16>
        %get3A_565 = arith.index_cast %add3A_538 : i32 to index
        %get3A_566 = arith.constant 16 : index
        %get3A_567 = tpu.vector_load %arg15[%get3A_565, %get3A_566] {strides = array<i32>} : memref<80x64xi32, #tpu.memory_space<vmem>>, vector<16xi32>,
        %bitcast3A_568 = vector.bitcast %get3A_567 : vector<16xi32> to vector<32xbf16>
        %get3A_569 = arith.index_cast %add3A_538 : i32 to index
        %get3A_570 = arith.constant 16 : index
        %get3A_571 = tpu.vector_load %arg16[%get3A_569, %get3A_570] {strides = array<i32>} : memref<80x64xi32, #tpu.memory_space<vmem>>, vector<16xi32>,
        %bitcast3A_572 = vector.bitcast %get3A_571 : vector<16xi32> to vector<32xbf16>
        %mul3A_573 = arith.mulf %bitcast3A_564, %bitcast3A_568 : vector<32xbf16>
        %mul3A_574 = arith.mulf %mul3A_573, %bitcast3A_572 : vector<32xbf16>
        %unpack3A_575 = tpu.unpack_subelements %mul3A_574, 0 {pack_format = #tpu.pack_format<interleaved>} : vector<32xbf16> -> vector<16xf32>
        %unpack3A_576 = tpu.unpack_subelements %mul3A_574, 1 {pack_format = #tpu.pack_format<interleaved>} : vector<32xbf16> -> vector<16xf32>
        %add3A_577 = arith.addf %add3A_559, %unpack3A_575 : vector<16xf32>
        %add3A_578 = arith.addf %add3A_560, %unpack3A_576 : vector<16xf32>
        %get3A_579 = arith.index_cast %add3A_538 : i32 to index
        %get3A_580 = arith.constant 32 : index
        %get3A_581 = tpu.vector_load %arg14[%get3A_579, %get3A_580] {strides = array<i32>} : memref<80x64xi32, #tpu.memory_space<vmem>>, vector<16xi32>,
        %bitcast3A_582 = vector.bitcast %get3A_581 : vector<16xi32> to vector<32xbf16>
        %get3A_583 = arith.index_cast %add3A_538 : i32 to index
        %get3A_584 = arith.constant 32 : index
        %get3A_585 = tpu.vector_load %arg15[%get3A_583, %get3A_584] {strides = array<i32>} : memref<80x64xi32, #tpu.memory_space<vmem>>, vector<16xi32>,
        %bitcast3A_586 = vector.bitcast %get3A_585 : vector<16xi32> to vector<32xbf16>
        %get3A_587 = arith.index_cast %add3A_538 : i32 to index
        %get3A_588 = arith.constant 32 : index
        %get3A_589 = tpu.vector_load %arg16[%get3A_587, %get3A_588] {strides = array<i32>} : memref<80x64xi32, #tpu.memory_space<vmem>>, vector<16xi32>,
        %bitcast3A_590 = vector.bitcast %get3A_589 : vector<16xi32> to vector<32xbf16>
        %mul3A_591 = arith.mulf %bitcast3A_582, %bitcast3A_586 : vector<32xbf16>
        %mul3A_592 = arith.mulf %mul3A_591, %bitcast3A_590 : vector<32xbf16>
        %unpack3A_593 = tpu.unpack_subelements %mul3A_592, 0 {pack_format = #tpu.pack_format<interleaved>} : vector<32xbf16> -> vector<16xf32>
        %unpack3A_594 = tpu.unpack_subelements %mul3A_592, 1 {pack_format = #tpu.pack_format<interleaved>} : vector<32xbf16> -> vector<16xf32>
        %add3A_595 = arith.addf %add3A_577, %unpack3A_593 : vector<16xf32>
        %add3A_596 = arith.addf %add3A_578, %unpack3A_594 : vector<16xf32>
        %get3A_597 = arith.index_cast %add3A_538 : i32 to index
        %get3A_598 = arith.constant 48 : index
        %get3A_599 = tpu.vector_load %arg14[%get3A_597, %get3A_598] {strides = array<i32>} : memref<80x64xi32, #tpu.memory_space<vmem>>, vector<16xi32>,
        %bitcast3A_600 = vector.bitcast %get3A_599 : vector<16xi32> to vector<32xbf16>
        %get3A_601 = arith.index_cast %add3A_538 : i32 to index
        %get3A_602 = arith.constant 48 : index
        %get3A_603 = tpu.vector_load %arg15[%get3A_601, %get3A_602] {strides = array<i32>} : memref<80x64xi32, #tpu.memory_space<vmem>>, vector<16xi32>,
        %bitcast3A_604 = vector.bitcast %get3A_603 : vector<16xi32> to vector<32xbf16>
        %get3A_605 = arith.index_cast %add3A_538 : i32 to index
        %get3A_606 = arith.constant 48 : index
        %get3A_607 = tpu.vector_load %arg16[%get3A_605, %get3A_606] {strides = array<i32>} : memref<80x64xi32, #tpu.memory_space<vmem>>, vector<16xi32>,
        %bitcast3A_608 = vector.bitcast %get3A_607 : vector<16xi32> to vector<32xbf16>
        %mul3A_609 = arith.mulf %bitcast3A_600, %bitcast3A_604 : vector<32xbf16>
        %mul3A_610 = arith.mulf %mul3A_609, %bitcast3A_608 : vector<32xbf16>
        %unpack3A_611 = tpu.unpack_subelements %mul3A_610, 0 {pack_format = #tpu.pack_format<interleaved>} : vector<32xbf16> -> vector<16xf32>
        %unpack3A_612 = tpu.unpack_subelements %mul3A_610, 1 {pack_format = #tpu.pack_format<interleaved>} : vector<32xbf16> -> vector<16xf32>
        %add3A_613 = arith.addf %add3A_595, %unpack3A_611 : vector<16xf32>
        %add3A_614 = arith.addf %add3A_596, %unpack3A_612 : vector<16xf32>
        %add3A_615 = arith.addf %add3A_613, %add3A_614 : vector<16xf32>
        %swap3A_616 = arith.constant 80 : index
        %swap3A_617 = tpu.vector_load %arg17[%swap3A_616] {strides = array<i32>} : memref<256xf32, #tpu.memory_space<vmem>>, vector<16xf32>,
        tpu.vector_store %arg17[%swap3A_616], %add3A_615 {strides = array<i32>} : memref<256xf32, #tpu.memory_space<vmem>>, vector<16xf32>,
        %mul3A_618 = arith.constant 16 : i32
        %mul3A_619 = arith.muli %scan3A_124, %mul3A_618 : i32
        %add3A_620 = arith.constant 6 : i32
        %add3A_621 = arith.addi %mul3A_619, %add3A_620 : i32
        %broadcast_in_dim3A_622 = arith.constant 0.000000e+00 : f32
        %broadcast_in_dim3A_623 = vector.broadcast %broadcast_in_dim3A_622 : f32 to vector<16xf32>
        %broadcast_in_dim3A_624 = arith.constant 0.000000e+00 : f32
        %broadcast_in_dim3A_625 = vector.broadcast %broadcast_in_dim3A_624 : f32 to vector<16xf32>
        %get3A_626 = arith.index_cast %add3A_621 : i32 to index
        %get3A_627 = arith.constant 0 : index
        %get3A_628 = tpu.vector_load %arg14[%get3A_626, %get3A_627] {strides = array<i32>} : memref<80x64xi32, #tpu.memory_space<vmem>>, vector<16xi32>,
        %bitcast3A_629 = vector.bitcast %get3A_628 : vector<16xi32> to vector<32xbf16>
        %get3A_630 = arith.index_cast %add3A_621 : i32 to index
        %get3A_631 = arith.constant 0 : index
        %get3A_632 = tpu.vector_load %arg15[%get3A_630, %get3A_631] {strides = array<i32>} : memref<80x64xi32, #tpu.memory_space<vmem>>, vector<16xi32>,
        %bitcast3A_633 = vector.bitcast %get3A_632 : vector<16xi32> to vector<32xbf16>
        %get3A_634 = arith.index_cast %add3A_621 : i32 to index
        %get3A_635 = arith.constant 0 : index
        %get3A_636 = tpu.vector_load %arg16[%get3A_634, %get3A_635] {strides = array<i32>} : memref<80x64xi32, #tpu.memory_space<vmem>>, vector<16xi32>,
        %bitcast3A_637 = vector.bitcast %get3A_636 : vector<16xi32> to vector<32xbf16>
        %mul3A_638 = arith.mulf %bitcast3A_629, %bitcast3A_633 : vector<32xbf16>
        %mul3A_639 = arith.mulf %mul3A_638, %bitcast3A_637 : vector<32xbf16>
        %unpack3A_640 = tpu.unpack_subelements %mul3A_639, 0 {pack_format = #tpu.pack_format<interleaved>} : vector<32xbf16> -> vector<16xf32>
        %unpack3A_641 = tpu.unpack_subelements %mul3A_639, 1 {pack_format = #tpu.pack_format<interleaved>} : vector<32xbf16> -> vector<16xf32>
        %add3A_642 = arith.addf %broadcast_in_dim3A_623, %unpack3A_640 : vector<16xf32>
        %add3A_643 = arith.addf %broadcast_in_dim3A_625, %unpack3A_641 : vector<16xf32>
        %get3A_644 = arith.index_cast %add3A_621 : i32 to index
        %get3A_645 = arith.constant 16 : index
        %get3A_646 = tpu.vector_load %arg14[%get3A_644, %get3A_645] {strides = array<i32>} : memref<80x64xi32, #tpu.memory_space<vmem>>, vector<16xi32>,
        %bitcast3A_647 = vector.bitcast %get3A_646 : vector<16xi32> to vector<32xbf16>
        %get3A_648 = arith.index_cast %add3A_621 : i32 to index
        %get3A_649 = arith.constant 16 : index
        %get3A_650 = tpu.vector_load %arg15[%get3A_648, %get3A_649] {strides = array<i32>} : memref<80x64xi32, #tpu.memory_space<vmem>>, vector<16xi32>,
        %bitcast3A_651 = vector.bitcast %get3A_650 : vector<16xi32> to vector<32xbf16>
        %get3A_652 = arith.index_cast %add3A_621 : i32 to index
        %get3A_653 = arith.constant 16 : index
        %get3A_654 = tpu.vector_load %arg16[%get3A_652, %get3A_653] {strides = array<i32>} : memref<80x64xi32, #tpu.memory_space<vmem>>, vector<16xi32>,
        %bitcast3A_655 = vector.bitcast %get3A_654 : vector<16xi32> to vector<32xbf16>
        %mul3A_656 = arith.mulf %bitcast3A_647, %bitcast3A_651 : vector<32xbf16>
        %mul3A_657 = arith.mulf %mul3A_656, %bitcast3A_655 : vector<32xbf16>
        %unpack3A_658 = tpu.unpack_subelements %mul3A_657, 0 {pack_format = #tpu.pack_format<interleaved>} : vector<32xbf16> -> vector<16xf32>
        %unpack3A_659 = tpu.unpack_subelements %mul3A_657, 1 {pack_format = #tpu.pack_format<interleaved>} : vector<32xbf16> -> vector<16xf32>
        %add3A_660 = arith.addf %add3A_642, %unpack3A_658 : vector<16xf32>
        %add3A_661 = arith.addf %add3A_643, %unpack3A_659 : vector<16xf32>
        %get3A_662 = arith.index_cast %add3A_621 : i32 to index
        %get3A_663 = arith.constant 32 : index
        %get3A_664 = tpu.vector_load %arg14[%get3A_662, %get3A_663] {strides = array<i32>} : memref<80x64xi32, #tpu.memory_space<vmem>>, vector<16xi32>,
        %bitcast3A_665 = vector.bitcast %get3A_664 : vector<16xi32> to vector<32xbf16>
        %get3A_666 = arith.index_cast %add3A_621 : i32 to index
        %get3A_667 = arith.constant 32 : index
        %get3A_668 = tpu.vector_load %arg15[%get3A_666, %get3A_667] {strides = array<i32>} : memref<80x64xi32, #tpu.memory_space<vmem>>, vector<16xi32>,
        %bitcast3A_669 = vector.bitcast %get3A_668 : vector<16xi32> to vector<32xbf16>
        %get3A_670 = arith.index_cast %add3A_621 : i32 to index
        %get3A_671 = arith.constant 32 : index
        %get3A_672 = tpu.vector_load %arg16[%get3A_670, %get3A_671] {strides = array<i32>} : memref<80x64xi32, #tpu.memory_space<vmem>>, vector<16xi32>,
        %bitcast3A_673 = vector.bitcast %get3A_672 : vector<16xi32> to vector<32xbf16>
        %mul3A_674 = arith.mulf %bitcast3A_665, %bitcast3A_669 : vector<32xbf16>
        %mul3A_675 = arith.mulf %mul3A_674, %bitcast3A_673 : vector<32xbf16>
        %unpack3A_676 = tpu.unpack_subelements %mul3A_675, 0 {pack_format = #tpu.pack_format<interleaved>} : vector<32xbf16> -> vector<16xf32>
        %unpack3A_677 = tpu.unpack_subelements %mul3A_675, 1 {pack_format = #tpu.pack_format<interleaved>} : vector<32xbf16> -> vector<16xf32>
        %add3A_678 = arith.addf %add3A_660, %unpack3A_676 : vector<16xf32>
        %add3A_679 = arith.addf %add3A_661, %unpack3A_677 : vector<16xf32>
        %get3A_680 = arith.index_cast %add3A_621 : i32 to index
        %get3A_681 = arith.constant 48 : index
        %get3A_682 = tpu.vector_load %arg14[%get3A_680, %get3A_681] {strides = array<i32>} : memref<80x64xi32, #tpu.memory_space<vmem>>, vector<16xi32>,
        %bitcast3A_683 = vector.bitcast %get3A_682 : vector<16xi32> to vector<32xbf16>
        %get3A_684 = arith.index_cast %add3A_621 : i32 to index
        %get3A_685 = arith.constant 48 : index
        %get3A_686 = tpu.vector_load %arg15[%get3A_684, %get3A_685] {strides = array<i32>} : memref<80x64xi32, #tpu.memory_space<vmem>>, vector<16xi32>,
        %bitcast3A_687 = vector.bitcast %get3A_686 : vector<16xi32> to vector<32xbf16>
        %get3A_688 = arith.index_cast %add3A_621 : i32 to index
        %get3A_689 = arith.constant 48 : index
        %get3A_690 = tpu.vector_load %arg16[%get3A_688, %get3A_689] {strides = array<i32>} : memref<80x64xi32, #tpu.memory_space<vmem>>, vector<16xi32>,
        %bitcast3A_691 = vector.bitcast %get3A_690 : vector<16xi32> to vector<32xbf16>
        %mul3A_692 = arith.mulf %bitcast3A_683, %bitcast3A_687 : vector<32xbf16>
        %mul3A_693 = arith.mulf %mul3A_692, %bitcast3A_691 : vector<32xbf16>
        %unpack3A_694 = tpu.unpack_subelements %mul3A_693, 0 {pack_format = #tpu.pack_format<interleaved>} : vector<32xbf16> -> vector<16xf32>
        %unpack3A_695 = tpu.unpack_subelements %mul3A_693, 1 {pack_format = #tpu.pack_format<interleaved>} : vector<32xbf16> -> vector<16xf32>
        %add3A_696 = arith.addf %add3A_678, %unpack3A_694 : vector<16xf32>
        %add3A_697 = arith.addf %add3A_679, %unpack3A_695 : vector<16xf32>
        %add3A_698 = arith.addf %add3A_696, %add3A_697 : vector<16xf32>
        %swap3A_699 = arith.constant 96 : index
        %swap3A_700 = tpu.vector_load %arg17[%swap3A_699] {strides = array<i32>} : memref<256xf32, #tpu.memory_space<vmem>>, vector<16xf32>,
        tpu.vector_store %arg17[%swap3A_699], %add3A_698 {strides = array<i32>} : memref<256xf32, #tpu.memory_space<vmem>>, vector<16xf32>,
        %mul3A_701 = arith.constant 16 : i32
        %mul3A_702 = arith.muli %scan3A_124, %mul3A_701 : i32
        %add3A_703 = arith.constant 7 : i32
        %add3A_704 = arith.addi %mul3A_702, %add3A_703 : i32
        %broadcast_in_dim3A_705 = arith.constant 0.000000e+00 : f32
        %broadcast_in_dim3A_706 = vector.broadcast %broadcast_in_dim3A_705 : f32 to vector<16xf32>
        %broadcast_in_dim3A_707 = arith.constant 0.000000e+00 : f32
        %broadcast_in_dim3A_708 = vector.broadcast %broadcast_in_dim3A_707 : f32 to vector<16xf32>
        %get3A_709 = arith.index_cast %add3A_704 : i32 to index
        %get3A_710 = arith.constant 0 : index
        %get3A_711 = tpu.vector_load %arg14[%get3A_709, %get3A_710] {strides = array<i32>} : memref<80x64xi32, #tpu.memory_space<vmem>>, vector<16xi32>,
        %bitcast3A_712 = vector.bitcast %get3A_711 : vector<16xi32> to vector<32xbf16>
        %get3A_713 = arith.index_cast %add3A_704 : i32 to index
        %get3A_714 = arith.constant 0 : index
        %get3A_715 = tpu.vector_load %arg15[%get3A_713, %get3A_714] {strides = array<i32>} : memref<80x64xi32, #tpu.memory_space<vmem>>, vector<16xi32>,
        %bitcast3A_716 = vector.bitcast %get3A_715 : vector<16xi32> to vector<32xbf16>
        %get3A_717 = arith.index_cast %add3A_704 : i32 to index
        %get3A_718 = arith.constant 0 : index
        %get3A_719 = tpu.vector_load %arg16[%get3A_717, %get3A_718] {strides = array<i32>} : memref<80x64xi32, #tpu.memory_space<vmem>>, vector<16xi32>,
        %bitcast3A_720 = vector.bitcast %get3A_719 : vector<16xi32> to vector<32xbf16>
        %mul3A_721 = arith.mulf %bitcast3A_712, %bitcast3A_716 : vector<32xbf16>
        %mul3A_722 = arith.mulf %mul3A_721, %bitcast3A_720 : vector<32xbf16>
        %unpack3A_723 = tpu.unpack_subelements %mul3A_722, 0 {pack_format = #tpu.pack_format<interleaved>} : vector<32xbf16> -> vector<16xf32>
        %unpack3A_724 = tpu.unpack_subelements %mul3A_722, 1 {pack_format = #tpu.pack_format<interleaved>} : vector<32xbf16> -> vector<16xf32>
        %add3A_725 = arith.addf %broadcast_in_dim3A_706, %unpack3A_723 : vector<16xf32>
        %add3A_726 = arith.addf %broadcast_in_dim3A_708, %unpack3A_724 : vector<16xf32>
        %get3A_727 = arith.index_cast %add3A_704 : i32 to index
        %get3A_728 = arith.constant 16 : index
        %get3A_729 = tpu.vector_load %arg14[%get3A_727, %get3A_728] {strides = array<i32>} : memref<80x64xi32, #tpu.memory_space<vmem>>, vector<16xi32>,
        %bitcast3A_730 = vector.bitcast %get3A_729 : vector<16xi32> to vector<32xbf16>
        %get3A_731 = arith.index_cast %add3A_704 : i32 to index
        %get3A_732 = arith.constant 16 : index
        %get3A_733 = tpu.vector_load %arg15[%get3A_731, %get3A_732] {strides = array<i32>} : memref<80x64xi32, #tpu.memory_space<vmem>>, vector<16xi32>,
        %bitcast3A_734 = vector.bitcast %get3A_733 : vector<16xi32> to vector<32xbf16>
        %get3A_735 = arith.index_cast %add3A_704 : i32 to index
        %get3A_736 = arith.constant 16 : index
        %get3A_737 = tpu.vector_load %arg16[%get3A_735, %get3A_736] {strides = array<i32>} : memref<80x64xi32, #tpu.memory_space<vmem>>, vector<16xi32>,
        %bitcast3A_738 = vector.bitcast %get3A_737 : vector<16xi32> to vector<32xbf16>
        %mul3A_739 = arith.mulf %bitcast3A_730, %bitcast3A_734 : vector<32xbf16>
        %mul3A_740 = arith.mulf %mul3A_739, %bitcast3A_738 : vector<32xbf16>
        %unpack3A_741 = tpu.unpack_subelements %mul3A_740, 0 {pack_format = #tpu.pack_format<interleaved>} : vector<32xbf16> -> vector<16xf32>
        %unpack3A_742 = tpu.unpack_subelements %mul3A_740, 1 {pack_format = #tpu.pack_format<interleaved>} : vector<32xbf16> -> vector<16xf32>
        %add3A_743 = arith.addf %add3A_725, %unpack3A_741 : vector<16xf32>
        %add3A_744 = arith.addf %add3A_726, %unpack3A_742 : vector<16xf32>
        %get3A_745 = arith.index_cast %add3A_704 : i32 to index
        %get3A_746 = arith.constant 32 : index
        %get3A_747 = tpu.vector_load %arg14[%get3A_745, %get3A_746] {strides = array<i32>} : memref<80x64xi32, #tpu.memory_space<vmem>>, vector<16xi32>,
        %bitcast3A_748 = vector.bitcast %get3A_747 : vector<16xi32> to vector<32xbf16>
        %get3A_749 = arith.index_cast %add3A_704 : i32 to index
        %get3A_750 = arith.constant 32 : index
        %get3A_751 = tpu.vector_load %arg15[%get3A_749, %get3A_750] {strides = array<i32>} : memref<80x64xi32, #tpu.memory_space<vmem>>, vector<16xi32>,
        %bitcast3A_752 = vector.bitcast %get3A_751 : vector<16xi32> to vector<32xbf16>
        %get3A_753 = arith.index_cast %add3A_704 : i32 to index
        %get3A_754 = arith.constant 32 : index
        %get3A_755 = tpu.vector_load %arg16[%get3A_753, %get3A_754] {strides = array<i32>} : memref<80x64xi32, #tpu.memory_space<vmem>>, vector<16xi32>,
        %bitcast3A_756 = vector.bitcast %get3A_755 : vector<16xi32> to vector<32xbf16>
        %mul3A_757 = arith.mulf %bitcast3A_748, %bitcast3A_752 : vector<32xbf16>
        %mul3A_758 = arith.mulf %mul3A_757, %bitcast3A_756 : vector<32xbf16>
        %unpack3A_759 = tpu.unpack_subelements %mul3A_758, 0 {pack_format = #tpu.pack_format<interleaved>} : vector<32xbf16> -> vector<16xf32>
        %unpack3A_760 = tpu.unpack_subelements %mul3A_758, 1 {pack_format = #tpu.pack_format<interleaved>} : vector<32xbf16> -> vector<16xf32>
        %add3A_761 = arith.addf %add3A_743, %unpack3A_759 : vector<16xf32>
        %add3A_762 = arith.addf %add3A_744, %unpack3A_760 : vector<16xf32>
        %get3A_763 = arith.index_cast %add3A_704 : i32 to index
        %get3A_764 = arith.constant 48 : index
        %get3A_765 = tpu.vector_load %arg14[%get3A_763, %get3A_764] {strides = array<i32>} : memref<80x64xi32, #tpu.memory_space<vmem>>, vector<16xi32>,
        %bitcast3A_766 = vector.bitcast %get3A_765 : vector<16xi32> to vector<32xbf16>
        %get3A_767 = arith.index_cast %add3A_704 : i32 to index
        %get3A_768 = arith.constant 48 : index
        %get3A_769 = tpu.vector_load %arg15[%get3A_767, %get3A_768] {strides = array<i32>} : memref<80x64xi32, #tpu.memory_space<vmem>>, vector<16xi32>,
        %bitcast3A_770 = vector.bitcast %get3A_769 : vector<16xi32> to vector<32xbf16>
        %get3A_771 = arith.index_cast %add3A_704 : i32 to index
        %get3A_772 = arith.constant 48 : index
        %get3A_773 = tpu.vector_load %arg16[%get3A_771, %get3A_772] {strides = array<i32>} : memref<80x64xi32, #tpu.memory_space<vmem>>, vector<16xi32>,
        %bitcast3A_774 = vector.bitcast %get3A_773 : vector<16xi32> to vector<32xbf16>
        %mul3A_775 = arith.mulf %bitcast3A_766, %bitcast3A_770 : vector<32xbf16>
        %mul3A_776 = arith.mulf %mul3A_775, %bitcast3A_774 : vector<32xbf16>
        %unpack3A_777 = tpu.unpack_subelements %mul3A_776, 0 {pack_format = #tpu.pack_format<interleaved>} : vector<32xbf16> -> vector<16xf32>
        %unpack3A_778 = tpu.unpack_subelements %mul3A_776, 1 {pack_format = #tpu.pack_format<interleaved>} : vector<32xbf16> -> vector<16xf32>
        %add3A_779 = arith.addf %add3A_761, %unpack3A_777 : vector<16xf32>
        %add3A_780 = arith.addf %add3A_762, %unpack3A_778 : vector<16xf32>
        %add3A_781 = arith.addf %add3A_779, %add3A_780 : vector<16xf32>
        %swap3A_782 = arith.constant 112 : index
        %swap3A_783 = tpu.vector_load %arg17[%swap3A_782] {strides = array<i32>} : memref<256xf32, #tpu.memory_space<vmem>>, vector<16xf32>,
        tpu.vector_store %arg17[%swap3A_782], %add3A_781 {strides = array<i32>} : memref<256xf32, #tpu.memory_space<vmem>>, vector<16xf32>,
        %mul3A_784 = arith.constant 16 : i32
        %mul3A_785 = arith.muli %scan3A_124, %mul3A_784 : i32
        %add3A_786 = arith.constant 8 : i32
        %add3A_787 = arith.addi %mul3A_785, %add3A_786 : i32
        %broadcast_in_dim3A_788 = arith.constant 0.000000e+00 : f32
        %broadcast_in_dim3A_789 = vector.broadcast %broadcast_in_dim3A_788 : f32 to vector<16xf32>
        %broadcast_in_dim3A_790 = arith.constant 0.000000e+00 : f32
        %broadcast_in_dim3A_791 = vector.broadcast %broadcast_in_dim3A_790 : f32 to vector<16xf32>
        %get3A_792 = arith.index_cast %add3A_787 : i32 to index
        %get3A_793 = arith.constant 0 : index
        %get3A_794 = tpu.vector_load %arg14[%get3A_792, %get3A_793] {strides = array<i32>} : memref<80x64xi32, #tpu.memory_space<vmem>>, vector<16xi32>,
        %bitcast3A_795 = vector.bitcast %get3A_794 : vector<16xi32> to vector<32xbf16>
        %get3A_796 = arith.index_cast %add3A_787 : i32 to index
        %get3A_797 = arith.constant 0 : index
        %get3A_798 = tpu.vector_load %arg15[%get3A_796, %get3A_797] {strides = array<i32>} : memref<80x64xi32, #tpu.memory_space<vmem>>, vector<16xi32>,
        %bitcast3A_799 = vector.bitcast %get3A_798 : vector<16xi32> to vector<32xbf16>
        %get3A_800 = arith.index_cast %add3A_787 : i32 to index
        %get3A_801 = arith.constant 0 : index
        %get3A_802 = tpu.vector_load %arg16[%get3A_800, %get3A_801] {strides = array<i32>} : memref<80x64xi32, #tpu.memory_space<vmem>>, vector<16xi32>,
        %bitcast3A_803 = vector.bitcast %get3A_802 : vector<16xi32> to vector<32xbf16>
        %mul3A_804 = arith.mulf %bitcast3A_795, %bitcast3A_799 : vector<32xbf16>
        %mul3A_805 = arith.mulf %mul3A_804, %bitcast3A_803 : vector<32xbf16>
        %unpack3A_806 = tpu.unpack_subelements %mul3A_805, 0 {pack_format = #tpu.pack_format<interleaved>} : vector<32xbf16> -> vector<16xf32>
        %unpack3A_807 = tpu.unpack_subelements %mul3A_805, 1 {pack_format = #tpu.pack_format<interleaved>} : vector<32xbf16> -> vector<16xf32>
        %add3A_808 = arith.addf %broadcast_in_dim3A_789, %unpack3A_806 : vector<16xf32>
        %add3A_809 = arith.addf %broadcast_in_dim3A_791, %unpack3A_807 : vector<16xf32>
        %get3A_810 = arith.index_cast %add3A_787 : i32 to index
        %get3A_811 = arith.constant 16 : index
        %get3A_812 = tpu.vector_load %arg14[%get3A_810, %get3A_811] {strides = array<i32>} : memref<80x64xi32, #tpu.memory_space<vmem>>, vector<16xi32>,
        %bitcast3A_813 = vector.bitcast %get3A_812 : vector<16xi32> to vector<32xbf16>
        %get3A_814 = arith.index_cast %add3A_787 : i32 to index
        %get3A_815 = arith.constant 16 : index
        %get3A_816 = tpu.vector_load %arg15[%get3A_814, %get3A_815] {strides = array<i32>} : memref<80x64xi32, #tpu.memory_space<vmem>>, vector<16xi32>,
        %bitcast3A_817 = vector.bitcast %get3A_816 : vector<16xi32> to vector<32xbf16>
        %get3A_818 = arith.index_cast %add3A_787 : i32 to index
        %get3A_819 = arith.constant 16 : index
        %get3A_820 = tpu.vector_load %arg16[%get3A_818, %get3A_819] {strides = array<i32>} : memref<80x64xi32, #tpu.memory_space<vmem>>, vector<16xi32>,
        %bitcast3A_821 = vector.bitcast %get3A_820 : vector<16xi32> to vector<32xbf16>
        %mul3A_822 = arith.mulf %bitcast3A_813, %bitcast3A_817 : vector<32xbf16>
        %mul3A_823 = arith.mulf %mul3A_822, %bitcast3A_821 : vector<32xbf16>
        %unpack3A_824 = tpu.unpack_subelements %mul3A_823, 0 {pack_format = #tpu.pack_format<interleaved>} : vector<32xbf16> -> vector<16xf32>
        %unpack3A_825 = tpu.unpack_subelements %mul3A_823, 1 {pack_format = #tpu.pack_format<interleaved>} : vector<32xbf16> -> vector<16xf32>
        %add3A_826 = arith.addf %add3A_808, %unpack3A_824 : vector<16xf32>
        %add3A_827 = arith.addf %add3A_809, %unpack3A_825 : vector<16xf32>
        %get3A_828 = arith.index_cast %add3A_787 : i32 to index
        %get3A_829 = arith.constant 32 : index
        %get3A_830 = tpu.vector_load %arg14[%get3A_828, %get3A_829] {strides = array<i32>} : memref<80x64xi32, #tpu.memory_space<vmem>>, vector<16xi32>,
        %bitcast3A_831 = vector.bitcast %get3A_830 : vector<16xi32> to vector<32xbf16>
        %get3A_832 = arith.index_cast %add3A_787 : i32 to index
        %get3A_833 = arith.constant 32 : index
        %get3A_834 = tpu.vector_load %arg15[%get3A_832, %get3A_833] {strides = array<i32>} : memref<80x64xi32, #tpu.memory_space<vmem>>, vector<16xi32>,
        %bitcast3A_835 = vector.bitcast %get3A_834 : vector<16xi32> to vector<32xbf16>
        %get3A_836 = arith.index_cast %add3A_787 : i32 to index
        %get3A_837 = arith.constant 32 : index
        %get3A_838 = tpu.vector_load %arg16[%get3A_836, %get3A_837] {strides = array<i32>} : memref<80x64xi32, #tpu.memory_space<vmem>>, vector<16xi32>,
        %bitcast3A_839 = vector.bitcast %get3A_838 : vector<16xi32> to vector<32xbf16>
        %mul3A_840 = arith.mulf %bitcast3A_831, %bitcast3A_835 : vector<32xbf16>
        %mul3A_841 = arith.mulf %mul3A_840, %bitcast3A_839 : vector<32xbf16>
        %unpack3A_842 = tpu.unpack_subelements %mul3A_841, 0 {pack_format = #tpu.pack_format<interleaved>} : vector<32xbf16> -> vector<16xf32>
        %unpack3A_843 = tpu.unpack_subelements %mul3A_841, 1 {pack_format = #tpu.pack_format<interleaved>} : vector<32xbf16> -> vector<16xf32>
        %add3A_844 = arith.addf %add3A_826, %unpack3A_842 : vector<16xf32>
        %add3A_845 = arith.addf %add3A_827, %unpack3A_843 : vector<16xf32>
        %get3A_846 = arith.index_cast %add3A_787 : i32 to index
        %get3A_847 = arith.constant 48 : index
        %get3A_848 = tpu.vector_load %arg14[%get3A_846, %get3A_847] {strides = array<i32>} : memref<80x64xi32, #tpu.memory_space<vmem>>, vector<16xi32>,
        %bitcast3A_849 = vector.bitcast %get3A_848 : vector<16xi32> to vector<32xbf16>
        %get3A_850 = arith.index_cast %add3A_787 : i32 to index
        %get3A_851 = arith.constant 48 : index
        %get3A_852 = tpu.vector_load %arg15[%get3A_850, %get3A_851] {strides = array<i32>} : memref<80x64xi32, #tpu.memory_space<vmem>>, vector<16xi32>,
        %bitcast3A_853 = vector.bitcast %get3A_852 : vector<16xi32> to vector<32xbf16>
        %get3A_854 = arith.index_cast %add3A_787 : i32 to index
        %get3A_855 = arith.constant 48 : index
        %get3A_856 = tpu.vector_load %arg16[%get3A_854, %get3A_855] {strides = array<i32>} : memref<80x64xi32, #tpu.memory_space<vmem>>, vector<16xi32>,
        %bitcast3A_857 = vector.bitcast %get3A_856 : vector<16xi32> to vector<32xbf16>
        %mul3A_858 = arith.mulf %bitcast3A_849, %bitcast3A_853 : vector<32xbf16>
        %mul3A_859 = arith.mulf %mul3A_858, %bitcast3A_857 : vector<32xbf16>
        %unpack3A_860 = tpu.unpack_subelements %mul3A_859, 0 {pack_format = #tpu.pack_format<interleaved>} : vector<32xbf16> -> vector<16xf32>
        %unpack3A_861 = tpu.unpack_subelements %mul3A_859, 1 {pack_format = #tpu.pack_format<interleaved>} : vector<32xbf16> -> vector<16xf32>
        %add3A_862 = arith.addf %add3A_844, %unpack3A_860 : vector<16xf32>
        %add3A_863 = arith.addf %add3A_845, %unpack3A_861 : vector<16xf32>
        %add3A_864 = arith.addf %add3A_862, %add3A_863 : vector<16xf32>
        %swap3A_865 = arith.constant 128 : index
        %swap3A_866 = tpu.vector_load %arg17[%swap3A_865] {strides = array<i32>} : memref<256xf32, #tpu.memory_space<vmem>>, vector<16xf32>,
        tpu.vector_store %arg17[%swap3A_865], %add3A_864 {strides = array<i32>} : memref<256xf32, #tpu.memory_space<vmem>>, vector<16xf32>,
        %mul3A_867 = arith.constant 16 : i32
        %mul3A_868 = arith.muli %scan3A_124, %mul3A_867 : i32
        %add3A_869 = arith.constant 9 : i32
        %add3A_870 = arith.addi %mul3A_868, %add3A_869 : i32
        %broadcast_in_dim3A_871 = arith.constant 0.000000e+00 : f32
        %broadcast_in_dim3A_872 = vector.broadcast %broadcast_in_dim3A_871 : f32 to vector<16xf32>
        %broadcast_in_dim3A_873 = arith.constant 0.000000e+00 : f32
        %broadcast_in_dim3A_874 = vector.broadcast %broadcast_in_dim3A_873 : f32 to vector<16xf32>
        %get3A_875 = arith.index_cast %add3A_870 : i32 to index
        %get3A_876 = arith.constant 0 : index
        %get3A_877 = tpu.vector_load %arg14[%get3A_875, %get3A_876] {strides = array<i32>} : memref<80x64xi32, #tpu.memory_space<vmem>>, vector<16xi32>,
        %bitcast3A_878 = vector.bitcast %get3A_877 : vector<16xi32> to vector<32xbf16>
        %get3A_879 = arith.index_cast %add3A_870 : i32 to index
        %get3A_880 = arith.constant 0 : index
        %get3A_881 = tpu.vector_load %arg15[%get3A_879, %get3A_880] {strides = array<i32>} : memref<80x64xi32, #tpu.memory_space<vmem>>, vector<16xi32>,
        %bitcast3A_882 = vector.bitcast %get3A_881 : vector<16xi32> to vector<32xbf16>
        %get3A_883 = arith.index_cast %add3A_870 : i32 to index
        %get3A_884 = arith.constant 0 : index
        %get3A_885 = tpu.vector_load %arg16[%get3A_883, %get3A_884] {strides = array<i32>} : memref<80x64xi32, #tpu.memory_space<vmem>>, vector<16xi32>,
        %bitcast3A_886 = vector.bitcast %get3A_885 : vector<16xi32> to vector<32xbf16>
        %mul3A_887 = arith.mulf %bitcast3A_878, %bitcast3A_882 : vector<32xbf16>
        %mul3A_888 = arith.mulf %mul3A_887, %bitcast3A_886 : vector<32xbf16>
        %unpack3A_889 = tpu.unpack_subelements %mul3A_888, 0 {pack_format = #tpu.pack_format<interleaved>} : vector<32xbf16> -> vector<16xf32>
        %unpack3A_890 = tpu.unpack_subelements %mul3A_888, 1 {pack_format = #tpu.pack_format<interleaved>} : vector<32xbf16> -> vector<16xf32>
        %add3A_891 = arith.addf %broadcast_in_dim3A_872, %unpack3A_889 : vector<16xf32>
        %add3A_892 = arith.addf %broadcast_in_dim3A_874, %unpack3A_890 : vector<16xf32>
        %get3A_893 = arith.index_cast %add3A_870 : i32 to index
        %get3A_894 = arith.constant 16 : index
        %get3A_895 = tpu.vector_load %arg14[%get3A_893, %get3A_894] {strides = array<i32>} : memref<80x64xi32, #tpu.memory_space<vmem>>, vector<16xi32>,
        %bitcast3A_896 = vector.bitcast %get3A_895 : vector<16xi32> to vector<32xbf16>
        %get3A_897 = arith.index_cast %add3A_870 : i32 to index
        %get3A_898 = arith.constant 16 : index
        %get3A_899 = tpu.vector_load %arg15[%get3A_897, %get3A_898] {strides = array<i32>} : memref<80x64xi32, #tpu.memory_space<vmem>>, vector<16xi32>,
        %bitcast3A_900 = vector.bitcast %get3A_899 : vector<16xi32> to vector<32xbf16>
        %get3A_901 = arith.index_cast %add3A_870 : i32 to index
        %get3A_902 = arith.constant 16 : index
        %get3A_903 = tpu.vector_load %arg16[%get3A_901, %get3A_902] {strides = array<i32>} : memref<80x64xi32, #tpu.memory_space<vmem>>, vector<16xi32>,
        %bitcast3A_904 = vector.bitcast %get3A_903 : vector<16xi32> to vector<32xbf16>
        %mul3A_905 = arith.mulf %bitcast3A_896, %bitcast3A_900 : vector<32xbf16>
        %mul3A_906 = arith.mulf %mul3A_905, %bitcast3A_904 : vector<32xbf16>
        %unpack3A_907 = tpu.unpack_subelements %mul3A_906, 0 {pack_format = #tpu.pack_format<interleaved>} : vector<32xbf16> -> vector<16xf32>
        %unpack3A_908 = tpu.unpack_subelements %mul3A_906, 1 {pack_format = #tpu.pack_format<interleaved>} : vector<32xbf16> -> vector<16xf32>
        %add3A_909 = arith.addf %add3A_891, %unpack3A_907 : vector<16xf32>
        %add3A_910 = arith.addf %add3A_892, %unpack3A_908 : vector<16xf32>
        %get3A_911 = arith.index_cast %add3A_870 : i32 to index
        %get3A_912 = arith.constant 32 : index
        %get3A_913 = tpu.vector_load %arg14[%get3A_911, %get3A_912] {strides = array<i32>} : memref<80x64xi32, #tpu.memory_space<vmem>>, vector<16xi32>,
        %bitcast3A_914 = vector.bitcast %get3A_913 : vector<16xi32> to vector<32xbf16>
        %get3A_915 = arith.index_cast %add3A_870 : i32 to index
        %get3A_916 = arith.constant 32 : index
        %get3A_917 = tpu.vector_load %arg15[%get3A_915, %get3A_916] {strides = array<i32>} : memref<80x64xi32, #tpu.memory_space<vmem>>, vector<16xi32>,
        %bitcast3A_918 = vector.bitcast %get3A_917 : vector<16xi32> to vector<32xbf16>
        %get3A_919 = arith.index_cast %add3A_870 : i32 to index
        %get3A_920 = arith.constant 32 : index
        %get3A_921 = tpu.vector_load %arg16[%get3A_919, %get3A_920] {strides = array<i32>} : memref<80x64xi32, #tpu.memory_space<vmem>>, vector<16xi32>,
        %bitcast3A_922 = vector.bitcast %get3A_921 : vector<16xi32> to vector<32xbf16>
        %mul3A_923 = arith.mulf %bitcast3A_914, %bitcast3A_918 : vector<32xbf16>
        %mul3A_924 = arith.mulf %mul3A_923, %bitcast3A_922 : vector<32xbf16>
        %unpack3A_925 = tpu.unpack_subelements %mul3A_924, 0 {pack_format = #tpu.pack_format<interleaved>} : vector<32xbf16> -> vector<16xf32>
        %unpack3A_926 = tpu.unpack_subelements %mul3A_924, 1 {pack_format = #tpu.pack_format<interleaved>} : vector<32xbf16> -> vector<16xf32>
        %add3A_927 = arith.addf %add3A_909, %unpack3A_925 : vector<16xf32>
        %add3A_928 = arith.addf %add3A_910, %unpack3A_926 : vector<16xf32>
        %get3A_929 = arith.index_cast %add3A_870 : i32 to index
        %get3A_930 = arith.constant 48 : index
        %get3A_931 = tpu.vector_load %arg14[%get3A_929, %get3A_930] {strides = array<i32>} : memref<80x64xi32, #tpu.memory_space<vmem>>, vector<16xi32>,
        %bitcast3A_932 = vector.bitcast %get3A_931 : vector<16xi32> to vector<32xbf16>
        %get3A_933 = arith.index_cast %add3A_870 : i32 to index
        %get3A_934 = arith.constant 48 : index
        %get3A_935 = tpu.vector_load %arg15[%get3A_933, %get3A_934] {strides = array<i32>} : memref<80x64xi32, #tpu.memory_space<vmem>>, vector<16xi32>,
        %bitcast3A_936 = vector.bitcast %get3A_935 : vector<16xi32> to vector<32xbf16>
        %get3A_937 = arith.index_cast %add3A_870 : i32 to index
        %get3A_938 = arith.constant 48 : index
        %get3A_939 = tpu.vector_load %arg16[%get3A_937, %get3A_938] {strides = array<i32>} : memref<80x64xi32, #tpu.memory_space<vmem>>, vector<16xi32>,
        %bitcast3A_940 = vector.bitcast %get3A_939 : vector<16xi32> to vector<32xbf16>
        %mul3A_941 = arith.mulf %bitcast3A_932, %bitcast3A_936 : vector<32xbf16>
        %mul3A_942 = arith.mulf %mul3A_941, %bitcast3A_940 : vector<32xbf16>
        %unpack3A_943 = tpu.unpack_subelements %mul3A_942, 0 {pack_format = #tpu.pack_format<interleaved>} : vector<32xbf16> -> vector<16xf32>
        %unpack3A_944 = tpu.unpack_subelements %mul3A_942, 1 {pack_format = #tpu.pack_format<interleaved>} : vector<32xbf16> -> vector<16xf32>
        %add3A_945 = arith.addf %add3A_927, %unpack3A_943 : vector<16xf32>
        %add3A_946 = arith.addf %add3A_928, %unpack3A_944 : vector<16xf32>
        %add3A_947 = arith.addf %add3A_945, %add3A_946 : vector<16xf32>
        %swap3A_948 = arith.constant 144 : index
        %swap3A_949 = tpu.vector_load %arg17[%swap3A_948] {strides = array<i32>} : memref<256xf32, #tpu.memory_space<vmem>>, vector<16xf32>,
        tpu.vector_store %arg17[%swap3A_948], %add3A_947 {strides = array<i32>} : memref<256xf32, #tpu.memory_space<vmem>>, vector<16xf32>,
        %mul3A_950 = arith.constant 16 : i32
        %mul3A_951 = arith.muli %scan3A_124, %mul3A_950 : i32
        %add3A_952 = arith.constant 10 : i32
        %add3A_953 = arith.addi %mul3A_951, %add3A_952 : i32
        %broadcast_in_dim3A_954 = arith.constant 0.000000e+00 : f32
        %broadcast_in_dim3A_955 = vector.broadcast %broadcast_in_dim3A_954 : f32 to vector<16xf32>
        %broadcast_in_dim3A_956 = arith.constant 0.000000e+00 : f32
        %broadcast_in_dim3A_957 = vector.broadcast %broadcast_in_dim3A_956 : f32 to vector<16xf32>
        %get3A_958 = arith.index_cast %add3A_953 : i32 to index
        %get3A_959 = arith.constant 0 : index
        %get3A_960 = tpu.vector_load %arg14[%get3A_958, %get3A_959] {strides = array<i32>} : memref<80x64xi32, #tpu.memory_space<vmem>>, vector<16xi32>,
        %bitcast3A_961 = vector.bitcast %get3A_960 : vector<16xi32> to vector<32xbf16>
        %get3A_962 = arith.index_cast %add3A_953 : i32 to index
        %get3A_963 = arith.constant 0 : index
        %get3A_964 = tpu.vector_load %arg15[%get3A_962, %get3A_963] {strides = array<i32>} : memref<80x64xi32, #tpu.memory_space<vmem>>, vector<16xi32>,
        %bitcast3A_965 = vector.bitcast %get3A_964 : vector<16xi32> to vector<32xbf16>
        %get3A_966 = arith.index_cast %add3A_953 : i32 to index
        %get3A_967 = arith.constant 0 : index
        %get3A_968 = tpu.vector_load %arg16[%get3A_966, %get3A_967] {strides = array<i32>} : memref<80x64xi32, #tpu.memory_space<vmem>>, vector<16xi32>,
        %bitcast3A_969 = vector.bitcast %get3A_968 : vector<16xi32> to vector<32xbf16>
        %mul3A_970 = arith.mulf %bitcast3A_961, %bitcast3A_965 : vector<32xbf16>
        %mul3A_971 = arith.mulf %mul3A_970, %bitcast3A_969 : vector<32xbf16>
        %unpack3A_972 = tpu.unpack_subelements %mul3A_971, 0 {pack_format = #tpu.pack_format<interleaved>} : vector<32xbf16> -> vector<16xf32>
        %unpack3A_973 = tpu.unpack_subelements %mul3A_971, 1 {pack_format = #tpu.pack_format<interleaved>} : vector<32xbf16> -> vector<16xf32>
        %add3A_974 = arith.addf %broadcast_in_dim3A_955, %unpack3A_972 : vector<16xf32>
        %add3A_975 = arith.addf %broadcast_in_dim3A_957, %unpack3A_973 : vector<16xf32>
        %get3A_976 = arith.index_cast %add3A_953 : i32 to index
        %get3A_977 = arith.constant 16 : index
        %get3A_978 = tpu.vector_load %arg14[%get3A_976, %get3A_977] {strides = array<i32>} : memref<80x64xi32, #tpu.memory_space<vmem>>, vector<16xi32>,
        %bitcast3A_979 = vector.bitcast %get3A_978 : vector<16xi32> to vector<32xbf16>
        %get3A_980 = arith.index_cast %add3A_953 : i32 to index
        %get3A_981 = arith.constant 16 : index
        %get3A_982 = tpu.vector_load %arg15[%get3A_980, %get3A_981] {strides = array<i32>} : memref<80x64xi32, #tpu.memory_space<vmem>>, vector<16xi32>,
        %bitcast3A_983 = vector.bitcast %get3A_982 : vector<16xi32> to vector<32xbf16>
        %get3A_984 = arith.index_cast %add3A_953 : i32 to index
        %get3A_985 = arith.constant 16 : index
        %get3A_986 = tpu.vector_load %arg16[%get3A_984, %get3A_985] {strides = array<i32>} : memref<80x64xi32, #tpu.memory_space<vmem>>, vector<16xi32>,
        %bitcast3A_987 = vector.bitcast %get3A_986 : vector<16xi32> to vector<32xbf16>
        %mul3A_988 = arith.mulf %bitcast3A_979, %bitcast3A_983 : vector<32xbf16>
        %mul3A_989 = arith.mulf %mul3A_988, %bitcast3A_987 : vector<32xbf16>
        %unpack3A_990 = tpu.unpack_subelements %mul3A_989, 0 {pack_format = #tpu.pack_format<interleaved>} : vector<32xbf16> -> vector<16xf32>
        %unpack3A_991 = tpu.unpack_subelements %mul3A_989, 1 {pack_format = #tpu.pack_format<interleaved>} : vector<32xbf16> -> vector<16xf32>
        %add3A_992 = arith.addf %add3A_974, %unpack3A_990 : vector<16xf32>
        %add3A_993 = arith.addf %add3A_975, %unpack3A_991 : vector<16xf32>
        %get3A_994 = arith.index_cast %add3A_953 : i32 to index
        %get3A_995 = arith.constant 32 : index
        %get3A_996 = tpu.vector_load %arg14[%get3A_994, %get3A_995] {strides = array<i32>} : memref<80x64xi32, #tpu.memory_space<vmem>>, vector<16xi32>,
        %bitcast3A_997 = vector.bitcast %get3A_996 : vector<16xi32> to vector<32xbf16>
        %get3A_998 = arith.index_cast %add3A_953 : i32 to index
        %get3A_999 = arith.constant 32 : index
        %get3A_1000 = tpu.vector_load %arg15[%get3A_998, %get3A_999] {strides = array<i32>} : memref<80x64xi32, #tpu.memory_space<vmem>>, vector<16xi32>,
        %bitcast3A_1001 = vector.bitcast %get3A_1000 : vector<16xi32> to vector<32xbf16>
        %get3A_1002 = arith.index_cast %add3A_953 : i32 to index
        %get3A_1003 = arith.constant 32 : index
        %get3A_1004 = tpu.vector_load %arg16[%get3A_1002, %get3A_1003] {strides = array<i32>} : memref<80x64xi32, #tpu.memory_space<vmem>>, vector<16xi32>,
        %bitcast3A_1005 = vector.bitcast %get3A_1004 : vector<16xi32> to vector<32xbf16>
        %mul3A_1006 = arith.mulf %bitcast3A_997, %bitcast3A_1001 : vector<32xbf16>
        %mul3A_1007 = arith.mulf %mul3A_1006, %bitcast3A_1005 : vector<32xbf16>
        %unpack3A_1008 = tpu.unpack_subelements %mul3A_1007, 0 {pack_format = #tpu.pack_format<interleaved>} : vector<32xbf16> -> vector<16xf32>
        %unpack3A_1009 = tpu.unpack_subelements %mul3A_1007, 1 {pack_format = #tpu.pack_format<interleaved>} : vector<32xbf16> -> vector<16xf32>
        %add3A_1010 = arith.addf %add3A_992, %unpack3A_1008 : vector<16xf32>
        %add3A_1011 = arith.addf %add3A_993, %unpack3A_1009 : vector<16xf32>
        %get3A_1012 = arith.index_cast %add3A_953 : i32 to index
        %get3A_1013 = arith.constant 48 : index
        %get3A_1014 = tpu.vector_load %arg14[%get3A_1012, %get3A_1013] {strides = array<i32>} : memref<80x64xi32, #tpu.memory_space<vmem>>, vector<16xi32>,
        %bitcast3A_1015 = vector.bitcast %get3A_1014 : vector<16xi32> to vector<32xbf16>
        %get3A_1016 = arith.index_cast %add3A_953 : i32 to index
        %get3A_1017 = arith.constant 48 : index
        %get3A_1018 = tpu.vector_load %arg15[%get3A_1016, %get3A_1017] {strides = array<i32>} : memref<80x64xi32, #tpu.memory_space<vmem>>, vector<16xi32>,
        %bitcast3A_1019 = vector.bitcast %get3A_1018 : vector<16xi32> to vector<32xbf16>
        %get3A_1020 = arith.index_cast %add3A_953 : i32 to index
        %get3A_1021 = arith.constant 48 : index
        %get3A_1022 = tpu.vector_load %arg16[%get3A_1020, %get3A_1021] {strides = array<i32>} : memref<80x64xi32, #tpu.memory_space<vmem>>, vector<16xi32>,
        %bitcast3A_1023 = vector.bitcast %get3A_1022 : vector<16xi32> to vector<32xbf16>
        %mul3A_1024 = arith.mulf %bitcast3A_1015, %bitcast3A_1019 : vector<32xbf16>
        %mul3A_1025 = arith.mulf %mul3A_1024, %bitcast3A_1023 : vector<32xbf16>
        %unpack3A_1026 = tpu.unpack_subelements %mul3A_1025, 0 {pack_format = #tpu.pack_format<interleaved>} : vector<32xbf16> -> vector<16xf32>
        %unpack3A_1027 = tpu.unpack_subelements %mul3A_1025, 1 {pack_format = #tpu.pack_format<interleaved>} : vector<32xbf16> -> vector<16xf32>
        %add3A_1028 = arith.addf %add3A_1010, %unpack3A_1026 : vector<16xf32>
        %add3A_1029 = arith.addf %add3A_1011, %unpack3A_1027 : vector<16xf32>
        %add3A_1030 = arith.addf %add3A_1028, %add3A_1029 : vector<16xf32>
        %swap3A_1031 = arith.constant 160 : index
        %swap3A_1032 = tpu.vector_load %arg17[%swap3A_1031] {strides = array<i32>} : memref<256xf32, #tpu.memory_space<vmem>>, vector<16xf32>,
        tpu.vector_store %arg17[%swap3A_1031], %add3A_1030 {strides = array<i32>} : memref<256xf32, #tpu.memory_space<vmem>>, vector<16xf32>,
        %mul3A_1033 = arith.constant 16 : i32
        %mul3A_1034 = arith.muli %scan3A_124, %mul3A_1033 : i32
        %add3A_1035 = arith.constant 11 : i32
        %add3A_1036 = arith.addi %mul3A_1034, %add3A_1035 : i32
        %broadcast_in_dim3A_1037 = arith.constant 0.000000e+00 : f32
        %broadcast_in_dim3A_1038 = vector.broadcast %broadcast_in_dim3A_1037 : f32 to vector<16xf32>
        %broadcast_in_dim3A_1039 = arith.constant 0.000000e+00 : f32
        %broadcast_in_dim3A_1040 = vector.broadcast %broadcast_in_dim3A_1039 : f32 to vector<16xf32>
        %get3A_1041 = arith.index_cast %add3A_1036 : i32 to index
        %get3A_1042 = arith.constant 0 : index
        %get3A_1043 = tpu.vector_load %arg14[%get3A_1041, %get3A_1042] {strides = array<i32>} : memref<80x64xi32, #tpu.memory_space<vmem>>, vector<16xi32>,
        %bitcast3A_1044 = vector.bitcast %get3A_1043 : vector<16xi32> to vector<32xbf16>
        %get3A_1045 = arith.index_cast %add3A_1036 : i32 to index
        %get3A_1046 = arith.constant 0 : index
        %get3A_1047 = tpu.vector_load %arg15[%get3A_1045, %get3A_1046] {strides = array<i32>} : memref<80x64xi32, #tpu.memory_space<vmem>>, vector<16xi32>,
        %bitcast3A_1048 = vector.bitcast %get3A_1047 : vector<16xi32> to vector<32xbf16>
        %get3A_1049 = arith.index_cast %add3A_1036 : i32 to index
        %get3A_1050 = arith.constant 0 : index
        %get3A_1051 = tpu.vector_load %arg16[%get3A_1049, %get3A_1050] {strides = array<i32>} : memref<80x64xi32, #tpu.memory_space<vmem>>, vector<16xi32>,
        %bitcast3A_1052 = vector.bitcast %get3A_1051 : vector<16xi32> to vector<32xbf16>
        %mul3A_1053 = arith.mulf %bitcast3A_1044, %bitcast3A_1048 : vector<32xbf16>
        %mul3A_1054 = arith.mulf %mul3A_1053, %bitcast3A_1052 : vector<32xbf16>
        %unpack3A_1055 = tpu.unpack_subelements %mul3A_1054, 0 {pack_format = #tpu.pack_format<interleaved>} : vector<32xbf16> -> vector<16xf32>
        %unpack3A_1056 = tpu.unpack_subelements %mul3A_1054, 1 {pack_format = #tpu.pack_format<interleaved>} : vector<32xbf16> -> vector<16xf32>
        %add3A_1057 = arith.addf %broadcast_in_dim3A_1038, %unpack3A_1055 : vector<16xf32>
        %add3A_1058 = arith.addf %broadcast_in_dim3A_1040, %unpack3A_1056 : vector<16xf32>
        %get3A_1059 = arith.index_cast %add3A_1036 : i32 to index
        %get3A_1060 = arith.constant 16 : index
        %get3A_1061 = tpu.vector_load %arg14[%get3A_1059, %get3A_1060] {strides = array<i32>} : memref<80x64xi32, #tpu.memory_space<vmem>>, vector<16xi32>,
        %bitcast3A_1062 = vector.bitcast %get3A_1061 : vector<16xi32> to vector<32xbf16>
        %get3A_1063 = arith.index_cast %add3A_1036 : i32 to index
        %get3A_1064 = arith.constant 16 : index
        %get3A_1065 = tpu.vector_load %arg15[%get3A_1063, %get3A_1064] {strides = array<i32>} : memref<80x64xi32, #tpu.memory_space<vmem>>, vector<16xi32>,
        %bitcast3A_1066 = vector.bitcast %get3A_1065 : vector<16xi32> to vector<32xbf16>
        %get3A_1067 = arith.index_cast %add3A_1036 : i32 to index
        %get3A_1068 = arith.constant 16 : index
        %get3A_1069 = tpu.vector_load %arg16[%get3A_1067, %get3A_1068] {strides = array<i32>} : memref<80x64xi32, #tpu.memory_space<vmem>>, vector<16xi32>,
        %bitcast3A_1070 = vector.bitcast %get3A_1069 : vector<16xi32> to vector<32xbf16>
        %mul3A_1071 = arith.mulf %bitcast3A_1062, %bitcast3A_1066 : vector<32xbf16>
        %mul3A_1072 = arith.mulf %mul3A_1071, %bitcast3A_1070 : vector<32xbf16>
        %unpack3A_1073 = tpu.unpack_subelements %mul3A_1072, 0 {pack_format = #tpu.pack_format<interleaved>} : vector<32xbf16> -> vector<16xf32>
        %unpack3A_1074 = tpu.unpack_subelements %mul3A_1072, 1 {pack_format = #tpu.pack_format<interleaved>} : vector<32xbf16> -> vector<16xf32>
        %add3A_1075 = arith.addf %add3A_1057, %unpack3A_1073 : vector<16xf32>
        %add3A_1076 = arith.addf %add3A_1058, %unpack3A_1074 : vector<16xf32>
        %get3A_1077 = arith.index_cast %add3A_1036 : i32 to index
        %get3A_1078 = arith.constant 32 : index
        %get3A_1079 = tpu.vector_load %arg14[%get3A_1077, %get3A_1078] {strides = array<i32>} : memref<80x64xi32, #tpu.memory_space<vmem>>, vector<16xi32>,
        %bitcast3A_1080 = vector.bitcast %get3A_1079 : vector<16xi32> to vector<32xbf16>
        %get3A_1081 = arith.index_cast %add3A_1036 : i32 to index
        %get3A_1082 = arith.constant 32 : index
        %get3A_1083 = tpu.vector_load %arg15[%get3A_1081, %get3A_1082] {strides = array<i32>} : memref<80x64xi32, #tpu.memory_space<vmem>>, vector<16xi32>,
        %bitcast3A_1084 = vector.bitcast %get3A_1083 : vector<16xi32> to vector<32xbf16>
        %get3A_1085 = arith.index_cast %add3A_1036 : i32 to index
        %get3A_1086 = arith.constant 32 : index
        %get3A_1087 = tpu.vector_load %arg16[%get3A_1085, %get3A_1086] {strides = array<i32>} : memref<80x64xi32, #tpu.memory_space<vmem>>, vector<16xi32>,
        %bitcast3A_1088 = vector.bitcast %get3A_1087 : vector<16xi32> to vector<32xbf16>
        %mul3A_1089 = arith.mulf %bitcast3A_1080, %bitcast3A_1084 : vector<32xbf16>
        %mul3A_1090 = arith.mulf %mul3A_1089, %bitcast3A_1088 : vector<32xbf16>
        %unpack3A_1091 = tpu.unpack_subelements %mul3A_1090, 0 {pack_format = #tpu.pack_format<interleaved>} : vector<32xbf16> -> vector<16xf32>
        %unpack3A_1092 = tpu.unpack_subelements %mul3A_1090, 1 {pack_format = #tpu.pack_format<interleaved>} : vector<32xbf16> -> vector<16xf32>
        %add3A_1093 = arith.addf %add3A_1075, %unpack3A_1091 : vector<16xf32>
        %add3A_1094 = arith.addf %add3A_1076, %unpack3A_1092 : vector<16xf32>
        %get3A_1095 = arith.index_cast %add3A_1036 : i32 to index
        %get3A_1096 = arith.constant 48 : index
        %get3A_1097 = tpu.vector_load %arg14[%get3A_1095, %get3A_1096] {strides = array<i32>} : memref<80x64xi32, #tpu.memory_space<vmem>>, vector<16xi32>,
        %bitcast3A_1098 = vector.bitcast %get3A_1097 : vector<16xi32> to vector<32xbf16>
        %get3A_1099 = arith.index_cast %add3A_1036 : i32 to index
        %get3A_1100 = arith.constant 48 : index
        %get3A_1101 = tpu.vector_load %arg15[%get3A_1099, %get3A_1100] {strides = array<i32>} : memref<80x64xi32, #tpu.memory_space<vmem>>, vector<16xi32>,
        %bitcast3A_1102 = vector.bitcast %get3A_1101 : vector<16xi32> to vector<32xbf16>
        %get3A_1103 = arith.index_cast %add3A_1036 : i32 to index
        %get3A_1104 = arith.constant 48 : index
        %get3A_1105 = tpu.vector_load %arg16[%get3A_1103, %get3A_1104] {strides = array<i32>} : memref<80x64xi32, #tpu.memory_space<vmem>>, vector<16xi32>,
        %bitcast3A_1106 = vector.bitcast %get3A_1105 : vector<16xi32> to vector<32xbf16>
        %mul3A_1107 = arith.mulf %bitcast3A_1098, %bitcast3A_1102 : vector<32xbf16>
        %mul3A_1108 = arith.mulf %mul3A_1107, %bitcast3A_1106 : vector<32xbf16>
        %unpack3A_1109 = tpu.unpack_subelements %mul3A_1108, 0 {pack_format = #tpu.pack_format<interleaved>} : vector<32xbf16> -> vector<16xf32>
        %unpack3A_1110 = tpu.unpack_subelements %mul3A_1108, 1 {pack_format = #tpu.pack_format<interleaved>} : vector<32xbf16> -> vector<16xf32>
        %add3A_1111 = arith.addf %add3A_1093, %unpack3A_1109 : vector<16xf32>
        %add3A_1112 = arith.addf %add3A_1094, %unpack3A_1110 : vector<16xf32>
        %add3A_1113 = arith.addf %add3A_1111, %add3A_1112 : vector<16xf32>
        %swap3A_1114 = arith.constant 176 : index
        %swap3A_1115 = tpu.vector_load %arg17[%swap3A_1114] {strides = array<i32>} : memref<256xf32, #tpu.memory_space<vmem>>, vector<16xf32>,
        tpu.vector_store %arg17[%swap3A_1114], %add3A_1113 {strides = array<i32>} : memref<256xf32, #tpu.memory_space<vmem>>, vector<16xf32>,
        %mul3A_1116 = arith.constant 16 : i32
        %mul3A_1117 = arith.muli %scan3A_124, %mul3A_1116 : i32
        %add3A_1118 = arith.constant 12 : i32
        %add3A_1119 = arith.addi %mul3A_1117, %add3A_1118 : i32
        %broadcast_in_dim3A_1120 = arith.constant 0.000000e+00 : f32
        %broadcast_in_dim3A_1121 = vector.broadcast %broadcast_in_dim3A_1120 : f32 to vector<16xf32>
        %broadcast_in_dim3A_1122 = arith.constant 0.000000e+00 : f32
        %broadcast_in_dim3A_1123 = vector.broadcast %broadcast_in_dim3A_1122 : f32 to vector<16xf32>
        %get3A_1124 = arith.index_cast %add3A_1119 : i32 to index
        %get3A_1125 = arith.constant 0 : index
        %get3A_1126 = tpu.vector_load %arg14[%get3A_1124, %get3A_1125] {strides = array<i32>} : memref<80x64xi32, #tpu.memory_space<vmem>>, vector<16xi32>,
        %bitcast3A_1127 = vector.bitcast %get3A_1126 : vector<16xi32> to vector<32xbf16>
        %get3A_1128 = arith.index_cast %add3A_1119 : i32 to index
        %get3A_1129 = arith.constant 0 : index
        %get3A_1130 = tpu.vector_load %arg15[%get3A_1128, %get3A_1129] {strides = array<i32>} : memref<80x64xi32, #tpu.memory_space<vmem>>, vector<16xi32>,
        %bitcast3A_1131 = vector.bitcast %get3A_1130 : vector<16xi32> to vector<32xbf16>
        %get3A_1132 = arith.index_cast %add3A_1119 : i32 to index
        %get3A_1133 = arith.constant 0 : index
        %get3A_1134 = tpu.vector_load %arg16[%get3A_1132, %get3A_1133] {strides = array<i32>} : memref<80x64xi32, #tpu.memory_space<vmem>>, vector<16xi32>,
        %bitcast3A_1135 = vector.bitcast %get3A_1134 : vector<16xi32> to vector<32xbf16>
        %mul3A_1136 = arith.mulf %bitcast3A_1127, %bitcast3A_1131 : vector<32xbf16>
        %mul3A_1137 = arith.mulf %mul3A_1136, %bitcast3A_1135 : vector<32xbf16>
        %unpack3A_1138 = tpu.unpack_subelements %mul3A_1137, 0 {pack_format = #tpu.pack_format<interleaved>} : vector<32xbf16> -> vector<16xf32>
        %unpack3A_1139 = tpu.unpack_subelements %mul3A_1137, 1 {pack_format = #tpu.pack_format<interleaved>} : vector<32xbf16> -> vector<16xf32>
        %add3A_1140 = arith.addf %broadcast_in_dim3A_1121, %unpack3A_1138 : vector<16xf32>
        %add3A_1141 = arith.addf %broadcast_in_dim3A_1123, %unpack3A_1139 : vector<16xf32>
        %get3A_1142 = arith.index_cast %add3A_1119 : i32 to index
        %get3A_1143 = arith.constant 16 : index
        %get3A_1144 = tpu.vector_load %arg14[%get3A_1142, %get3A_1143] {strides = array<i32>} : memref<80x64xi32, #tpu.memory_space<vmem>>, vector<16xi32>,
        %bitcast3A_1145 = vector.bitcast %get3A_1144 : vector<16xi32> to vector<32xbf16>
        %get3A_1146 = arith.index_cast %add3A_1119 : i32 to index
        %get3A_1147 = arith.constant 16 : index
        %get3A_1148 = tpu.vector_load %arg15[%get3A_1146, %get3A_1147] {strides = array<i32>} : memref<80x64xi32, #tpu.memory_space<vmem>>, vector<16xi32>,
        %bitcast3A_1149 = vector.bitcast %get3A_1148 : vector<16xi32> to vector<32xbf16>
        %get3A_1150 = arith.index_cast %add3A_1119 : i32 to index
        %get3A_1151 = arith.constant 16 : index
        %get3A_1152 = tpu.vector_load %arg16[%get3A_1150, %get3A_1151] {strides = array<i32>} : memref<80x64xi32, #tpu.memory_space<vmem>>, vector<16xi32>,
        %bitcast3A_1153 = vector.bitcast %get3A_1152 : vector<16xi32> to vector<32xbf16>
        %mul3A_1154 = arith.mulf %bitcast3A_1145, %bitcast3A_1149 : vector<32xbf16>
        %mul3A_1155 = arith.mulf %mul3A_1154, %bitcast3A_1153 : vector<32xbf16>
        %unpack3A_1156 = tpu.unpack_subelements %mul3A_1155, 0 {pack_format = #tpu.pack_format<interleaved>} : vector<32xbf16> -> vector<16xf32>
        %unpack3A_1157 = tpu.unpack_subelements %mul3A_1155, 1 {pack_format = #tpu.pack_format<interleaved>} : vector<32xbf16> -> vector<16xf32>
        %add3A_1158 = arith.addf %add3A_1140, %unpack3A_1156 : vector<16xf32>
        %add3A_1159 = arith.addf %add3A_1141, %unpack3A_1157 : vector<16xf32>
        %get3A_1160 = arith.index_cast %add3A_1119 : i32 to index
        %get3A_1161 = arith.constant 32 : index
        %get3A_1162 = tpu.vector_load %arg14[%get3A_1160, %get3A_1161] {strides = array<i32>} : memref<80x64xi32, #tpu.memory_space<vmem>>, vector<16xi32>,
        %bitcast3A_1163 = vector.bitcast %get3A_1162 : vector<16xi32> to vector<32xbf16>
        %get3A_1164 = arith.index_cast %add3A_1119 : i32 to index
        %get3A_1165 = arith.constant 32 : index
        %get3A_1166 = tpu.vector_load %arg15[%get3A_1164, %get3A_1165] {strides = array<i32>} : memref<80x64xi32, #tpu.memory_space<vmem>>, vector<16xi32>,
        %bitcast3A_1167 = vector.bitcast %get3A_1166 : vector<16xi32> to vector<32xbf16>
        %get3A_1168 = arith.index_cast %add3A_1119 : i32 to index
        %get3A_1169 = arith.constant 32 : index
        %get3A_1170 = tpu.vector_load %arg16[%get3A_1168, %get3A_1169] {strides = array<i32>} : memref<80x64xi32, #tpu.memory_space<vmem>>, vector<16xi32>,
        %bitcast3A_1171 = vector.bitcast %get3A_1170 : vector<16xi32> to vector<32xbf16>
        %mul3A_1172 = arith.mulf %bitcast3A_1163, %bitcast3A_1167 : vector<32xbf16>
        %mul3A_1173 = arith.mulf %mul3A_1172, %bitcast3A_1171 : vector<32xbf16>
        %unpack3A_1174 = tpu.unpack_subelements %mul3A_1173, 0 {pack_format = #tpu.pack_format<interleaved>} : vector<32xbf16> -> vector<16xf32>
        %unpack3A_1175 = tpu.unpack_subelements %mul3A_1173, 1 {pack_format = #tpu.pack_format<interleaved>} : vector<32xbf16> -> vector<16xf32>
        %add3A_1176 = arith.addf %add3A_1158, %unpack3A_1174 : vector<16xf32>
        %add3A_1177 = arith.addf %add3A_1159, %unpack3A_1175 : vector<16xf32>
        %get3A_1178 = arith.index_cast %add3A_1119 : i32 to index
        %get3A_1179 = arith.constant 48 : index
        %get3A_1180 = tpu.vector_load %arg14[%get3A_1178, %get3A_1179] {strides = array<i32>} : memref<80x64xi32, #tpu.memory_space<vmem>>, vector<16xi32>,
        %bitcast3A_1181 = vector.bitcast %get3A_1180 : vector<16xi32> to vector<32xbf16>
        %get3A_1182 = arith.index_cast %add3A_1119 : i32 to index
        %get3A_1183 = arith.constant 48 : index
        %get3A_1184 = tpu.vector_load %arg15[%get3A_1182, %get3A_1183] {strides = array<i32>} : memref<80x64xi32, #tpu.memory_space<vmem>>, vector<16xi32>,
        %bitcast3A_1185 = vector.bitcast %get3A_1184 : vector<16xi32> to vector<32xbf16>
        %get3A_1186 = arith.index_cast %add3A_1119 : i32 to index
        %get3A_1187 = arith.constant 48 : index
        %get3A_1188 = tpu.vector_load %arg16[%get3A_1186, %get3A_1187] {strides = array<i32>} : memref<80x64xi32, #tpu.memory_space<vmem>>, vector<16xi32>,
        %bitcast3A_1189 = vector.bitcast %get3A_1188 : vector<16xi32> to vector<32xbf16>
        %mul3A_1190 = arith.mulf %bitcast3A_1181, %bitcast3A_1185 : vector<32xbf16>
        %mul3A_1191 = arith.mulf %mul3A_1190, %bitcast3A_1189 : vector<32xbf16>
        %unpack3A_1192 = tpu.unpack_subelements %mul3A_1191, 0 {pack_format = #tpu.pack_format<interleaved>} : vector<32xbf16> -> vector<16xf32>
        %unpack3A_1193 = tpu.unpack_subelements %mul3A_1191, 1 {pack_format = #tpu.pack_format<interleaved>} : vector<32xbf16> -> vector<16xf32>
        %add3A_1194 = arith.addf %add3A_1176, %unpack3A_1192 : vector<16xf32>
        %add3A_1195 = arith.addf %add3A_1177, %unpack3A_1193 : vector<16xf32>
        %add3A_1196 = arith.addf %add3A_1194, %add3A_1195 : vector<16xf32>
        %swap3A_1197 = arith.constant 192 : index
        %swap3A_1198 = tpu.vector_load %arg17[%swap3A_1197] {strides = array<i32>} : memref<256xf32, #tpu.memory_space<vmem>>, vector<16xf32>,
        tpu.vector_store %arg17[%swap3A_1197], %add3A_1196 {strides = array<i32>} : memref<256xf32, #tpu.memory_space<vmem>>, vector<16xf32>,
        %mul3A_1199 = arith.constant 16 : i32
        %mul3A_1200 = arith.muli %scan3A_124, %mul3A_1199 : i32
        %add3A_1201 = arith.constant 13 : i32
        %add3A_1202 = arith.addi %mul3A_1200, %add3A_1201 : i32
        %broadcast_in_dim3A_1203 = arith.constant 0.000000e+00 : f32
        %broadcast_in_dim3A_1204 = vector.broadcast %broadcast_in_dim3A_1203 : f32 to vector<16xf32>
        %broadcast_in_dim3A_1205 = arith.constant 0.000000e+00 : f32
        %broadcast_in_dim3A_1206 = vector.broadcast %broadcast_in_dim3A_1205 : f32 to vector<16xf32>
        %get3A_1207 = arith.index_cast %add3A_1202 : i32 to index
        %get3A_1208 = arith.constant 0 : index
        %get3A_1209 = tpu.vector_load %arg14[%get3A_1207, %get3A_1208] {strides = array<i32>} : memref<80x64xi32, #tpu.memory_space<vmem>>, vector<16xi32>,
        %bitcast3A_1210 = vector.bitcast %get3A_1209 : vector<16xi32> to vector<32xbf16>
        %get3A_1211 = arith.index_cast %add3A_1202 : i32 to index
        %get3A_1212 = arith.constant 0 : index
        %get3A_1213 = tpu.vector_load %arg15[%get3A_1211, %get3A_1212] {strides = array<i32>} : memref<80x64xi32, #tpu.memory_space<vmem>>, vector<16xi32>,
        %bitcast3A_1214 = vector.bitcast %get3A_1213 : vector<16xi32> to vector<32xbf16>
        %get3A_1215 = arith.index_cast %add3A_1202 : i32 to index
        %get3A_1216 = arith.constant 0 : index
        %get3A_1217 = tpu.vector_load %arg16[%get3A_1215, %get3A_1216] {strides = array<i32>} : memref<80x64xi32, #tpu.memory_space<vmem>>, vector<16xi32>,
        %bitcast3A_1218 = vector.bitcast %get3A_1217 : vector<16xi32> to vector<32xbf16>
        %mul3A_1219 = arith.mulf %bitcast3A_1210, %bitcast3A_1214 : vector<32xbf16>
        %mul3A_1220 = arith.mulf %mul3A_1219, %bitcast3A_1218 : vector<32xbf16>
        %unpack3A_1221 = tpu.unpack_subelements %mul3A_1220, 0 {pack_format = #tpu.pack_format<interleaved>} : vector<32xbf16> -> vector<16xf32>
        %unpack3A_1222 = tpu.unpack_subelements %mul3A_1220, 1 {pack_format = #tpu.pack_format<interleaved>} : vector<32xbf16> -> vector<16xf32>
        %add3A_1223 = arith.addf %broadcast_in_dim3A_1204, %unpack3A_1221 : vector<16xf32>
        %add3A_1224 = arith.addf %broadcast_in_dim3A_1206, %unpack3A_1222 : vector<16xf32>
        %get3A_1225 = arith.index_cast %add3A_1202 : i32 to index
        %get3A_1226 = arith.constant 16 : index
        %get3A_1227 = tpu.vector_load %arg14[%get3A_1225, %get3A_1226] {strides = array<i32>} : memref<80x64xi32, #tpu.memory_space<vmem>>, vector<16xi32>,
        %bitcast3A_1228 = vector.bitcast %get3A_1227 : vector<16xi32> to vector<32xbf16>
        %get3A_1229 = arith.index_cast %add3A_1202 : i32 to index
        %get3A_1230 = arith.constant 16 : index
        %get3A_1231 = tpu.vector_load %arg15[%get3A_1229, %get3A_1230] {strides = array<i32>} : memref<80x64xi32, #tpu.memory_space<vmem>>, vector<16xi32>,
        %bitcast3A_1232 = vector.bitcast %get3A_1231 : vector<16xi32> to vector<32xbf16>
        %get3A_1233 = arith.index_cast %add3A_1202 : i32 to index
        %get3A_1234 = arith.constant 16 : index
        %get3A_1235 = tpu.vector_load %arg16[%get3A_1233, %get3A_1234] {strides = array<i32>} : memref<80x64xi32, #tpu.memory_space<vmem>>, vector<16xi32>,
        %bitcast3A_1236 = vector.bitcast %get3A_1235 : vector<16xi32> to vector<32xbf16>
        %mul3A_1237 = arith.mulf %bitcast3A_1228, %bitcast3A_1232 : vector<32xbf16>
        %mul3A_1238 = arith.mulf %mul3A_1237, %bitcast3A_1236 : vector<32xbf16>
        %unpack3A_1239 = tpu.unpack_subelements %mul3A_1238, 0 {pack_format = #tpu.pack_format<interleaved>} : vector<32xbf16> -> vector<16xf32>
        %unpack3A_1240 = tpu.unpack_subelements %mul3A_1238, 1 {pack_format = #tpu.pack_format<interleaved>} : vector<32xbf16> -> vector<16xf32>
        %add3A_1241 = arith.addf %add3A_1223, %unpack3A_1239 : vector<16xf32>
        %add3A_1242 = arith.addf %add3A_1224, %unpack3A_1240 : vector<16xf32>
        %get3A_1243 = arith.index_cast %add3A_1202 : i32 to index
        %get3A_1244 = arith.constant 32 : index
        %get3A_1245 = tpu.vector_load %arg14[%get3A_1243, %get3A_1244] {strides = array<i32>} : memref<80x64xi32, #tpu.memory_space<vmem>>, vector<16xi32>,
        %bitcast3A_1246 = vector.bitcast %get3A_1245 : vector<16xi32> to vector<32xbf16>
        %get3A_1247 = arith.index_cast %add3A_1202 : i32 to index
        %get3A_1248 = arith.constant 32 : index
        %get3A_1249 = tpu.vector_load %arg15[%get3A_1247, %get3A_1248] {strides = array<i32>} : memref<80x64xi32, #tpu.memory_space<vmem>>, vector<16xi32>,
        %bitcast3A_1250 = vector.bitcast %get3A_1249 : vector<16xi32> to vector<32xbf16>
        %get3A_1251 = arith.index_cast %add3A_1202 : i32 to index
        %get3A_1252 = arith.constant 32 : index
        %get3A_1253 = tpu.vector_load %arg16[%get3A_1251, %get3A_1252] {strides = array<i32>} : memref<80x64xi32, #tpu.memory_space<vmem>>, vector<16xi32>,
        %bitcast3A_1254 = vector.bitcast %get3A_1253 : vector<16xi32> to vector<32xbf16>
        %mul3A_1255 = arith.mulf %bitcast3A_1246, %bitcast3A_1250 : vector<32xbf16>
        %mul3A_1256 = arith.mulf %mul3A_1255, %bitcast3A_1254 : vector<32xbf16>
        %unpack3A_1257 = tpu.unpack_subelements %mul3A_1256, 0 {pack_format = #tpu.pack_format<interleaved>} : vector<32xbf16> -> vector<16xf32>
        %unpack3A_1258 = tpu.unpack_subelements %mul3A_1256, 1 {pack_format = #tpu.pack_format<interleaved>} : vector<32xbf16> -> vector<16xf32>
        %add3A_1259 = arith.addf %add3A_1241, %unpack3A_1257 : vector<16xf32>
        %add3A_1260 = arith.addf %add3A_1242, %unpack3A_1258 : vector<16xf32>
        %get3A_1261 = arith.index_cast %add3A_1202 : i32 to index
        %get3A_1262 = arith.constant 48 : index
        %get3A_1263 = tpu.vector_load %arg14[%get3A_1261, %get3A_1262] {strides = array<i32>} : memref<80x64xi32, #tpu.memory_space<vmem>>, vector<16xi32>,
        %bitcast3A_1264 = vector.bitcast %get3A_1263 : vector<16xi32> to vector<32xbf16>
        %get3A_1265 = arith.index_cast %add3A_1202 : i32 to index
        %get3A_1266 = arith.constant 48 : index
        %get3A_1267 = tpu.vector_load %arg15[%get3A_1265, %get3A_1266] {strides = array<i32>} : memref<80x64xi32, #tpu.memory_space<vmem>>, vector<16xi32>,
        %bitcast3A_1268 = vector.bitcast %get3A_1267 : vector<16xi32> to vector<32xbf16>
        %get3A_1269 = arith.index_cast %add3A_1202 : i32 to index
        %get3A_1270 = arith.constant 48 : index
        %get3A_1271 = tpu.vector_load %arg16[%get3A_1269, %get3A_1270] {strides = array<i32>} : memref<80x64xi32, #tpu.memory_space<vmem>>, vector<16xi32>,
        %bitcast3A_1272 = vector.bitcast %get3A_1271 : vector<16xi32> to vector<32xbf16>
        %mul3A_1273 = arith.mulf %bitcast3A_1264, %bitcast3A_1268 : vector<32xbf16>
        %mul3A_1274 = arith.mulf %mul3A_1273, %bitcast3A_1272 : vector<32xbf16>
        %unpack3A_1275 = tpu.unpack_subelements %mul3A_1274, 0 {pack_format = #tpu.pack_format<interleaved>} : vector<32xbf16> -> vector<16xf32>
        %unpack3A_1276 = tpu.unpack_subelements %mul3A_1274, 1 {pack_format = #tpu.pack_format<interleaved>} : vector<32xbf16> -> vector<16xf32>
        %add3A_1277 = arith.addf %add3A_1259, %unpack3A_1275 : vector<16xf32>
        %add3A_1278 = arith.addf %add3A_1260, %unpack3A_1276 : vector<16xf32>
        %add3A_1279 = arith.addf %add3A_1277, %add3A_1278 : vector<16xf32>
        %swap3A_1280 = arith.constant 208 : index
        %swap3A_1281 = tpu.vector_load %arg17[%swap3A_1280] {strides = array<i32>} : memref<256xf32, #tpu.memory_space<vmem>>, vector<16xf32>,
        tpu.vector_store %arg17[%swap3A_1280], %add3A_1279 {strides = array<i32>} : memref<256xf32, #tpu.memory_space<vmem>>, vector<16xf32>,
        %mul3A_1282 = arith.constant 16 : i32
        %mul3A_1283 = arith.muli %scan3A_124, %mul3A_1282 : i32
        %add3A_1284 = arith.constant 14 : i32
        %add3A_1285 = arith.addi %mul3A_1283, %add3A_1284 : i32
        %broadcast_in_dim3A_1286 = arith.constant 0.000000e+00 : f32
        %broadcast_in_dim3A_1287 = vector.broadcast %broadcast_in_dim3A_1286 : f32 to vector<16xf32>
        %broadcast_in_dim3A_1288 = arith.constant 0.000000e+00 : f32
        %broadcast_in_dim3A_1289 = vector.broadcast %broadcast_in_dim3A_1288 : f32 to vector<16xf32>
        %get3A_1290 = arith.index_cast %add3A_1285 : i32 to index
        %get3A_1291 = arith.constant 0 : index
        %get3A_1292 = tpu.vector_load %arg14[%get3A_1290, %get3A_1291] {strides = array<i32>} : memref<80x64xi32, #tpu.memory_space<vmem>>, vector<16xi32>,
        %bitcast3A_1293 = vector.bitcast %get3A_1292 : vector<16xi32> to vector<32xbf16>
        %get3A_1294 = arith.index_cast %add3A_1285 : i32 to index
        %get3A_1295 = arith.constant 0 : index
        %get3A_1296 = tpu.vector_load %arg15[%get3A_1294, %get3A_1295] {strides = array<i32>} : memref<80x64xi32, #tpu.memory_space<vmem>>, vector<16xi32>,
        %bitcast3A_1297 = vector.bitcast %get3A_1296 : vector<16xi32> to vector<32xbf16>
        %get3A_1298 = arith.index_cast %add3A_1285 : i32 to index
        %get3A_1299 = arith.constant 0 : index
        %get3A_1300 = tpu.vector_load %arg16[%get3A_1298, %get3A_1299] {strides = array<i32>} : memref<80x64xi32, #tpu.memory_space<vmem>>, vector<16xi32>,
        %bitcast3A_1301 = vector.bitcast %get3A_1300 : vector<16xi32> to vector<32xbf16>
        %mul3A_1302 = arith.mulf %bitcast3A_1293, %bitcast3A_1297 : vector<32xbf16>
        %mul3A_1303 = arith.mulf %mul3A_1302, %bitcast3A_1301 : vector<32xbf16>
        %unpack3A_1304 = tpu.unpack_subelements %mul3A_1303, 0 {pack_format = #tpu.pack_format<interleaved>} : vector<32xbf16> -> vector<16xf32>
        %unpack3A_1305 = tpu.unpack_subelements %mul3A_1303, 1 {pack_format = #tpu.pack_format<interleaved>} : vector<32xbf16> -> vector<16xf32>
        %add3A_1306 = arith.addf %broadcast_in_dim3A_1287, %unpack3A_1304 : vector<16xf32>
        %add3A_1307 = arith.addf %broadcast_in_dim3A_1289, %unpack3A_1305 : vector<16xf32>
        %get3A_1308 = arith.index_cast %add3A_1285 : i32 to index
        %get3A_1309 = arith.constant 16 : index
        %get3A_1310 = tpu.vector_load %arg14[%get3A_1308, %get3A_1309] {strides = array<i32>} : memref<80x64xi32, #tpu.memory_space<vmem>>, vector<16xi32>,
        %bitcast3A_1311 = vector.bitcast %get3A_1310 : vector<16xi32> to vector<32xbf16>
        %get3A_1312 = arith.index_cast %add3A_1285 : i32 to index
        %get3A_1313 = arith.constant 16 : index
        %get3A_1314 = tpu.vector_load %arg15[%get3A_1312, %get3A_1313] {strides = array<i32>} : memref<80x64xi32, #tpu.memory_space<vmem>>, vector<16xi32>,
        %bitcast3A_1315 = vector.bitcast %get3A_1314 : vector<16xi32> to vector<32xbf16>
        %get3A_1316 = arith.index_cast %add3A_1285 : i32 to index
        %get3A_1317 = arith.constant 16 : index
        %get3A_1318 = tpu.vector_load %arg16[%get3A_1316, %get3A_1317] {strides = array<i32>} : memref<80x64xi32, #tpu.memory_space<vmem>>, vector<16xi32>,
        %bitcast3A_1319 = vector.bitcast %get3A_1318 : vector<16xi32> to vector<32xbf16>
        %mul3A_1320 = arith.mulf %bitcast3A_1311, %bitcast3A_1315 : vector<32xbf16>
        %mul3A_1321 = arith.mulf %mul3A_1320, %bitcast3A_1319 : vector<32xbf16>
        %unpack3A_1322 = tpu.unpack_subelements %mul3A_1321, 0 {pack_format = #tpu.pack_format<interleaved>} : vector<32xbf16> -> vector<16xf32>
        %unpack3A_1323 = tpu.unpack_subelements %mul3A_1321, 1 {pack_format = #tpu.pack_format<interleaved>} : vector<32xbf16> -> vector<16xf32>
        %add3A_1324 = arith.addf %add3A_1306, %unpack3A_1322 : vector<16xf32>
        %add3A_1325 = arith.addf %add3A_1307, %unpack3A_1323 : vector<16xf32>
        %get3A_1326 = arith.index_cast %add3A_1285 : i32 to index
        %get3A_1327 = arith.constant 32 : index
        %get3A_1328 = tpu.vector_load %arg14[%get3A_1326, %get3A_1327] {strides = array<i32>} : memref<80x64xi32, #tpu.memory_space<vmem>>, vector<16xi32>,
        %bitcast3A_1329 = vector.bitcast %get3A_1328 : vector<16xi32> to vector<32xbf16>
        %get3A_1330 = arith.index_cast %add3A_1285 : i32 to index
        %get3A_1331 = arith.constant 32 : index
        %get3A_1332 = tpu.vector_load %arg15[%get3A_1330, %get3A_1331] {strides = array<i32>} : memref<80x64xi32, #tpu.memory_space<vmem>>, vector<16xi32>,
        %bitcast3A_1333 = vector.bitcast %get3A_1332 : vector<16xi32> to vector<32xbf16>
        %get3A_1334 = arith.index_cast %add3A_1285 : i32 to index
        %get3A_1335 = arith.constant 32 : index
        %get3A_1336 = tpu.vector_load %arg16[%get3A_1334, %get3A_1335] {strides = array<i32>} : memref<80x64xi32, #tpu.memory_space<vmem>>, vector<16xi32>,
        %bitcast3A_1337 = vector.bitcast %get3A_1336 : vector<16xi32> to vector<32xbf16>
        %mul3A_1338 = arith.mulf %bitcast3A_1329, %bitcast3A_1333 : vector<32xbf16>
        %mul3A_1339 = arith.mulf %mul3A_1338, %bitcast3A_1337 : vector<32xbf16>
        %unpack3A_1340 = tpu.unpack_subelements %mul3A_1339, 0 {pack_format = #tpu.pack_format<interleaved>} : vector<32xbf16> -> vector<16xf32>
        %unpack3A_1341 = tpu.unpack_subelements %mul3A_1339, 1 {pack_format = #tpu.pack_format<interleaved>} : vector<32xbf16> -> vector<16xf32>
        %add3A_1342 = arith.addf %add3A_1324, %unpack3A_1340 : vector<16xf32>
        %add3A_1343 = arith.addf %add3A_1325, %unpack3A_1341 : vector<16xf32>
        %get3A_1344 = arith.index_cast %add3A_1285 : i32 to index
        %get3A_1345 = arith.constant 48 : index
        %get3A_1346 = tpu.vector_load %arg14[%get3A_1344, %get3A_1345] {strides = array<i32>} : memref<80x64xi32, #tpu.memory_space<vmem>>, vector<16xi32>,
        %bitcast3A_1347 = vector.bitcast %get3A_1346 : vector<16xi32> to vector<32xbf16>
        %get3A_1348 = arith.index_cast %add3A_1285 : i32 to index
        %get3A_1349 = arith.constant 48 : index
        %get3A_1350 = tpu.vector_load %arg15[%get3A_1348, %get3A_1349] {strides = array<i32>} : memref<80x64xi32, #tpu.memory_space<vmem>>, vector<16xi32>,
        %bitcast3A_1351 = vector.bitcast %get3A_1350 : vector<16xi32> to vector<32xbf16>
        %get3A_1352 = arith.index_cast %add3A_1285 : i32 to index
        %get3A_1353 = arith.constant 48 : index
        %get3A_1354 = tpu.vector_load %arg16[%get3A_1352, %get3A_1353] {strides = array<i32>} : memref<80x64xi32, #tpu.memory_space<vmem>>, vector<16xi32>,
        %bitcast3A_1355 = vector.bitcast %get3A_1354 : vector<16xi32> to vector<32xbf16>
        %mul3A_1356 = arith.mulf %bitcast3A_1347, %bitcast3A_1351 : vector<32xbf16>
        %mul3A_1357 = arith.mulf %mul3A_1356, %bitcast3A_1355 : vector<32xbf16>
        %unpack3A_1358 = tpu.unpack_subelements %mul3A_1357, 0 {pack_format = #tpu.pack_format<interleaved>} : vector<32xbf16> -> vector<16xf32>
        %unpack3A_1359 = tpu.unpack_subelements %mul3A_1357, 1 {pack_format = #tpu.pack_format<interleaved>} : vector<32xbf16> -> vector<16xf32>
        %add3A_1360 = arith.addf %add3A_1342, %unpack3A_1358 : vector<16xf32>
        %add3A_1361 = arith.addf %add3A_1343, %unpack3A_1359 : vector<16xf32>
        %add3A_1362 = arith.addf %add3A_1360, %add3A_1361 : vector<16xf32>
        %swap3A_1363 = arith.constant 224 : index
        %swap3A_1364 = tpu.vector_load %arg17[%swap3A_1363] {strides = array<i32>} : memref<256xf32, #tpu.memory_space<vmem>>, vector<16xf32>,
        tpu.vector_store %arg17[%swap3A_1363], %add3A_1362 {strides = array<i32>} : memref<256xf32, #tpu.memory_space<vmem>>, vector<16xf32>,
        %mul3A_1365 = arith.constant 16 : i32
        %mul3A_1366 = arith.muli %scan3A_124, %mul3A_1365 : i32
        %add3A_1367 = arith.constant 15 : i32
        %add3A_1368 = arith.addi %mul3A_1366, %add3A_1367 : i32
        %broadcast_in_dim3A_1369 = arith.constant 0.000000e+00 : f32
        %broadcast_in_dim3A_1370 = vector.broadcast %broadcast_in_dim3A_1369 : f32 to vector<16xf32>
        %broadcast_in_dim3A_1371 = arith.constant 0.000000e+00 : f32
        %broadcast_in_dim3A_1372 = vector.broadcast %broadcast_in_dim3A_1371 : f32 to vector<16xf32>
        %get3A_1373 = arith.index_cast %add3A_1368 : i32 to index
        %get3A_1374 = arith.constant 0 : index
        %get3A_1375 = tpu.vector_load %arg14[%get3A_1373, %get3A_1374] {strides = array<i32>} : memref<80x64xi32, #tpu.memory_space<vmem>>, vector<16xi32>,
        %bitcast3A_1376 = vector.bitcast %get3A_1375 : vector<16xi32> to vector<32xbf16>
        %get3A_1377 = arith.index_cast %add3A_1368 : i32 to index
        %get3A_1378 = arith.constant 0 : index
        %get3A_1379 = tpu.vector_load %arg15[%get3A_1377, %get3A_1378] {strides = array<i32>} : memref<80x64xi32, #tpu.memory_space<vmem>>, vector<16xi32>,
        %bitcast3A_1380 = vector.bitcast %get3A_1379 : vector<16xi32> to vector<32xbf16>
        %get3A_1381 = arith.index_cast %add3A_1368 : i32 to index
        %get3A_1382 = arith.constant 0 : index
        %get3A_1383 = tpu.vector_load %arg16[%get3A_1381, %get3A_1382] {strides = array<i32>} : memref<80x64xi32, #tpu.memory_space<vmem>>, vector<16xi32>,
        %bitcast3A_1384 = vector.bitcast %get3A_1383 : vector<16xi32> to vector<32xbf16>
        %mul3A_1385 = arith.mulf %bitcast3A_1376, %bitcast3A_1380 : vector<32xbf16>
        %mul3A_1386 = arith.mulf %mul3A_1385, %bitcast3A_1384 : vector<32xbf16>
        %unpack3A_1387 = tpu.unpack_subelements %mul3A_1386, 0 {pack_format = #tpu.pack_format<interleaved>} : vector<32xbf16> -> vector<16xf32>
        %unpack3A_1388 = tpu.unpack_subelements %mul3A_1386, 1 {pack_format = #tpu.pack_format<interleaved>} : vector<32xbf16> -> vector<16xf32>
        %add3A_1389 = arith.addf %broadcast_in_dim3A_1370, %unpack3A_1387 : vector<16xf32>
        %add3A_1390 = arith.addf %broadcast_in_dim3A_1372, %unpack3A_1388 : vector<16xf32>
        %get3A_1391 = arith.index_cast %add3A_1368 : i32 to index
        %get3A_1392 = arith.constant 16 : index
        %get3A_1393 = tpu.vector_load %arg14[%get3A_1391, %get3A_1392] {strides = array<i32>} : memref<80x64xi32, #tpu.memory_space<vmem>>, vector<16xi32>,
        %bitcast3A_1394 = vector.bitcast %get3A_1393 : vector<16xi32> to vector<32xbf16>
        %get3A_1395 = arith.index_cast %add3A_1368 : i32 to index
        %get3A_1396 = arith.constant 16 : index
        %get3A_1397 = tpu.vector_load %arg15[%get3A_1395, %get3A_1396] {strides = array<i32>} : memref<80x64xi32, #tpu.memory_space<vmem>>, vector<16xi32>,
        %bitcast3A_1398 = vector.bitcast %get3A_1397 : vector<16xi32> to vector<32xbf16>
        %get3A_1399 = arith.index_cast %add3A_1368 : i32 to index
        %get3A_1400 = arith.constant 16 : index
        %get3A_1401 = tpu.vector_load %arg16[%get3A_1399, %get3A_1400] {strides = array<i32>} : memref<80x64xi32, #tpu.memory_space<vmem>>, vector<16xi32>,
        %bitcast3A_1402 = vector.bitcast %get3A_1401 : vector<16xi32> to vector<32xbf16>
        %mul3A_1403 = arith.mulf %bitcast3A_1394, %bitcast3A_1398 : vector<32xbf16>
        %mul3A_1404 = arith.mulf %mul3A_1403, %bitcast3A_1402 : vector<32xbf16>
        %unpack3A_1405 = tpu.unpack_subelements %mul3A_1404, 0 {pack_format = #tpu.pack_format<interleaved>} : vector<32xbf16> -> vector<16xf32>
        %unpack3A_1406 = tpu.unpack_subelements %mul3A_1404, 1 {pack_format = #tpu.pack_format<interleaved>} : vector<32xbf16> -> vector<16xf32>
        %add3A_1407 = arith.addf %add3A_1389, %unpack3A_1405 : vector<16xf32>
        %add3A_1408 = arith.addf %add3A_1390, %unpack3A_1406 : vector<16xf32>
        %get3A_1409 = arith.index_cast %add3A_1368 : i32 to index
        %get3A_1410 = arith.constant 32 : index
        %get3A_1411 = tpu.vector_load %arg14[%get3A_1409, %get3A_1410] {strides = array<i32>} : memref<80x64xi32, #tpu.memory_space<vmem>>, vector<16xi32>,
        %bitcast3A_1412 = vector.bitcast %get3A_1411 : vector<16xi32> to vector<32xbf16>
        %get3A_1413 = arith.index_cast %add3A_1368 : i32 to index
        %get3A_1414 = arith.constant 32 : index
        %get3A_1415 = tpu.vector_load %arg15[%get3A_1413, %get3A_1414] {strides = array<i32>} : memref<80x64xi32, #tpu.memory_space<vmem>>, vector<16xi32>,
        %bitcast3A_1416 = vector.bitcast %get3A_1415 : vector<16xi32> to vector<32xbf16>
        %get3A_1417 = arith.index_cast %add3A_1368 : i32 to index
        %get3A_1418 = arith.constant 32 : index
        %get3A_1419 = tpu.vector_load %arg16[%get3A_1417, %get3A_1418] {strides = array<i32>} : memref<80x64xi32, #tpu.memory_space<vmem>>, vector<16xi32>,
        %bitcast3A_1420 = vector.bitcast %get3A_1419 : vector<16xi32> to vector<32xbf16>
        %mul3A_1421 = arith.mulf %bitcast3A_1412, %bitcast3A_1416 : vector<32xbf16>
        %mul3A_1422 = arith.mulf %mul3A_1421, %bitcast3A_1420 : vector<32xbf16>
        %unpack3A_1423 = tpu.unpack_subelements %mul3A_1422, 0 {pack_format = #tpu.pack_format<interleaved>} : vector<32xbf16> -> vector<16xf32>
        %unpack3A_1424 = tpu.unpack_subelements %mul3A_1422, 1 {pack_format = #tpu.pack_format<interleaved>} : vector<32xbf16> -> vector<16xf32>
        %add3A_1425 = arith.addf %add3A_1407, %unpack3A_1423 : vector<16xf32>
        %add3A_1426 = arith.addf %add3A_1408, %unpack3A_1424 : vector<16xf32>
        %get3A_1427 = arith.index_cast %add3A_1368 : i32 to index
        %get3A_1428 = arith.constant 48 : index
        %get3A_1429 = tpu.vector_load %arg14[%get3A_1427, %get3A_1428] {strides = array<i32>} : memref<80x64xi32, #tpu.memory_space<vmem>>, vector<16xi32>,
        %bitcast3A_1430 = vector.bitcast %get3A_1429 : vector<16xi32> to vector<32xbf16>
        %get3A_1431 = arith.index_cast %add3A_1368 : i32 to index
        %get3A_1432 = arith.constant 48 : index
        %get3A_1433 = tpu.vector_load %arg15[%get3A_1431, %get3A_1432] {strides = array<i32>} : memref<80x64xi32, #tpu.memory_space<vmem>>, vector<16xi32>,
        %bitcast3A_1434 = vector.bitcast %get3A_1433 : vector<16xi32> to vector<32xbf16>
        %get3A_1435 = arith.index_cast %add3A_1368 : i32 to index
        %get3A_1436 = arith.constant 48 : index
        %get3A_1437 = tpu.vector_load %arg16[%get3A_1435, %get3A_1436] {strides = array<i32>} : memref<80x64xi32, #tpu.memory_space<vmem>>, vector<16xi32>,
        %bitcast3A_1438 = vector.bitcast %get3A_1437 : vector<16xi32> to vector<32xbf16>
        %mul3A_1439 = arith.mulf %bitcast3A_1430, %bitcast3A_1434 : vector<32xbf16>
        %mul3A_1440 = arith.mulf %mul3A_1439, %bitcast3A_1438 : vector<32xbf16>
        %unpack3A_1441 = tpu.unpack_subelements %mul3A_1440, 0 {pack_format = #tpu.pack_format<interleaved>} : vector<32xbf16> -> vector<16xf32>
        %unpack3A_1442 = tpu.unpack_subelements %mul3A_1440, 1 {pack_format = #tpu.pack_format<interleaved>} : vector<32xbf16> -> vector<16xf32>
        %add3A_1443 = arith.addf %add3A_1425, %unpack3A_1441 : vector<16xf32>
        %add3A_1444 = arith.addf %add3A_1426, %unpack3A_1442 : vector<16xf32>
        %add3A_1445 = arith.addf %add3A_1443, %add3A_1444 : vector<16xf32>
        %swap3A_1446 = arith.constant 240 : index
        %swap3A_1447 = tpu.vector_load %arg17[%swap3A_1446] {strides = array<i32>} : memref<256xf32, #tpu.memory_space<vmem>>, vector<16xf32>,
        tpu.vector_store %arg17[%swap3A_1446], %add3A_1445 {strides = array<i32>} : memref<256xf32, #tpu.memory_space<vmem>>, vector<16xf32>,
        %broadcast_in_dim3A_1448 = arith.constant 0.000000e+00 : f32
        %broadcast_in_dim3A_1449 = vector.broadcast %broadcast_in_dim3A_1448 : f32 to vector<16xf32>
        %add3A_1450 = arith.constant 0 : i32
        %add3A_1451 = vector.broadcast %add3A_1450 : i32 to vector<16xi32>
        %add3A_1452 = arith.addi %mul3A_5, %add3A_1451 : vector<16xi32>
        %gather3A = tpu.vector_load_idx %arg17[%add3A_1452] : memref<256xf32, #tpu.memory_space<vmem>>[vector<16xi32>], vector<16xf32>,
        %add3A_1453 = arith.addf %broadcast_in_dim3A_1449, %gather3A : vector<16xf32>
        %add3A_1454 = arith.constant 1 : i32
        %add3A_1455 = vector.broadcast %add3A_1454 : i32 to vector<16xi32>
        %add3A_1456 = arith.addi %mul3A_5, %add3A_1455 : vector<16xi32>
        %gather3A_1457 = tpu.vector_load_idx %arg17[%add3A_1456] : memref<256xf32, #tpu.memory_space<vmem>>[vector<16xi32>], vector<16xf32>,
        %add3A_1458 = arith.addf %add3A_1453, %gather3A_1457 : vector<16xf32>
        %add3A_1459 = arith.constant 2 : i32
        %add3A_1460 = vector.broadcast %add3A_1459 : i32 to vector<16xi32>
        %add3A_1461 = arith.addi %mul3A_5, %add3A_1460 : vector<16xi32>
        %gather3A_1462 = tpu.vector_load_idx %arg17[%add3A_1461] : memref<256xf32, #tpu.memory_space<vmem>>[vector<16xi32>], vector<16xf32>,
        %add3A_1463 = arith.addf %add3A_1458, %gather3A_1462 : vector<16xf32>
        %add3A_1464 = arith.constant 3 : i32
        %add3A_1465 = vector.broadcast %add3A_1464 : i32 to vector<16xi32>
        %add3A_1466 = arith.addi %mul3A_5, %add3A_1465 : vector<16xi32>
        %gather3A_1467 = tpu.vector_load_idx %arg17[%add3A_1466] : memref<256xf32, #tpu.memory_space<vmem>>[vector<16xi32>], vector<16xf32>,
        %add3A_1468 = arith.addf %add3A_1463, %gather3A_1467 : vector<16xf32>
        %add3A_1469 = arith.constant 4 : i32
        %add3A_1470 = vector.broadcast %add3A_1469 : i32 to vector<16xi32>
        %add3A_1471 = arith.addi %mul3A_5, %add3A_1470 : vector<16xi32>
        %gather3A_1472 = tpu.vector_load_idx %arg17[%add3A_1471] : memref<256xf32, #tpu.memory_space<vmem>>[vector<16xi32>], vector<16xf32>,
        %add3A_1473 = arith.addf %add3A_1468, %gather3A_1472 : vector<16xf32>
        %add3A_1474 = arith.constant 5 : i32
        %add3A_1475 = vector.broadcast %add3A_1474 : i32 to vector<16xi32>
        %add3A_1476 = arith.addi %mul3A_5, %add3A_1475 : vector<16xi32>
        %gather3A_1477 = tpu.vector_load_idx %arg17[%add3A_1476] : memref<256xf32, #tpu.memory_space<vmem>>[vector<16xi32>], vector<16xf32>,
        %add3A_1478 = arith.addf %add3A_1473, %gather3A_1477 : vector<16xf32>
        %add3A_1479 = arith.constant 6 : i32
        %add3A_1480 = vector.broadcast %add3A_1479 : i32 to vector<16xi32>
        %add3A_1481 = arith.addi %mul3A_5, %add3A_1480 : vector<16xi32>
        %gather3A_1482 = tpu.vector_load_idx %arg17[%add3A_1481] : memref<256xf32, #tpu.memory_space<vmem>>[vector<16xi32>], vector<16xf32>,
        %add3A_1483 = arith.addf %add3A_1478, %gather3A_1482 : vector<16xf32>
        %add3A_1484 = arith.constant 7 : i32
        %add3A_1485 = vector.broadcast %add3A_1484 : i32 to vector<16xi32>
        %add3A_1486 = arith.addi %mul3A_5, %add3A_1485 : vector<16xi32>
        %gather3A_1487 = tpu.vector_load_idx %arg17[%add3A_1486] : memref<256xf32, #tpu.memory_space<vmem>>[vector<16xi32>], vector<16xf32>,
        %add3A_1488 = arith.addf %add3A_1483, %gather3A_1487 : vector<16xf32>
        %add3A_1489 = arith.constant 8 : i32
        %add3A_1490 = vector.broadcast %add3A_1489 : i32 to vector<16xi32>
        %add3A_1491 = arith.addi %mul3A_5, %add3A_1490 : vector<16xi32>
        %gather3A_1492 = tpu.vector_load_idx %arg17[%add3A_1491] : memref<256xf32, #tpu.memory_space<vmem>>[vector<16xi32>], vector<16xf32>,
        %add3A_1493 = arith.addf %add3A_1488, %gather3A_1492 : vector<16xf32>
        %add3A_1494 = arith.constant 9 : i32
        %add3A_1495 = vector.broadcast %add3A_1494 : i32 to vector<16xi32>
        %add3A_1496 = arith.addi %mul3A_5, %add3A_1495 : vector<16xi32>
        %gather3A_1497 = tpu.vector_load_idx %arg17[%add3A_1496] : memref<256xf32, #tpu.memory_space<vmem>>[vector<16xi32>], vector<16xf32>,
        %add3A_1498 = arith.addf %add3A_1493, %gather3A_1497 : vector<16xf32>
        %add3A_1499 = arith.constant 10 : i32
        %add3A_1500 = vector.broadcast %add3A_1499 : i32 to vector<16xi32>
        %add3A_1501 = arith.addi %mul3A_5, %add3A_1500 : vector<16xi32>
        %gather3A_1502 = tpu.vector_load_idx %arg17[%add3A_1501] : memref<256xf32, #tpu.memory_space<vmem>>[vector<16xi32>], vector<16xf32>,
        %add3A_1503 = arith.addf %add3A_1498, %gather3A_1502 : vector<16xf32>
        %add3A_1504 = arith.constant 11 : i32
        %add3A_1505 = vector.broadcast %add3A_1504 : i32 to vector<16xi32>
        %add3A_1506 = arith.addi %mul3A_5, %add3A_1505 : vector<16xi32>
        %gather3A_1507 = tpu.vector_load_idx %arg17[%add3A_1506] : memref<256xf32, #tpu.memory_space<vmem>>[vector<16xi32>], vector<16xf32>,
        %add3A_1508 = arith.addf %add3A_1503, %gather3A_1507 : vector<16xf32>
        %add3A_1509 = arith.constant 12 : i32
        %add3A_1510 = vector.broadcast %add3A_1509 : i32 to vector<16xi32>
        %add3A_1511 = arith.addi %mul3A_5, %add3A_1510 : vector<16xi32>
        %gather3A_1512 = tpu.vector_load_idx %arg17[%add3A_1511] : memref<256xf32, #tpu.memory_space<vmem>>[vector<16xi32>], vector<16xf32>,
        %add3A_1513 = arith.addf %add3A_1508, %gather3A_1512 : vector<16xf32>
        %add3A_1514 = arith.constant 13 : i32
        %add3A_1515 = vector.broadcast %add3A_1514 : i32 to vector<16xi32>
        %add3A_1516 = arith.addi %mul3A_5, %add3A_1515 : vector<16xi32>
        %gather3A_1517 = tpu.vector_load_idx %arg17[%add3A_1516] : memref<256xf32, #tpu.memory_space<vmem>>[vector<16xi32>], vector<16xf32>,
        %add3A_1518 = arith.addf %add3A_1513, %gather3A_1517 : vector<16xf32>
        %add3A_1519 = arith.constant 14 : i32
        %add3A_1520 = vector.broadcast %add3A_1519 : i32 to vector<16xi32>
        %add3A_1521 = arith.addi %mul3A_5, %add3A_1520 : vector<16xi32>
        %gather3A_1522 = tpu.vector_load_idx %arg17[%add3A_1521] : memref<256xf32, #tpu.memory_space<vmem>>[vector<16xi32>], vector<16xf32>,
        %add3A_1523 = arith.addf %add3A_1518, %gather3A_1522 : vector<16xf32>
        %add3A_1524 = arith.constant 15 : i32
        %add3A_1525 = vector.broadcast %add3A_1524 : i32 to vector<16xi32>
        %add3A_1526 = arith.addi %mul3A_5, %add3A_1525 : vector<16xi32>
        %gather3A_1527 = tpu.vector_load_idx %arg17[%add3A_1526] : memref<256xf32, #tpu.memory_space<vmem>>[vector<16xi32>], vector<16xf32>,
        %add3A_1528 = arith.addf %add3A_1523, %gather3A_1527 : vector<16xf32>
        %neg3A = arith.constant 0.000000e+00 : f32
        %neg3A_1529 = vector.broadcast %neg3A : f32 to vector<16xf32>
        %neg3A_1530 = arith.subf %neg3A_1529, %add3A_1528 : vector<16xf32>
        %exp3A = math.exp %neg3A_1530 : vector<16xf32>
        %add3A_1531 = arith.constant 1.000000e+00 : f32
        %add3A_1532 = vector.broadcast %add3A_1531 : f32 to vector<16xf32>
        %add3A_1533 = arith.addf %add3A_1532, %exp3A : vector<16xf32>
        %div3A = arith.constant 1.000000e+00 : f32
        %div3A_1534 = vector.broadcast %div3A : f32 to vector<16xf32>
        %div3A_1535 = arith.divf %div3A_1534, %add3A_1533 : vector<16xf32>
        %mul3A_1536 = arith.constant 80 : i32
        %mul3A_1537 = arith.muli %add3A_117, %mul3A_1536 : i32
        %mul3A_1538 = arith.constant 16 : i32
        %mul3A_1539 = arith.muli %scan3A_124, %mul3A_1538 : i32
        %add3A_1540 = arith.addi %mul3A_1537, %mul3A_1539 : i32
        %swap3A_1541 = arith.index_cast %add3A_1540 : i32 to index
        %swap3A_1542 = tpu.vector_load %arg18[%swap3A_1541] {strides = array<i32>} : memref<10000xf32, #tpu.memory_space<vmem>>, vector<16xf32>,
        tpu.vector_store %arg18[%swap3A_1541], %div3A_1535 {strides = array<i32>} : memref<10000xf32, #tpu.memory_space<vmem>>, vector<16xf32>,
      }
      %scan3A_123 = arith.constant 5 : i32
    }
    %scan3A_24 = arith.constant 62 : i32
    %dma_wait3A = arith.constant 0 : i32
    %dma_wait3A_25 = tpu.memref_slice %arg8[%dma_wait3A] : memref<10000xi32, #tpu.memory_space<vmem>> -> memref<80xi32, #tpu.memory_space<vmem>>
    %dma_wait3A_26 = arith.constant 0 : i32
    %dma_wait3A_27 = arith.constant 0 : i32
    %dma_wait3A_28 = tpu.memref_slice %arg5[%dma_wait3A_26, %dma_wait3A_27] : memref<10000x64xi32, #tpu.memory_space<hbm>> -> memref<10000x64xi32, #tpu.memory_space<hbm>>
    tpu.wait_indirect_dma semaphore(%arg19 : memref<!tpu.dma_semaphore, #tpu.memory_space<semaphore_mem>>) src(%dma_wait3A_28 : memref<10000x64xi32, #tpu.memory_space<hbm>>) dst(%arg11 : memref<80x64xi32, #tpu.memory_space<vmem>>)
    %dma_wait3A_29 = arith.constant 0 : i32
    %dma_wait3A_30 = tpu.memref_slice %arg8[%dma_wait3A_29] : memref<10000xi32, #tpu.memory_space<vmem>> -> memref<80xi32, #tpu.memory_space<vmem>>
    %dma_wait3A_31 = arith.constant 0 : i32
    %dma_wait3A_32 = arith.constant 0 : i32
    %dma_wait3A_33 = tpu.memref_slice %arg5[%dma_wait3A_31, %dma_wait3A_32] : memref<10000x64xi32, #tpu.memory_space<hbm>> -> memref<10000x64xi32, #tpu.memory_space<hbm>>
    tpu.wait_indirect_dma semaphore(%arg19 : memref<!tpu.dma_semaphore, #tpu.memory_space<semaphore_mem>>) src(%dma_wait3A_33 : memref<10000x64xi32, #tpu.memory_space<hbm>>) dst(%arg12 : memref<80x64xi32, #tpu.memory_space<vmem>>)
    %dma_wait3A_34 = arith.constant 0 : i32
    %dma_wait3A_35 = tpu.memref_slice %arg8[%dma_wait3A_34] : memref<10000xi32, #tpu.memory_space<vmem>> -> memref<80xi32, #tpu.memory_space<vmem>>
    %dma_wait3A_36 = arith.constant 0 : i32
    %dma_wait3A_37 = arith.constant 0 : i32
    %dma_wait3A_38 = tpu.memref_slice %arg5[%dma_wait3A_36, %dma_wait3A_37] : memref<10000x64xi32, #tpu.memory_space<hbm>> -> memref<10000x64xi32, #tpu.memory_space<hbm>>
    tpu.wait_indirect_dma semaphore(%arg19 : memref<!tpu.dma_semaphore, #tpu.memory_space<semaphore_mem>>) src(%dma_wait3A_38 : memref<10000x64xi32, #tpu.memory_space<hbm>>) dst(%arg13 : memref<80x64xi32, #tpu.memory_space<vmem>>)
    %scan3A_39 = arith.constant 0 : i32
    %scan3A_40 = arith.constant 0 : i32
    %scan3A_41 = arith.constant 5 : i32
    %scan3A_42 = arith.addi %scan3A_40, %scan3A_41 : i32
    %scan3A_43 = arith.constant 1 : i32
    scf.for %scan3A_45 = %scan3A_40 to %scan3A_42 step %scan3A_43  : i32 {
      %mul3A_46 = arith.constant 16 : i32
      %mul3A_47 = arith.muli %scan3A_45, %mul3A_46 : i32
      %add3A_48 = arith.constant 0 : i32
      %add3A_49 = arith.addi %mul3A_47, %add3A_48 : i32
      %broadcast_in_dim3A = arith.constant 0.000000e+00 : f32
      %broadcast_in_dim3A_50 = vector.broadcast %broadcast_in_dim3A : f32 to vector<16xf32>
      %broadcast_in_dim3A_51 = arith.constant 0.000000e+00 : f32
      %broadcast_in_dim3A_52 = vector.broadcast %broadcast_in_dim3A_51 : f32 to vector<16xf32>
      %get3A = arith.index_cast %add3A_49 : i32 to index
      %get3A_53 = arith.constant 0 : index
      %get3A_54 = tpu.vector_load %arg11[%get3A, %get3A_53] {strides = array<i32>} : memref<80x64xi32, #tpu.memory_space<vmem>>, vector<16xi32>,
      %bitcast3A = vector.bitcast %get3A_54 : vector<16xi32> to vector<32xbf16>
      %get3A_55 = arith.index_cast %add3A_49 : i32 to index
      %get3A_56 = arith.constant 0 : index
      %get3A_57 = tpu.vector_load %arg12[%get3A_55, %get3A_56] {strides = array<i32>} : memref<80x64xi32, #tpu.memory_space<vmem>>, vector<16xi32>,
      %bitcast3A_58 = vector.bitcast %get3A_57 : vector<16xi32> to vector<32xbf16>
      %get3A_59 = arith.index_cast %add3A_49 : i32 to index
      %get3A_60 = arith.constant 0 : index
      %get3A_61 = tpu.vector_load %arg13[%get3A_59, %get3A_60] {strides = array<i32>} : memref<80x64xi32, #tpu.memory_space<vmem>>, vector<16xi32>,
      %bitcast3A_62 = vector.bitcast %get3A_61 : vector<16xi32> to vector<32xbf16>
      %mul3A_63 = arith.mulf %bitcast3A, %bitcast3A_58 : vector<32xbf16>
      %mul3A_64 = arith.mulf %mul3A_63, %bitcast3A_62 : vector<32xbf16>
      %unpack3A = tpu.unpack_subelements %mul3A_64, 0 {pack_format = #tpu.pack_format<interleaved>} : vector<32xbf16> -> vector<16xf32>
      %unpack3A_65 = tpu.unpack_subelements %mul3A_64, 1 {pack_format = #tpu.pack_format<interleaved>} : vector<32xbf16> -> vector<16xf32>
      %add3A_66 = arith.addf %broadcast_in_dim3A_50, %unpack3A : vector<16xf32>
      %add3A_67 = arith.addf %broadcast_in_dim3A_52, %unpack3A_65 : vector<16xf32>
      %get3A_68 = arith.index_cast %add3A_49 : i32 to index
      %get3A_69 = arith.constant 16 : index
      %get3A_70 = tpu.vector_load %arg11[%get3A_68, %get3A_69] {strides = array<i32>} : memref<80x64xi32, #tpu.memory_space<vmem>>, vector<16xi32>,
      %bitcast3A_71 = vector.bitcast %get3A_70 : vector<16xi32> to vector<32xbf16>
      %get3A_72 = arith.index_cast %add3A_49 : i32 to index
      %get3A_73 = arith.constant 16 : index
      %get3A_74 = tpu.vector_load %arg12[%get3A_72, %get3A_73] {strides = array<i32>} : memref<80x64xi32, #tpu.memory_space<vmem>>, vector<16xi32>,
      %bitcast3A_75 = vector.bitcast %get3A_74 : vector<16xi32> to vector<32xbf16>
      %get3A_76 = arith.index_cast %add3A_49 : i32 to index
      %get3A_77 = arith.constant 16 : index
      %get3A_78 = tpu.vector_load %arg13[%get3A_76, %get3A_77] {strides = array<i32>} : memref<80x64xi32, #tpu.memory_space<vmem>>, vector<16xi32>,
      %bitcast3A_79 = vector.bitcast %get3A_78 : vector<16xi32> to vector<32xbf16>
      %mul3A_80 = arith.mulf %bitcast3A_71, %bitcast3A_75 : vector<32xbf16>
      %mul3A_81 = arith.mulf %mul3A_80, %bitcast3A_79 : vector<32xbf16>
      %unpack3A_82 = tpu.unpack_subelements %mul3A_81, 0 {pack_format = #tpu.pack_format<interleaved>} : vector<32xbf16> -> vector<16xf32>
      %unpack3A_83 = tpu.unpack_subelements %mul3A_81, 1 {pack_format = #tpu.pack_format<interleaved>} : vector<32xbf16> -> vector<16xf32>
      %add3A_84 = arith.addf %add3A_66, %unpack3A_82 : vector<16xf32>
      %add3A_85 = arith.addf %add3A_67, %unpack3A_83 : vector<16xf32>
      %get3A_86 = arith.index_cast %add3A_49 : i32 to index
      %get3A_87 = arith.constant 32 : index
      %get3A_88 = tpu.vector_load %arg11[%get3A_86, %get3A_87] {strides = array<i32>} : memref<80x64xi32, #tpu.memory_space<vmem>>, vector<16xi32>,
      %bitcast3A_89 = vector.bitcast %get3A_88 : vector<16xi32> to vector<32xbf16>
      %get3A_90 = arith.index_cast %add3A_49 : i32 to index
      %get3A_91 = arith.constant 32 : index
      %get3A_92 = tpu.vector_load %arg12[%get3A_90, %get3A_91] {strides = array<i32>} : memref<80x64xi32, #tpu.memory_space<vmem>>, vector<16xi32>,
      %bitcast3A_93 = vector.bitcast %get3A_92 : vector<16xi32> to vector<32xbf16>
      %get3A_94 = arith.index_cast %add3A_49 : i32 to index
      %get3A_95 = arith.constant 32 : index
      %get3A_96 = tpu.vector_load %arg13[%get3A_94, %get3A_95] {strides = array<i32>} : memref<80x64xi32, #tpu.memory_space<vmem>>, vector<16xi32>,
      %bitcast3A_97 = vector.bitcast %get3A_96 : vector<16xi32> to vector<32xbf16>
      %mul3A_98 = arith.mulf %bitcast3A_89, %bitcast3A_93 : vector<32xbf16>
      %mul3A_99 = arith.mulf %mul3A_98, %bitcast3A_97 : vector<32xbf16>
      %unpack3A_100 = tpu.unpack_subelements %mul3A_99, 0 {pack_format = #tpu.pack_format<interleaved>} : vector<32xbf16> -> vector<16xf32>
      %unpack3A_101 = tpu.unpack_subelements %mul3A_99, 1 {pack_format = #tpu.pack_format<interleaved>} : vector<32xbf16> -> vector<16xf32>
      %add3A_102 = arith.addf %add3A_84, %unpack3A_100 : vector<16xf32>
      %add3A_103 = arith.addf %add3A_85, %unpack3A_101 : vector<16xf32>
      %get3A_104 = arith.index_cast %add3A_49 : i32 to index
      %get3A_105 = arith.constant 48 : index
      %get3A_106 = tpu.vector_load %arg11[%get3A_104, %get3A_105] {strides = array<i32>} : memref<80x64xi32, #tpu.memory_space<vmem>>, vector<16xi32>,
      %bitcast3A_107 = vector.bitcast %get3A_106 : vector<16xi32> to vector<32xbf16>
      %get3A_108 = arith.index_cast %add3A_49 : i32 to index
      %get3A_109 = arith.constant 48 : index
      %get3A_110 = tpu.vector_load %arg12[%get3A_108, %get3A_109] {strides = array<i32>} : memref<80x64xi32, #tpu.memory_space<vmem>>, vector<16xi32>,
      %bitcast3A_111 = vector.bitcast %get3A_110 : vector<16xi32> to vector<32xbf16>
      %get3A_112 = arith.index_cast %add3A_49 : i32 to index
      %get3A_113 = arith.constant 48 : index
      %get3A_114 = tpu.vector_load %arg13[%get3A_112, %get3A_113] {strides = array<i32>} : memref<80x64xi32, #tpu.memory_space<vmem>>, vector<16xi32>,
      %bitcast3A_115 = vector.bitcast %get3A_114 : vector<16xi32> to vector<32xbf16>
      %mul3A_116 = arith.mulf %bitcast3A_107, %bitcast3A_111 : vector<32xbf16>
      %mul3A_117 = arith.mulf %mul3A_116, %bitcast3A_115 : vector<32xbf16>
      %unpack3A_118 = tpu.unpack_subelements %mul3A_117, 0 {pack_format = #tpu.pack_format<interleaved>} : vector<32xbf16> -> vector<16xf32>
      %unpack3A_119 = tpu.unpack_subelements %mul3A_117, 1 {pack_format = #tpu.pack_format<interleaved>} : vector<32xbf16> -> vector<16xf32>
      %add3A_120 = arith.addf %add3A_102, %unpack3A_118 : vector<16xf32>
      %add3A_121 = arith.addf %add3A_103, %unpack3A_119 : vector<16xf32>
      %add3A_122 = arith.addf %add3A_120, %add3A_121 : vector<16xf32>
      %swap3A = arith.constant 0 : index
      %swap3A_123 = tpu.vector_load %arg17[%swap3A] {strides = array<i32>} : memref<256xf32, #tpu.memory_space<vmem>>, vector<16xf32>,
      tpu.vector_store %arg17[%swap3A], %add3A_122 {strides = array<i32>} : memref<256xf32, #tpu.memory_space<vmem>>, vector<16xf32>,
      %mul3A_124 = arith.constant 16 : i32
      %mul3A_125 = arith.muli %scan3A_45, %mul3A_124 : i32
      %add3A_126 = arith.constant 1 : i32
      %add3A_127 = arith.addi %mul3A_125, %add3A_126 : i32
      %broadcast_in_dim3A_128 = arith.constant 0.000000e+00 : f32
      %broadcast_in_dim3A_129 = vector.broadcast %broadcast_in_dim3A_128 : f32 to vector<16xf32>
      %broadcast_in_dim3A_130 = arith.constant 0.000000e+00 : f32
      %broadcast_in_dim3A_131 = vector.broadcast %broadcast_in_dim3A_130 : f32 to vector<16xf32>
      %get3A_132 = arith.index_cast %add3A_127 : i32 to index
      %get3A_133 = arith.constant 0 : index
      %get3A_134 = tpu.vector_load %arg11[%get3A_132, %get3A_133] {strides = array<i32>} : memref<80x64xi32, #tpu.memory_space<vmem>>, vector<16xi32>,
      %bitcast3A_135 = vector.bitcast %get3A_134 : vector<16xi32> to vector<32xbf16>
      %get3A_136 = arith.index_cast %add3A_127 : i32 to index
      %get3A_137 = arith.constant 0 : index
      %get3A_138 = tpu.vector_load %arg12[%get3A_136, %get3A_137] {strides = array<i32>} : memref<80x64xi32, #tpu.memory_space<vmem>>, vector<16xi32>,
      %bitcast3A_139 = vector.bitcast %get3A_138 : vector<16xi32> to vector<32xbf16>
      %get3A_140 = arith.index_cast %add3A_127 : i32 to index
      %get3A_141 = arith.constant 0 : index
      %get3A_142 = tpu.vector_load %arg13[%get3A_140, %get3A_141] {strides = array<i32>} : memref<80x64xi32, #tpu.memory_space<vmem>>, vector<16xi32>,
      %bitcast3A_143 = vector.bitcast %get3A_142 : vector<16xi32> to vector<32xbf16>
      %mul3A_144 = arith.mulf %bitcast3A_135, %bitcast3A_139 : vector<32xbf16>
      %mul3A_145 = arith.mulf %mul3A_144, %bitcast3A_143 : vector<32xbf16>
      %unpack3A_146 = tpu.unpack_subelements %mul3A_145, 0 {pack_format = #tpu.pack_format<interleaved>} : vector<32xbf16> -> vector<16xf32>
      %unpack3A_147 = tpu.unpack_subelements %mul3A_145, 1 {pack_format = #tpu.pack_format<interleaved>} : vector<32xbf16> -> vector<16xf32>
      %add3A_148 = arith.addf %broadcast_in_dim3A_129, %unpack3A_146 : vector<16xf32>
      %add3A_149 = arith.addf %broadcast_in_dim3A_131, %unpack3A_147 : vector<16xf32>
      %get3A_150 = arith.index_cast %add3A_127 : i32 to index
      %get3A_151 = arith.constant 16 : index
      %get3A_152 = tpu.vector_load %arg11[%get3A_150, %get3A_151] {strides = array<i32>} : memref<80x64xi32, #tpu.memory_space<vmem>>, vector<16xi32>,
      %bitcast3A_153 = vector.bitcast %get3A_152 : vector<16xi32> to vector<32xbf16>
      %get3A_154 = arith.index_cast %add3A_127 : i32 to index
      %get3A_155 = arith.constant 16 : index
      %get3A_156 = tpu.vector_load %arg12[%get3A_154, %get3A_155] {strides = array<i32>} : memref<80x64xi32, #tpu.memory_space<vmem>>, vector<16xi32>,
      %bitcast3A_157 = vector.bitcast %get3A_156 : vector<16xi32> to vector<32xbf16>
      %get3A_158 = arith.index_cast %add3A_127 : i32 to index
      %get3A_159 = arith.constant 16 : index
      %get3A_160 = tpu.vector_load %arg13[%get3A_158, %get3A_159] {strides = array<i32>} : memref<80x64xi32, #tpu.memory_space<vmem>>, vector<16xi32>,
      %bitcast3A_161 = vector.bitcast %get3A_160 : vector<16xi32> to vector<32xbf16>
      %mul3A_162 = arith.mulf %bitcast3A_153, %bitcast3A_157 : vector<32xbf16>
      %mul3A_163 = arith.mulf %mul3A_162, %bitcast3A_161 : vector<32xbf16>
      %unpack3A_164 = tpu.unpack_subelements %mul3A_163, 0 {pack_format = #tpu.pack_format<interleaved>} : vector<32xbf16> -> vector<16xf32>
      %unpack3A_165 = tpu.unpack_subelements %mul3A_163, 1 {pack_format = #tpu.pack_format<interleaved>} : vector<32xbf16> -> vector<16xf32>
      %add3A_166 = arith.addf %add3A_148, %unpack3A_164 : vector<16xf32>
      %add3A_167 = arith.addf %add3A_149, %unpack3A_165 : vector<16xf32>
      %get3A_168 = arith.index_cast %add3A_127 : i32 to index
      %get3A_169 = arith.constant 32 : index
      %get3A_170 = tpu.vector_load %arg11[%get3A_168, %get3A_169] {strides = array<i32>} : memref<80x64xi32, #tpu.memory_space<vmem>>, vector<16xi32>,
      %bitcast3A_171 = vector.bitcast %get3A_170 : vector<16xi32> to vector<32xbf16>
      %get3A_172 = arith.index_cast %add3A_127 : i32 to index
      %get3A_173 = arith.constant 32 : index
      %get3A_174 = tpu.vector_load %arg12[%get3A_172, %get3A_173] {strides = array<i32>} : memref<80x64xi32, #tpu.memory_space<vmem>>, vector<16xi32>,
      %bitcast3A_175 = vector.bitcast %get3A_174 : vector<16xi32> to vector<32xbf16>
      %get3A_176 = arith.index_cast %add3A_127 : i32 to index
      %get3A_177 = arith.constant 32 : index
      %get3A_178 = tpu.vector_load %arg13[%get3A_176, %get3A_177] {strides = array<i32>} : memref<80x64xi32, #tpu.memory_space<vmem>>, vector<16xi32>,
      %bitcast3A_179 = vector.bitcast %get3A_178 : vector<16xi32> to vector<32xbf16>
      %mul3A_180 = arith.mulf %bitcast3A_171, %bitcast3A_175 : vector<32xbf16>
      %mul3A_181 = arith.mulf %mul3A_180, %bitcast3A_179 : vector<32xbf16>
      %unpack3A_182 = tpu.unpack_subelements %mul3A_181, 0 {pack_format = #tpu.pack_format<interleaved>} : vector<32xbf16> -> vector<16xf32>
      %unpack3A_183 = tpu.unpack_subelements %mul3A_181, 1 {pack_format = #tpu.pack_format<interleaved>} : vector<32xbf16> -> vector<16xf32>
      %add3A_184 = arith.addf %add3A_166, %unpack3A_182 : vector<16xf32>
      %add3A_185 = arith.addf %add3A_167, %unpack3A_183 : vector<16xf32>
      %get3A_186 = arith.index_cast %add3A_127 : i32 to index
      %get3A_187 = arith.constant 48 : index
      %get3A_188 = tpu.vector_load %arg11[%get3A_186, %get3A_187] {strides = array<i32>} : memref<80x64xi32, #tpu.memory_space<vmem>>, vector<16xi32>,
      %bitcast3A_189 = vector.bitcast %get3A_188 : vector<16xi32> to vector<32xbf16>
      %get3A_190 = arith.index_cast %add3A_127 : i32 to index
      %get3A_191 = arith.constant 48 : index
      %get3A_192 = tpu.vector_load %arg12[%get3A_190, %get3A_191] {strides = array<i32>} : memref<80x64xi32, #tpu.memory_space<vmem>>, vector<16xi32>,
      %bitcast3A_193 = vector.bitcast %get3A_192 : vector<16xi32> to vector<32xbf16>
      %get3A_194 = arith.index_cast %add3A_127 : i32 to index
      %get3A_195 = arith.constant 48 : index
      %get3A_196 = tpu.vector_load %arg13[%get3A_194, %get3A_195] {strides = array<i32>} : memref<80x64xi32, #tpu.memory_space<vmem>>, vector<16xi32>,
      %bitcast3A_197 = vector.bitcast %get3A_196 : vector<16xi32> to vector<32xbf16>
      %mul3A_198 = arith.mulf %bitcast3A_189, %bitcast3A_193 : vector<32xbf16>
      %mul3A_199 = arith.mulf %mul3A_198, %bitcast3A_197 : vector<32xbf16>
      %unpack3A_200 = tpu.unpack_subelements %mul3A_199, 0 {pack_format = #tpu.pack_format<interleaved>} : vector<32xbf16> -> vector<16xf32>
      %unpack3A_201 = tpu.unpack_subelements %mul3A_199, 1 {pack_format = #tpu.pack_format<interleaved>} : vector<32xbf16> -> vector<16xf32>
      %add3A_202 = arith.addf %add3A_184, %unpack3A_200 : vector<16xf32>
      %add3A_203 = arith.addf %add3A_185, %unpack3A_201 : vector<16xf32>
      %add3A_204 = arith.addf %add3A_202, %add3A_203 : vector<16xf32>
      %swap3A_205 = arith.constant 16 : index
      %swap3A_206 = tpu.vector_load %arg17[%swap3A_205] {strides = array<i32>} : memref<256xf32, #tpu.memory_space<vmem>>, vector<16xf32>,
      tpu.vector_store %arg17[%swap3A_205], %add3A_204 {strides = array<i32>} : memref<256xf32, #tpu.memory_space<vmem>>, vector<16xf32>,
      %mul3A_207 = arith.constant 16 : i32
      %mul3A_208 = arith.muli %scan3A_45, %mul3A_207 : i32
      %add3A_209 = arith.constant 2 : i32
      %add3A_210 = arith.addi %mul3A_208, %add3A_209 : i32
      %broadcast_in_dim3A_211 = arith.constant 0.000000e+00 : f32
      %broadcast_in_dim3A_212 = vector.broadcast %broadcast_in_dim3A_211 : f32 to vector<16xf32>
      %broadcast_in_dim3A_213 = arith.constant 0.000000e+00 : f32
      %broadcast_in_dim3A_214 = vector.broadcast %broadcast_in_dim3A_213 : f32 to vector<16xf32>
      %get3A_215 = arith.index_cast %add3A_210 : i32 to index
      %get3A_216 = arith.constant 0 : index
      %get3A_217 = tpu.vector_load %arg11[%get3A_215, %get3A_216] {strides = array<i32>} : memref<80x64xi32, #tpu.memory_space<vmem>>, vector<16xi32>,
      %bitcast3A_218 = vector.bitcast %get3A_217 : vector<16xi32> to vector<32xbf16>
      %get3A_219 = arith.index_cast %add3A_210 : i32 to index
      %get3A_220 = arith.constant 0 : index
      %get3A_221 = tpu.vector_load %arg12[%get3A_219, %get3A_220] {strides = array<i32>} : memref<80x64xi32, #tpu.memory_space<vmem>>, vector<16xi32>,
      %bitcast3A_222 = vector.bitcast %get3A_221 : vector<16xi32> to vector<32xbf16>
      %get3A_223 = arith.index_cast %add3A_210 : i32 to index
      %get3A_224 = arith.constant 0 : index
      %get3A_225 = tpu.vector_load %arg13[%get3A_223, %get3A_224] {strides = array<i32>} : memref<80x64xi32, #tpu.memory_space<vmem>>, vector<16xi32>,
      %bitcast3A_226 = vector.bitcast %get3A_225 : vector<16xi32> to vector<32xbf16>
      %mul3A_227 = arith.mulf %bitcast3A_218, %bitcast3A_222 : vector<32xbf16>
      %mul3A_228 = arith.mulf %mul3A_227, %bitcast3A_226 : vector<32xbf16>
      %unpack3A_229 = tpu.unpack_subelements %mul3A_228, 0 {pack_format = #tpu.pack_format<interleaved>} : vector<32xbf16> -> vector<16xf32>
      %unpack3A_230 = tpu.unpack_subelements %mul3A_228, 1 {pack_format = #tpu.pack_format<interleaved>} : vector<32xbf16> -> vector<16xf32>
      %add3A_231 = arith.addf %broadcast_in_dim3A_212, %unpack3A_229 : vector<16xf32>
      %add3A_232 = arith.addf %broadcast_in_dim3A_214, %unpack3A_230 : vector<16xf32>
      %get3A_233 = arith.index_cast %add3A_210 : i32 to index
      %get3A_234 = arith.constant 16 : index
      %get3A_235 = tpu.vector_load %arg11[%get3A_233, %get3A_234] {strides = array<i32>} : memref<80x64xi32, #tpu.memory_space<vmem>>, vector<16xi32>,
      %bitcast3A_236 = vector.bitcast %get3A_235 : vector<16xi32> to vector<32xbf16>
      %get3A_237 = arith.index_cast %add3A_210 : i32 to index
      %get3A_238 = arith.constant 16 : index
      %get3A_239 = tpu.vector_load %arg12[%get3A_237, %get3A_238] {strides = array<i32>} : memref<80x64xi32, #tpu.memory_space<vmem>>, vector<16xi32>,
      %bitcast3A_240 = vector.bitcast %get3A_239 : vector<16xi32> to vector<32xbf16>
      %get3A_241 = arith.index_cast %add3A_210 : i32 to index
      %get3A_242 = arith.constant 16 : index
      %get3A_243 = tpu.vector_load %arg13[%get3A_241, %get3A_242] {strides = array<i32>} : memref<80x64xi32, #tpu.memory_space<vmem>>, vector<16xi32>,
      %bitcast3A_244 = vector.bitcast %get3A_243 : vector<16xi32> to vector<32xbf16>
      %mul3A_245 = arith.mulf %bitcast3A_236, %bitcast3A_240 : vector<32xbf16>
      %mul3A_246 = arith.mulf %mul3A_245, %bitcast3A_244 : vector<32xbf16>
      %unpack3A_247 = tpu.unpack_subelements %mul3A_246, 0 {pack_format = #tpu.pack_format<interleaved>} : vector<32xbf16> -> vector<16xf32>
      %unpack3A_248 = tpu.unpack_subelements %mul3A_246, 1 {pack_format = #tpu.pack_format<interleaved>} : vector<32xbf16> -> vector<16xf32>
      %add3A_249 = arith.addf %add3A_231, %unpack3A_247 : vector<16xf32>
      %add3A_250 = arith.addf %add3A_232, %unpack3A_248 : vector<16xf32>
      %get3A_251 = arith.index_cast %add3A_210 : i32 to index
      %get3A_252 = arith.constant 32 : index
      %get3A_253 = tpu.vector_load %arg11[%get3A_251, %get3A_252] {strides = array<i32>} : memref<80x64xi32, #tpu.memory_space<vmem>>, vector<16xi32>,
      %bitcast3A_254 = vector.bitcast %get3A_253 : vector<16xi32> to vector<32xbf16>
      %get3A_255 = arith.index_cast %add3A_210 : i32 to index
      %get3A_256 = arith.constant 32 : index
      %get3A_257 = tpu.vector_load %arg12[%get3A_255, %get3A_256] {strides = array<i32>} : memref<80x64xi32, #tpu.memory_space<vmem>>, vector<16xi32>,
      %bitcast3A_258 = vector.bitcast %get3A_257 : vector<16xi32> to vector<32xbf16>
      %get3A_259 = arith.index_cast %add3A_210 : i32 to index
      %get3A_260 = arith.constant 32 : index
      %get3A_261 = tpu.vector_load %arg13[%get3A_259, %get3A_260] {strides = array<i32>} : memref<80x64xi32, #tpu.memory_space<vmem>>, vector<16xi32>,
      %bitcast3A_262 = vector.bitcast %get3A_261 : vector<16xi32> to vector<32xbf16>
      %mul3A_263 = arith.mulf %bitcast3A_254, %bitcast3A_258 : vector<32xbf16>
      %mul3A_264 = arith.mulf %mul3A_263, %bitcast3A_262 : vector<32xbf16>
      %unpack3A_265 = tpu.unpack_subelements %mul3A_264, 0 {pack_format = #tpu.pack_format<interleaved>} : vector<32xbf16> -> vector<16xf32>
      %unpack3A_266 = tpu.unpack_subelements %mul3A_264, 1 {pack_format = #tpu.pack_format<interleaved>} : vector<32xbf16> -> vector<16xf32>
      %add3A_267 = arith.addf %add3A_249, %unpack3A_265 : vector<16xf32>
      %add3A_268 = arith.addf %add3A_250, %unpack3A_266 : vector<16xf32>
      %get3A_269 = arith.index_cast %add3A_210 : i32 to index
      %get3A_270 = arith.constant 48 : index
      %get3A_271 = tpu.vector_load %arg11[%get3A_269, %get3A_270] {strides = array<i32>} : memref<80x64xi32, #tpu.memory_space<vmem>>, vector<16xi32>,
      %bitcast3A_272 = vector.bitcast %get3A_271 : vector<16xi32> to vector<32xbf16>
      %get3A_273 = arith.index_cast %add3A_210 : i32 to index
      %get3A_274 = arith.constant 48 : index
      %get3A_275 = tpu.vector_load %arg12[%get3A_273, %get3A_274] {strides = array<i32>} : memref<80x64xi32, #tpu.memory_space<vmem>>, vector<16xi32>,
      %bitcast3A_276 = vector.bitcast %get3A_275 : vector<16xi32> to vector<32xbf16>
      %get3A_277 = arith.index_cast %add3A_210 : i32 to index
      %get3A_278 = arith.constant 48 : index
      %get3A_279 = tpu.vector_load %arg13[%get3A_277, %get3A_278] {strides = array<i32>} : memref<80x64xi32, #tpu.memory_space<vmem>>, vector<16xi32>,
      %bitcast3A_280 = vector.bitcast %get3A_279 : vector<16xi32> to vector<32xbf16>
      %mul3A_281 = arith.mulf %bitcast3A_272, %bitcast3A_276 : vector<32xbf16>
      %mul3A_282 = arith.mulf %mul3A_281, %bitcast3A_280 : vector<32xbf16>
      %unpack3A_283 = tpu.unpack_subelements %mul3A_282, 0 {pack_format = #tpu.pack_format<interleaved>} : vector<32xbf16> -> vector<16xf32>
      %unpack3A_284 = tpu.unpack_subelements %mul3A_282, 1 {pack_format = #tpu.pack_format<interleaved>} : vector<32xbf16> -> vector<16xf32>
      %add3A_285 = arith.addf %add3A_267, %unpack3A_283 : vector<16xf32>
      %add3A_286 = arith.addf %add3A_268, %unpack3A_284 : vector<16xf32>
      %add3A_287 = arith.addf %add3A_285, %add3A_286 : vector<16xf32>
      %swap3A_288 = arith.constant 32 : index
      %swap3A_289 = tpu.vector_load %arg17[%swap3A_288] {strides = array<i32>} : memref<256xf32, #tpu.memory_space<vmem>>, vector<16xf32>,
      tpu.vector_store %arg17[%swap3A_288], %add3A_287 {strides = array<i32>} : memref<256xf32, #tpu.memory_space<vmem>>, vector<16xf32>,
      %mul3A_290 = arith.constant 16 : i32
      %mul3A_291 = arith.muli %scan3A_45, %mul3A_290 : i32
      %add3A_292 = arith.constant 3 : i32
      %add3A_293 = arith.addi %mul3A_291, %add3A_292 : i32
      %broadcast_in_dim3A_294 = arith.constant 0.000000e+00 : f32
      %broadcast_in_dim3A_295 = vector.broadcast %broadcast_in_dim3A_294 : f32 to vector<16xf32>
      %broadcast_in_dim3A_296 = arith.constant 0.000000e+00 : f32
      %broadcast_in_dim3A_297 = vector.broadcast %broadcast_in_dim3A_296 : f32 to vector<16xf32>
      %get3A_298 = arith.index_cast %add3A_293 : i32 to index
      %get3A_299 = arith.constant 0 : index
      %get3A_300 = tpu.vector_load %arg11[%get3A_298, %get3A_299] {strides = array<i32>} : memref<80x64xi32, #tpu.memory_space<vmem>>, vector<16xi32>,
      %bitcast3A_301 = vector.bitcast %get3A_300 : vector<16xi32> to vector<32xbf16>
      %get3A_302 = arith.index_cast %add3A_293 : i32 to index
      %get3A_303 = arith.constant 0 : index
      %get3A_304 = tpu.vector_load %arg12[%get3A_302, %get3A_303] {strides = array<i32>} : memref<80x64xi32, #tpu.memory_space<vmem>>, vector<16xi32>,
      %bitcast3A_305 = vector.bitcast %get3A_304 : vector<16xi32> to vector<32xbf16>
      %get3A_306 = arith.index_cast %add3A_293 : i32 to index
      %get3A_307 = arith.constant 0 : index
      %get3A_308 = tpu.vector_load %arg13[%get3A_306, %get3A_307] {strides = array<i32>} : memref<80x64xi32, #tpu.memory_space<vmem>>, vector<16xi32>,
      %bitcast3A_309 = vector.bitcast %get3A_308 : vector<16xi32> to vector<32xbf16>
      %mul3A_310 = arith.mulf %bitcast3A_301, %bitcast3A_305 : vector<32xbf16>
      %mul3A_311 = arith.mulf %mul3A_310, %bitcast3A_309 : vector<32xbf16>
      %unpack3A_312 = tpu.unpack_subelements %mul3A_311, 0 {pack_format = #tpu.pack_format<interleaved>} : vector<32xbf16> -> vector<16xf32>
      %unpack3A_313 = tpu.unpack_subelements %mul3A_311, 1 {pack_format = #tpu.pack_format<interleaved>} : vector<32xbf16> -> vector<16xf32>
      %add3A_314 = arith.addf %broadcast_in_dim3A_295, %unpack3A_312 : vector<16xf32>
      %add3A_315 = arith.addf %broadcast_in_dim3A_297, %unpack3A_313 : vector<16xf32>
      %get3A_316 = arith.index_cast %add3A_293 : i32 to index
      %get3A_317 = arith.constant 16 : index
      %get3A_318 = tpu.vector_load %arg11[%get3A_316, %get3A_317] {strides = array<i32>} : memref<80x64xi32, #tpu.memory_space<vmem>>, vector<16xi32>,
      %bitcast3A_319 = vector.bitcast %get3A_318 : vector<16xi32> to vector<32xbf16>
      %get3A_320 = arith.index_cast %add3A_293 : i32 to index
      %get3A_321 = arith.constant 16 : index
      %get3A_322 = tpu.vector_load %arg12[%get3A_320, %get3A_321] {strides = array<i32>} : memref<80x64xi32, #tpu.memory_space<vmem>>, vector<16xi32>,
      %bitcast3A_323 = vector.bitcast %get3A_322 : vector<16xi32> to vector<32xbf16>
      %get3A_324 = arith.index_cast %add3A_293 : i32 to index
      %get3A_325 = arith.constant 16 : index
      %get3A_326 = tpu.vector_load %arg13[%get3A_324, %get3A_325] {strides = array<i32>} : memref<80x64xi32, #tpu.memory_space<vmem>>, vector<16xi32>,
      %bitcast3A_327 = vector.bitcast %get3A_326 : vector<16xi32> to vector<32xbf16>
      %mul3A_328 = arith.mulf %bitcast3A_319, %bitcast3A_323 : vector<32xbf16>
      %mul3A_329 = arith.mulf %mul3A_328, %bitcast3A_327 : vector<32xbf16>
      %unpack3A_330 = tpu.unpack_subelements %mul3A_329, 0 {pack_format = #tpu.pack_format<interleaved>} : vector<32xbf16> -> vector<16xf32>
      %unpack3A_331 = tpu.unpack_subelements %mul3A_329, 1 {pack_format = #tpu.pack_format<interleaved>} : vector<32xbf16> -> vector<16xf32>
      %add3A_332 = arith.addf %add3A_314, %unpack3A_330 : vector<16xf32>
      %add3A_333 = arith.addf %add3A_315, %unpack3A_331 : vector<16xf32>
      %get3A_334 = arith.index_cast %add3A_293 : i32 to index
      %get3A_335 = arith.constant 32 : index
      %get3A_336 = tpu.vector_load %arg11[%get3A_334, %get3A_335] {strides = array<i32>} : memref<80x64xi32, #tpu.memory_space<vmem>>, vector<16xi32>,
      %bitcast3A_337 = vector.bitcast %get3A_336 : vector<16xi32> to vector<32xbf16>
      %get3A_338 = arith.index_cast %add3A_293 : i32 to index
      %get3A_339 = arith.constant 32 : index
      %get3A_340 = tpu.vector_load %arg12[%get3A_338, %get3A_339] {strides = array<i32>} : memref<80x64xi32, #tpu.memory_space<vmem>>, vector<16xi32>,
      %bitcast3A_341 = vector.bitcast %get3A_340 : vector<16xi32> to vector<32xbf16>
      %get3A_342 = arith.index_cast %add3A_293 : i32 to index
      %get3A_343 = arith.constant 32 : index
      %get3A_344 = tpu.vector_load %arg13[%get3A_342, %get3A_343] {strides = array<i32>} : memref<80x64xi32, #tpu.memory_space<vmem>>, vector<16xi32>,
      %bitcast3A_345 = vector.bitcast %get3A_344 : vector<16xi32> to vector<32xbf16>
      %mul3A_346 = arith.mulf %bitcast3A_337, %bitcast3A_341 : vector<32xbf16>
      %mul3A_347 = arith.mulf %mul3A_346, %bitcast3A_345 : vector<32xbf16>
      %unpack3A_348 = tpu.unpack_subelements %mul3A_347, 0 {pack_format = #tpu.pack_format<interleaved>} : vector<32xbf16> -> vector<16xf32>
      %unpack3A_349 = tpu.unpack_subelements %mul3A_347, 1 {pack_format = #tpu.pack_format<interleaved>} : vector<32xbf16> -> vector<16xf32>
      %add3A_350 = arith.addf %add3A_332, %unpack3A_348 : vector<16xf32>
      %add3A_351 = arith.addf %add3A_333, %unpack3A_349 : vector<16xf32>
      %get3A_352 = arith.index_cast %add3A_293 : i32 to index
      %get3A_353 = arith.constant 48 : index
      %get3A_354 = tpu.vector_load %arg11[%get3A_352, %get3A_353] {strides = array<i32>} : memref<80x64xi32, #tpu.memory_space<vmem>>, vector<16xi32>,
      %bitcast3A_355 = vector.bitcast %get3A_354 : vector<16xi32> to vector<32xbf16>
      %get3A_356 = arith.index_cast %add3A_293 : i32 to index
      %get3A_357 = arith.constant 48 : index
      %get3A_358 = tpu.vector_load %arg12[%get3A_356, %get3A_357] {strides = array<i32>} : memref<80x64xi32, #tpu.memory_space<vmem>>, vector<16xi32>,
      %bitcast3A_359 = vector.bitcast %get3A_358 : vector<16xi32> to vector<32xbf16>
      %get3A_360 = arith.index_cast %add3A_293 : i32 to index
      %get3A_361 = arith.constant 48 : index
      %get3A_362 = tpu.vector_load %arg13[%get3A_360, %get3A_361] {strides = array<i32>} : memref<80x64xi32, #tpu.memory_space<vmem>>, vector<16xi32>,
      %bitcast3A_363 = vector.bitcast %get3A_362 : vector<16xi32> to vector<32xbf16>
      %mul3A_364 = arith.mulf %bitcast3A_355, %bitcast3A_359 : vector<32xbf16>
      %mul3A_365 = arith.mulf %mul3A_364, %bitcast3A_363 : vector<32xbf16>
      %unpack3A_366 = tpu.unpack_subelements %mul3A_365, 0 {pack_format = #tpu.pack_format<interleaved>} : vector<32xbf16> -> vector<16xf32>
      %unpack3A_367 = tpu.unpack_subelements %mul3A_365, 1 {pack_format = #tpu.pack_format<interleaved>} : vector<32xbf16> -> vector<16xf32>
      %add3A_368 = arith.addf %add3A_350, %unpack3A_366 : vector<16xf32>
      %add3A_369 = arith.addf %add3A_351, %unpack3A_367 : vector<16xf32>
      %add3A_370 = arith.addf %add3A_368, %add3A_369 : vector<16xf32>
      %swap3A_371 = arith.constant 48 : index
      %swap3A_372 = tpu.vector_load %arg17[%swap3A_371] {strides = array<i32>} : memref<256xf32, #tpu.memory_space<vmem>>, vector<16xf32>,
      tpu.vector_store %arg17[%swap3A_371], %add3A_370 {strides = array<i32>} : memref<256xf32, #tpu.memory_space<vmem>>, vector<16xf32>,
      %mul3A_373 = arith.constant 16 : i32
      %mul3A_374 = arith.muli %scan3A_45, %mul3A_373 : i32
      %add3A_375 = arith.constant 4 : i32
      %add3A_376 = arith.addi %mul3A_374, %add3A_375 : i32
      %broadcast_in_dim3A_377 = arith.constant 0.000000e+00 : f32
      %broadcast_in_dim3A_378 = vector.broadcast %broadcast_in_dim3A_377 : f32 to vector<16xf32>
      %broadcast_in_dim3A_379 = arith.constant 0.000000e+00 : f32
      %broadcast_in_dim3A_380 = vector.broadcast %broadcast_in_dim3A_379 : f32 to vector<16xf32>
      %get3A_381 = arith.index_cast %add3A_376 : i32 to index
      %get3A_382 = arith.constant 0 : index
      %get3A_383 = tpu.vector_load %arg11[%get3A_381, %get3A_382] {strides = array<i32>} : memref<80x64xi32, #tpu.memory_space<vmem>>, vector<16xi32>,
      %bitcast3A_384 = vector.bitcast %get3A_383 : vector<16xi32> to vector<32xbf16>
      %get3A_385 = arith.index_cast %add3A_376 : i32 to index
      %get3A_386 = arith.constant 0 : index
      %get3A_387 = tpu.vector_load %arg12[%get3A_385, %get3A_386] {strides = array<i32>} : memref<80x64xi32, #tpu.memory_space<vmem>>, vector<16xi32>,
      %bitcast3A_388 = vector.bitcast %get3A_387 : vector<16xi32> to vector<32xbf16>
      %get3A_389 = arith.index_cast %add3A_376 : i32 to index
      %get3A_390 = arith.constant 0 : index
      %get3A_391 = tpu.vector_load %arg13[%get3A_389, %get3A_390] {strides = array<i32>} : memref<80x64xi32, #tpu.memory_space<vmem>>, vector<16xi32>,
      %bitcast3A_392 = vector.bitcast %get3A_391 : vector<16xi32> to vector<32xbf16>
      %mul3A_393 = arith.mulf %bitcast3A_384, %bitcast3A_388 : vector<32xbf16>
      %mul3A_394 = arith.mulf %mul3A_393, %bitcast3A_392 : vector<32xbf16>
      %unpack3A_395 = tpu.unpack_subelements %mul3A_394, 0 {pack_format = #tpu.pack_format<interleaved>} : vector<32xbf16> -> vector<16xf32>
      %unpack3A_396 = tpu.unpack_subelements %mul3A_394, 1 {pack_format = #tpu.pack_format<interleaved>} : vector<32xbf16> -> vector<16xf32>
      %add3A_397 = arith.addf %broadcast_in_dim3A_378, %unpack3A_395 : vector<16xf32>
      %add3A_398 = arith.addf %broadcast_in_dim3A_380, %unpack3A_396 : vector<16xf32>
      %get3A_399 = arith.index_cast %add3A_376 : i32 to index
      %get3A_400 = arith.constant 16 : index
      %get3A_401 = tpu.vector_load %arg11[%get3A_399, %get3A_400] {strides = array<i32>} : memref<80x64xi32, #tpu.memory_space<vmem>>, vector<16xi32>,
      %bitcast3A_402 = vector.bitcast %get3A_401 : vector<16xi32> to vector<32xbf16>
      %get3A_403 = arith.index_cast %add3A_376 : i32 to index
      %get3A_404 = arith.constant 16 : index
      %get3A_405 = tpu.vector_load %arg12[%get3A_403, %get3A_404] {strides = array<i32>} : memref<80x64xi32, #tpu.memory_space<vmem>>, vector<16xi32>,
      %bitcast3A_406 = vector.bitcast %get3A_405 : vector<16xi32> to vector<32xbf16>
      %get3A_407 = arith.index_cast %add3A_376 : i32 to index
      %get3A_408 = arith.constant 16 : index
      %get3A_409 = tpu.vector_load %arg13[%get3A_407, %get3A_408] {strides = array<i32>} : memref<80x64xi32, #tpu.memory_space<vmem>>, vector<16xi32>,
      %bitcast3A_410 = vector.bitcast %get3A_409 : vector<16xi32> to vector<32xbf16>
      %mul3A_411 = arith.mulf %bitcast3A_402, %bitcast3A_406 : vector<32xbf16>
      %mul3A_412 = arith.mulf %mul3A_411, %bitcast3A_410 : vector<32xbf16>
      %unpack3A_413 = tpu.unpack_subelements %mul3A_412, 0 {pack_format = #tpu.pack_format<interleaved>} : vector<32xbf16> -> vector<16xf32>
      %unpack3A_414 = tpu.unpack_subelements %mul3A_412, 1 {pack_format = #tpu.pack_format<interleaved>} : vector<32xbf16> -> vector<16xf32>
      %add3A_415 = arith.addf %add3A_397, %unpack3A_413 : vector<16xf32>
      %add3A_416 = arith.addf %add3A_398, %unpack3A_414 : vector<16xf32>
      %get3A_417 = arith.index_cast %add3A_376 : i32 to index
      %get3A_418 = arith.constant 32 : index
      %get3A_419 = tpu.vector_load %arg11[%get3A_417, %get3A_418] {strides = array<i32>} : memref<80x64xi32, #tpu.memory_space<vmem>>, vector<16xi32>,
      %bitcast3A_420 = vector.bitcast %get3A_419 : vector<16xi32> to vector<32xbf16>
      %get3A_421 = arith.index_cast %add3A_376 : i32 to index
      %get3A_422 = arith.constant 32 : index
      %get3A_423 = tpu.vector_load %arg12[%get3A_421, %get3A_422] {strides = array<i32>} : memref<80x64xi32, #tpu.memory_space<vmem>>, vector<16xi32>,
      %bitcast3A_424 = vector.bitcast %get3A_423 : vector<16xi32> to vector<32xbf16>
      %get3A_425 = arith.index_cast %add3A_376 : i32 to index
      %get3A_426 = arith.constant 32 : index
      %get3A_427 = tpu.vector_load %arg13[%get3A_425, %get3A_426] {strides = array<i32>} : memref<80x64xi32, #tpu.memory_space<vmem>>, vector<16xi32>,
      %bitcast3A_428 = vector.bitcast %get3A_427 : vector<16xi32> to vector<32xbf16>
      %mul3A_429 = arith.mulf %bitcast3A_420, %bitcast3A_424 : vector<32xbf16>
      %mul3A_430 = arith.mulf %mul3A_429, %bitcast3A_428 : vector<32xbf16>
      %unpack3A_431 = tpu.unpack_subelements %mul3A_430, 0 {pack_format = #tpu.pack_format<interleaved>} : vector<32xbf16> -> vector<16xf32>
      %unpack3A_432 = tpu.unpack_subelements %mul3A_430, 1 {pack_format = #tpu.pack_format<interleaved>} : vector<32xbf16> -> vector<16xf32>
      %add3A_433 = arith.addf %add3A_415, %unpack3A_431 : vector<16xf32>
      %add3A_434 = arith.addf %add3A_416, %unpack3A_432 : vector<16xf32>
      %get3A_435 = arith.index_cast %add3A_376 : i32 to index
      %get3A_436 = arith.constant 48 : index
      %get3A_437 = tpu.vector_load %arg11[%get3A_435, %get3A_436] {strides = array<i32>} : memref<80x64xi32, #tpu.memory_space<vmem>>, vector<16xi32>,
      %bitcast3A_438 = vector.bitcast %get3A_437 : vector<16xi32> to vector<32xbf16>
      %get3A_439 = arith.index_cast %add3A_376 : i32 to index
      %get3A_440 = arith.constant 48 : index
      %get3A_441 = tpu.vector_load %arg12[%get3A_439, %get3A_440] {strides = array<i32>} : memref<80x64xi32, #tpu.memory_space<vmem>>, vector<16xi32>,
      %bitcast3A_442 = vector.bitcast %get3A_441 : vector<16xi32> to vector<32xbf16>
      %get3A_443 = arith.index_cast %add3A_376 : i32 to index
      %get3A_444 = arith.constant 48 : index
      %get3A_445 = tpu.vector_load %arg13[%get3A_443, %get3A_444] {strides = array<i32>} : memref<80x64xi32, #tpu.memory_space<vmem>>, vector<16xi32>,
      %bitcast3A_446 = vector.bitcast %get3A_445 : vector<16xi32> to vector<32xbf16>
      %mul3A_447 = arith.mulf %bitcast3A_438, %bitcast3A_442 : vector<32xbf16>
      %mul3A_448 = arith.mulf %mul3A_447, %bitcast3A_446 : vector<32xbf16>
      %unpack3A_449 = tpu.unpack_subelements %mul3A_448, 0 {pack_format = #tpu.pack_format<interleaved>} : vector<32xbf16> -> vector<16xf32>
      %unpack3A_450 = tpu.unpack_subelements %mul3A_448, 1 {pack_format = #tpu.pack_format<interleaved>} : vector<32xbf16> -> vector<16xf32>
      %add3A_451 = arith.addf %add3A_433, %unpack3A_449 : vector<16xf32>
      %add3A_452 = arith.addf %add3A_434, %unpack3A_450 : vector<16xf32>
      %add3A_453 = arith.addf %add3A_451, %add3A_452 : vector<16xf32>
      %swap3A_454 = arith.constant 64 : index
      %swap3A_455 = tpu.vector_load %arg17[%swap3A_454] {strides = array<i32>} : memref<256xf32, #tpu.memory_space<vmem>>, vector<16xf32>,
      tpu.vector_store %arg17[%swap3A_454], %add3A_453 {strides = array<i32>} : memref<256xf32, #tpu.memory_space<vmem>>, vector<16xf32>,
      %mul3A_456 = arith.constant 16 : i32
      %mul3A_457 = arith.muli %scan3A_45, %mul3A_456 : i32
      %add3A_458 = arith.constant 5 : i32
      %add3A_459 = arith.addi %mul3A_457, %add3A_458 : i32
      %broadcast_in_dim3A_460 = arith.constant 0.000000e+00 : f32
      %broadcast_in_dim3A_461 = vector.broadcast %broadcast_in_dim3A_460 : f32 to vector<16xf32>
      %broadcast_in_dim3A_462 = arith.constant 0.000000e+00 : f32
      %broadcast_in_dim3A_463 = vector.broadcast %broadcast_in_dim3A_462 : f32 to vector<16xf32>
      %get3A_464 = arith.index_cast %add3A_459 : i32 to index
      %get3A_465 = arith.constant 0 : index
      %get3A_466 = tpu.vector_load %arg11[%get3A_464, %get3A_465] {strides = array<i32>} : memref<80x64xi32, #tpu.memory_space<vmem>>, vector<16xi32>,
      %bitcast3A_467 = vector.bitcast %get3A_466 : vector<16xi32> to vector<32xbf16>
      %get3A_468 = arith.index_cast %add3A_459 : i32 to index
      %get3A_469 = arith.constant 0 : index
      %get3A_470 = tpu.vector_load %arg12[%get3A_468, %get3A_469] {strides = array<i32>} : memref<80x64xi32, #tpu.memory_space<vmem>>, vector<16xi32>,
      %bitcast3A_471 = vector.bitcast %get3A_470 : vector<16xi32> to vector<32xbf16>
      %get3A_472 = arith.index_cast %add3A_459 : i32 to index
      %get3A_473 = arith.constant 0 : index
      %get3A_474 = tpu.vector_load %arg13[%get3A_472, %get3A_473] {strides = array<i32>} : memref<80x64xi32, #tpu.memory_space<vmem>>, vector<16xi32>,
      %bitcast3A_475 = vector.bitcast %get3A_474 : vector<16xi32> to vector<32xbf16>
      %mul3A_476 = arith.mulf %bitcast3A_467, %bitcast3A_471 : vector<32xbf16>
      %mul3A_477 = arith.mulf %mul3A_476, %bitcast3A_475 : vector<32xbf16>
      %unpack3A_478 = tpu.unpack_subelements %mul3A_477, 0 {pack_format = #tpu.pack_format<interleaved>} : vector<32xbf16> -> vector<16xf32>
      %unpack3A_479 = tpu.unpack_subelements %mul3A_477, 1 {pack_format = #tpu.pack_format<interleaved>} : vector<32xbf16> -> vector<16xf32>
      %add3A_480 = arith.addf %broadcast_in_dim3A_461, %unpack3A_478 : vector<16xf32>
      %add3A_481 = arith.addf %broadcast_in_dim3A_463, %unpack3A_479 : vector<16xf32>
      %get3A_482 = arith.index_cast %add3A_459 : i32 to index
      %get3A_483 = arith.constant 16 : index
      %get3A_484 = tpu.vector_load %arg11[%get3A_482, %get3A_483] {strides = array<i32>} : memref<80x64xi32, #tpu.memory_space<vmem>>, vector<16xi32>,
      %bitcast3A_485 = vector.bitcast %get3A_484 : vector<16xi32> to vector<32xbf16>
      %get3A_486 = arith.index_cast %add3A_459 : i32 to index
      %get3A_487 = arith.constant 16 : index
      %get3A_488 = tpu.vector_load %arg12[%get3A_486, %get3A_487] {strides = array<i32>} : memref<80x64xi32, #tpu.memory_space<vmem>>, vector<16xi32>,
      %bitcast3A_489 = vector.bitcast %get3A_488 : vector<16xi32> to vector<32xbf16>
      %get3A_490 = arith.index_cast %add3A_459 : i32 to index
      %get3A_491 = arith.constant 16 : index
      %get3A_492 = tpu.vector_load %arg13[%get3A_490, %get3A_491] {strides = array<i32>} : memref<80x64xi32, #tpu.memory_space<vmem>>, vector<16xi32>,
      %bitcast3A_493 = vector.bitcast %get3A_492 : vector<16xi32> to vector<32xbf16>
      %mul3A_494 = arith.mulf %bitcast3A_485, %bitcast3A_489 : vector<32xbf16>
      %mul3A_495 = arith.mulf %mul3A_494, %bitcast3A_493 : vector<32xbf16>
      %unpack3A_496 = tpu.unpack_subelements %mul3A_495, 0 {pack_format = #tpu.pack_format<interleaved>} : vector<32xbf16> -> vector<16xf32>
      %unpack3A_497 = tpu.unpack_subelements %mul3A_495, 1 {pack_format = #tpu.pack_format<interleaved>} : vector<32xbf16> -> vector<16xf32>
      %add3A_498 = arith.addf %add3A_480, %unpack3A_496 : vector<16xf32>
      %add3A_499 = arith.addf %add3A_481, %unpack3A_497 : vector<16xf32>
      %get3A_500 = arith.index_cast %add3A_459 : i32 to index
      %get3A_501 = arith.constant 32 : index
      %get3A_502 = tpu.vector_load %arg11[%get3A_500, %get3A_501] {strides = array<i32>} : memref<80x64xi32, #tpu.memory_space<vmem>>, vector<16xi32>,
      %bitcast3A_503 = vector.bitcast %get3A_502 : vector<16xi32> to vector<32xbf16>
      %get3A_504 = arith.index_cast %add3A_459 : i32 to index
      %get3A_505 = arith.constant 32 : index
      %get3A_506 = tpu.vector_load %arg12[%get3A_504, %get3A_505] {strides = array<i32>} : memref<80x64xi32, #tpu.memory_space<vmem>>, vector<16xi32>,
      %bitcast3A_507 = vector.bitcast %get3A_506 : vector<16xi32> to vector<32xbf16>
      %get3A_508 = arith.index_cast %add3A_459 : i32 to index
      %get3A_509 = arith.constant 32 : index
      %get3A_510 = tpu.vector_load %arg13[%get3A_508, %get3A_509] {strides = array<i32>} : memref<80x64xi32, #tpu.memory_space<vmem>>, vector<16xi32>,
      %bitcast3A_511 = vector.bitcast %get3A_510 : vector<16xi32> to vector<32xbf16>
      %mul3A_512 = arith.mulf %bitcast3A_503, %bitcast3A_507 : vector<32xbf16>
      %mul3A_513 = arith.mulf %mul3A_512, %bitcast3A_511 : vector<32xbf16>
      %unpack3A_514 = tpu.unpack_subelements %mul3A_513, 0 {pack_format = #tpu.pack_format<interleaved>} : vector<32xbf16> -> vector<16xf32>
      %unpack3A_515 = tpu.unpack_subelements %mul3A_513, 1 {pack_format = #tpu.pack_format<interleaved>} : vector<32xbf16> -> vector<16xf32>
      %add3A_516 = arith.addf %add3A_498, %unpack3A_514 : vector<16xf32>
      %add3A_517 = arith.addf %add3A_499, %unpack3A_515 : vector<16xf32>
      %get3A_518 = arith.index_cast %add3A_459 : i32 to index
      %get3A_519 = arith.constant 48 : index
      %get3A_520 = tpu.vector_load %arg11[%get3A_518, %get3A_519] {strides = array<i32>} : memref<80x64xi32, #tpu.memory_space<vmem>>, vector<16xi32>,
      %bitcast3A_521 = vector.bitcast %get3A_520 : vector<16xi32> to vector<32xbf16>
      %get3A_522 = arith.index_cast %add3A_459 : i32 to index
      %get3A_523 = arith.constant 48 : index
      %get3A_524 = tpu.vector_load %arg12[%get3A_522, %get3A_523] {strides = array<i32>} : memref<80x64xi32, #tpu.memory_space<vmem>>, vector<16xi32>,
      %bitcast3A_525 = vector.bitcast %get3A_524 : vector<16xi32> to vector<32xbf16>
      %get3A_526 = arith.index_cast %add3A_459 : i32 to index
      %get3A_527 = arith.constant 48 : index
      %get3A_528 = tpu.vector_load %arg13[%get3A_526, %get3A_527] {strides = array<i32>} : memref<80x64xi32, #tpu.memory_space<vmem>>, vector<16xi32>,
      %bitcast3A_529 = vector.bitcast %get3A_528 : vector<16xi32> to vector<32xbf16>
      %mul3A_530 = arith.mulf %bitcast3A_521, %bitcast3A_525 : vector<32xbf16>
      %mul3A_531 = arith.mulf %mul3A_530, %bitcast3A_529 : vector<32xbf16>
      %unpack3A_532 = tpu.unpack_subelements %mul3A_531, 0 {pack_format = #tpu.pack_format<interleaved>} : vector<32xbf16> -> vector<16xf32>
      %unpack3A_533 = tpu.unpack_subelements %mul3A_531, 1 {pack_format = #tpu.pack_format<interleaved>} : vector<32xbf16> -> vector<16xf32>
      %add3A_534 = arith.addf %add3A_516, %unpack3A_532 : vector<16xf32>
      %add3A_535 = arith.addf %add3A_517, %unpack3A_533 : vector<16xf32>
      %add3A_536 = arith.addf %add3A_534, %add3A_535 : vector<16xf32>
      %swap3A_537 = arith.constant 80 : index
      %swap3A_538 = tpu.vector_load %arg17[%swap3A_537] {strides = array<i32>} : memref<256xf32, #tpu.memory_space<vmem>>, vector<16xf32>,
      tpu.vector_store %arg17[%swap3A_537], %add3A_536 {strides = array<i32>} : memref<256xf32, #tpu.memory_space<vmem>>, vector<16xf32>,
      %mul3A_539 = arith.constant 16 : i32
      %mul3A_540 = arith.muli %scan3A_45, %mul3A_539 : i32
      %add3A_541 = arith.constant 6 : i32
      %add3A_542 = arith.addi %mul3A_540, %add3A_541 : i32
      %broadcast_in_dim3A_543 = arith.constant 0.000000e+00 : f32
      %broadcast_in_dim3A_544 = vector.broadcast %broadcast_in_dim3A_543 : f32 to vector<16xf32>
      %broadcast_in_dim3A_545 = arith.constant 0.000000e+00 : f32
      %broadcast_in_dim3A_546 = vector.broadcast %broadcast_in_dim3A_545 : f32 to vector<16xf32>
      %get3A_547 = arith.index_cast %add3A_542 : i32 to index
      %get3A_548 = arith.constant 0 : index
      %get3A_549 = tpu.vector_load %arg11[%get3A_547, %get3A_548] {strides = array<i32>} : memref<80x64xi32, #tpu.memory_space<vmem>>, vector<16xi32>,
      %bitcast3A_550 = vector.bitcast %get3A_549 : vector<16xi32> to vector<32xbf16>
      %get3A_551 = arith.index_cast %add3A_542 : i32 to index
      %get3A_552 = arith.constant 0 : index
      %get3A_553 = tpu.vector_load %arg12[%get3A_551, %get3A_552] {strides = array<i32>} : memref<80x64xi32, #tpu.memory_space<vmem>>, vector<16xi32>,
      %bitcast3A_554 = vector.bitcast %get3A_553 : vector<16xi32> to vector<32xbf16>
      %get3A_555 = arith.index_cast %add3A_542 : i32 to index
      %get3A_556 = arith.constant 0 : index
      %get3A_557 = tpu.vector_load %arg13[%get3A_555, %get3A_556] {strides = array<i32>} : memref<80x64xi32, #tpu.memory_space<vmem>>, vector<16xi32>,
      %bitcast3A_558 = vector.bitcast %get3A_557 : vector<16xi32> to vector<32xbf16>
      %mul3A_559 = arith.mulf %bitcast3A_550, %bitcast3A_554 : vector<32xbf16>
      %mul3A_560 = arith.mulf %mul3A_559, %bitcast3A_558 : vector<32xbf16>
      %unpack3A_561 = tpu.unpack_subelements %mul3A_560, 0 {pack_format = #tpu.pack_format<interleaved>} : vector<32xbf16> -> vector<16xf32>
      %unpack3A_562 = tpu.unpack_subelements %mul3A_560, 1 {pack_format = #tpu.pack_format<interleaved>} : vector<32xbf16> -> vector<16xf32>
      %add3A_563 = arith.addf %broadcast_in_dim3A_544, %unpack3A_561 : vector<16xf32>
      %add3A_564 = arith.addf %broadcast_in_dim3A_546, %unpack3A_562 : vector<16xf32>
      %get3A_565 = arith.index_cast %add3A_542 : i32 to index
      %get3A_566 = arith.constant 16 : index
      %get3A_567 = tpu.vector_load %arg11[%get3A_565, %get3A_566] {strides = array<i32>} : memref<80x64xi32, #tpu.memory_space<vmem>>, vector<16xi32>,
      %bitcast3A_568 = vector.bitcast %get3A_567 : vector<16xi32> to vector<32xbf16>
      %get3A_569 = arith.index_cast %add3A_542 : i32 to index
      %get3A_570 = arith.constant 16 : index
      %get3A_571 = tpu.vector_load %arg12[%get3A_569, %get3A_570] {strides = array<i32>} : memref<80x64xi32, #tpu.memory_space<vmem>>, vector<16xi32>,
      %bitcast3A_572 = vector.bitcast %get3A_571 : vector<16xi32> to vector<32xbf16>
      %get3A_573 = arith.index_cast %add3A_542 : i32 to index
      %get3A_574 = arith.constant 16 : index
      %get3A_575 = tpu.vector_load %arg13[%get3A_573, %get3A_574] {strides = array<i32>} : memref<80x64xi32, #tpu.memory_space<vmem>>, vector<16xi32>,
      %bitcast3A_576 = vector.bitcast %get3A_575 : vector<16xi32> to vector<32xbf16>
      %mul3A_577 = arith.mulf %bitcast3A_568, %bitcast3A_572 : vector<32xbf16>
      %mul3A_578 = arith.mulf %mul3A_577, %bitcast3A_576 : vector<32xbf16>
      %unpack3A_579 = tpu.unpack_subelements %mul3A_578, 0 {pack_format = #tpu.pack_format<interleaved>} : vector<32xbf16> -> vector<16xf32>
      %unpack3A_580 = tpu.unpack_subelements %mul3A_578, 1 {pack_format = #tpu.pack_format<interleaved>} : vector<32xbf16> -> vector<16xf32>
      %add3A_581 = arith.addf %add3A_563, %unpack3A_579 : vector<16xf32>
      %add3A_582 = arith.addf %add3A_564, %unpack3A_580 : vector<16xf32>
      %get3A_583 = arith.index_cast %add3A_542 : i32 to index
      %get3A_584 = arith.constant 32 : index
      %get3A_585 = tpu.vector_load %arg11[%get3A_583, %get3A_584] {strides = array<i32>} : memref<80x64xi32, #tpu.memory_space<vmem>>, vector<16xi32>,
      %bitcast3A_586 = vector.bitcast %get3A_585 : vector<16xi32> to vector<32xbf16>
      %get3A_587 = arith.index_cast %add3A_542 : i32 to index
      %get3A_588 = arith.constant 32 : index
      %get3A_589 = tpu.vector_load %arg12[%get3A_587, %get3A_588] {strides = array<i32>} : memref<80x64xi32, #tpu.memory_space<vmem>>, vector<16xi32>,
      %bitcast3A_590 = vector.bitcast %get3A_589 : vector<16xi32> to vector<32xbf16>
      %get3A_591 = arith.index_cast %add3A_542 : i32 to index
      %get3A_592 = arith.constant 32 : index
      %get3A_593 = tpu.vector_load %arg13[%get3A_591, %get3A_592] {strides = array<i32>} : memref<80x64xi32, #tpu.memory_space<vmem>>, vector<16xi32>,
      %bitcast3A_594 = vector.bitcast %get3A_593 : vector<16xi32> to vector<32xbf16>
      %mul3A_595 = arith.mulf %bitcast3A_586, %bitcast3A_590 : vector<32xbf16>
      %mul3A_596 = arith.mulf %mul3A_595, %bitcast3A_594 : vector<32xbf16>
      %unpack3A_597 = tpu.unpack_subelements %mul3A_596, 0 {pack_format = #tpu.pack_format<interleaved>} : vector<32xbf16> -> vector<16xf32>
      %unpack3A_598 = tpu.unpack_subelements %mul3A_596, 1 {pack_format = #tpu.pack_format<interleaved>} : vector<32xbf16> -> vector<16xf32>
      %add3A_599 = arith.addf %add3A_581, %unpack3A_597 : vector<16xf32>
      %add3A_600 = arith.addf %add3A_582, %unpack3A_598 : vector<16xf32>
      %get3A_601 = arith.index_cast %add3A_542 : i32 to index
      %get3A_602 = arith.constant 48 : index
      %get3A_603 = tpu.vector_load %arg11[%get3A_601, %get3A_602] {strides = array<i32>} : memref<80x64xi32, #tpu.memory_space<vmem>>, vector<16xi32>,
      %bitcast3A_604 = vector.bitcast %get3A_603 : vector<16xi32> to vector<32xbf16>
      %get3A_605 = arith.index_cast %add3A_542 : i32 to index
      %get3A_606 = arith.constant 48 : index
      %get3A_607 = tpu.vector_load %arg12[%get3A_605, %get3A_606] {strides = array<i32>} : memref<80x64xi32, #tpu.memory_space<vmem>>, vector<16xi32>,
      %bitcast3A_608 = vector.bitcast %get3A_607 : vector<16xi32> to vector<32xbf16>
      %get3A_609 = arith.index_cast %add3A_542 : i32 to index
      %get3A_610 = arith.constant 48 : index
      %get3A_611 = tpu.vector_load %arg13[%get3A_609, %get3A_610] {strides = array<i32>} : memref<80x64xi32, #tpu.memory_space<vmem>>, vector<16xi32>,
      %bitcast3A_612 = vector.bitcast %get3A_611 : vector<16xi32> to vector<32xbf16>
      %mul3A_613 = arith.mulf %bitcast3A_604, %bitcast3A_608 : vector<32xbf16>
      %mul3A_614 = arith.mulf %mul3A_613, %bitcast3A_612 : vector<32xbf16>
      %unpack3A_615 = tpu.unpack_subelements %mul3A_614, 0 {pack_format = #tpu.pack_format<interleaved>} : vector<32xbf16> -> vector<16xf32>
      %unpack3A_616 = tpu.unpack_subelements %mul3A_614, 1 {pack_format = #tpu.pack_format<interleaved>} : vector<32xbf16> -> vector<16xf32>
      %add3A_617 = arith.addf %add3A_599, %unpack3A_615 : vector<16xf32>
      %add3A_618 = arith.addf %add3A_600, %unpack3A_616 : vector<16xf32>
      %add3A_619 = arith.addf %add3A_617, %add3A_618 : vector<16xf32>
      %swap3A_620 = arith.constant 96 : index
      %swap3A_621 = tpu.vector_load %arg17[%swap3A_620] {strides = array<i32>} : memref<256xf32, #tpu.memory_space<vmem>>, vector<16xf32>,
      tpu.vector_store %arg17[%swap3A_620], %add3A_619 {strides = array<i32>} : memref<256xf32, #tpu.memory_space<vmem>>, vector<16xf32>,
      %mul3A_622 = arith.constant 16 : i32
      %mul3A_623 = arith.muli %scan3A_45, %mul3A_622 : i32
      %add3A_624 = arith.constant 7 : i32
      %add3A_625 = arith.addi %mul3A_623, %add3A_624 : i32
      %broadcast_in_dim3A_626 = arith.constant 0.000000e+00 : f32
      %broadcast_in_dim3A_627 = vector.broadcast %broadcast_in_dim3A_626 : f32 to vector<16xf32>
      %broadcast_in_dim3A_628 = arith.constant 0.000000e+00 : f32
      %broadcast_in_dim3A_629 = vector.broadcast %broadcast_in_dim3A_628 : f32 to vector<16xf32>
      %get3A_630 = arith.index_cast %add3A_625 : i32 to index
      %get3A_631 = arith.constant 0 : index
      %get3A_632 = tpu.vector_load %arg11[%get3A_630, %get3A_631] {strides = array<i32>} : memref<80x64xi32, #tpu.memory_space<vmem>>, vector<16xi32>,
      %bitcast3A_633 = vector.bitcast %get3A_632 : vector<16xi32> to vector<32xbf16>
      %get3A_634 = arith.index_cast %add3A_625 : i32 to index
      %get3A_635 = arith.constant 0 : index
      %get3A_636 = tpu.vector_load %arg12[%get3A_634, %get3A_635] {strides = array<i32>} : memref<80x64xi32, #tpu.memory_space<vmem>>, vector<16xi32>,
      %bitcast3A_637 = vector.bitcast %get3A_636 : vector<16xi32> to vector<32xbf16>
      %get3A_638 = arith.index_cast %add3A_625 : i32 to index
      %get3A_639 = arith.constant 0 : index
      %get3A_640 = tpu.vector_load %arg13[%get3A_638, %get3A_639] {strides = array<i32>} : memref<80x64xi32, #tpu.memory_space<vmem>>, vector<16xi32>,
      %bitcast3A_641 = vector.bitcast %get3A_640 : vector<16xi32> to vector<32xbf16>
      %mul3A_642 = arith.mulf %bitcast3A_633, %bitcast3A_637 : vector<32xbf16>
      %mul3A_643 = arith.mulf %mul3A_642, %bitcast3A_641 : vector<32xbf16>
      %unpack3A_644 = tpu.unpack_subelements %mul3A_643, 0 {pack_format = #tpu.pack_format<interleaved>} : vector<32xbf16> -> vector<16xf32>
      %unpack3A_645 = tpu.unpack_subelements %mul3A_643, 1 {pack_format = #tpu.pack_format<interleaved>} : vector<32xbf16> -> vector<16xf32>
      %add3A_646 = arith.addf %broadcast_in_dim3A_627, %unpack3A_644 : vector<16xf32>
      %add3A_647 = arith.addf %broadcast_in_dim3A_629, %unpack3A_645 : vector<16xf32>
      %get3A_648 = arith.index_cast %add3A_625 : i32 to index
      %get3A_649 = arith.constant 16 : index
      %get3A_650 = tpu.vector_load %arg11[%get3A_648, %get3A_649] {strides = array<i32>} : memref<80x64xi32, #tpu.memory_space<vmem>>, vector<16xi32>,
      %bitcast3A_651 = vector.bitcast %get3A_650 : vector<16xi32> to vector<32xbf16>
      %get3A_652 = arith.index_cast %add3A_625 : i32 to index
      %get3A_653 = arith.constant 16 : index
      %get3A_654 = tpu.vector_load %arg12[%get3A_652, %get3A_653] {strides = array<i32>} : memref<80x64xi32, #tpu.memory_space<vmem>>, vector<16xi32>,
      %bitcast3A_655 = vector.bitcast %get3A_654 : vector<16xi32> to vector<32xbf16>
      %get3A_656 = arith.index_cast %add3A_625 : i32 to index
      %get3A_657 = arith.constant 16 : index
      %get3A_658 = tpu.vector_load %arg13[%get3A_656, %get3A_657] {strides = array<i32>} : memref<80x64xi32, #tpu.memory_space<vmem>>, vector<16xi32>,
      %bitcast3A_659 = vector.bitcast %get3A_658 : vector<16xi32> to vector<32xbf16>
      %mul3A_660 = arith.mulf %bitcast3A_651, %bitcast3A_655 : vector<32xbf16>
      %mul3A_661 = arith.mulf %mul3A_660, %bitcast3A_659 : vector<32xbf16>
      %unpack3A_662 = tpu.unpack_subelements %mul3A_661, 0 {pack_format = #tpu.pack_format<interleaved>} : vector<32xbf16> -> vector<16xf32>
      %unpack3A_663 = tpu.unpack_subelements %mul3A_661, 1 {pack_format = #tpu.pack_format<interleaved>} : vector<32xbf16> -> vector<16xf32>
      %add3A_664 = arith.addf %add3A_646, %unpack3A_662 : vector<16xf32>
      %add3A_665 = arith.addf %add3A_647, %unpack3A_663 : vector<16xf32>
      %get3A_666 = arith.index_cast %add3A_625 : i32 to index
      %get3A_667 = arith.constant 32 : index
      %get3A_668 = tpu.vector_load %arg11[%get3A_666, %get3A_667] {strides = array<i32>} : memref<80x64xi32, #tpu.memory_space<vmem>>, vector<16xi32>,
      %bitcast3A_669 = vector.bitcast %get3A_668 : vector<16xi32> to vector<32xbf16>
      %get3A_670 = arith.index_cast %add3A_625 : i32 to index
      %get3A_671 = arith.constant 32 : index
      %get3A_672 = tpu.vector_load %arg12[%get3A_670, %get3A_671] {strides = array<i32>} : memref<80x64xi32, #tpu.memory_space<vmem>>, vector<16xi32>,
      %bitcast3A_673 = vector.bitcast %get3A_672 : vector<16xi32> to vector<32xbf16>
      %get3A_674 = arith.index_cast %add3A_625 : i32 to index
      %get3A_675 = arith.constant 32 : index
      %get3A_676 = tpu.vector_load %arg13[%get3A_674, %get3A_675] {strides = array<i32>} : memref<80x64xi32, #tpu.memory_space<vmem>>, vector<16xi32>,
      %bitcast3A_677 = vector.bitcast %get3A_676 : vector<16xi32> to vector<32xbf16>
      %mul3A_678 = arith.mulf %bitcast3A_669, %bitcast3A_673 : vector<32xbf16>
      %mul3A_679 = arith.mulf %mul3A_678, %bitcast3A_677 : vector<32xbf16>
      %unpack3A_680 = tpu.unpack_subelements %mul3A_679, 0 {pack_format = #tpu.pack_format<interleaved>} : vector<32xbf16> -> vector<16xf32>
      %unpack3A_681 = tpu.unpack_subelements %mul3A_679, 1 {pack_format = #tpu.pack_format<interleaved>} : vector<32xbf16> -> vector<16xf32>
      %add3A_682 = arith.addf %add3A_664, %unpack3A_680 : vector<16xf32>
      %add3A_683 = arith.addf %add3A_665, %unpack3A_681 : vector<16xf32>
      %get3A_684 = arith.index_cast %add3A_625 : i32 to index
      %get3A_685 = arith.constant 48 : index
      %get3A_686 = tpu.vector_load %arg11[%get3A_684, %get3A_685] {strides = array<i32>} : memref<80x64xi32, #tpu.memory_space<vmem>>, vector<16xi32>,
      %bitcast3A_687 = vector.bitcast %get3A_686 : vector<16xi32> to vector<32xbf16>
      %get3A_688 = arith.index_cast %add3A_625 : i32 to index
      %get3A_689 = arith.constant 48 : index
      %get3A_690 = tpu.vector_load %arg12[%get3A_688, %get3A_689] {strides = array<i32>} : memref<80x64xi32, #tpu.memory_space<vmem>>, vector<16xi32>,
      %bitcast3A_691 = vector.bitcast %get3A_690 : vector<16xi32> to vector<32xbf16>
      %get3A_692 = arith.index_cast %add3A_625 : i32 to index
      %get3A_693 = arith.constant 48 : index
      %get3A_694 = tpu.vector_load %arg13[%get3A_692, %get3A_693] {strides = array<i32>} : memref<80x64xi32, #tpu.memory_space<vmem>>, vector<16xi32>,
      %bitcast3A_695 = vector.bitcast %get3A_694 : vector<16xi32> to vector<32xbf16>
      %mul3A_696 = arith.mulf %bitcast3A_687, %bitcast3A_691 : vector<32xbf16>
      %mul3A_697 = arith.mulf %mul3A_696, %bitcast3A_695 : vector<32xbf16>
      %unpack3A_698 = tpu.unpack_subelements %mul3A_697, 0 {pack_format = #tpu.pack_format<interleaved>} : vector<32xbf16> -> vector<16xf32>
      %unpack3A_699 = tpu.unpack_subelements %mul3A_697, 1 {pack_format = #tpu.pack_format<interleaved>} : vector<32xbf16> -> vector<16xf32>
      %add3A_700 = arith.addf %add3A_682, %unpack3A_698 : vector<16xf32>
      %add3A_701 = arith.addf %add3A_683, %unpack3A_699 : vector<16xf32>
      %add3A_702 = arith.addf %add3A_700, %add3A_701 : vector<16xf32>
      %swap3A_703 = arith.constant 112 : index
      %swap3A_704 = tpu.vector_load %arg17[%swap3A_703] {strides = array<i32>} : memref<256xf32, #tpu.memory_space<vmem>>, vector<16xf32>,
      tpu.vector_store %arg17[%swap3A_703], %add3A_702 {strides = array<i32>} : memref<256xf32, #tpu.memory_space<vmem>>, vector<16xf32>,
      %mul3A_705 = arith.constant 16 : i32
      %mul3A_706 = arith.muli %scan3A_45, %mul3A_705 : i32
      %add3A_707 = arith.constant 8 : i32
      %add3A_708 = arith.addi %mul3A_706, %add3A_707 : i32
      %broadcast_in_dim3A_709 = arith.constant 0.000000e+00 : f32
      %broadcast_in_dim3A_710 = vector.broadcast %broadcast_in_dim3A_709 : f32 to vector<16xf32>
      %broadcast_in_dim3A_711 = arith.constant 0.000000e+00 : f32
      %broadcast_in_dim3A_712 = vector.broadcast %broadcast_in_dim3A_711 : f32 to vector<16xf32>
      %get3A_713 = arith.index_cast %add3A_708 : i32 to index
      %get3A_714 = arith.constant 0 : index
      %get3A_715 = tpu.vector_load %arg11[%get3A_713, %get3A_714] {strides = array<i32>} : memref<80x64xi32, #tpu.memory_space<vmem>>, vector<16xi32>,
      %bitcast3A_716 = vector.bitcast %get3A_715 : vector<16xi32> to vector<32xbf16>
      %get3A_717 = arith.index_cast %add3A_708 : i32 to index
      %get3A_718 = arith.constant 0 : index
      %get3A_719 = tpu.vector_load %arg12[%get3A_717, %get3A_718] {strides = array<i32>} : memref<80x64xi32, #tpu.memory_space<vmem>>, vector<16xi32>,
      %bitcast3A_720 = vector.bitcast %get3A_719 : vector<16xi32> to vector<32xbf16>
      %get3A_721 = arith.index_cast %add3A_708 : i32 to index
      %get3A_722 = arith.constant 0 : index
      %get3A_723 = tpu.vector_load %arg13[%get3A_721, %get3A_722] {strides = array<i32>} : memref<80x64xi32, #tpu.memory_space<vmem>>, vector<16xi32>,
      %bitcast3A_724 = vector.bitcast %get3A_723 : vector<16xi32> to vector<32xbf16>
      %mul3A_725 = arith.mulf %bitcast3A_716, %bitcast3A_720 : vector<32xbf16>
      %mul3A_726 = arith.mulf %mul3A_725, %bitcast3A_724 : vector<32xbf16>
      %unpack3A_727 = tpu.unpack_subelements %mul3A_726, 0 {pack_format = #tpu.pack_format<interleaved>} : vector<32xbf16> -> vector<16xf32>
      %unpack3A_728 = tpu.unpack_subelements %mul3A_726, 1 {pack_format = #tpu.pack_format<interleaved>} : vector<32xbf16> -> vector<16xf32>
      %add3A_729 = arith.addf %broadcast_in_dim3A_710, %unpack3A_727 : vector<16xf32>
      %add3A_730 = arith.addf %broadcast_in_dim3A_712, %unpack3A_728 : vector<16xf32>
      %get3A_731 = arith.index_cast %add3A_708 : i32 to index
      %get3A_732 = arith.constant 16 : index
      %get3A_733 = tpu.vector_load %arg11[%get3A_731, %get3A_732] {strides = array<i32>} : memref<80x64xi32, #tpu.memory_space<vmem>>, vector<16xi32>,
      %bitcast3A_734 = vector.bitcast %get3A_733 : vector<16xi32> to vector<32xbf16>
      %get3A_735 = arith.index_cast %add3A_708 : i32 to index
      %get3A_736 = arith.constant 16 : index
      %get3A_737 = tpu.vector_load %arg12[%get3A_735, %get3A_736] {strides = array<i32>} : memref<80x64xi32, #tpu.memory_space<vmem>>, vector<16xi32>,
      %bitcast3A_738 = vector.bitcast %get3A_737 : vector<16xi32> to vector<32xbf16>
      %get3A_739 = arith.index_cast %add3A_708 : i32 to index
      %get3A_740 = arith.constant 16 : index
      %get3A_741 = tpu.vector_load %arg13[%get3A_739, %get3A_740] {strides = array<i32>} : memref<80x64xi32, #tpu.memory_space<vmem>>, vector<16xi32>,
      %bitcast3A_742 = vector.bitcast %get3A_741 : vector<16xi32> to vector<32xbf16>
      %mul3A_743 = arith.mulf %bitcast3A_734, %bitcast3A_738 : vector<32xbf16>
      %mul3A_744 = arith.mulf %mul3A_743, %bitcast3A_742 : vector<32xbf16>
      %unpack3A_745 = tpu.unpack_subelements %mul3A_744, 0 {pack_format = #tpu.pack_format<interleaved>} : vector<32xbf16> -> vector<16xf32>
      %unpack3A_746 = tpu.unpack_subelements %mul3A_744, 1 {pack_format = #tpu.pack_format<interleaved>} : vector<32xbf16> -> vector<16xf32>
      %add3A_747 = arith.addf %add3A_729, %unpack3A_745 : vector<16xf32>
      %add3A_748 = arith.addf %add3A_730, %unpack3A_746 : vector<16xf32>
      %get3A_749 = arith.index_cast %add3A_708 : i32 to index
      %get3A_750 = arith.constant 32 : index
      %get3A_751 = tpu.vector_load %arg11[%get3A_749, %get3A_750] {strides = array<i32>} : memref<80x64xi32, #tpu.memory_space<vmem>>, vector<16xi32>,
      %bitcast3A_752 = vector.bitcast %get3A_751 : vector<16xi32> to vector<32xbf16>
      %get3A_753 = arith.index_cast %add3A_708 : i32 to index
      %get3A_754 = arith.constant 32 : index
      %get3A_755 = tpu.vector_load %arg12[%get3A_753, %get3A_754] {strides = array<i32>} : memref<80x64xi32, #tpu.memory_space<vmem>>, vector<16xi32>,
      %bitcast3A_756 = vector.bitcast %get3A_755 : vector<16xi32> to vector<32xbf16>
      %get3A_757 = arith.index_cast %add3A_708 : i32 to index
      %get3A_758 = arith.constant 32 : index
      %get3A_759 = tpu.vector_load %arg13[%get3A_757, %get3A_758] {strides = array<i32>} : memref<80x64xi32, #tpu.memory_space<vmem>>, vector<16xi32>,
      %bitcast3A_760 = vector.bitcast %get3A_759 : vector<16xi32> to vector<32xbf16>
      %mul3A_761 = arith.mulf %bitcast3A_752, %bitcast3A_756 : vector<32xbf16>
      %mul3A_762 = arith.mulf %mul3A_761, %bitcast3A_760 : vector<32xbf16>
      %unpack3A_763 = tpu.unpack_subelements %mul3A_762, 0 {pack_format = #tpu.pack_format<interleaved>} : vector<32xbf16> -> vector<16xf32>
      %unpack3A_764 = tpu.unpack_subelements %mul3A_762, 1 {pack_format = #tpu.pack_format<interleaved>} : vector<32xbf16> -> vector<16xf32>
      %add3A_765 = arith.addf %add3A_747, %unpack3A_763 : vector<16xf32>
      %add3A_766 = arith.addf %add3A_748, %unpack3A_764 : vector<16xf32>
      %get3A_767 = arith.index_cast %add3A_708 : i32 to index
      %get3A_768 = arith.constant 48 : index
      %get3A_769 = tpu.vector_load %arg11[%get3A_767, %get3A_768] {strides = array<i32>} : memref<80x64xi32, #tpu.memory_space<vmem>>, vector<16xi32>,
      %bitcast3A_770 = vector.bitcast %get3A_769 : vector<16xi32> to vector<32xbf16>
      %get3A_771 = arith.index_cast %add3A_708 : i32 to index
      %get3A_772 = arith.constant 48 : index
      %get3A_773 = tpu.vector_load %arg12[%get3A_771, %get3A_772] {strides = array<i32>} : memref<80x64xi32, #tpu.memory_space<vmem>>, vector<16xi32>,
      %bitcast3A_774 = vector.bitcast %get3A_773 : vector<16xi32> to vector<32xbf16>
      %get3A_775 = arith.index_cast %add3A_708 : i32 to index
      %get3A_776 = arith.constant 48 : index
      %get3A_777 = tpu.vector_load %arg13[%get3A_775, %get3A_776] {strides = array<i32>} : memref<80x64xi32, #tpu.memory_space<vmem>>, vector<16xi32>,
      %bitcast3A_778 = vector.bitcast %get3A_777 : vector<16xi32> to vector<32xbf16>
      %mul3A_779 = arith.mulf %bitcast3A_770, %bitcast3A_774 : vector<32xbf16>
      %mul3A_780 = arith.mulf %mul3A_779, %bitcast3A_778 : vector<32xbf16>
      %unpack3A_781 = tpu.unpack_subelements %mul3A_780, 0 {pack_format = #tpu.pack_format<interleaved>} : vector<32xbf16> -> vector<16xf32>
      %unpack3A_782 = tpu.unpack_subelements %mul3A_780, 1 {pack_format = #tpu.pack_format<interleaved>} : vector<32xbf16> -> vector<16xf32>
      %add3A_783 = arith.addf %add3A_765, %unpack3A_781 : vector<16xf32>
      %add3A_784 = arith.addf %add3A_766, %unpack3A_782 : vector<16xf32>
      %add3A_785 = arith.addf %add3A_783, %add3A_784 : vector<16xf32>
      %swap3A_786 = arith.constant 128 : index
      %swap3A_787 = tpu.vector_load %arg17[%swap3A_786] {strides = array<i32>} : memref<256xf32, #tpu.memory_space<vmem>>, vector<16xf32>,
      tpu.vector_store %arg17[%swap3A_786], %add3A_785 {strides = array<i32>} : memref<256xf32, #tpu.memory_space<vmem>>, vector<16xf32>,
      %mul3A_788 = arith.constant 16 : i32
      %mul3A_789 = arith.muli %scan3A_45, %mul3A_788 : i32
      %add3A_790 = arith.constant 9 : i32
      %add3A_791 = arith.addi %mul3A_789, %add3A_790 : i32
      %broadcast_in_dim3A_792 = arith.constant 0.000000e+00 : f32
      %broadcast_in_dim3A_793 = vector.broadcast %broadcast_in_dim3A_792 : f32 to vector<16xf32>
      %broadcast_in_dim3A_794 = arith.constant 0.000000e+00 : f32
      %broadcast_in_dim3A_795 = vector.broadcast %broadcast_in_dim3A_794 : f32 to vector<16xf32>
      %get3A_796 = arith.index_cast %add3A_791 : i32 to index
      %get3A_797 = arith.constant 0 : index
      %get3A_798 = tpu.vector_load %arg11[%get3A_796, %get3A_797] {strides = array<i32>} : memref<80x64xi32, #tpu.memory_space<vmem>>, vector<16xi32>,
      %bitcast3A_799 = vector.bitcast %get3A_798 : vector<16xi32> to vector<32xbf16>
      %get3A_800 = arith.index_cast %add3A_791 : i32 to index
      %get3A_801 = arith.constant 0 : index
      %get3A_802 = tpu.vector_load %arg12[%get3A_800, %get3A_801] {strides = array<i32>} : memref<80x64xi32, #tpu.memory_space<vmem>>, vector<16xi32>,
      %bitcast3A_803 = vector.bitcast %get3A_802 : vector<16xi32> to vector<32xbf16>
      %get3A_804 = arith.index_cast %add3A_791 : i32 to index
      %get3A_805 = arith.constant 0 : index
      %get3A_806 = tpu.vector_load %arg13[%get3A_804, %get3A_805] {strides = array<i32>} : memref<80x64xi32, #tpu.memory_space<vmem>>, vector<16xi32>,
      %bitcast3A_807 = vector.bitcast %get3A_806 : vector<16xi32> to vector<32xbf16>
      %mul3A_808 = arith.mulf %bitcast3A_799, %bitcast3A_803 : vector<32xbf16>
      %mul3A_809 = arith.mulf %mul3A_808, %bitcast3A_807 : vector<32xbf16>
      %unpack3A_810 = tpu.unpack_subelements %mul3A_809, 0 {pack_format = #tpu.pack_format<interleaved>} : vector<32xbf16> -> vector<16xf32>
      %unpack3A_811 = tpu.unpack_subelements %mul3A_809, 1 {pack_format = #tpu.pack_format<interleaved>} : vector<32xbf16> -> vector<16xf32>
      %add3A_812 = arith.addf %broadcast_in_dim3A_793, %unpack3A_810 : vector<16xf32>
      %add3A_813 = arith.addf %broadcast_in_dim3A_795, %unpack3A_811 : vector<16xf32>
      %get3A_814 = arith.index_cast %add3A_791 : i32 to index
      %get3A_815 = arith.constant 16 : index
      %get3A_816 = tpu.vector_load %arg11[%get3A_814, %get3A_815] {strides = array<i32>} : memref<80x64xi32, #tpu.memory_space<vmem>>, vector<16xi32>,
      %bitcast3A_817 = vector.bitcast %get3A_816 : vector<16xi32> to vector<32xbf16>
      %get3A_818 = arith.index_cast %add3A_791 : i32 to index
      %get3A_819 = arith.constant 16 : index
      %get3A_820 = tpu.vector_load %arg12[%get3A_818, %get3A_819] {strides = array<i32>} : memref<80x64xi32, #tpu.memory_space<vmem>>, vector<16xi32>,
      %bitcast3A_821 = vector.bitcast %get3A_820 : vector<16xi32> to vector<32xbf16>
      %get3A_822 = arith.index_cast %add3A_791 : i32 to index
      %get3A_823 = arith.constant 16 : index
      %get3A_824 = tpu.vector_load %arg13[%get3A_822, %get3A_823] {strides = array<i32>} : memref<80x64xi32, #tpu.memory_space<vmem>>, vector<16xi32>,
      %bitcast3A_825 = vector.bitcast %get3A_824 : vector<16xi32> to vector<32xbf16>
      %mul3A_826 = arith.mulf %bitcast3A_817, %bitcast3A_821 : vector<32xbf16>
      %mul3A_827 = arith.mulf %mul3A_826, %bitcast3A_825 : vector<32xbf16>
      %unpack3A_828 = tpu.unpack_subelements %mul3A_827, 0 {pack_format = #tpu.pack_format<interleaved>} : vector<32xbf16> -> vector<16xf32>
      %unpack3A_829 = tpu.unpack_subelements %mul3A_827, 1 {pack_format = #tpu.pack_format<interleaved>} : vector<32xbf16> -> vector<16xf32>
      %add3A_830 = arith.addf %add3A_812, %unpack3A_828 : vector<16xf32>
      %add3A_831 = arith.addf %add3A_813, %unpack3A_829 : vector<16xf32>
      %get3A_832 = arith.index_cast %add3A_791 : i32 to index
      %get3A_833 = arith.constant 32 : index
      %get3A_834 = tpu.vector_load %arg11[%get3A_832, %get3A_833] {strides = array<i32>} : memref<80x64xi32, #tpu.memory_space<vmem>>, vector<16xi32>,
      %bitcast3A_835 = vector.bitcast %get3A_834 : vector<16xi32> to vector<32xbf16>
      %get3A_836 = arith.index_cast %add3A_791 : i32 to index
      %get3A_837 = arith.constant 32 : index
      %get3A_838 = tpu.vector_load %arg12[%get3A_836, %get3A_837] {strides = array<i32>} : memref<80x64xi32, #tpu.memory_space<vmem>>, vector<16xi32>,
      %bitcast3A_839 = vector.bitcast %get3A_838 : vector<16xi32> to vector<32xbf16>
      %get3A_840 = arith.index_cast %add3A_791 : i32 to index
      %get3A_841 = arith.constant 32 : index
      %get3A_842 = tpu.vector_load %arg13[%get3A_840, %get3A_841] {strides = array<i32>} : memref<80x64xi32, #tpu.memory_space<vmem>>, vector<16xi32>,
      %bitcast3A_843 = vector.bitcast %get3A_842 : vector<16xi32> to vector<32xbf16>
      %mul3A_844 = arith.mulf %bitcast3A_835, %bitcast3A_839 : vector<32xbf16>
      %mul3A_845 = arith.mulf %mul3A_844, %bitcast3A_843 : vector<32xbf16>
      %unpack3A_846 = tpu.unpack_subelements %mul3A_845, 0 {pack_format = #tpu.pack_format<interleaved>} : vector<32xbf16> -> vector<16xf32>
      %unpack3A_847 = tpu.unpack_subelements %mul3A_845, 1 {pack_format = #tpu.pack_format<interleaved>} : vector<32xbf16> -> vector<16xf32>
      %add3A_848 = arith.addf %add3A_830, %unpack3A_846 : vector<16xf32>
      %add3A_849 = arith.addf %add3A_831, %unpack3A_847 : vector<16xf32>
      %get3A_850 = arith.index_cast %add3A_791 : i32 to index
      %get3A_851 = arith.constant 48 : index
      %get3A_852 = tpu.vector_load %arg11[%get3A_850, %get3A_851] {strides = array<i32>} : memref<80x64xi32, #tpu.memory_space<vmem>>, vector<16xi32>,
      %bitcast3A_853 = vector.bitcast %get3A_852 : vector<16xi32> to vector<32xbf16>
      %get3A_854 = arith.index_cast %add3A_791 : i32 to index
      %get3A_855 = arith.constant 48 : index
      %get3A_856 = tpu.vector_load %arg12[%get3A_854, %get3A_855] {strides = array<i32>} : memref<80x64xi32, #tpu.memory_space<vmem>>, vector<16xi32>,
      %bitcast3A_857 = vector.bitcast %get3A_856 : vector<16xi32> to vector<32xbf16>
      %get3A_858 = arith.index_cast %add3A_791 : i32 to index
      %get3A_859 = arith.constant 48 : index
      %get3A_860 = tpu.vector_load %arg13[%get3A_858, %get3A_859] {strides = array<i32>} : memref<80x64xi32, #tpu.memory_space<vmem>>, vector<16xi32>,
      %bitcast3A_861 = vector.bitcast %get3A_860 : vector<16xi32> to vector<32xbf16>
      %mul3A_862 = arith.mulf %bitcast3A_853, %bitcast3A_857 : vector<32xbf16>
      %mul3A_863 = arith.mulf %mul3A_862, %bitcast3A_861 : vector<32xbf16>
      %unpack3A_864 = tpu.unpack_subelements %mul3A_863, 0 {pack_format = #tpu.pack_format<interleaved>} : vector<32xbf16> -> vector<16xf32>
      %unpack3A_865 = tpu.unpack_subelements %mul3A_863, 1 {pack_format = #tpu.pack_format<interleaved>} : vector<32xbf16> -> vector<16xf32>
      %add3A_866 = arith.addf %add3A_848, %unpack3A_864 : vector<16xf32>
      %add3A_867 = arith.addf %add3A_849, %unpack3A_865 : vector<16xf32>
      %add3A_868 = arith.addf %add3A_866, %add3A_867 : vector<16xf32>
      %swap3A_869 = arith.constant 144 : index
      %swap3A_870 = tpu.vector_load %arg17[%swap3A_869] {strides = array<i32>} : memref<256xf32, #tpu.memory_space<vmem>>, vector<16xf32>,
      tpu.vector_store %arg17[%swap3A_869], %add3A_868 {strides = array<i32>} : memref<256xf32, #tpu.memory_space<vmem>>, vector<16xf32>,
      %mul3A_871 = arith.constant 16 : i32
      %mul3A_872 = arith.muli %scan3A_45, %mul3A_871 : i32
      %add3A_873 = arith.constant 10 : i32
      %add3A_874 = arith.addi %mul3A_872, %add3A_873 : i32
      %broadcast_in_dim3A_875 = arith.constant 0.000000e+00 : f32
      %broadcast_in_dim3A_876 = vector.broadcast %broadcast_in_dim3A_875 : f32 to vector<16xf32>
      %broadcast_in_dim3A_877 = arith.constant 0.000000e+00 : f32
      %broadcast_in_dim3A_878 = vector.broadcast %broadcast_in_dim3A_877 : f32 to vector<16xf32>
      %get3A_879 = arith.index_cast %add3A_874 : i32 to index
      %get3A_880 = arith.constant 0 : index
      %get3A_881 = tpu.vector_load %arg11[%get3A_879, %get3A_880] {strides = array<i32>} : memref<80x64xi32, #tpu.memory_space<vmem>>, vector<16xi32>,
      %bitcast3A_882 = vector.bitcast %get3A_881 : vector<16xi32> to vector<32xbf16>
      %get3A_883 = arith.index_cast %add3A_874 : i32 to index
      %get3A_884 = arith.constant 0 : index
      %get3A_885 = tpu.vector_load %arg12[%get3A_883, %get3A_884] {strides = array<i32>} : memref<80x64xi32, #tpu.memory_space<vmem>>, vector<16xi32>,
      %bitcast3A_886 = vector.bitcast %get3A_885 : vector<16xi32> to vector<32xbf16>
      %get3A_887 = arith.index_cast %add3A_874 : i32 to index
      %get3A_888 = arith.constant 0 : index
      %get3A_889 = tpu.vector_load %arg13[%get3A_887, %get3A_888] {strides = array<i32>} : memref<80x64xi32, #tpu.memory_space<vmem>>, vector<16xi32>,
      %bitcast3A_890 = vector.bitcast %get3A_889 : vector<16xi32> to vector<32xbf16>
      %mul3A_891 = arith.mulf %bitcast3A_882, %bitcast3A_886 : vector<32xbf16>
      %mul3A_892 = arith.mulf %mul3A_891, %bitcast3A_890 : vector<32xbf16>
      %unpack3A_893 = tpu.unpack_subelements %mul3A_892, 0 {pack_format = #tpu.pack_format<interleaved>} : vector<32xbf16> -> vector<16xf32>
      %unpack3A_894 = tpu.unpack_subelements %mul3A_892, 1 {pack_format = #tpu.pack_format<interleaved>} : vector<32xbf16> -> vector<16xf32>
      %add3A_895 = arith.addf %broadcast_in_dim3A_876, %unpack3A_893 : vector<16xf32>
      %add3A_896 = arith.addf %broadcast_in_dim3A_878, %unpack3A_894 : vector<16xf32>
      %get3A_897 = arith.index_cast %add3A_874 : i32 to index
      %get3A_898 = arith.constant 16 : index
      %get3A_899 = tpu.vector_load %arg11[%get3A_897, %get3A_898] {strides = array<i32>} : memref<80x64xi32, #tpu.memory_space<vmem>>, vector<16xi32>,
      %bitcast3A_900 = vector.bitcast %get3A_899 : vector<16xi32> to vector<32xbf16>
      %get3A_901 = arith.index_cast %add3A_874 : i32 to index
      %get3A_902 = arith.constant 16 : index
      %get3A_903 = tpu.vector_load %arg12[%get3A_901, %get3A_902] {strides = array<i32>} : memref<80x64xi32, #tpu.memory_space<vmem>>, vector<16xi32>,
      %bitcast3A_904 = vector.bitcast %get3A_903 : vector<16xi32> to vector<32xbf16>
      %get3A_905 = arith.index_cast %add3A_874 : i32 to index
      %get3A_906 = arith.constant 16 : index
      %get3A_907 = tpu.vector_load %arg13[%get3A_905, %get3A_906] {strides = array<i32>} : memref<80x64xi32, #tpu.memory_space<vmem>>, vector<16xi32>,
      %bitcast3A_908 = vector.bitcast %get3A_907 : vector<16xi32> to vector<32xbf16>
      %mul3A_909 = arith.mulf %bitcast3A_900, %bitcast3A_904 : vector<32xbf16>
      %mul3A_910 = arith.mulf %mul3A_909, %bitcast3A_908 : vector<32xbf16>
      %unpack3A_911 = tpu.unpack_subelements %mul3A_910, 0 {pack_format = #tpu.pack_format<interleaved>} : vector<32xbf16> -> vector<16xf32>
      %unpack3A_912 = tpu.unpack_subelements %mul3A_910, 1 {pack_format = #tpu.pack_format<interleaved>} : vector<32xbf16> -> vector<16xf32>
      %add3A_913 = arith.addf %add3A_895, %unpack3A_911 : vector<16xf32>
      %add3A_914 = arith.addf %add3A_896, %unpack3A_912 : vector<16xf32>
      %get3A_915 = arith.index_cast %add3A_874 : i32 to index
      %get3A_916 = arith.constant 32 : index
      %get3A_917 = tpu.vector_load %arg11[%get3A_915, %get3A_916] {strides = array<i32>} : memref<80x64xi32, #tpu.memory_space<vmem>>, vector<16xi32>,
      %bitcast3A_918 = vector.bitcast %get3A_917 : vector<16xi32> to vector<32xbf16>
      %get3A_919 = arith.index_cast %add3A_874 : i32 to index
      %get3A_920 = arith.constant 32 : index
      %get3A_921 = tpu.vector_load %arg12[%get3A_919, %get3A_920] {strides = array<i32>} : memref<80x64xi32, #tpu.memory_space<vmem>>, vector<16xi32>,
      %bitcast3A_922 = vector.bitcast %get3A_921 : vector<16xi32> to vector<32xbf16>
      %get3A_923 = arith.index_cast %add3A_874 : i32 to index
      %get3A_924 = arith.constant 32 : index
      %get3A_925 = tpu.vector_load %arg13[%get3A_923, %get3A_924] {strides = array<i32>} : memref<80x64xi32, #tpu.memory_space<vmem>>, vector<16xi32>,
      %bitcast3A_926 = vector.bitcast %get3A_925 : vector<16xi32> to vector<32xbf16>
      %mul3A_927 = arith.mulf %bitcast3A_918, %bitcast3A_922 : vector<32xbf16>
      %mul3A_928 = arith.mulf %mul3A_927, %bitcast3A_926 : vector<32xbf16>
      %unpack3A_929 = tpu.unpack_subelements %mul3A_928, 0 {pack_format = #tpu.pack_format<interleaved>} : vector<32xbf16> -> vector<16xf32>
      %unpack3A_930 = tpu.unpack_subelements %mul3A_928, 1 {pack_format = #tpu.pack_format<interleaved>} : vector<32xbf16> -> vector<16xf32>
      %add3A_931 = arith.addf %add3A_913, %unpack3A_929 : vector<16xf32>
      %add3A_932 = arith.addf %add3A_914, %unpack3A_930 : vector<16xf32>
      %get3A_933 = arith.index_cast %add3A_874 : i32 to index
      %get3A_934 = arith.constant 48 : index
      %get3A_935 = tpu.vector_load %arg11[%get3A_933, %get3A_934] {strides = array<i32>} : memref<80x64xi32, #tpu.memory_space<vmem>>, vector<16xi32>,
      %bitcast3A_936 = vector.bitcast %get3A_935 : vector<16xi32> to vector<32xbf16>
      %get3A_937 = arith.index_cast %add3A_874 : i32 to index
      %get3A_938 = arith.constant 48 : index
      %get3A_939 = tpu.vector_load %arg12[%get3A_937, %get3A_938] {strides = array<i32>} : memref<80x64xi32, #tpu.memory_space<vmem>>, vector<16xi32>,
      %bitcast3A_940 = vector.bitcast %get3A_939 : vector<16xi32> to vector<32xbf16>
      %get3A_941 = arith.index_cast %add3A_874 : i32 to index
      %get3A_942 = arith.constant 48 : index
      %get3A_943 = tpu.vector_load %arg13[%get3A_941, %get3A_942] {strides = array<i32>} : memref<80x64xi32, #tpu.memory_space<vmem>>, vector<16xi32>,
      %bitcast3A_944 = vector.bitcast %get3A_943 : vector<16xi32> to vector<32xbf16>
      %mul3A_945 = arith.mulf %bitcast3A_936, %bitcast3A_940 : vector<32xbf16>
      %mul3A_946 = arith.mulf %mul3A_945, %bitcast3A_944 : vector<32xbf16>
      %unpack3A_947 = tpu.unpack_subelements %mul3A_946, 0 {pack_format = #tpu.pack_format<interleaved>} : vector<32xbf16> -> vector<16xf32>
      %unpack3A_948 = tpu.unpack_subelements %mul3A_946, 1 {pack_format = #tpu.pack_format<interleaved>} : vector<32xbf16> -> vector<16xf32>
      %add3A_949 = arith.addf %add3A_931, %unpack3A_947 : vector<16xf32>
      %add3A_950 = arith.addf %add3A_932, %unpack3A_948 : vector<16xf32>
      %add3A_951 = arith.addf %add3A_949, %add3A_950 : vector<16xf32>
      %swap3A_952 = arith.constant 160 : index
      %swap3A_953 = tpu.vector_load %arg17[%swap3A_952] {strides = array<i32>} : memref<256xf32, #tpu.memory_space<vmem>>, vector<16xf32>,
      tpu.vector_store %arg17[%swap3A_952], %add3A_951 {strides = array<i32>} : memref<256xf32, #tpu.memory_space<vmem>>, vector<16xf32>,
      %mul3A_954 = arith.constant 16 : i32
      %mul3A_955 = arith.muli %scan3A_45, %mul3A_954 : i32
      %add3A_956 = arith.constant 11 : i32
      %add3A_957 = arith.addi %mul3A_955, %add3A_956 : i32
      %broadcast_in_dim3A_958 = arith.constant 0.000000e+00 : f32
      %broadcast_in_dim3A_959 = vector.broadcast %broadcast_in_dim3A_958 : f32 to vector<16xf32>
      %broadcast_in_dim3A_960 = arith.constant 0.000000e+00 : f32
      %broadcast_in_dim3A_961 = vector.broadcast %broadcast_in_dim3A_960 : f32 to vector<16xf32>
      %get3A_962 = arith.index_cast %add3A_957 : i32 to index
      %get3A_963 = arith.constant 0 : index
      %get3A_964 = tpu.vector_load %arg11[%get3A_962, %get3A_963] {strides = array<i32>} : memref<80x64xi32, #tpu.memory_space<vmem>>, vector<16xi32>,
      %bitcast3A_965 = vector.bitcast %get3A_964 : vector<16xi32> to vector<32xbf16>
      %get3A_966 = arith.index_cast %add3A_957 : i32 to index
      %get3A_967 = arith.constant 0 : index
      %get3A_968 = tpu.vector_load %arg12[%get3A_966, %get3A_967] {strides = array<i32>} : memref<80x64xi32, #tpu.memory_space<vmem>>, vector<16xi32>,
      %bitcast3A_969 = vector.bitcast %get3A_968 : vector<16xi32> to vector<32xbf16>
      %get3A_970 = arith.index_cast %add3A_957 : i32 to index
      %get3A_971 = arith.constant 0 : index
      %get3A_972 = tpu.vector_load %arg13[%get3A_970, %get3A_971] {strides = array<i32>} : memref<80x64xi32, #tpu.memory_space<vmem>>, vector<16xi32>,
      %bitcast3A_973 = vector.bitcast %get3A_972 : vector<16xi32> to vector<32xbf16>
      %mul3A_974 = arith.mulf %bitcast3A_965, %bitcast3A_969 : vector<32xbf16>
      %mul3A_975 = arith.mulf %mul3A_974, %bitcast3A_973 : vector<32xbf16>
      %unpack3A_976 = tpu.unpack_subelements %mul3A_975, 0 {pack_format = #tpu.pack_format<interleaved>} : vector<32xbf16> -> vector<16xf32>
      %unpack3A_977 = tpu.unpack_subelements %mul3A_975, 1 {pack_format = #tpu.pack_format<interleaved>} : vector<32xbf16> -> vector<16xf32>
      %add3A_978 = arith.addf %broadcast_in_dim3A_959, %unpack3A_976 : vector<16xf32>
      %add3A_979 = arith.addf %broadcast_in_dim3A_961, %unpack3A_977 : vector<16xf32>
      %get3A_980 = arith.index_cast %add3A_957 : i32 to index
      %get3A_981 = arith.constant 16 : index
      %get3A_982 = tpu.vector_load %arg11[%get3A_980, %get3A_981] {strides = array<i32>} : memref<80x64xi32, #tpu.memory_space<vmem>>, vector<16xi32>,
      %bitcast3A_983 = vector.bitcast %get3A_982 : vector<16xi32> to vector<32xbf16>
      %get3A_984 = arith.index_cast %add3A_957 : i32 to index
      %get3A_985 = arith.constant 16 : index
      %get3A_986 = tpu.vector_load %arg12[%get3A_984, %get3A_985] {strides = array<i32>} : memref<80x64xi32, #tpu.memory_space<vmem>>, vector<16xi32>,
      %bitcast3A_987 = vector.bitcast %get3A_986 : vector<16xi32> to vector<32xbf16>
      %get3A_988 = arith.index_cast %add3A_957 : i32 to index
      %get3A_989 = arith.constant 16 : index
      %get3A_990 = tpu.vector_load %arg13[%get3A_988, %get3A_989] {strides = array<i32>} : memref<80x64xi32, #tpu.memory_space<vmem>>, vector<16xi32>,
      %bitcast3A_991 = vector.bitcast %get3A_990 : vector<16xi32> to vector<32xbf16>
      %mul3A_992 = arith.mulf %bitcast3A_983, %bitcast3A_987 : vector<32xbf16>
      %mul3A_993 = arith.mulf %mul3A_992, %bitcast3A_991 : vector<32xbf16>
      %unpack3A_994 = tpu.unpack_subelements %mul3A_993, 0 {pack_format = #tpu.pack_format<interleaved>} : vector<32xbf16> -> vector<16xf32>
      %unpack3A_995 = tpu.unpack_subelements %mul3A_993, 1 {pack_format = #tpu.pack_format<interleaved>} : vector<32xbf16> -> vector<16xf32>
      %add3A_996 = arith.addf %add3A_978, %unpack3A_994 : vector<16xf32>
      %add3A_997 = arith.addf %add3A_979, %unpack3A_995 : vector<16xf32>
      %get3A_998 = arith.index_cast %add3A_957 : i32 to index
      %get3A_999 = arith.constant 32 : index
      %get3A_1000 = tpu.vector_load %arg11[%get3A_998, %get3A_999] {strides = array<i32>} : memref<80x64xi32, #tpu.memory_space<vmem>>, vector<16xi32>,
      %bitcast3A_1001 = vector.bitcast %get3A_1000 : vector<16xi32> to vector<32xbf16>
      %get3A_1002 = arith.index_cast %add3A_957 : i32 to index
      %get3A_1003 = arith.constant 32 : index
      %get3A_1004 = tpu.vector_load %arg12[%get3A_1002, %get3A_1003] {strides = array<i32>} : memref<80x64xi32, #tpu.memory_space<vmem>>, vector<16xi32>,
      %bitcast3A_1005 = vector.bitcast %get3A_1004 : vector<16xi32> to vector<32xbf16>
      %get3A_1006 = arith.index_cast %add3A_957 : i32 to index
      %get3A_1007 = arith.constant 32 : index
      %get3A_1008 = tpu.vector_load %arg13[%get3A_1006, %get3A_1007] {strides = array<i32>} : memref<80x64xi32, #tpu.memory_space<vmem>>, vector<16xi32>,
      %bitcast3A_1009 = vector.bitcast %get3A_1008 : vector<16xi32> to vector<32xbf16>
      %mul3A_1010 = arith.mulf %bitcast3A_1001, %bitcast3A_1005 : vector<32xbf16>
      %mul3A_1011 = arith.mulf %mul3A_1010, %bitcast3A_1009 : vector<32xbf16>
      %unpack3A_1012 = tpu.unpack_subelements %mul3A_1011, 0 {pack_format = #tpu.pack_format<interleaved>} : vector<32xbf16> -> vector<16xf32>
      %unpack3A_1013 = tpu.unpack_subelements %mul3A_1011, 1 {pack_format = #tpu.pack_format<interleaved>} : vector<32xbf16> -> vector<16xf32>
      %add3A_1014 = arith.addf %add3A_996, %unpack3A_1012 : vector<16xf32>
      %add3A_1015 = arith.addf %add3A_997, %unpack3A_1013 : vector<16xf32>
      %get3A_1016 = arith.index_cast %add3A_957 : i32 to index
      %get3A_1017 = arith.constant 48 : index
      %get3A_1018 = tpu.vector_load %arg11[%get3A_1016, %get3A_1017] {strides = array<i32>} : memref<80x64xi32, #tpu.memory_space<vmem>>, vector<16xi32>,
      %bitcast3A_1019 = vector.bitcast %get3A_1018 : vector<16xi32> to vector<32xbf16>
      %get3A_1020 = arith.index_cast %add3A_957 : i32 to index
      %get3A_1021 = arith.constant 48 : index
      %get3A_1022 = tpu.vector_load %arg12[%get3A_1020, %get3A_1021] {strides = array<i32>} : memref<80x64xi32, #tpu.memory_space<vmem>>, vector<16xi32>,
      %bitcast3A_1023 = vector.bitcast %get3A_1022 : vector<16xi32> to vector<32xbf16>
      %get3A_1024 = arith.index_cast %add3A_957 : i32 to index
      %get3A_1025 = arith.constant 48 : index
      %get3A_1026 = tpu.vector_load %arg13[%get3A_1024, %get3A_1025] {strides = array<i32>} : memref<80x64xi32, #tpu.memory_space<vmem>>, vector<16xi32>,
      %bitcast3A_1027 = vector.bitcast %get3A_1026 : vector<16xi32> to vector<32xbf16>
      %mul3A_1028 = arith.mulf %bitcast3A_1019, %bitcast3A_1023 : vector<32xbf16>
      %mul3A_1029 = arith.mulf %mul3A_1028, %bitcast3A_1027 : vector<32xbf16>
      %unpack3A_1030 = tpu.unpack_subelements %mul3A_1029, 0 {pack_format = #tpu.pack_format<interleaved>} : vector<32xbf16> -> vector<16xf32>
      %unpack3A_1031 = tpu.unpack_subelements %mul3A_1029, 1 {pack_format = #tpu.pack_format<interleaved>} : vector<32xbf16> -> vector<16xf32>
      %add3A_1032 = arith.addf %add3A_1014, %unpack3A_1030 : vector<16xf32>
      %add3A_1033 = arith.addf %add3A_1015, %unpack3A_1031 : vector<16xf32>
      %add3A_1034 = arith.addf %add3A_1032, %add3A_1033 : vector<16xf32>
      %swap3A_1035 = arith.constant 176 : index
      %swap3A_1036 = tpu.vector_load %arg17[%swap3A_1035] {strides = array<i32>} : memref<256xf32, #tpu.memory_space<vmem>>, vector<16xf32>,
      tpu.vector_store %arg17[%swap3A_1035], %add3A_1034 {strides = array<i32>} : memref<256xf32, #tpu.memory_space<vmem>>, vector<16xf32>,
      %mul3A_1037 = arith.constant 16 : i32
      %mul3A_1038 = arith.muli %scan3A_45, %mul3A_1037 : i32
      %add3A_1039 = arith.constant 12 : i32
      %add3A_1040 = arith.addi %mul3A_1038, %add3A_1039 : i32
      %broadcast_in_dim3A_1041 = arith.constant 0.000000e+00 : f32
      %broadcast_in_dim3A_1042 = vector.broadcast %broadcast_in_dim3A_1041 : f32 to vector<16xf32>
      %broadcast_in_dim3A_1043 = arith.constant 0.000000e+00 : f32
      %broadcast_in_dim3A_1044 = vector.broadcast %broadcast_in_dim3A_1043 : f32 to vector<16xf32>
      %get3A_1045 = arith.index_cast %add3A_1040 : i32 to index
      %get3A_1046 = arith.constant 0 : index
      %get3A_1047 = tpu.vector_load %arg11[%get3A_1045, %get3A_1046] {strides = array<i32>} : memref<80x64xi32, #tpu.memory_space<vmem>>, vector<16xi32>,
      %bitcast3A_1048 = vector.bitcast %get3A_1047 : vector<16xi32> to vector<32xbf16>
      %get3A_1049 = arith.index_cast %add3A_1040 : i32 to index
      %get3A_1050 = arith.constant 0 : index
      %get3A_1051 = tpu.vector_load %arg12[%get3A_1049, %get3A_1050] {strides = array<i32>} : memref<80x64xi32, #tpu.memory_space<vmem>>, vector<16xi32>,
      %bitcast3A_1052 = vector.bitcast %get3A_1051 : vector<16xi32> to vector<32xbf16>
      %get3A_1053 = arith.index_cast %add3A_1040 : i32 to index
      %get3A_1054 = arith.constant 0 : index
      %get3A_1055 = tpu.vector_load %arg13[%get3A_1053, %get3A_1054] {strides = array<i32>} : memref<80x64xi32, #tpu.memory_space<vmem>>, vector<16xi32>,
      %bitcast3A_1056 = vector.bitcast %get3A_1055 : vector<16xi32> to vector<32xbf16>
      %mul3A_1057 = arith.mulf %bitcast3A_1048, %bitcast3A_1052 : vector<32xbf16>
      %mul3A_1058 = arith.mulf %mul3A_1057, %bitcast3A_1056 : vector<32xbf16>
      %unpack3A_1059 = tpu.unpack_subelements %mul3A_1058, 0 {pack_format = #tpu.pack_format<interleaved>} : vector<32xbf16> -> vector<16xf32>
      %unpack3A_1060 = tpu.unpack_subelements %mul3A_1058, 1 {pack_format = #tpu.pack_format<interleaved>} : vector<32xbf16> -> vector<16xf32>
      %add3A_1061 = arith.addf %broadcast_in_dim3A_1042, %unpack3A_1059 : vector<16xf32>
      %add3A_1062 = arith.addf %broadcast_in_dim3A_1044, %unpack3A_1060 : vector<16xf32>
      %get3A_1063 = arith.index_cast %add3A_1040 : i32 to index
      %get3A_1064 = arith.constant 16 : index
      %get3A_1065 = tpu.vector_load %arg11[%get3A_1063, %get3A_1064] {strides = array<i32>} : memref<80x64xi32, #tpu.memory_space<vmem>>, vector<16xi32>,
      %bitcast3A_1066 = vector.bitcast %get3A_1065 : vector<16xi32> to vector<32xbf16>
      %get3A_1067 = arith.index_cast %add3A_1040 : i32 to index
      %get3A_1068 = arith.constant 16 : index
      %get3A_1069 = tpu.vector_load %arg12[%get3A_1067, %get3A_1068] {strides = array<i32>} : memref<80x64xi32, #tpu.memory_space<vmem>>, vector<16xi32>,
      %bitcast3A_1070 = vector.bitcast %get3A_1069 : vector<16xi32> to vector<32xbf16>
      %get3A_1071 = arith.index_cast %add3A_1040 : i32 to index
      %get3A_1072 = arith.constant 16 : index
      %get3A_1073 = tpu.vector_load %arg13[%get3A_1071, %get3A_1072] {strides = array<i32>} : memref<80x64xi32, #tpu.memory_space<vmem>>, vector<16xi32>,
      %bitcast3A_1074 = vector.bitcast %get3A_1073 : vector<16xi32> to vector<32xbf16>
      %mul3A_1075 = arith.mulf %bitcast3A_1066, %bitcast3A_1070 : vector<32xbf16>
      %mul3A_1076 = arith.mulf %mul3A_1075, %bitcast3A_1074 : vector<32xbf16>
      %unpack3A_1077 = tpu.unpack_subelements %mul3A_1076, 0 {pack_format = #tpu.pack_format<interleaved>} : vector<32xbf16> -> vector<16xf32>
      %unpack3A_1078 = tpu.unpack_subelements %mul3A_1076, 1 {pack_format = #tpu.pack_format<interleaved>} : vector<32xbf16> -> vector<16xf32>
      %add3A_1079 = arith.addf %add3A_1061, %unpack3A_1077 : vector<16xf32>
      %add3A_1080 = arith.addf %add3A_1062, %unpack3A_1078 : vector<16xf32>
      %get3A_1081 = arith.index_cast %add3A_1040 : i32 to index
      %get3A_1082 = arith.constant 32 : index
      %get3A_1083 = tpu.vector_load %arg11[%get3A_1081, %get3A_1082] {strides = array<i32>} : memref<80x64xi32, #tpu.memory_space<vmem>>, vector<16xi32>,
      %bitcast3A_1084 = vector.bitcast %get3A_1083 : vector<16xi32> to vector<32xbf16>
      %get3A_1085 = arith.index_cast %add3A_1040 : i32 to index
      %get3A_1086 = arith.constant 32 : index
      %get3A_1087 = tpu.vector_load %arg12[%get3A_1085, %get3A_1086] {strides = array<i32>} : memref<80x64xi32, #tpu.memory_space<vmem>>, vector<16xi32>,
      %bitcast3A_1088 = vector.bitcast %get3A_1087 : vector<16xi32> to vector<32xbf16>
      %get3A_1089 = arith.index_cast %add3A_1040 : i32 to index
      %get3A_1090 = arith.constant 32 : index
      %get3A_1091 = tpu.vector_load %arg13[%get3A_1089, %get3A_1090] {strides = array<i32>} : memref<80x64xi32, #tpu.memory_space<vmem>>, vector<16xi32>,
      %bitcast3A_1092 = vector.bitcast %get3A_1091 : vector<16xi32> to vector<32xbf16>
      %mul3A_1093 = arith.mulf %bitcast3A_1084, %bitcast3A_1088 : vector<32xbf16>
      %mul3A_1094 = arith.mulf %mul3A_1093, %bitcast3A_1092 : vector<32xbf16>
      %unpack3A_1095 = tpu.unpack_subelements %mul3A_1094, 0 {pack_format = #tpu.pack_format<interleaved>} : vector<32xbf16> -> vector<16xf32>
      %unpack3A_1096 = tpu.unpack_subelements %mul3A_1094, 1 {pack_format = #tpu.pack_format<interleaved>} : vector<32xbf16> -> vector<16xf32>
      %add3A_1097 = arith.addf %add3A_1079, %unpack3A_1095 : vector<16xf32>
      %add3A_1098 = arith.addf %add3A_1080, %unpack3A_1096 : vector<16xf32>
      %get3A_1099 = arith.index_cast %add3A_1040 : i32 to index
      %get3A_1100 = arith.constant 48 : index
      %get3A_1101 = tpu.vector_load %arg11[%get3A_1099, %get3A_1100] {strides = array<i32>} : memref<80x64xi32, #tpu.memory_space<vmem>>, vector<16xi32>,
      %bitcast3A_1102 = vector.bitcast %get3A_1101 : vector<16xi32> to vector<32xbf16>
      %get3A_1103 = arith.index_cast %add3A_1040 : i32 to index
      %get3A_1104 = arith.constant 48 : index
      %get3A_1105 = tpu.vector_load %arg12[%get3A_1103, %get3A_1104] {strides = array<i32>} : memref<80x64xi32, #tpu.memory_space<vmem>>, vector<16xi32>,
      %bitcast3A_1106 = vector.bitcast %get3A_1105 : vector<16xi32> to vector<32xbf16>
      %get3A_1107 = arith.index_cast %add3A_1040 : i32 to index
      %get3A_1108 = arith.constant 48 : index
      %get3A_1109 = tpu.vector_load %arg13[%get3A_1107, %get3A_1108] {strides = array<i32>} : memref<80x64xi32, #tpu.memory_space<vmem>>, vector<16xi32>,
      %bitcast3A_1110 = vector.bitcast %get3A_1109 : vector<16xi32> to vector<32xbf16>
      %mul3A_1111 = arith.mulf %bitcast3A_1102, %bitcast3A_1106 : vector<32xbf16>
      %mul3A_1112 = arith.mulf %mul3A_1111, %bitcast3A_1110 : vector<32xbf16>
      %unpack3A_1113 = tpu.unpack_subelements %mul3A_1112, 0 {pack_format = #tpu.pack_format<interleaved>} : vector<32xbf16> -> vector<16xf32>
      %unpack3A_1114 = tpu.unpack_subelements %mul3A_1112, 1 {pack_format = #tpu.pack_format<interleaved>} : vector<32xbf16> -> vector<16xf32>
      %add3A_1115 = arith.addf %add3A_1097, %unpack3A_1113 : vector<16xf32>
      %add3A_1116 = arith.addf %add3A_1098, %unpack3A_1114 : vector<16xf32>
      %add3A_1117 = arith.addf %add3A_1115, %add3A_1116 : vector<16xf32>
      %swap3A_1118 = arith.constant 192 : index
      %swap3A_1119 = tpu.vector_load %arg17[%swap3A_1118] {strides = array<i32>} : memref<256xf32, #tpu.memory_space<vmem>>, vector<16xf32>,
      tpu.vector_store %arg17[%swap3A_1118], %add3A_1117 {strides = array<i32>} : memref<256xf32, #tpu.memory_space<vmem>>, vector<16xf32>,
      %mul3A_1120 = arith.constant 16 : i32
      %mul3A_1121 = arith.muli %scan3A_45, %mul3A_1120 : i32
      %add3A_1122 = arith.constant 13 : i32
      %add3A_1123 = arith.addi %mul3A_1121, %add3A_1122 : i32
      %broadcast_in_dim3A_1124 = arith.constant 0.000000e+00 : f32
      %broadcast_in_dim3A_1125 = vector.broadcast %broadcast_in_dim3A_1124 : f32 to vector<16xf32>
      %broadcast_in_dim3A_1126 = arith.constant 0.000000e+00 : f32
      %broadcast_in_dim3A_1127 = vector.broadcast %broadcast_in_dim3A_1126 : f32 to vector<16xf32>
      %get3A_1128 = arith.index_cast %add3A_1123 : i32 to index
      %get3A_1129 = arith.constant 0 : index
      %get3A_1130 = tpu.vector_load %arg11[%get3A_1128, %get3A_1129] {strides = array<i32>} : memref<80x64xi32, #tpu.memory_space<vmem>>, vector<16xi32>,
      %bitcast3A_1131 = vector.bitcast %get3A_1130 : vector<16xi32> to vector<32xbf16>
      %get3A_1132 = arith.index_cast %add3A_1123 : i32 to index
      %get3A_1133 = arith.constant 0 : index
      %get3A_1134 = tpu.vector_load %arg12[%get3A_1132, %get3A_1133] {strides = array<i32>} : memref<80x64xi32, #tpu.memory_space<vmem>>, vector<16xi32>,
      %bitcast3A_1135 = vector.bitcast %get3A_1134 : vector<16xi32> to vector<32xbf16>
      %get3A_1136 = arith.index_cast %add3A_1123 : i32 to index
      %get3A_1137 = arith.constant 0 : index
      %get3A_1138 = tpu.vector_load %arg13[%get3A_1136, %get3A_1137] {strides = array<i32>} : memref<80x64xi32, #tpu.memory_space<vmem>>, vector<16xi32>,
      %bitcast3A_1139 = vector.bitcast %get3A_1138 : vector<16xi32> to vector<32xbf16>
      %mul3A_1140 = arith.mulf %bitcast3A_1131, %bitcast3A_1135 : vector<32xbf16>
      %mul3A_1141 = arith.mulf %mul3A_1140, %bitcast3A_1139 : vector<32xbf16>
      %unpack3A_1142 = tpu.unpack_subelements %mul3A_1141, 0 {pack_format = #tpu.pack_format<interleaved>} : vector<32xbf16> -> vector<16xf32>
      %unpack3A_1143 = tpu.unpack_subelements %mul3A_1141, 1 {pack_format = #tpu.pack_format<interleaved>} : vector<32xbf16> -> vector<16xf32>
      %add3A_1144 = arith.addf %broadcast_in_dim3A_1125, %unpack3A_1142 : vector<16xf32>
      %add3A_1145 = arith.addf %broadcast_in_dim3A_1127, %unpack3A_1143 : vector<16xf32>
      %get3A_1146 = arith.index_cast %add3A_1123 : i32 to index
      %get3A_1147 = arith.constant 16 : index
      %get3A_1148 = tpu.vector_load %arg11[%get3A_1146, %get3A_1147] {strides = array<i32>} : memref<80x64xi32, #tpu.memory_space<vmem>>, vector<16xi32>,
      %bitcast3A_1149 = vector.bitcast %get3A_1148 : vector<16xi32> to vector<32xbf16>
      %get3A_1150 = arith.index_cast %add3A_1123 : i32 to index
      %get3A_1151 = arith.constant 16 : index
      %get3A_1152 = tpu.vector_load %arg12[%get3A_1150, %get3A_1151] {strides = array<i32>} : memref<80x64xi32, #tpu.memory_space<vmem>>, vector<16xi32>,
      %bitcast3A_1153 = vector.bitcast %get3A_1152 : vector<16xi32> to vector<32xbf16>
      %get3A_1154 = arith.index_cast %add3A_1123 : i32 to index
      %get3A_1155 = arith.constant 16 : index
      %get3A_1156 = tpu.vector_load %arg13[%get3A_1154, %get3A_1155] {strides = array<i32>} : memref<80x64xi32, #tpu.memory_space<vmem>>, vector<16xi32>,
      %bitcast3A_1157 = vector.bitcast %get3A_1156 : vector<16xi32> to vector<32xbf16>
      %mul3A_1158 = arith.mulf %bitcast3A_1149, %bitcast3A_1153 : vector<32xbf16>
      %mul3A_1159 = arith.mulf %mul3A_1158, %bitcast3A_1157 : vector<32xbf16>
      %unpack3A_1160 = tpu.unpack_subelements %mul3A_1159, 0 {pack_format = #tpu.pack_format<interleaved>} : vector<32xbf16> -> vector<16xf32>
      %unpack3A_1161 = tpu.unpack_subelements %mul3A_1159, 1 {pack_format = #tpu.pack_format<interleaved>} : vector<32xbf16> -> vector<16xf32>
      %add3A_1162 = arith.addf %add3A_1144, %unpack3A_1160 : vector<16xf32>
      %add3A_1163 = arith.addf %add3A_1145, %unpack3A_1161 : vector<16xf32>
      %get3A_1164 = arith.index_cast %add3A_1123 : i32 to index
      %get3A_1165 = arith.constant 32 : index
      %get3A_1166 = tpu.vector_load %arg11[%get3A_1164, %get3A_1165] {strides = array<i32>} : memref<80x64xi32, #tpu.memory_space<vmem>>, vector<16xi32>,
      %bitcast3A_1167 = vector.bitcast %get3A_1166 : vector<16xi32> to vector<32xbf16>
      %get3A_1168 = arith.index_cast %add3A_1123 : i32 to index
      %get3A_1169 = arith.constant 32 : index
      %get3A_1170 = tpu.vector_load %arg12[%get3A_1168, %get3A_1169] {strides = array<i32>} : memref<80x64xi32, #tpu.memory_space<vmem>>, vector<16xi32>,
      %bitcast3A_1171 = vector.bitcast %get3A_1170 : vector<16xi32> to vector<32xbf16>
      %get3A_1172 = arith.index_cast %add3A_1123 : i32 to index
      %get3A_1173 = arith.constant 32 : index
      %get3A_1174 = tpu.vector_load %arg13[%get3A_1172, %get3A_1173] {strides = array<i32>} : memref<80x64xi32, #tpu.memory_space<vmem>>, vector<16xi32>,
      %bitcast3A_1175 = vector.bitcast %get3A_1174 : vector<16xi32> to vector<32xbf16>
      %mul3A_1176 = arith.mulf %bitcast3A_1167, %bitcast3A_1171 : vector<32xbf16>
      %mul3A_1177 = arith.mulf %mul3A_1176, %bitcast3A_1175 : vector<32xbf16>
      %unpack3A_1178 = tpu.unpack_subelements %mul3A_1177, 0 {pack_format = #tpu.pack_format<interleaved>} : vector<32xbf16> -> vector<16xf32>
      %unpack3A_1179 = tpu.unpack_subelements %mul3A_1177, 1 {pack_format = #tpu.pack_format<interleaved>} : vector<32xbf16> -> vector<16xf32>
      %add3A_1180 = arith.addf %add3A_1162, %unpack3A_1178 : vector<16xf32>
      %add3A_1181 = arith.addf %add3A_1163, %unpack3A_1179 : vector<16xf32>
      %get3A_1182 = arith.index_cast %add3A_1123 : i32 to index
      %get3A_1183 = arith.constant 48 : index
      %get3A_1184 = tpu.vector_load %arg11[%get3A_1182, %get3A_1183] {strides = array<i32>} : memref<80x64xi32, #tpu.memory_space<vmem>>, vector<16xi32>,
      %bitcast3A_1185 = vector.bitcast %get3A_1184 : vector<16xi32> to vector<32xbf16>
      %get3A_1186 = arith.index_cast %add3A_1123 : i32 to index
      %get3A_1187 = arith.constant 48 : index
      %get3A_1188 = tpu.vector_load %arg12[%get3A_1186, %get3A_1187] {strides = array<i32>} : memref<80x64xi32, #tpu.memory_space<vmem>>, vector<16xi32>,
      %bitcast3A_1189 = vector.bitcast %get3A_1188 : vector<16xi32> to vector<32xbf16>
      %get3A_1190 = arith.index_cast %add3A_1123 : i32 to index
      %get3A_1191 = arith.constant 48 : index
      %get3A_1192 = tpu.vector_load %arg13[%get3A_1190, %get3A_1191] {strides = array<i32>} : memref<80x64xi32, #tpu.memory_space<vmem>>, vector<16xi32>,
      %bitcast3A_1193 = vector.bitcast %get3A_1192 : vector<16xi32> to vector<32xbf16>
      %mul3A_1194 = arith.mulf %bitcast3A_1185, %bitcast3A_1189 : vector<32xbf16>
      %mul3A_1195 = arith.mulf %mul3A_1194, %bitcast3A_1193 : vector<32xbf16>
      %unpack3A_1196 = tpu.unpack_subelements %mul3A_1195, 0 {pack_format = #tpu.pack_format<interleaved>} : vector<32xbf16> -> vector<16xf32>
      %unpack3A_1197 = tpu.unpack_subelements %mul3A_1195, 1 {pack_format = #tpu.pack_format<interleaved>} : vector<32xbf16> -> vector<16xf32>
      %add3A_1198 = arith.addf %add3A_1180, %unpack3A_1196 : vector<16xf32>
      %add3A_1199 = arith.addf %add3A_1181, %unpack3A_1197 : vector<16xf32>
      %add3A_1200 = arith.addf %add3A_1198, %add3A_1199 : vector<16xf32>
      %swap3A_1201 = arith.constant 208 : index
      %swap3A_1202 = tpu.vector_load %arg17[%swap3A_1201] {strides = array<i32>} : memref<256xf32, #tpu.memory_space<vmem>>, vector<16xf32>,
      tpu.vector_store %arg17[%swap3A_1201], %add3A_1200 {strides = array<i32>} : memref<256xf32, #tpu.memory_space<vmem>>, vector<16xf32>,
      %mul3A_1203 = arith.constant 16 : i32
      %mul3A_1204 = arith.muli %scan3A_45, %mul3A_1203 : i32
      %add3A_1205 = arith.constant 14 : i32
      %add3A_1206 = arith.addi %mul3A_1204, %add3A_1205 : i32
      %broadcast_in_dim3A_1207 = arith.constant 0.000000e+00 : f32
      %broadcast_in_dim3A_1208 = vector.broadcast %broadcast_in_dim3A_1207 : f32 to vector<16xf32>
      %broadcast_in_dim3A_1209 = arith.constant 0.000000e+00 : f32
      %broadcast_in_dim3A_1210 = vector.broadcast %broadcast_in_dim3A_1209 : f32 to vector<16xf32>
      %get3A_1211 = arith.index_cast %add3A_1206 : i32 to index
      %get3A_1212 = arith.constant 0 : index
      %get3A_1213 = tpu.vector_load %arg11[%get3A_1211, %get3A_1212] {strides = array<i32>} : memref<80x64xi32, #tpu.memory_space<vmem>>, vector<16xi32>,
      %bitcast3A_1214 = vector.bitcast %get3A_1213 : vector<16xi32> to vector<32xbf16>
      %get3A_1215 = arith.index_cast %add3A_1206 : i32 to index
      %get3A_1216 = arith.constant 0 : index
      %get3A_1217 = tpu.vector_load %arg12[%get3A_1215, %get3A_1216] {strides = array<i32>} : memref<80x64xi32, #tpu.memory_space<vmem>>, vector<16xi32>,
      %bitcast3A_1218 = vector.bitcast %get3A_1217 : vector<16xi32> to vector<32xbf16>
      %get3A_1219 = arith.index_cast %add3A_1206 : i32 to index
      %get3A_1220 = arith.constant 0 : index
      %get3A_1221 = tpu.vector_load %arg13[%get3A_1219, %get3A_1220] {strides = array<i32>} : memref<80x64xi32, #tpu.memory_space<vmem>>, vector<16xi32>,
      %bitcast3A_1222 = vector.bitcast %get3A_1221 : vector<16xi32> to vector<32xbf16>
      %mul3A_1223 = arith.mulf %bitcast3A_1214, %bitcast3A_1218 : vector<32xbf16>
      %mul3A_1224 = arith.mulf %mul3A_1223, %bitcast3A_1222 : vector<32xbf16>
      %unpack3A_1225 = tpu.unpack_subelements %mul3A_1224, 0 {pack_format = #tpu.pack_format<interleaved>} : vector<32xbf16> -> vector<16xf32>
      %unpack3A_1226 = tpu.unpack_subelements %mul3A_1224, 1 {pack_format = #tpu.pack_format<interleaved>} : vector<32xbf16> -> vector<16xf32>
      %add3A_1227 = arith.addf %broadcast_in_dim3A_1208, %unpack3A_1225 : vector<16xf32>
      %add3A_1228 = arith.addf %broadcast_in_dim3A_1210, %unpack3A_1226 : vector<16xf32>
      %get3A_1229 = arith.index_cast %add3A_1206 : i32 to index
      %get3A_1230 = arith.constant 16 : index
      %get3A_1231 = tpu.vector_load %arg11[%get3A_1229, %get3A_1230] {strides = array<i32>} : memref<80x64xi32, #tpu.memory_space<vmem>>, vector<16xi32>,
      %bitcast3A_1232 = vector.bitcast %get3A_1231 : vector<16xi32> to vector<32xbf16>
      %get3A_1233 = arith.index_cast %add3A_1206 : i32 to index
      %get3A_1234 = arith.constant 16 : index
      %get3A_1235 = tpu.vector_load %arg12[%get3A_1233, %get3A_1234] {strides = array<i32>} : memref<80x64xi32, #tpu.memory_space<vmem>>, vector<16xi32>,
      %bitcast3A_1236 = vector.bitcast %get3A_1235 : vector<16xi32> to vector<32xbf16>
      %get3A_1237 = arith.index_cast %add3A_1206 : i32 to index
      %get3A_1238 = arith.constant 16 : index
      %get3A_1239 = tpu.vector_load %arg13[%get3A_1237, %get3A_1238] {strides = array<i32>} : memref<80x64xi32, #tpu.memory_space<vmem>>, vector<16xi32>,
      %bitcast3A_1240 = vector.bitcast %get3A_1239 : vector<16xi32> to vector<32xbf16>
      %mul3A_1241 = arith.mulf %bitcast3A_1232, %bitcast3A_1236 : vector<32xbf16>
      %mul3A_1242 = arith.mulf %mul3A_1241, %bitcast3A_1240 : vector<32xbf16>
      %unpack3A_1243 = tpu.unpack_subelements %mul3A_1242, 0 {pack_format = #tpu.pack_format<interleaved>} : vector<32xbf16> -> vector<16xf32>
      %unpack3A_1244 = tpu.unpack_subelements %mul3A_1242, 1 {pack_format = #tpu.pack_format<interleaved>} : vector<32xbf16> -> vector<16xf32>
      %add3A_1245 = arith.addf %add3A_1227, %unpack3A_1243 : vector<16xf32>
      %add3A_1246 = arith.addf %add3A_1228, %unpack3A_1244 : vector<16xf32>
      %get3A_1247 = arith.index_cast %add3A_1206 : i32 to index
      %get3A_1248 = arith.constant 32 : index
      %get3A_1249 = tpu.vector_load %arg11[%get3A_1247, %get3A_1248] {strides = array<i32>} : memref<80x64xi32, #tpu.memory_space<vmem>>, vector<16xi32>,
      %bitcast3A_1250 = vector.bitcast %get3A_1249 : vector<16xi32> to vector<32xbf16>
      %get3A_1251 = arith.index_cast %add3A_1206 : i32 to index
      %get3A_1252 = arith.constant 32 : index
      %get3A_1253 = tpu.vector_load %arg12[%get3A_1251, %get3A_1252] {strides = array<i32>} : memref<80x64xi32, #tpu.memory_space<vmem>>, vector<16xi32>,
      %bitcast3A_1254 = vector.bitcast %get3A_1253 : vector<16xi32> to vector<32xbf16>
      %get3A_1255 = arith.index_cast %add3A_1206 : i32 to index
      %get3A_1256 = arith.constant 32 : index
      %get3A_1257 = tpu.vector_load %arg13[%get3A_1255, %get3A_1256] {strides = array<i32>} : memref<80x64xi32, #tpu.memory_space<vmem>>, vector<16xi32>,
      %bitcast3A_1258 = vector.bitcast %get3A_1257 : vector<16xi32> to vector<32xbf16>
      %mul3A_1259 = arith.mulf %bitcast3A_1250, %bitcast3A_1254 : vector<32xbf16>
      %mul3A_1260 = arith.mulf %mul3A_1259, %bitcast3A_1258 : vector<32xbf16>
      %unpack3A_1261 = tpu.unpack_subelements %mul3A_1260, 0 {pack_format = #tpu.pack_format<interleaved>} : vector<32xbf16> -> vector<16xf32>
      %unpack3A_1262 = tpu.unpack_subelements %mul3A_1260, 1 {pack_format = #tpu.pack_format<interleaved>} : vector<32xbf16> -> vector<16xf32>
      %add3A_1263 = arith.addf %add3A_1245, %unpack3A_1261 : vector<16xf32>
      %add3A_1264 = arith.addf %add3A_1246, %unpack3A_1262 : vector<16xf32>
      %get3A_1265 = arith.index_cast %add3A_1206 : i32 to index
      %get3A_1266 = arith.constant 48 : index
      %get3A_1267 = tpu.vector_load %arg11[%get3A_1265, %get3A_1266] {strides = array<i32>} : memref<80x64xi32, #tpu.memory_space<vmem>>, vector<16xi32>,
      %bitcast3A_1268 = vector.bitcast %get3A_1267 : vector<16xi32> to vector<32xbf16>
      %get3A_1269 = arith.index_cast %add3A_1206 : i32 to index
      %get3A_1270 = arith.constant 48 : index
      %get3A_1271 = tpu.vector_load %arg12[%get3A_1269, %get3A_1270] {strides = array<i32>} : memref<80x64xi32, #tpu.memory_space<vmem>>, vector<16xi32>,
      %bitcast3A_1272 = vector.bitcast %get3A_1271 : vector<16xi32> to vector<32xbf16>
      %get3A_1273 = arith.index_cast %add3A_1206 : i32 to index
      %get3A_1274 = arith.constant 48 : index
      %get3A_1275 = tpu.vector_load %arg13[%get3A_1273, %get3A_1274] {strides = array<i32>} : memref<80x64xi32, #tpu.memory_space<vmem>>, vector<16xi32>,
      %bitcast3A_1276 = vector.bitcast %get3A_1275 : vector<16xi32> to vector<32xbf16>
      %mul3A_1277 = arith.mulf %bitcast3A_1268, %bitcast3A_1272 : vector<32xbf16>
      %mul3A_1278 = arith.mulf %mul3A_1277, %bitcast3A_1276 : vector<32xbf16>
      %unpack3A_1279 = tpu.unpack_subelements %mul3A_1278, 0 {pack_format = #tpu.pack_format<interleaved>} : vector<32xbf16> -> vector<16xf32>
      %unpack3A_1280 = tpu.unpack_subelements %mul3A_1278, 1 {pack_format = #tpu.pack_format<interleaved>} : vector<32xbf16> -> vector<16xf32>
      %add3A_1281 = arith.addf %add3A_1263, %unpack3A_1279 : vector<16xf32>
      %add3A_1282 = arith.addf %add3A_1264, %unpack3A_1280 : vector<16xf32>
      %add3A_1283 = arith.addf %add3A_1281, %add3A_1282 : vector<16xf32>
      %swap3A_1284 = arith.constant 224 : index
      %swap3A_1285 = tpu.vector_load %arg17[%swap3A_1284] {strides = array<i32>} : memref<256xf32, #tpu.memory_space<vmem>>, vector<16xf32>,
      tpu.vector_store %arg17[%swap3A_1284], %add3A_1283 {strides = array<i32>} : memref<256xf32, #tpu.memory_space<vmem>>, vector<16xf32>,
      %mul3A_1286 = arith.constant 16 : i32
      %mul3A_1287 = arith.muli %scan3A_45, %mul3A_1286 : i32
      %add3A_1288 = arith.constant 15 : i32
      %add3A_1289 = arith.addi %mul3A_1287, %add3A_1288 : i32
      %broadcast_in_dim3A_1290 = arith.constant 0.000000e+00 : f32
      %broadcast_in_dim3A_1291 = vector.broadcast %broadcast_in_dim3A_1290 : f32 to vector<16xf32>
      %broadcast_in_dim3A_1292 = arith.constant 0.000000e+00 : f32
      %broadcast_in_dim3A_1293 = vector.broadcast %broadcast_in_dim3A_1292 : f32 to vector<16xf32>
      %get3A_1294 = arith.index_cast %add3A_1289 : i32 to index
      %get3A_1295 = arith.constant 0 : index
      %get3A_1296 = tpu.vector_load %arg11[%get3A_1294, %get3A_1295] {strides = array<i32>} : memref<80x64xi32, #tpu.memory_space<vmem>>, vector<16xi32>,
      %bitcast3A_1297 = vector.bitcast %get3A_1296 : vector<16xi32> to vector<32xbf16>
      %get3A_1298 = arith.index_cast %add3A_1289 : i32 to index
      %get3A_1299 = arith.constant 0 : index
      %get3A_1300 = tpu.vector_load %arg12[%get3A_1298, %get3A_1299] {strides = array<i32>} : memref<80x64xi32, #tpu.memory_space<vmem>>, vector<16xi32>,
      %bitcast3A_1301 = vector.bitcast %get3A_1300 : vector<16xi32> to vector<32xbf16>
      %get3A_1302 = arith.index_cast %add3A_1289 : i32 to index
      %get3A_1303 = arith.constant 0 : index
      %get3A_1304 = tpu.vector_load %arg13[%get3A_1302, %get3A_1303] {strides = array<i32>} : memref<80x64xi32, #tpu.memory_space<vmem>>, vector<16xi32>,
      %bitcast3A_1305 = vector.bitcast %get3A_1304 : vector<16xi32> to vector<32xbf16>
      %mul3A_1306 = arith.mulf %bitcast3A_1297, %bitcast3A_1301 : vector<32xbf16>
      %mul3A_1307 = arith.mulf %mul3A_1306, %bitcast3A_1305 : vector<32xbf16>
      %unpack3A_1308 = tpu.unpack_subelements %mul3A_1307, 0 {pack_format = #tpu.pack_format<interleaved>} : vector<32xbf16> -> vector<16xf32>
      %unpack3A_1309 = tpu.unpack_subelements %mul3A_1307, 1 {pack_format = #tpu.pack_format<interleaved>} : vector<32xbf16> -> vector<16xf32>
      %add3A_1310 = arith.addf %broadcast_in_dim3A_1291, %unpack3A_1308 : vector<16xf32>
      %add3A_1311 = arith.addf %broadcast_in_dim3A_1293, %unpack3A_1309 : vector<16xf32>
      %get3A_1312 = arith.index_cast %add3A_1289 : i32 to index
      %get3A_1313 = arith.constant 16 : index
      %get3A_1314 = tpu.vector_load %arg11[%get3A_1312, %get3A_1313] {strides = array<i32>} : memref<80x64xi32, #tpu.memory_space<vmem>>, vector<16xi32>,
      %bitcast3A_1315 = vector.bitcast %get3A_1314 : vector<16xi32> to vector<32xbf16>
      %get3A_1316 = arith.index_cast %add3A_1289 : i32 to index
      %get3A_1317 = arith.constant 16 : index
      %get3A_1318 = tpu.vector_load %arg12[%get3A_1316, %get3A_1317] {strides = array<i32>} : memref<80x64xi32, #tpu.memory_space<vmem>>, vector<16xi32>,
      %bitcast3A_1319 = vector.bitcast %get3A_1318 : vector<16xi32> to vector<32xbf16>
      %get3A_1320 = arith.index_cast %add3A_1289 : i32 to index
      %get3A_1321 = arith.constant 16 : index
      %get3A_1322 = tpu.vector_load %arg13[%get3A_1320, %get3A_1321] {strides = array<i32>} : memref<80x64xi32, #tpu.memory_space<vmem>>, vector<16xi32>,
      %bitcast3A_1323 = vector.bitcast %get3A_1322 : vector<16xi32> to vector<32xbf16>
      %mul3A_1324 = arith.mulf %bitcast3A_1315, %bitcast3A_1319 : vector<32xbf16>
      %mul3A_1325 = arith.mulf %mul3A_1324, %bitcast3A_1323 : vector<32xbf16>
      %unpack3A_1326 = tpu.unpack_subelements %mul3A_1325, 0 {pack_format = #tpu.pack_format<interleaved>} : vector<32xbf16> -> vector<16xf32>
      %unpack3A_1327 = tpu.unpack_subelements %mul3A_1325, 1 {pack_format = #tpu.pack_format<interleaved>} : vector<32xbf16> -> vector<16xf32>
      %add3A_1328 = arith.addf %add3A_1310, %unpack3A_1326 : vector<16xf32>
      %add3A_1329 = arith.addf %add3A_1311, %unpack3A_1327 : vector<16xf32>
      %get3A_1330 = arith.index_cast %add3A_1289 : i32 to index
      %get3A_1331 = arith.constant 32 : index
      %get3A_1332 = tpu.vector_load %arg11[%get3A_1330, %get3A_1331] {strides = array<i32>} : memref<80x64xi32, #tpu.memory_space<vmem>>, vector<16xi32>,
      %bitcast3A_1333 = vector.bitcast %get3A_1332 : vector<16xi32> to vector<32xbf16>
      %get3A_1334 = arith.index_cast %add3A_1289 : i32 to index
      %get3A_1335 = arith.constant 32 : index
      %get3A_1336 = tpu.vector_load %arg12[%get3A_1334, %get3A_1335] {strides = array<i32>} : memref<80x64xi32, #tpu.memory_space<vmem>>, vector<16xi32>,
      %bitcast3A_1337 = vector.bitcast %get3A_1336 : vector<16xi32> to vector<32xbf16>
      %get3A_1338 = arith.index_cast %add3A_1289 : i32 to index
      %get3A_1339 = arith.constant 32 : index
      %get3A_1340 = tpu.vector_load %arg13[%get3A_1338, %get3A_1339] {strides = array<i32>} : memref<80x64xi32, #tpu.memory_space<vmem>>, vector<16xi32>,
      %bitcast3A_1341 = vector.bitcast %get3A_1340 : vector<16xi32> to vector<32xbf16>
      %mul3A_1342 = arith.mulf %bitcast3A_1333, %bitcast3A_1337 : vector<32xbf16>
      %mul3A_1343 = arith.mulf %mul3A_1342, %bitcast3A_1341 : vector<32xbf16>
      %unpack3A_1344 = tpu.unpack_subelements %mul3A_1343, 0 {pack_format = #tpu.pack_format<interleaved>} : vector<32xbf16> -> vector<16xf32>
      %unpack3A_1345 = tpu.unpack_subelements %mul3A_1343, 1 {pack_format = #tpu.pack_format<interleaved>} : vector<32xbf16> -> vector<16xf32>
      %add3A_1346 = arith.addf %add3A_1328, %unpack3A_1344 : vector<16xf32>
      %add3A_1347 = arith.addf %add3A_1329, %unpack3A_1345 : vector<16xf32>
      %get3A_1348 = arith.index_cast %add3A_1289 : i32 to index
      %get3A_1349 = arith.constant 48 : index
      %get3A_1350 = tpu.vector_load %arg11[%get3A_1348, %get3A_1349] {strides = array<i32>} : memref<80x64xi32, #tpu.memory_space<vmem>>, vector<16xi32>,
      %bitcast3A_1351 = vector.bitcast %get3A_1350 : vector<16xi32> to vector<32xbf16>
      %get3A_1352 = arith.index_cast %add3A_1289 : i32 to index
      %get3A_1353 = arith.constant 48 : index
      %get3A_1354 = tpu.vector_load %arg12[%get3A_1352, %get3A_1353] {strides = array<i32>} : memref<80x64xi32, #tpu.memory_space<vmem>>, vector<16xi32>,
      %bitcast3A_1355 = vector.bitcast %get3A_1354 : vector<16xi32> to vector<32xbf16>
      %get3A_1356 = arith.index_cast %add3A_1289 : i32 to index
      %get3A_1357 = arith.constant 48 : index
      %get3A_1358 = tpu.vector_load %arg13[%get3A_1356, %get3A_1357] {strides = array<i32>} : memref<80x64xi32, #tpu.memory_space<vmem>>, vector<16xi32>,
      %bitcast3A_1359 = vector.bitcast %get3A_1358 : vector<16xi32> to vector<32xbf16>
      %mul3A_1360 = arith.mulf %bitcast3A_1351, %bitcast3A_1355 : vector<32xbf16>
      %mul3A_1361 = arith.mulf %mul3A_1360, %bitcast3A_1359 : vector<32xbf16>
      %unpack3A_1362 = tpu.unpack_subelements %mul3A_1361, 0 {pack_format = #tpu.pack_format<interleaved>} : vector<32xbf16> -> vector<16xf32>
      %unpack3A_1363 = tpu.unpack_subelements %mul3A_1361, 1 {pack_format = #tpu.pack_format<interleaved>} : vector<32xbf16> -> vector<16xf32>
      %add3A_1364 = arith.addf %add3A_1346, %unpack3A_1362 : vector<16xf32>
      %add3A_1365 = arith.addf %add3A_1347, %unpack3A_1363 : vector<16xf32>
      %add3A_1366 = arith.addf %add3A_1364, %add3A_1365 : vector<16xf32>
      %swap3A_1367 = arith.constant 240 : index
      %swap3A_1368 = tpu.vector_load %arg17[%swap3A_1367] {strides = array<i32>} : memref<256xf32, #tpu.memory_space<vmem>>, vector<16xf32>,
      tpu.vector_store %arg17[%swap3A_1367], %add3A_1366 {strides = array<i32>} : memref<256xf32, #tpu.memory_space<vmem>>, vector<16xf32>,
      %broadcast_in_dim3A_1369 = arith.constant 0.000000e+00 : f32
      %broadcast_in_dim3A_1370 = vector.broadcast %broadcast_in_dim3A_1369 : f32 to vector<16xf32>
      %add3A_1371 = arith.constant 0 : i32
      %add3A_1372 = vector.broadcast %add3A_1371 : i32 to vector<16xi32>
      %add3A_1373 = arith.addi %mul3A_5, %add3A_1372 : vector<16xi32>
      %gather3A = tpu.vector_load_idx %arg17[%add3A_1373] : memref<256xf32, #tpu.memory_space<vmem>>[vector<16xi32>], vector<16xf32>,
      %add3A_1374 = arith.addf %broadcast_in_dim3A_1370, %gather3A : vector<16xf32>
      %add3A_1375 = arith.constant 1 : i32
      %add3A_1376 = vector.broadcast %add3A_1375 : i32 to vector<16xi32>
      %add3A_1377 = arith.addi %mul3A_5, %add3A_1376 : vector<16xi32>
      %gather3A_1378 = tpu.vector_load_idx %arg17[%add3A_1377] : memref<256xf32, #tpu.memory_space<vmem>>[vector<16xi32>], vector<16xf32>,
      %add3A_1379 = arith.addf %add3A_1374, %gather3A_1378 : vector<16xf32>
      %add3A_1380 = arith.constant 2 : i32
      %add3A_1381 = vector.broadcast %add3A_1380 : i32 to vector<16xi32>
      %add3A_1382 = arith.addi %mul3A_5, %add3A_1381 : vector<16xi32>
      %gather3A_1383 = tpu.vector_load_idx %arg17[%add3A_1382] : memref<256xf32, #tpu.memory_space<vmem>>[vector<16xi32>], vector<16xf32>,
      %add3A_1384 = arith.addf %add3A_1379, %gather3A_1383 : vector<16xf32>
      %add3A_1385 = arith.constant 3 : i32
      %add3A_1386 = vector.broadcast %add3A_1385 : i32 to vector<16xi32>
      %add3A_1387 = arith.addi %mul3A_5, %add3A_1386 : vector<16xi32>
      %gather3A_1388 = tpu.vector_load_idx %arg17[%add3A_1387] : memref<256xf32, #tpu.memory_space<vmem>>[vector<16xi32>], vector<16xf32>,
      %add3A_1389 = arith.addf %add3A_1384, %gather3A_1388 : vector<16xf32>
      %add3A_1390 = arith.constant 4 : i32
      %add3A_1391 = vector.broadcast %add3A_1390 : i32 to vector<16xi32>
      %add3A_1392 = arith.addi %mul3A_5, %add3A_1391 : vector<16xi32>
      %gather3A_1393 = tpu.vector_load_idx %arg17[%add3A_1392] : memref<256xf32, #tpu.memory_space<vmem>>[vector<16xi32>], vector<16xf32>,
      %add3A_1394 = arith.addf %add3A_1389, %gather3A_1393 : vector<16xf32>
      %add3A_1395 = arith.constant 5 : i32
      %add3A_1396 = vector.broadcast %add3A_1395 : i32 to vector<16xi32>
      %add3A_1397 = arith.addi %mul3A_5, %add3A_1396 : vector<16xi32>
      %gather3A_1398 = tpu.vector_load_idx %arg17[%add3A_1397] : memref<256xf32, #tpu.memory_space<vmem>>[vector<16xi32>], vector<16xf32>,
      %add3A_1399 = arith.addf %add3A_1394, %gather3A_1398 : vector<16xf32>
      %add3A_1400 = arith.constant 6 : i32
      %add3A_1401 = vector.broadcast %add3A_1400 : i32 to vector<16xi32>
      %add3A_1402 = arith.addi %mul3A_5, %add3A_1401 : vector<16xi32>
      %gather3A_1403 = tpu.vector_load_idx %arg17[%add3A_1402] : memref<256xf32, #tpu.memory_space<vmem>>[vector<16xi32>], vector<16xf32>,
      %add3A_1404 = arith.addf %add3A_1399, %gather3A_1403 : vector<16xf32>
      %add3A_1405 = arith.constant 7 : i32
      %add3A_1406 = vector.broadcast %add3A_1405 : i32 to vector<16xi32>
      %add3A_1407 = arith.addi %mul3A_5, %add3A_1406 : vector<16xi32>
      %gather3A_1408 = tpu.vector_load_idx %arg17[%add3A_1407] : memref<256xf32, #tpu.memory_space<vmem>>[vector<16xi32>], vector<16xf32>,
      %add3A_1409 = arith.addf %add3A_1404, %gather3A_1408 : vector<16xf32>
      %add3A_1410 = arith.constant 8 : i32
      %add3A_1411 = vector.broadcast %add3A_1410 : i32 to vector<16xi32>
      %add3A_1412 = arith.addi %mul3A_5, %add3A_1411 : vector<16xi32>
      %gather3A_1413 = tpu.vector_load_idx %arg17[%add3A_1412] : memref<256xf32, #tpu.memory_space<vmem>>[vector<16xi32>], vector<16xf32>,
      %add3A_1414 = arith.addf %add3A_1409, %gather3A_1413 : vector<16xf32>
      %add3A_1415 = arith.constant 9 : i32
      %add3A_1416 = vector.broadcast %add3A_1415 : i32 to vector<16xi32>
      %add3A_1417 = arith.addi %mul3A_5, %add3A_1416 : vector<16xi32>
      %gather3A_1418 = tpu.vector_load_idx %arg17[%add3A_1417] : memref<256xf32, #tpu.memory_space<vmem>>[vector<16xi32>], vector<16xf32>,
      %add3A_1419 = arith.addf %add3A_1414, %gather3A_1418 : vector<16xf32>
      %add3A_1420 = arith.constant 10 : i32
      %add3A_1421 = vector.broadcast %add3A_1420 : i32 to vector<16xi32>
      %add3A_1422 = arith.addi %mul3A_5, %add3A_1421 : vector<16xi32>
      %gather3A_1423 = tpu.vector_load_idx %arg17[%add3A_1422] : memref<256xf32, #tpu.memory_space<vmem>>[vector<16xi32>], vector<16xf32>,
      %add3A_1424 = arith.addf %add3A_1419, %gather3A_1423 : vector<16xf32>
      %add3A_1425 = arith.constant 11 : i32
      %add3A_1426 = vector.broadcast %add3A_1425 : i32 to vector<16xi32>
      %add3A_1427 = arith.addi %mul3A_5, %add3A_1426 : vector<16xi32>
      %gather3A_1428 = tpu.vector_load_idx %arg17[%add3A_1427] : memref<256xf32, #tpu.memory_space<vmem>>[vector<16xi32>], vector<16xf32>,
      %add3A_1429 = arith.addf %add3A_1424, %gather3A_1428 : vector<16xf32>
      %add3A_1430 = arith.constant 12 : i32
      %add3A_1431 = vector.broadcast %add3A_1430 : i32 to vector<16xi32>
      %add3A_1432 = arith.addi %mul3A_5, %add3A_1431 : vector<16xi32>
      %gather3A_1433 = tpu.vector_load_idx %arg17[%add3A_1432] : memref<256xf32, #tpu.memory_space<vmem>>[vector<16xi32>], vector<16xf32>,
      %add3A_1434 = arith.addf %add3A_1429, %gather3A_1433 : vector<16xf32>
      %add3A_1435 = arith.constant 13 : i32
      %add3A_1436 = vector.broadcast %add3A_1435 : i32 to vector<16xi32>
      %add3A_1437 = arith.addi %mul3A_5, %add3A_1436 : vector<16xi32>
      %gather3A_1438 = tpu.vector_load_idx %arg17[%add3A_1437] : memref<256xf32, #tpu.memory_space<vmem>>[vector<16xi32>], vector<16xf32>,
      %add3A_1439 = arith.addf %add3A_1434, %gather3A_1438 : vector<16xf32>
      %add3A_1440 = arith.constant 14 : i32
      %add3A_1441 = vector.broadcast %add3A_1440 : i32 to vector<16xi32>
      %add3A_1442 = arith.addi %mul3A_5, %add3A_1441 : vector<16xi32>
      %gather3A_1443 = tpu.vector_load_idx %arg17[%add3A_1442] : memref<256xf32, #tpu.memory_space<vmem>>[vector<16xi32>], vector<16xf32>,
      %add3A_1444 = arith.addf %add3A_1439, %gather3A_1443 : vector<16xf32>
      %add3A_1445 = arith.constant 15 : i32
      %add3A_1446 = vector.broadcast %add3A_1445 : i32 to vector<16xi32>
      %add3A_1447 = arith.addi %mul3A_5, %add3A_1446 : vector<16xi32>
      %gather3A_1448 = tpu.vector_load_idx %arg17[%add3A_1447] : memref<256xf32, #tpu.memory_space<vmem>>[vector<16xi32>], vector<16xf32>,
      %add3A_1449 = arith.addf %add3A_1444, %gather3A_1448 : vector<16xf32>
      %neg3A = arith.constant 0.000000e+00 : f32
      %neg3A_1450 = vector.broadcast %neg3A : f32 to vector<16xf32>
      %neg3A_1451 = arith.subf %neg3A_1450, %add3A_1449 : vector<16xf32>
      %exp3A = math.exp %neg3A_1451 : vector<16xf32>
      %add3A_1452 = arith.constant 1.000000e+00 : f32
      %add3A_1453 = vector.broadcast %add3A_1452 : f32 to vector<16xf32>
      %add3A_1454 = arith.addf %add3A_1453, %exp3A : vector<16xf32>
      %div3A = arith.constant 1.000000e+00 : f32
      %div3A_1455 = vector.broadcast %div3A : f32 to vector<16xf32>
      %div3A_1456 = arith.divf %div3A_1455, %add3A_1454 : vector<16xf32>
      %mul3A_1457 = arith.constant 16 : i32
      %mul3A_1458 = arith.muli %scan3A_45, %mul3A_1457 : i32
      %add3A_1459 = arith.constant 9920 : i32
      %add3A_1460 = arith.addi %add3A_1459, %mul3A_1458 : i32
      %swap3A_1461 = arith.index_cast %add3A_1460 : i32 to index
      %swap3A_1462 = tpu.vector_load %arg18[%swap3A_1461] {strides = array<i32>} : memref<10000xf32, #tpu.memory_space<vmem>>, vector<16xf32>,
      tpu.vector_store %arg18[%swap3A_1461], %div3A_1456 {strides = array<i32>} : memref<10000xf32, #tpu.memory_space<vmem>>, vector<16xf32>,
    }
    %scan3A_44 = arith.constant 5 : i32
    "tpu.region"() ({
      %run_scoped3A = tpu.sem_alloc : memref<!tpu.dma_semaphore, #tpu.memory_space<semaphore_mem>>
      %dma_start3A_45 = tpu.memref_slice %arg7[%mul3A_2] : memref<320000xf32, #tpu.memory_space<hbm>> -> memref<10000xf32, #tpu.memory_space<hbm>>
      %dma_start3A_46 = tpu.memref_slice %arg7[%mul3A_2] : memref<320000xf32, #tpu.memory_space<hbm>> -> memref<10000xf32, #tpu.memory_space<hbm>>
      tpu.enqueue_dma source(%arg18 : memref<10000xf32, #tpu.memory_space<vmem>>) target(%dma_start3A_46 : memref<10000xf32, #tpu.memory_space<hbm>>) target_semaphore(%run_scoped3A : memref<!tpu.dma_semaphore, #tpu.memory_space<semaphore_mem>>)
      %dma_wait3A_47 = tpu.memref_slice %arg7[%mul3A_2] : memref<320000xf32, #tpu.memory_space<hbm>> -> memref<10000xf32, #tpu.memory_space<hbm>>
      %dma_wait3A_48 = tpu.memref_slice %arg7[%mul3A_2] : memref<320000xf32, #tpu.memory_space<hbm>> -> memref<10000xf32, #tpu.memory_space<hbm>>
      tpu.wait_dma2 semaphore(%run_scoped3A : memref<!tpu.dma_semaphore, #tpu.memory_space<semaphore_mem>>) src(%arg18 : memref<10000xf32, #tpu.memory_space<vmem>>) dst(%dma_wait3A_48 : memref<10000xf32, #tpu.memory_space<hbm>>)
      tpu.yield
    }) : () -> ()
    return
  }
}

</mosaic_0001>

<sc_bundles>
// kernel: kernel.3.cloned.1.call-start
scs
__scs_entry_jumppad:
0x0: {  	(pc) =	sbr.rel $0x88, $3  }
0x1: {  	(tag) =	ssettag $0x0;
	lr =	simm.s32 $0x1  }
0x2: {  	[smem:$0x3F9D] =	sst lr;
	_ =	strace $0xD0000000  }
0x3: {  	_ = 	snop  }
0x4: {  	_ = 	snop  }
0x5: {  	_ = 	snop  }
0x6: {  	_ = 	snop  }
0x7: {  	_ = 	snop  }
__scs_overlays_trampoline_lowered:
0x8: {  	[smem:$0x3FAC] =	sst s0  }
0x9: {  	[smem:$0x3FAD] =	sst s1  }
0xa: {  	[smem:$0x3FAE] =	sst s2  }
0xb: {  	[smem:$0x3FAF] =	sst s3  }
0xc: {  	[smem:$0x3FB0] =	sst s4  }
0xd: {  	[smem:$0x3FB1] =	sst s5  }
0xe: {  	[smem:$0x3FB2] =	sst s6  }
0xf: {  	[smem:$0x3FB3] =	sst s7  }
0x10: {  	[smem:$0x3FB4] =	sst s8  }
0x11: {  	[smem:$0x3FB5] =	sst s9;
	s0 =	simm.s32 @!p0 $0x0  }
0x12: {  	s1 =	sld [smem:$0x3F9B];
	s0 =	simm.s32 @p0 $0x1  }
0x13: {  	[smem:$0x3FB6] =	sst s0;
	s0 =	simm.s32 @!p1 $0x0  }
0x14: {  	s2 =	sld [smem:$0x3F9A];
	s0 =	simm.s32 @p1 $0x1  }
0x15: {  	[smem:$0x3FB7] =	sst s0;
	s0 =	simm.s32 @!p2 $0x0  }
0x16: {  	s3 =	sld [smem:$0x3FDB];
	s0 =	simm.s32 @p2 $0x1  }
0x17: {  	s4 =	simm.s32 $0x1BF5;
	[smem:$0x3FB9] =	sst s0  }
0x18: {  	s0 =	sld [smem:$0x3F9C];
	_ =	swait.ge [sflag:s4], $0x0  }
0x19: {  	s7 =	sld [smem:$0x3F9D]  }
0x1a: {  	s8 =	sadd.s32 $0xFFFFE003, lr  }
0x1b: {  	s9 =	sadd.s32 $0xFFFFFEF7, lr;
	s5 =	simm.s32 $0xFFFFFFFF;
	p2 =	slt.u32 s8, $0xFFFFF086  }
0x1c: {  	p1 =	slt.u32 s9, $0xF7A;
	s5 =	simm.s32 @!p2 $0x0  }
0x1d: {  	s5 =	simm.s32 @p1 $0x1;
	p0 =	seq.s32 s7, s2  }
0x1e: {  	s7 =	smul.u32 @!p0 $0xF7A, s2;
	p2 =	seq.s32 @!p0 s5, $0x0  }
0x1f: {  	s9 =	smul.u32 $0xF7A, s1;
	s8 =	simm.s32 @!p0 $0x1BF5;
	p2 =	por !p2, p0  }
0x20: {  	[sflag:s8] =	ssyncset.s32 @!p0 $0xFFFFF086;
	s6 =	sadd.s32 @!p0 s3, s7;
	s7 =	simm.s32 @!p0 $0x108  }
0x21: {  	s3 =	sadd.s32 s3, s9;
	s6 =	sadd.s32 @!p0 $0x88, s6;
	s7 =	simm.s32 @p2 $0x1082  }
0x22: {  	[simem:s7], [sflag:s8] =	dma.local @!p0 [hbm:s6], $0xF7A  }
0x23: {  	s9 =	sor.u32 $0xD0000000, s2;
	s6 =	simm.s32 $0x108;
	_ =	swait.ge @!p0 [sflag:s8], $0x0  }
0x24: {  	s3 =	sadd.s32 $0x88, s3;
	s6 =	simm.s32 @!p1 $0x1082;
	[sflag:s4] =	ssyncset.s32 $0xFFFFF086  }
0x25: {  	[simem:s6], [sflag:s4] =	dma.local [hbm:s3], $0xF7A  }
0x26: {  	[smem:$0x3F9D] =	sst s1;
	(tag) =	ssettag s2;
	_ =	strace s9  }
0x27: {  	s1 =	sld [smem:$0x3FAD]  }
0x28: {  	s2 =	sld [smem:$0x3FAE]  }
0x29: {  	s4 =	sld [smem:$0x3FB0]  }
0x2a: {  	p0 =	seq.s32 s5, $0x0;
	s5 =	sld [smem:$0x3FB1]  }
0x2b: {  	s6 =	sld [smem:$0x3FB2]  }
0x2c: {  	s7 =	sld [smem:$0x3FB3]  }
0x2d: {  	s3 =	simm.s32 $0x108;
	s8 =	sld [smem:$0x3FB4]  }
0x2e: {  	s3 =	simm.s32 @!p0 $0x1082;
	s9 =	sld [smem:$0x3FB5]  }
0x2f: {  	lr =	sadd.s32 s0, s3;
	s0 =	sld [smem:$0x3FAC]  }
0x30: {  	s3 =	sld [smem:$0x3FAF]  }
0x31: {  	[smem:$0x3FB8] =	sst s10  }
0x32: {  	s10 =	sld [smem:$0x3FB6];
	_ =	sdelay $0x3  }
0x33: {  	p0 =	seq.s32 s10, $0x1;
	s10 =	sld [smem:$0x3FB8];
	_ =	sdelay $0x3  }
0x34: {  	[smem:$0x3FB8] =	sst s10  }
0x35: {  	s10 =	sld [smem:$0x3FB7];
	_ =	sdelay $0x3  }
0x36: {  	p1 =	seq.s32 s10, $0x1;
	s10 =	sld [smem:$0x3FB8];
	_ =	sdelay $0x3  }
0x37: {  	[smem:$0x3FB8] =	sst s10  }
0x38: {  	s10 =	sld [smem:$0x3FB9]  }
0x39: {  	_ = 	snop;
	(pc) =	sbr.ind lr, $3  }
0x3a: {  	_ = 	snop  }
0x3b: {  	_ = 	snop  }
0x3c: {  	p2 =	seq.s32 s10, $0x1;
	s10 =	sld [smem:$0x3FB8]  }
0x3d: {  	_ =	shalt  }
0x3e: {  	_ =	shalt  }
0x3f: {  	_ =	shalt  }
0x40: {  	_ =	shalt  }
0x41: {  	_ =	shalt  }
0x42: {  	_ =	shalt  }
0x43: {  	_ =	shalt  }
0x44: {  	_ =	shalt  }
0x45: {  	_ =	shalt  }
0x46: {  	_ =	shalt  }
0x47: {  	_ =	shalt  }
0x48: {  	_ =	shalt  }
0x49: {  	_ =	shalt  }
0x4a: {  	_ =	shalt  }
0x4b: {  	_ =	shalt  }
0x4c: {  	_ =	shalt  }
0x4d: {  	_ =	shalt  }
0x4e: {  	_ =	shalt  }
0x4f: {  	_ =	shalt  }
0x50: {  	_ =	shalt  }
0x51: {  	_ =	shalt  }
0x52: {  	_ =	shalt  }
0x53: {  	_ =	shalt  }
0x54: {  	_ =	shalt  }
0x55: {  	_ =	shalt  }
0x56: {  	_ =	shalt  }
0x57: {  	_ =	shalt  }
0x58: {  	_ =	shalt  }
0x59: {  	_ =	shalt  }
0x5a: {  	_ =	shalt  }
0x5b: {  	_ =	shalt  }
0x5c: {  	_ =	shalt  }
0x5d: {  	_ =	shalt  }
0x5e: {  	_ =	shalt  }
0x5f: {  	_ =	shalt  }
0x60: {  	_ =	shalt  }
0x61: {  	_ =	shalt  }
0x62: {  	_ =	shalt  }
0x63: {  	_ =	shalt  }
0x64: {  	_ =	shalt  }
0x65: {  	_ =	shalt  }
0x66: {  	_ =	shalt  }
0x67: {  	_ =	shalt  }
0x68: {  	_ =	shalt  }
0x69: {  	_ =	shalt  }
0x6a: {  	_ =	shalt  }
0x6b: {  	_ =	shalt  }
0x6c: {  	_ =	shalt  }
0x6d: {  	_ =	shalt  }
0x6e: {  	_ =	shalt  }
0x6f: {  	_ =	shalt  }
0x70: {  	_ =	shalt  }
0x71: {  	_ =	shalt  }
0x72: {  	_ =	shalt  }
0x73: {  	_ =	shalt  }
0x74: {  	_ =	shalt  }
0x75: {  	_ =	shalt  }
0x76: {  	_ =	shalt  }
0x77: {  	_ =	shalt  }
0x78: {  	_ =	shalt  }
0x79: {  	_ =	shalt  }
0x7a: {  	_ =	shalt  }
0x7b: {  	_ =	shalt  }
0x7c: {  	_ =	shalt  }
0x7d: {  	_ =	shalt  }
0x7e: {  	_ =	shalt  }
0x7f: {  	_ =	shalt  }
0x80: {  	_ =	shalt  }
0x81: {  	_ =	shalt  }
0x82: {  	_ =	shalt  }
0x83: {  	_ =	shalt  }
0x84: {  	_ =	shalt  }
0x85: {  	_ =	shalt  }
0x86: {  	_ =	shalt  }
0x87: {  	_ =	shalt  }
.Lfunc_end0:
.L_simem_size_0:
called_computation_lowered:
.L_overlay_start_0:
0x88: {  	s2 =	sld [smem:$0x3FD9]  }
0x89: {  	s3 =	sld [smem:$0x3FFE];
	_ =	sdelay $0x1  }
0x8a: {  	s1 =	srdreg.scid  }
0x8b: {  	s0 =	sand.u32 $0x1, s1  }
0x8c: {  	s17 =	sshll.u32 s0, $0xA;
	s2 =	sadd.s32 s3, s2  }
0x8d: {  	s2 =	sadd.s32 s2, s17  }
0x8e: {  	[smem:$0x3FC4] =	sst s2  }
0x8f: {  	_ = 	snop  }
0x90: {  	s2 =	sld [smem:$0x3FC7]  }
0x91: {  	s18 =	sld [smem:$0x3FD0];
	(tm) =	ssettm $0x1  }
0x92: {  	s4 =	sld [smem:$0x3FFB];
	_ =	sdelay $0x3  }
0x93: {  	_ =	strace s4  }
0x94: {  	s4 =	sld [smem:$0x3FFC];
	_ =	sdelay $0x3  }
0x95: {  	_ =	strace s4  }
0x96: {  	s4 =	sld [smem:$0x3FFD];
	_ =	sdelay $0x3  }
0x97: {  	_ =	strace s4  }
0x98: {  	_ =	strace $0x8FFFFFFF  }
0x99: {  	s19 =	sld [smem:$0x3FDB];
	_ =	sdelay $0x1  }
0x9a: {  	s5 =	simm.s32 $_scs_section_size  }
0x9b: {  	s6 =	simm.s32 $_size__tile_overlayer_lowered;
	s7 =	simm.s32 $_tile_overlayer_lowered  }
0x9c: {  	s22 =	simm.s32 $0x1BFF;
	s21 =	sshll.u32 s7, $0x1;
	s4 =	sadd.s32 s5, s19  }
0x9d: {  	s8 =	simm.s32 $0x0;
	s20 =	sshll.u32 s6, $0x1;
	s6 =	sadd.s32 s21, s4  }
0x9e: {  	[timem:s8], [sflag:s22] =	dma.local [hbm:s6], s20  }
0x9f: {  	_ =	swait.ge [sflag:s22], s20  }
0xa0: {  	s5 =	ssub.s32 $0x0, s20;
	[sflag:s22] =	ssyncset.done $0x0  }
0xa1: {  	[sflag:s22] =	ssyncadd.s32 s5;
	_ =	sdelay $0x1  }
0xa2: {  	s23 =	simm.s32 $0x1B8B  }
0xa3: {  	_ =	swait.ge [sflag:s23], $0x1  }
0xa4: {  	[sflag:s23] =	ssyncset.done $0x0  }
0xa5: {  	s25 =	simm.s32 $0x1B8E;
	s24 =	sld [smem:$0x3FFE];
	[sflag:s23] =	ssyncadd.s32 $0xFFFFFFFF  }
0xa6: {  	s26 =	simm.s32 $execute0_lowered;
	[smem:$0x3FD2] =	sst s25  }
0xa7: {  	s6 =	sshll.u32 s26, $0x1;
	_ =	strace $0x80000046;
	[dreg:$0x1] =	wrdreg $0xFFFFFFFF  }
0xa8: {  	s28 =	simm.s32 $_size_execute0_lowered;
	s4 =	sadd.s32 s4, s6;
	[dreg:$0x0] =	wrdreg $0x0  }
0xa9: {  	s6 =	sshll.u32 s28, $0x1;
	[dreg:$0x2] =	wrdreg s4  }
0xaa: {  	[dreg:$0x3] =	wrdreg s6  }
0xab: {  	[dreg:$0x4] =	wrdreg $0xC0  }
0xac: {  	_ =	task [dreg:s8], $0x5FFFF  }
0xad: {  	[dreg:$0x1] =	wrdreg $0xFFFFFFFF  }
0xae: {  	[dreg:$0x0] =	wrdreg $0x60  }
0xaf: {  	[dreg:$0x2] =	wrdreg s24  }
0xb0: {  	[dreg:$0x3] =	wrdreg s2  }
0xb1: {  	[dreg:$0x4] =	wrdreg s18  }
0xb2: {  	[dreg:$0x5] =	wrdreg $0x9  }
0xb3: {  	_ =	task.clear_ibuf [dreg:s8], $0x6FFFF;
	_ =	strace $0x90000046  }
0xb4: {  	s29 =	simm.s32 $0x9;
	_ =	strace $0x80000048  }
0xb5: {  	_ =	swait.ge [sflag:s29], $0x1  }
0xb6: {  	[sflag:s29] =	ssyncadd.s32 $0xFFFFFFFF  }
0xb7: {  	_ =	strace $0x90000048  }
0xb8: {  	_ =	sfence  }
0xb9: {  	s30 =	sld [smem:$0x0];
	_ =	sdelay $0x2  }
0xba: {  	s31 =	sshll.u32 s1, $0xD;
	s1 =	sshrl.u32 s1, $0x2  }
0xbb: {  	s3 =	sand.u32 $0x4000, s31;
	s1 =	sadd.s32 s1, s30  }
0xbc: {  	s0 =	sor.u32 s3, s0;
	s1 =	sshll.u32 s1, $0x11  }
0xbd: {  	s0 =	sor.u32 s1, s0  }
0xbe: {  	s0 =	sadd.s32 $0x8F2B, s0  }
0xbf: {  	[sflag:s0] =	ssyncadd.remote.s32 $0x1  }
0xc0: {  	_ =	sfence.sel $0xFFFF  }
0xc1: {  	[dreg:$0x0] =	wrdreg $0xFFFFFFFF;
	(pc) =	sbr.abs _section_cstart, $3  }
0xc2: {  	[dreg:$0x1] =	wrdreg $0xFFFFFFFF  }
0xc3: {  	_ =	task.clear_ibuf [dreg:s8], $0x2FFFF;
	_ =	strace $0x9FFFFFFF  }
0xc4: {  	(tm) =	ssettm $0x7FFFFFFF  }
0xc5: {  	_ =	shalt  }
tec
execute0_lowered:
.L_overlay_start_1:
0x0: {  	(tag) =	ssettag $0x1  }
0x1: {  	s1 =	rddreg [dreg:$0x0]  }
0x2: {  	s7 =	rddreg [dreg:$0x1]  }
0x3: {  	s2 =	srdreg.scid;
	s0 =	stileid.u32  }
0x4: {  	s8 =	rddreg [dreg:$0x2];
	s11 =	simm.s32 $0x2710;
	s12 =	simm.s32 $0x4E20  }
0x5: {  	s13 =	simm.s32 $0x50;
	s14 =	simm.s32 $0x7530;
	s15 =	simm.s32 $0x8930  }
0x6: {  	s16 =	simm.s32 $0x9D30;
	s17 =	simm.s32 $0xB130;
	s18 =	simm.s32 $0xC530  }
0x7: {  	v0 =	vlaneseq.u32;
	s19 =	simm.s32 $0xD930;
	s20 =	simm.s32 $0x1;
	s21 =	simm.s32 $0xED30  }
0x8: {  	s22 =	simm.s32 $0x2;
	s23 =	simm.s32 $0xEE30;
	s24 =	simm.s32 $0x0;
	v0 =	vmul.u32 $0x10, v0  }
0x9: {  	s3 =	sand.u32 $0x1, s2;
	s4 =	sshll.u32 s0, $0x1;
	s2 =	simm.s32 $0x0  }
0xa: {  	s5 =	sadd.s32 $0x27600, s1;
	s4 =	sor.u32 s3, s4;
	s6 =	ssub.s32 $0x2, s3;
	v1 =	vor.u32 $0x1, v0;
	v2 =	vor.u32 $0x2, v0;
	v3 =	vor.u32 $0x3, v0  }
0xb: {  	[smem:$0x7FF] =	sst s2;
	s9 =	smul.u32 $0x4E2, s4;
	s10 =	sshrl.u32 s6, $0x1;
	v4 =	vor.u32 $0x4, v0;
	v5 =	vor.u32 $0x5, v0;
	v6 =	vor.u32 $0x6, v0  }
0xc: {  	s3 =	sadd.s32 $0x13C00, s1;
	_ =	strace $0x80000047;
	v7 =	vor.u32 $0x7, v0;
	v8 =	vor.u32 $0x8, v0;
	v9 =	vor.u32 $0x9, v0;
	s31 =	ssub.s32 s6, s10  }
0xd: {  	v10 =	vor.u32 $0xA, v0;
	v11 =	vor.u32 $0xB, v0;
	v12 =	vor.u32 $0xC, v0;
	s10 =	simm.s32 $0x3;
	s4 =	sadd.s32 s1, s9;
	s7 =	sadd.s32 s7, s9  }
0xe: {  	v13 =	vor.u32 $0xD, v0;
	v14 =	vor.u32 $0xE, v0;
	v15 =	vor.u32 $0xF, v0;
	s8 =	sadd.s32 s8, s9;
	s9 =	smax.u32 s31, $0x1;
	s6 =	sadd.s32 $0x9E00, s4  }
.LBB2_1:
0xf: {  	[tilespmem:s2], [sflag:$0x3] =	stream.linear.gather [hbm4b:s6+s2], $0x2710, $0x38;
	[tilespmem:$0x11540] =	vst v63  }
0x10: {  	_ =	swait.ge [sflag:s10], $0x2710  }
0x11: {  	[sflag:s10] =	ssyncset.done $0x0  }
0x12: {  	[sflag:s10] =	ssyncadd.s32 $0xFFFFD8F0  }
0x13: {  	[tilespmem:s11], [sflag:$0x3] =	stream.linear.gather [hbm4b:s4+s2], $0x2710, $0x38;
	[tilespmem:$0x11540] =	vst v63  }
0x14: {  	_ =	swait.ge [sflag:s10], $0x2710  }
0x15: {  	[sflag:s10] =	ssyncset.done $0x0  }
0x16: {  	[sflag:s10] =	ssyncadd.s32 $0xFFFFD8F0  }
0x17: {  	[tilespmem:s12], [sflag:$0x3] =	stream.linear.gather [hbm4b:s7+s2], $0x2710, $0x38;
	[tilespmem:$0x11540] =	vst v63  }
0x18: {  	_ =	swait.ge [sflag:s10], $0x2710  }
0x19: {  	[sflag:s10] =	ssyncset.done $0x0  }
0x1a: {  	[sflag:s10] =	ssyncadd.s32 $0xFFFFD8F0  }
0x1b: {  	[tilespmem:s14], [sflag:$0x1] =	stream.indirect.gather [hbm4b:s3+s13], $0x40, s2, s13, $0xb8;
	[tilespmem:$0x11540] =	vst v63  }
0x1c: {  	_ = 	snop  }
0x1d: {  	[tilespmem:s15], [sflag:$0x1] =	stream.indirect.gather [hbm4b:s3+s13], $0x40, s11, s13, $0xb8;
	[tilespmem:$0x11540] =	vst v63  }
0x1e: {  	s25 =	simm.s32 $0xEE80;
	s26 =	simm.s32 $0xEE30;
	s28 =	simm.s32 $0x0  }
0x1f: {  	[tilespmem:s16], [sflag:$0x1] =	stream.indirect.gather [hbm4b:s5+s13], $0x40, s12, s13, $0xb8;
	[tilespmem:$0x11540] =	vst v63  }
.LBB2_2:
0x20: {  	s29 =	smul.u32 $0xA0, s28;
	_ =	sdelay $0x1  }
0x21: {  	s1 =	sadd.s32 $0x50, s29  }
0x22: {  	[tilespmem:s17], [sflag:$0x2] =	stream.indirect.gather [hbm4b:s3+s13], $0x40, s1, s13, $0xb8;
	[tilespmem:$0x11540] =	vst v63  }
0x23: {  	s1 =	sadd.s32 $0x2760, s29  }
0x24: {  	[tilespmem:s18], [sflag:$0x2] =	stream.indirect.gather [hbm4b:s3+s13], $0x40, s1, s13, $0xb8;
	[tilespmem:$0x11540] =	vst v63  }
0x25: {  	s1 =	sadd.s32 $0x4E70, s29  }
0x26: {  	[tilespmem:s19], [sflag:$0x2] =	stream.indirect.gather [hbm4b:s5+s13], $0x40, s1, s13, $0xb8;
	[tilespmem:$0x11540] =	vst v63  }
0x27: {  	_ =	swait.ge [sflag:s20], $0x1400  }
0x28: {  	[sflag:s20] =	ssyncset.done $0x0  }
0x29: {  	[sflag:s20] =	ssyncadd.s32 $0xFFFFEC00  }
0x2a: {  	_ =	swait.ge [sflag:s20], $0x1400  }
0x2b: {  	[sflag:s20] =	ssyncset.done $0x0  }
0x2c: {  	[sflag:s20] =	ssyncadd.s32 $0xFFFFEC00  }
0x2d: {  	_ =	swait.ge [sflag:s20], $0x1400  }
0x2e: {  	[sflag:s20] =	ssyncset.done $0x0  }
0x2f: {  	s30 =	simm.s32 $0xFC0;
	s31 =	smov.u32 s26;
	[sflag:s20] =	ssyncadd.s32 $0xFFFFEC00  }
.LBB2_3:
0x30: {  	s1 =	sshra.s32 s30, $0x2  }
0x31: {  	v16 =	vld [tilespmem:s1+$0x7140]  }
0x32: {  	v17 =	vld [tilespmem:s1+$0x8540]  }
0x33: {  	v18 =	vld [tilespmem:s1+$0x9940]  }
0x34: {  	v19 =	vld [tilespmem:s1+$0x7150]  }
0x35: {  	v20 =	vld [tilespmem:s1+$0x8550]  }
0x36: {  	v21 =	vld [tilespmem:s1+$0x9950]  }
0x37: {  	v22 =	vld [tilespmem:s1+$0x7160]  }
0x38: {  	v23 =	vld [tilespmem:s1+$0x8560]  }
0x39: {  	v24 =	vld [tilespmem:s1+$0x9960]  }
0x3a: {  	v46 =	vld [tilespmem:s1+$0x8570];
	v16 =	vmul.bf16 v17, v16  }
0x3b: {  	v17 =	vld [tilespmem:s1+$0x7170]  }
0x3c: {  	v19 =	vmul.bf16 v20, v19;
	v16 =	vmul.bf16 v18, v16  }
0x3d: {  	v48 =	vld [tilespmem:s1+$0x9970];
	v22 =	vmul.bf16 v23, v22  }
0x3e: {  	v47 =	vmul.bf16 v21, v19;
	v49 =	vunpack.i.u.bf16.f32 v16;
	v16 =	vunpack.i.l.bf16.f32 v16  }
0x3f: {  	v22 =	vmul.bf16 v24, v22;
	v16 =	vadd.f32 $0.0e+00, v16;
	v21 =	vadd.f32 $0.0e+00, v49  }
0x40: {  	v50 =	vunpack.i.u.bf16.f32 v47;
	v18 =	vunpack.i.l.bf16.f32 v47;
	v17 =	vmul.bf16 v46, v17  }
0x41: {  	v16 =	vadd.f32 v18, v16;
	v51 =	vadd.f32 v50, v21  }
0x42: {  	v52 =	vunpack.i.u.bf16.f32 v22;
	v53 =	vunpack.i.l.bf16.f32 v22;
	v17 =	vmul.bf16 v48, v17  }
0x43: {  	v16 =	vadd.f32 v53, v16;
	v18 =	vadd.f32 v52, v51  }
0x44: {  	v19 =	vunpack.i.u.bf16.f32 v17;
	v17 =	vunpack.i.l.bf16.f32 v17  }
0x45: {  	v16 =	vadd.f32 v17, v16;
	v17 =	vadd.f32 v19, v18;
	_ =	sdelay $0x1  }
0x46: {  	v16 =	vadd.f32 v16, v17;
	_ =	sdelay $0x1  }
0x47: {  	[tilespmem:$0xED30] =	vst v16  }
0x48: {  	v16 =	vld [tilespmem:s1+$0x7180]  }
0x49: {  	v17 =	vld [tilespmem:s1+$0x8580]  }
0x4a: {  	v54 =	vld [tilespmem:s1+$0x9980]  }
0x4b: {  	v55 =	vld [tilespmem:s1+$0x7190]  }
0x4c: {  	v56 =	vld [tilespmem:s1+$0x8590]  }
0x4d: {  	v57 =	vld [tilespmem:s1+$0x9990]  }
0x4e: {  	v58 =	vld [tilespmem:s1+$0x71A0]  }
0x4f: {  	v59 =	vld [tilespmem:s1+$0x85A0]  }
0x50: {  	v60 =	vld [tilespmem:s1+$0x99A0]  }
0x51: {  	v61 =	vld [tilespmem:s1+$0x85B0];
	v16 =	vmul.bf16 v17, v16  }
0x52: {  	v17 =	vld [tilespmem:s1+$0x71B0]  }
0x53: {  	v19 =	vmul.bf16 v56, v55;
	v16 =	vmul.bf16 v54, v16  }
0x54: {  	v63 =	vld [tilespmem:s1+$0x99B0];
	v22 =	vmul.bf16 v59, v58  }
0x55: {  	v62 =	vmul.bf16 v57, v19;
	v25 =	vunpack.i.u.bf16.f32 v16;
	v16 =	vunpack.i.l.bf16.f32 v16  }
0x56: {  	v22 =	vmul.bf16 v60, v22;
	v16 =	vadd.f32 $0.0e+00, v16;
	v21 =	vadd.f32 $0.0e+00, v25  }
0x57: {  	v26 =	vunpack.i.u.bf16.f32 v62;
	v18 =	vunpack.i.l.bf16.f32 v62;
	v17 =	vmul.bf16 v61, v17  }
0x58: {  	v16 =	vadd.f32 v18, v16;
	v27 =	vadd.f32 v26, v21  }
0x59: {  	v28 =	vunpack.i.u.bf16.f32 v22;
	v29 =	vunpack.i.l.bf16.f32 v22;
	v17 =	vmul.bf16 v63, v17  }
0x5a: {  	v16 =	vadd.f32 v29, v16;
	v18 =	vadd.f32 v28, v27  }
0x5b: {  	v19 =	vunpack.i.u.bf16.f32 v17;
	v17 =	vunpack.i.l.bf16.f32 v17  }
0x5c: {  	v16 =	vadd.f32 v17, v16;
	v17 =	vadd.f32 v19, v18;
	_ =	sdelay $0x1  }
0x5d: {  	v16 =	vadd.f32 v16, v17;
	_ =	sdelay $0x1  }
0x5e: {  	[tilespmem:$0xED40] =	vst v16  }
0x5f: {  	v16 =	vld [tilespmem:s1+$0x71C0]  }
0x60: {  	v17 =	vld [tilespmem:s1+$0x85C0]  }
0x61: {  	v30 =	vld [tilespmem:s1+$0x99C0]  }
0x62: {  	v31 =	vld [tilespmem:s1+$0x71D0]  }
0x63: {  	v32 =	vld [tilespmem:s1+$0x85D0]  }
0x64: {  	v33 =	vld [tilespmem:s1+$0x99D0]  }
0x65: {  	v34 =	vld [tilespmem:s1+$0x71E0]  }
0x66: {  	v35 =	vld [tilespmem:s1+$0x85E0]  }
0x67: {  	v36 =	vld [tilespmem:s1+$0x99E0]  }
0x68: {  	v37 =	vld [tilespmem:s1+$0x85F0];
	v16 =	vmul.bf16 v17, v16  }
0x69: {  	v17 =	vld [tilespmem:s1+$0x71F0]  }
0x6a: {  	v19 =	vmul.bf16 v32, v31;
	v16 =	vmul.bf16 v30, v16  }
0x6b: {  	v39 =	vld [tilespmem:s1+$0x99F0];
	v22 =	vmul.bf16 v35, v34  }
0x6c: {  	v38 =	vmul.bf16 v33, v19;
	v40 =	vunpack.i.u.bf16.f32 v16;
	v16 =	vunpack.i.l.bf16.f32 v16  }
0x6d: {  	v22 =	vmul.bf16 v36, v22;
	v16 =	vadd.f32 $0.0e+00, v16;
	v21 =	vadd.f32 $0.0e+00, v40  }
0x6e: {  	v41 =	vunpack.i.u.bf16.f32 v38;
	v18 =	vunpack.i.l.bf16.f32 v38;
	v17 =	vmul.bf16 v37, v17  }
0x6f: {  	v16 =	vadd.f32 v18, v16;
	v42 =	vadd.f32 v41, v21  }
0x70: {  	v43 =	vunpack.i.u.bf16.f32 v22;
	v44 =	vunpack.i.l.bf16.f32 v22;
	v17 =	vmul.bf16 v39, v17  }
0x71: {  	v16 =	vadd.f32 v44, v16;
	v18 =	vadd.f32 v43, v42  }
0x72: {  	v19 =	vunpack.i.u.bf16.f32 v17;
	v17 =	vunpack.i.l.bf16.f32 v17  }
0x73: {  	v16 =	vadd.f32 v17, v16;
	v17 =	vadd.f32 v19, v18;
	_ =	sdelay $0x1  }
0x74: {  	v16 =	vadd.f32 v16, v17;
	_ =	sdelay $0x1  }
0x75: {  	[tilespmem:$0xED50] =	vst v16  }
0x76: {  	v16 =	vld [tilespmem:s1+$0x7200]  }
0x77: {  	v17 =	vld [tilespmem:s1+$0x8600]  }
0x78: {  	v45 =	vld [tilespmem:s1+$0x9A00]  }
0x79: {  	v46 =	vld [tilespmem:s1+$0x7210]  }
0x7a: {  	v47 =	vld [tilespmem:s1+$0x8610]  }
0x7b: {  	v48 =	vld [tilespmem:s1+$0x9A10]  }
0x7c: {  	v49 =	vld [tilespmem:s1+$0x7220]  }
0x7d: {  	v50 =	vld [tilespmem:s1+$0x8620]  }
0x7e: {  	v51 =	vld [tilespmem:s1+$0x9A20]  }
0x7f: {  	v52 =	vld [tilespmem:s1+$0x8630];
	v16 =	vmul.bf16 v17, v16  }
0x80: {  	v17 =	vld [tilespmem:s1+$0x7230]  }
0x81: {  	v19 =	vmul.bf16 v47, v46;
	v16 =	vmul.bf16 v45, v16  }
0x82: {  	v54 =	vld [tilespmem:s1+$0x9A30];
	v22 =	vmul.bf16 v50, v49  }
0x83: {  	v53 =	vmul.bf16 v48, v19;
	v55 =	vunpack.i.u.bf16.f32 v16;
	v16 =	vunpack.i.l.bf16.f32 v16  }
0x84: {  	v22 =	vmul.bf16 v51, v22;
	v16 =	vadd.f32 $0.0e+00, v16;
	v21 =	vadd.f32 $0.0e+00, v55  }
0x85: {  	v56 =	vunpack.i.u.bf16.f32 v53;
	v18 =	vunpack.i.l.bf16.f32 v53;
	v17 =	vmul.bf16 v52, v17  }
0x86: {  	v16 =	vadd.f32 v18, v16;
	v57 =	vadd.f32 v56, v21  }
0x87: {  	v58 =	vunpack.i.u.bf16.f32 v22;
	v59 =	vunpack.i.l.bf16.f32 v22;
	v17 =	vmul.bf16 v54, v17  }
0x88: {  	v16 =	vadd.f32 v59, v16;
	v18 =	vadd.f32 v58, v57  }
0x89: {  	v19 =	vunpack.i.u.bf16.f32 v17;
	v17 =	vunpack.i.l.bf16.f32 v17  }
0x8a: {  	v16 =	vadd.f32 v17, v16;
	v17 =	vadd.f32 v19, v18;
	_ =	sdelay $0x1  }
0x8b: {  	v16 =	vadd.f32 v16, v17;
	_ =	sdelay $0x1  }
0x8c: {  	[tilespmem:$0xED60] =	vst v16  }
0x8d: {  	v16 =	vld [tilespmem:s1+$0x7240]  }
0x8e: {  	v17 =	vld [tilespmem:s1+$0x8640]  }
0x8f: {  	v60 =	vld [tilespmem:s1+$0x9A40]  }
0x90: {  	v61 =	vld [tilespmem:s1+$0x7250]  }
0x91: {  	v62 =	vld [tilespmem:s1+$0x8650]  }
0x92: {  	v63 =	vld [tilespmem:s1+$0x9A50]  }
0x93: {  	v28 =	vld [tilespmem:s1+$0x7260]  }
0x94: {  	v29 =	vld [tilespmem:s1+$0x8660]  }
0x95: {  	v30 =	vld [tilespmem:s1+$0x9A60]  }
0x96: {  	v31 =	vld [tilespmem:s1+$0x8670];
	v16 =	vmul.bf16 v17, v16  }
0x97: {  	v17 =	vld [tilespmem:s1+$0x7270]  }
0x98: {  	v19 =	vmul.bf16 v62, v61;
	v16 =	vmul.bf16 v60, v16  }
0x99: {  	v33 =	vld [tilespmem:s1+$0x9A70];
	v22 =	vmul.bf16 v29, v28  }
0x9a: {  	v32 =	vmul.bf16 v63, v19;
	v34 =	vunpack.i.u.bf16.f32 v16;
	v16 =	vunpack.i.l.bf16.f32 v16  }
0x9b: {  	v22 =	vmul.bf16 v30, v22;
	v16 =	vadd.f32 $0.0e+00, v16;
	v21 =	vadd.f32 $0.0e+00, v34  }
0x9c: {  	v35 =	vunpack.i.u.bf16.f32 v32;
	v18 =	vunpack.i.l.bf16.f32 v32;
	v17 =	vmul.bf16 v31, v17  }
0x9d: {  	v16 =	vadd.f32 v18, v16;
	v36 =	vadd.f32 v35, v21  }
0x9e: {  	v37 =	vunpack.i.u.bf16.f32 v22;
	v38 =	vunpack.i.l.bf16.f32 v22;
	v17 =	vmul.bf16 v33, v17  }
0x9f: {  	v16 =	vadd.f32 v38, v16;
	v18 =	vadd.f32 v37, v36  }
0xa0: {  	v19 =	vunpack.i.u.bf16.f32 v17;
	v17 =	vunpack.i.l.bf16.f32 v17  }
0xa1: {  	v16 =	vadd.f32 v17, v16;
	v17 =	vadd.f32 v19, v18;
	_ =	sdelay $0x1  }
0xa2: {  	v16 =	vadd.f32 v16, v17;
	_ =	sdelay $0x1  }
0xa3: {  	[tilespmem:$0xED70] =	vst v16  }
0xa4: {  	v16 =	vld [tilespmem:s1+$0x7280]  }
0xa5: {  	v17 =	vld [tilespmem:s1+$0x8680]  }
0xa6: {  	v39 =	vld [tilespmem:s1+$0x9A80]  }
0xa7: {  	v40 =	vld [tilespmem:s1+$0x7290]  }
0xa8: {  	v41 =	vld [tilespmem:s1+$0x8690]  }
0xa9: {  	v42 =	vld [tilespmem:s1+$0x9A90]  }
0xaa: {  	v43 =	vld [tilespmem:s1+$0x72A0]  }
0xab: {  	v44 =	vld [tilespmem:s1+$0x86A0]  }
0xac: {  	v45 =	vld [tilespmem:s1+$0x9AA0]  }
0xad: {  	v46 =	vld [tilespmem:s1+$0x86B0];
	v16 =	vmul.bf16 v17, v16  }
0xae: {  	v17 =	vld [tilespmem:s1+$0x72B0]  }
0xaf: {  	v19 =	vmul.bf16 v41, v40;
	v16 =	vmul.bf16 v39, v16  }
0xb0: {  	v48 =	vld [tilespmem:s1+$0x9AB0];
	v22 =	vmul.bf16 v44, v43  }
0xb1: {  	v47 =	vmul.bf16 v42, v19;
	v49 =	vunpack.i.u.bf16.f32 v16;
	v16 =	vunpack.i.l.bf16.f32 v16  }
0xb2: {  	v22 =	vmul.bf16 v45, v22;
	v16 =	vadd.f32 $0.0e+00, v16;
	v21 =	vadd.f32 $0.0e+00, v49  }
0xb3: {  	v50 =	vunpack.i.u.bf16.f32 v47;
	v18 =	vunpack.i.l.bf16.f32 v47;
	v17 =	vmul.bf16 v46, v17  }
0xb4: {  	v16 =	vadd.f32 v18, v16;
	v51 =	vadd.f32 v50, v21  }
0xb5: {  	v52 =	vunpack.i.u.bf16.f32 v22;
	v53 =	vunpack.i.l.bf16.f32 v22;
	v17 =	vmul.bf16 v48, v17  }
0xb6: {  	v16 =	vadd.f32 v53, v16;
	v18 =	vadd.f32 v52, v51  }
0xb7: {  	v19 =	vunpack.i.u.bf16.f32 v17;
	v17 =	vunpack.i.l.bf16.f32 v17  }
0xb8: {  	v16 =	vadd.f32 v17, v16;
	v17 =	vadd.f32 v19, v18;
	_ =	sdelay $0x1  }
0xb9: {  	v16 =	vadd.f32 v16, v17;
	_ =	sdelay $0x1  }
0xba: {  	[tilespmem:$0xED80] =	vst v16  }
0xbb: {  	v16 =	vld [tilespmem:s1+$0x72C0]  }
0xbc: {  	v17 =	vld [tilespmem:s1+$0x86C0]  }
0xbd: {  	v54 =	vld [tilespmem:s1+$0x9AC0]  }
0xbe: {  	v55 =	vld [tilespmem:s1+$0x72D0]  }
0xbf: {  	v56 =	vld [tilespmem:s1+$0x86D0]  }
0xc0: {  	v57 =	vld [tilespmem:s1+$0x9AD0]  }
0xc1: {  	v58 =	vld [tilespmem:s1+$0x72E0]  }
0xc2: {  	v59 =	vld [tilespmem:s1+$0x86E0]  }
0xc3: {  	v60 =	vld [tilespmem:s1+$0x9AE0]  }
0xc4: {  	v61 =	vld [tilespmem:s1+$0x86F0];
	v16 =	vmul.bf16 v17, v16  }
0xc5: {  	v17 =	vld [tilespmem:s1+$0x72F0]  }
0xc6: {  	v19 =	vmul.bf16 v56, v55;
	v16 =	vmul.bf16 v54, v16  }
0xc7: {  	v63 =	vld [tilespmem:s1+$0x9AF0];
	v22 =	vmul.bf16 v59, v58  }
0xc8: {  	v62 =	vmul.bf16 v57, v19;
	v25 =	vunpack.i.u.bf16.f32 v16;
	v16 =	vunpack.i.l.bf16.f32 v16  }
0xc9: {  	v22 =	vmul.bf16 v60, v22;
	v16 =	vadd.f32 $0.0e+00, v16;
	v21 =	vadd.f32 $0.0e+00, v25  }
0xca: {  	v26 =	vunpack.i.u.bf16.f32 v62;
	v18 =	vunpack.i.l.bf16.f32 v62;
	v17 =	vmul.bf16 v61, v17  }
0xcb: {  	v16 =	vadd.f32 v18, v16;
	v27 =	vadd.f32 v26, v21  }
0xcc: {  	v28 =	vunpack.i.u.bf16.f32 v22;
	v29 =	vunpack.i.l.bf16.f32 v22;
	v17 =	vmul.bf16 v63, v17  }
0xcd: {  	v16 =	vadd.f32 v29, v16;
	v18 =	vadd.f32 v28, v27  }
0xce: {  	v19 =	vunpack.i.u.bf16.f32 v17;
	v17 =	vunpack.i.l.bf16.f32 v17  }
0xcf: {  	v16 =	vadd.f32 v17, v16;
	v17 =	vadd.f32 v19, v18;
	_ =	sdelay $0x1  }
0xd0: {  	v16 =	vadd.f32 v16, v17;
	_ =	sdelay $0x1  }
0xd1: {  	[tilespmem:$0xED90] =	vst v16  }
0xd2: {  	v16 =	vld [tilespmem:s1+$0x7300]  }
0xd3: {  	v17 =	vld [tilespmem:s1+$0x8700]  }
0xd4: {  	v30 =	vld [tilespmem:s1+$0x9B00]  }
0xd5: {  	v31 =	vld [tilespmem:s1+$0x7310]  }
0xd6: {  	v32 =	vld [tilespmem:s1+$0x8710]  }
0xd7: {  	v33 =	vld [tilespmem:s1+$0x9B10]  }
0xd8: {  	v34 =	vld [tilespmem:s1+$0x7320]  }
0xd9: {  	v35 =	vld [tilespmem:s1+$0x8720]  }
0xda: {  	v36 =	vld [tilespmem:s1+$0x9B20]  }
0xdb: {  	v37 =	vld [tilespmem:s1+$0x8730];
	v16 =	vmul.bf16 v17, v16  }
0xdc: {  	v17 =	vld [tilespmem:s1+$0x7330]  }
0xdd: {  	v19 =	vmul.bf16 v32, v31;
	v16 =	vmul.bf16 v30, v16  }
0xde: {  	v39 =	vld [tilespmem:s1+$0x9B30];
	v22 =	vmul.bf16 v35, v34  }
0xdf: {  	v38 =	vmul.bf16 v33, v19;
	v40 =	vunpack.i.u.bf16.f32 v16;
	v16 =	vunpack.i.l.bf16.f32 v16  }
0xe0: {  	v22 =	vmul.bf16 v36, v22;
	v16 =	vadd.f32 $0.0e+00, v16;
	v21 =	vadd.f32 $0.0e+00, v40  }
0xe1: {  	v41 =	vunpack.i.u.bf16.f32 v38;
	v18 =	vunpack.i.l.bf16.f32 v38;
	v17 =	vmul.bf16 v37, v17  }
0xe2: {  	v16 =	vadd.f32 v18, v16;
	v42 =	vadd.f32 v41, v21  }
0xe3: {  	v43 =	vunpack.i.u.bf16.f32 v22;
	v44 =	vunpack.i.l.bf16.f32 v22;
	v17 =	vmul.bf16 v39, v17  }
0xe4: {  	v16 =	vadd.f32 v44, v16;
	v18 =	vadd.f32 v43, v42  }
0xe5: {  	v19 =	vunpack.i.u.bf16.f32 v17;
	v17 =	vunpack.i.l.bf16.f32 v17  }
0xe6: {  	v16 =	vadd.f32 v17, v16;
	v17 =	vadd.f32 v19, v18;
	_ =	sdelay $0x1  }
0xe7: {  	v16 =	vadd.f32 v16, v17;
	_ =	sdelay $0x1  }
0xe8: {  	[tilespmem:$0xEDA0] =	vst v16  }
0xe9: {  	v16 =	vld [tilespmem:s1+$0x7340]  }
0xea: {  	v17 =	vld [tilespmem:s1+$0x8740]  }
0xeb: {  	v45 =	vld [tilespmem:s1+$0x9B40]  }
0xec: {  	v46 =	vld [tilespmem:s1+$0x7350]  }
0xed: {  	v47 =	vld [tilespmem:s1+$0x8750]  }
0xee: {  	v48 =	vld [tilespmem:s1+$0x9B50]  }
0xef: {  	v49 =	vld [tilespmem:s1+$0x7360]  }
0xf0: {  	v50 =	vld [tilespmem:s1+$0x8760]  }
0xf1: {  	v51 =	vld [tilespmem:s1+$0x9B60]  }
0xf2: {  	v52 =	vld [tilespmem:s1+$0x8770];
	v16 =	vmul.bf16 v17, v16  }
0xf3: {  	v17 =	vld [tilespmem:s1+$0x7370]  }
0xf4: {  	v19 =	vmul.bf16 v47, v46;
	v16 =	vmul.bf16 v45, v16  }
0xf5: {  	v54 =	vld [tilespmem:s1+$0x9B70];
	v22 =	vmul.bf16 v50, v49  }
0xf6: {  	v53 =	vmul.bf16 v48, v19;
	v55 =	vunpack.i.u.bf16.f32 v16;
	v16 =	vunpack.i.l.bf16.f32 v16  }
0xf7: {  	v22 =	vmul.bf16 v51, v22;
	v16 =	vadd.f32 $0.0e+00, v16;
	v21 =	vadd.f32 $0.0e+00, v55  }
0xf8: {  	v56 =	vunpack.i.u.bf16.f32 v53;
	v18 =	vunpack.i.l.bf16.f32 v53;
	v17 =	vmul.bf16 v52, v17  }
0xf9: {  	v16 =	vadd.f32 v18, v16;
	v57 =	vadd.f32 v56, v21  }
0xfa: {  	v58 =	vunpack.i.u.bf16.f32 v22;
	v59 =	vunpack.i.l.bf16.f32 v22;
	v17 =	vmul.bf16 v54, v17  }
0xfb: {  	v16 =	vadd.f32 v59, v16;
	v18 =	vadd.f32 v58, v57  }
0xfc: {  	v19 =	vunpack.i.u.bf16.f32 v17;
	v17 =	vunpack.i.l.bf16.f32 v17  }
0xfd: {  	v16 =	vadd.f32 v17, v16;
	v17 =	vadd.f32 v19, v18;
	_ =	sdelay $0x1  }
0xfe: {  	v16 =	vadd.f32 v16, v17;
	_ =	sdelay $0x1  }
0xff: {  	[tilespmem:$0xEDB0] =	vst v16  }
0x100: {  	v16 =	vld [tilespmem:s1+$0x7380]  }
0x101: {  	v17 =	vld [tilespmem:s1+$0x8780]  }
0x102: {  	v60 =	vld [tilespmem:s1+$0x9B80]  }
0x103: {  	v61 =	vld [tilespmem:s1+$0x7390]  }
0x104: {  	v62 =	vld [tilespmem:s1+$0x8790]  }
0x105: {  	v63 =	vld [tilespmem:s1+$0x9B90]  }
0x106: {  	v28 =	vld [tilespmem:s1+$0x73A0]  }
0x107: {  	v29 =	vld [tilespmem:s1+$0x87A0]  }
0x108: {  	v30 =	vld [tilespmem:s1+$0x9BA0]  }
0x109: {  	v31 =	vld [tilespmem:s1+$0x87B0];
	v16 =	vmul.bf16 v17, v16  }
0x10a: {  	v17 =	vld [tilespmem:s1+$0x73B0]  }
0x10b: {  	v19 =	vmul.bf16 v62, v61;
	v16 =	vmul.bf16 v60, v16  }
0x10c: {  	v33 =	vld [tilespmem:s1+$0x9BB0];
	v22 =	vmul.bf16 v29, v28  }
0x10d: {  	v32 =	vmul.bf16 v63, v19;
	v34 =	vunpack.i.u.bf16.f32 v16;
	v16 =	vunpack.i.l.bf16.f32 v16  }
0x10e: {  	v22 =	vmul.bf16 v30, v22;
	v16 =	vadd.f32 $0.0e+00, v16;
	v21 =	vadd.f32 $0.0e+00, v34  }
0x10f: {  	v35 =	vunpack.i.u.bf16.f32 v32;
	v18 =	vunpack.i.l.bf16.f32 v32;
	v17 =	vmul.bf16 v31, v17  }
0x110: {  	v16 =	vadd.f32 v18, v16;
	v36 =	vadd.f32 v35, v21  }
0x111: {  	v37 =	vunpack.i.u.bf16.f32 v22;
	v38 =	vunpack.i.l.bf16.f32 v22;
	v17 =	vmul.bf16 v33, v17  }
0x112: {  	v16 =	vadd.f32 v38, v16;
	v18 =	vadd.f32 v37, v36  }
0x113: {  	v19 =	vunpack.i.u.bf16.f32 v17;
	v17 =	vunpack.i.l.bf16.f32 v17  }
0x114: {  	v16 =	vadd.f32 v17, v16;
	v17 =	vadd.f32 v19, v18;
	_ =	sdelay $0x1  }
0x115: {  	v16 =	vadd.f32 v16, v17;
	_ =	sdelay $0x1  }
0x116: {  	[tilespmem:$0xEDC0] =	vst v16  }
0x117: {  	v16 =	vld [tilespmem:s1+$0x73C0]  }
0x118: {  	v17 =	vld [tilespmem:s1+$0x87C0]  }
0x119: {  	v39 =	vld [tilespmem:s1+$0x9BC0]  }
0x11a: {  	v40 =	vld [tilespmem:s1+$0x73D0]  }
0x11b: {  	v41 =	vld [tilespmem:s1+$0x87D0]  }
0x11c: {  	v42 =	vld [tilespmem:s1+$0x9BD0]  }
0x11d: {  	v43 =	vld [tilespmem:s1+$0x73E0]  }
0x11e: {  	v44 =	vld [tilespmem:s1+$0x87E0]  }
0x11f: {  	v45 =	vld [tilespmem:s1+$0x9BE0]  }
0x120: {  	v46 =	vld [tilespmem:s1+$0x87F0];
	v16 =	vmul.bf16 v17, v16  }
0x121: {  	v17 =	vld [tilespmem:s1+$0x73F0]  }
0x122: {  	v19 =	vmul.bf16 v41, v40;
	v16 =	vmul.bf16 v39, v16  }
0x123: {  	v48 =	vld [tilespmem:s1+$0x9BF0];
	v22 =	vmul.bf16 v44, v43  }
0x124: {  	v47 =	vmul.bf16 v42, v19;
	v49 =	vunpack.i.u.bf16.f32 v16;
	v16 =	vunpack.i.l.bf16.f32 v16  }
0x125: {  	v22 =	vmul.bf16 v45, v22;
	v16 =	vadd.f32 $0.0e+00, v16;
	v21 =	vadd.f32 $0.0e+00, v49  }
0x126: {  	v50 =	vunpack.i.u.bf16.f32 v47;
	v18 =	vunpack.i.l.bf16.f32 v47;
	v17 =	vmul.bf16 v46, v17  }
0x127: {  	v16 =	vadd.f32 v18, v16;
	v51 =	vadd.f32 v50, v21  }
0x128: {  	v52 =	vunpack.i.u.bf16.f32 v22;
	v53 =	vunpack.i.l.bf16.f32 v22;
	v17 =	vmul.bf16 v48, v17  }
0x129: {  	v16 =	vadd.f32 v53, v16;
	v18 =	vadd.f32 v52, v51  }
0x12a: {  	v19 =	vunpack.i.u.bf16.f32 v17;
	v17 =	vunpack.i.l.bf16.f32 v17  }
0x12b: {  	v16 =	vadd.f32 v17, v16;
	v17 =	vadd.f32 v19, v18;
	_ =	sdelay $0x1  }
0x12c: {  	v16 =	vadd.f32 v16, v17;
	_ =	sdelay $0x1  }
0x12d: {  	[tilespmem:$0xEDD0] =	vst v16  }
0x12e: {  	v16 =	vld [tilespmem:s1+$0x7400]  }
0x12f: {  	v17 =	vld [tilespmem:s1+$0x8800]  }
0x130: {  	v54 =	vld [tilespmem:s1+$0x9C00]  }
0x131: {  	v55 =	vld [tilespmem:s1+$0x7410]  }
0x132: {  	v56 =	vld [tilespmem:s1+$0x8810]  }
0x133: {  	v57 =	vld [tilespmem:s1+$0x9C10]  }
0x134: {  	v58 =	vld [tilespmem:s1+$0x7420]  }
0x135: {  	v59 =	vld [tilespmem:s1+$0x8820]  }
0x136: {  	v60 =	vld [tilespmem:s1+$0x9C20]  }
0x137: {  	v61 =	vld [tilespmem:s1+$0x8830];
	v16 =	vmul.bf16 v17, v16  }
0x138: {  	v17 =	vld [tilespmem:s1+$0x7430]  }
0x139: {  	v19 =	vmul.bf16 v56, v55;
	v16 =	vmul.bf16 v54, v16  }
0x13a: {  	v63 =	vld [tilespmem:s1+$0x9C30];
	v22 =	vmul.bf16 v59, v58  }
0x13b: {  	v62 =	vmul.bf16 v57, v19;
	v25 =	vunpack.i.u.bf16.f32 v16;
	v16 =	vunpack.i.l.bf16.f32 v16  }
0x13c: {  	v22 =	vmul.bf16 v60, v22;
	v16 =	vadd.f32 $0.0e+00, v16;
	v21 =	vadd.f32 $0.0e+00, v25  }
0x13d: {  	v26 =	vunpack.i.u.bf16.f32 v62;
	v18 =	vunpack.i.l.bf16.f32 v62;
	v17 =	vmul.bf16 v61, v17  }
0x13e: {  	v16 =	vadd.f32 v18, v16;
	v27 =	vadd.f32 v26, v21  }
0x13f: {  	v28 =	vunpack.i.u.bf16.f32 v22;
	v29 =	vunpack.i.l.bf16.f32 v22;
	v17 =	vmul.bf16 v63, v17  }
0x140: {  	v16 =	vadd.f32 v29, v16;
	v18 =	vadd.f32 v28, v27  }
0x141: {  	v19 =	vunpack.i.u.bf16.f32 v17;
	v17 =	vunpack.i.l.bf16.f32 v17  }
0x142: {  	v16 =	vadd.f32 v17, v16;
	v17 =	vadd.f32 v19, v18;
	_ =	sdelay $0x1  }
0x143: {  	v16 =	vadd.f32 v16, v17;
	_ =	sdelay $0x1  }
0x144: {  	[tilespmem:$0xEDE0] =	vst v16  }
0x145: {  	v16 =	vld [tilespmem:s1+$0x7440]  }
0x146: {  	v17 =	vld [tilespmem:s1+$0x8840]  }
0x147: {  	v30 =	vld [tilespmem:s1+$0x9C40]  }
0x148: {  	v31 =	vld [tilespmem:s1+$0x7450]  }
0x149: {  	v32 =	vld [tilespmem:s1+$0x8850]  }
0x14a: {  	v33 =	vld [tilespmem:s1+$0x9C50]  }
0x14b: {  	v34 =	vld [tilespmem:s1+$0x7460]  }
0x14c: {  	v35 =	vld [tilespmem:s1+$0x8860]  }
0x14d: {  	v36 =	vld [tilespmem:s1+$0x9C60]  }
0x14e: {  	v37 =	vld [tilespmem:s1+$0x8870];
	v16 =	vmul.bf16 v17, v16  }
0x14f: {  	v17 =	vld [tilespmem:s1+$0x7470]  }
0x150: {  	v19 =	vmul.bf16 v32, v31;
	v16 =	vmul.bf16 v30, v16  }
0x151: {  	v39 =	vld [tilespmem:s1+$0x9C70];
	v22 =	vmul.bf16 v35, v34  }
0x152: {  	v38 =	vmul.bf16 v33, v19;
	v40 =	vunpack.i.u.bf16.f32 v16;
	v16 =	vunpack.i.l.bf16.f32 v16  }
0x153: {  	v22 =	vmul.bf16 v36, v22;
	v16 =	vadd.f32 $0.0e+00, v16;
	v21 =	vadd.f32 $0.0e+00, v40  }
0x154: {  	v41 =	vunpack.i.u.bf16.f32 v38;
	v18 =	vunpack.i.l.bf16.f32 v38;
	v17 =	vmul.bf16 v37, v17  }
0x155: {  	v16 =	vadd.f32 v18, v16;
	v42 =	vadd.f32 v41, v21  }
0x156: {  	v43 =	vunpack.i.u.bf16.f32 v22;
	v44 =	vunpack.i.l.bf16.f32 v22;
	v17 =	vmul.bf16 v39, v17  }
0x157: {  	v16 =	vadd.f32 v44, v16;
	v18 =	vadd.f32 v43, v42  }
0x158: {  	v19 =	vunpack.i.u.bf16.f32 v17;
	v17 =	vunpack.i.l.bf16.f32 v17  }
0x159: {  	v16 =	vadd.f32 v17, v16;
	v17 =	vadd.f32 v19, v18;
	_ =	sdelay $0x1  }
0x15a: {  	v16 =	vadd.f32 v16, v17;
	_ =	sdelay $0x1  }
0x15b: {  	[tilespmem:$0xEDF0] =	vst v16  }
0x15c: {  	v16 =	vld [tilespmem:s1+$0x7480]  }
0x15d: {  	v17 =	vld [tilespmem:s1+$0x8880]  }
0x15e: {  	v45 =	vld [tilespmem:s1+$0x9C80]  }
0x15f: {  	v46 =	vld [tilespmem:s1+$0x7490]  }
0x160: {  	v47 =	vld [tilespmem:s1+$0x8890]  }
0x161: {  	v48 =	vld [tilespmem:s1+$0x9C90]  }
0x162: {  	v49 =	vld [tilespmem:s1+$0x74A0]  }
0x163: {  	v50 =	vld [tilespmem:s1+$0x88A0]  }
0x164: {  	v51 =	vld [tilespmem:s1+$0x9CA0]  }
0x165: {  	v52 =	vld [tilespmem:s1+$0x88B0];
	v16 =	vmul.bf16 v17, v16  }
0x166: {  	v17 =	vld [tilespmem:s1+$0x74B0]  }
0x167: {  	v19 =	vmul.bf16 v47, v46;
	v16 =	vmul.bf16 v45, v16  }
0x168: {  	v54 =	vld [tilespmem:s1+$0x9CB0];
	v22 =	vmul.bf16 v50, v49  }
0x169: {  	v53 =	vmul.bf16 v48, v19;
	v55 =	vunpack.i.u.bf16.f32 v16;
	v16 =	vunpack.i.l.bf16.f32 v16  }
0x16a: {  	v22 =	vmul.bf16 v51, v22;
	v16 =	vadd.f32 $0.0e+00, v16;
	v21 =	vadd.f32 $0.0e+00, v55  }
0x16b: {  	v56 =	vunpack.i.u.bf16.f32 v53;
	v18 =	vunpack.i.l.bf16.f32 v53;
	v17 =	vmul.bf16 v52, v17  }
0x16c: {  	v16 =	vadd.f32 v18, v16;
	v57 =	vadd.f32 v56, v21  }
0x16d: {  	v58 =	vunpack.i.u.bf16.f32 v22;
	v59 =	vunpack.i.l.bf16.f32 v22;
	v17 =	vmul.bf16 v54, v17  }
0x16e: {  	v16 =	vadd.f32 v59, v16;
	v18 =	vadd.f32 v58, v57  }
0x16f: {  	v19 =	vunpack.i.u.bf16.f32 v17;
	v17 =	vunpack.i.l.bf16.f32 v17  }
0x170: {  	v16 =	vadd.f32 v17, v16;
	v17 =	vadd.f32 v19, v18;
	_ =	sdelay $0x1  }
0x171: {  	v16 =	vadd.f32 v16, v17;
	_ =	sdelay $0x1  }
0x172: {  	[tilespmem:$0xEE00] =	vst v16  }
0x173: {  	v16 =	vld [tilespmem:s1+$0x74C0]  }
0x174: {  	v17 =	vld [tilespmem:s1+$0x88C0]  }
0x175: {  	v60 =	vld [tilespmem:s1+$0x9CC0]  }
0x176: {  	v61 =	vld [tilespmem:s1+$0x74D0]  }
0x177: {  	v62 =	vld [tilespmem:s1+$0x88D0]  }
0x178: {  	v63 =	vld [tilespmem:s1+$0x9CD0]  }
0x179: {  	v28 =	vld [tilespmem:s1+$0x74E0]  }
0x17a: {  	v29 =	vld [tilespmem:s1+$0x88E0]  }
0x17b: {  	v30 =	vld [tilespmem:s1+$0x9CE0]  }
0x17c: {  	v31 =	vld [tilespmem:s1+$0x88F0];
	v16 =	vmul.bf16 v17, v16  }
0x17d: {  	v17 =	vld [tilespmem:s1+$0x74F0]  }
0x17e: {  	v19 =	vmul.bf16 v62, v61;
	v16 =	vmul.bf16 v60, v16  }
0x17f: {  	v33 =	vld [tilespmem:s1+$0x9CF0];
	v22 =	vmul.bf16 v29, v28  }
0x180: {  	v32 =	vmul.bf16 v63, v19;
	v34 =	vunpack.i.u.bf16.f32 v16;
	v16 =	vunpack.i.l.bf16.f32 v16  }
0x181: {  	v22 =	vmul.bf16 v30, v22;
	v16 =	vadd.f32 $0.0e+00, v16;
	v21 =	vadd.f32 $0.0e+00, v34  }
0x182: {  	v35 =	vunpack.i.u.bf16.f32 v32;
	v18 =	vunpack.i.l.bf16.f32 v32;
	v17 =	vmul.bf16 v31, v17  }
0x183: {  	v16 =	vadd.f32 v18, v16;
	v36 =	vadd.f32 v35, v21  }
0x184: {  	v37 =	vunpack.i.u.bf16.f32 v22;
	v38 =	vunpack.i.l.bf16.f32 v22;
	v17 =	vmul.bf16 v33, v17  }
0x185: {  	v16 =	vadd.f32 v38, v16;
	v18 =	vadd.f32 v37, v36  }
0x186: {  	v19 =	vunpack.i.u.bf16.f32 v17;
	v17 =	vunpack.i.l.bf16.f32 v17  }
0x187: {  	v16 =	vadd.f32 v17, v16;
	v17 =	vadd.f32 v19, v18;
	_ =	sdelay $0x1  }
0x188: {  	v16 =	vadd.f32 v16, v17;
	_ =	sdelay $0x1  }
0x189: {  	[tilespmem:$0xEE10] =	vst v16  }
0x18a: {  	v16 =	vld [tilespmem:s1+$0x7500]  }
0x18b: {  	v17 =	vld [tilespmem:s1+$0x8900]  }
0x18c: {  	v39 =	vld [tilespmem:s1+$0x9D00]  }
0x18d: {  	v40 =	vld [tilespmem:s1+$0x7510]  }
0x18e: {  	v41 =	vld [tilespmem:s1+$0x8910]  }
0x18f: {  	v42 =	vld [tilespmem:s1+$0x9D10]  }
0x190: {  	v43 =	vld [tilespmem:s1+$0x7520]  }
0x191: {  	v44 =	vld [tilespmem:s1+$0x8920]  }
0x192: {  	v45 =	vld [tilespmem:s1+$0x9D20]  }
0x193: {  	v25 =	vld [tilespmem:s1+$0x8930];
	v16 =	vmul.bf16 v17, v16  }
0x194: {  	v17 =	vld [tilespmem:s1+$0x7530]  }
0x195: {  	v46 =	vmul.bf16 v41, v40;
	v16 =	vmul.bf16 v39, v16  }
0x196: {  	v48 =	vld [tilespmem:s1+$0x9D30];
	v47 =	vmul.bf16 v44, v43  }
0x197: {  	v18 =	vmul.bf16 v42, v46;
	v49 =	vunpack.i.u.bf16.f32 v16;
	v16 =	vunpack.i.l.bf16.f32 v16  }
0x198: {  	v19 =	vmul.bf16 v45, v47;
	v16 =	vadd.f32 $0.0e+00, v16;
	v21 =	vadd.f32 $0.0e+00, v49  }
0x199: {  	v50 =	vunpack.i.u.bf16.f32 v18;
	v18 =	vunpack.i.l.bf16.f32 v18;
	v17 =	vmul.bf16 v25, v17  }
0x19a: {  	v16 =	vadd.f32 v18, v16;
	v51 =	vadd.f32 v50, v21  }
0x19b: {  	v52 =	vunpack.i.u.bf16.f32 v19;
	v19 =	vunpack.i.l.bf16.f32 v19;
	v17 =	vmul.bf16 v48, v17  }
0x19c: {  	v16 =	vadd.f32 v19, v16;
	v18 =	vadd.f32 v52, v51  }
0x19d: {  	v53 =	vunpack.i.u.bf16.f32 v17;
	v17 =	vunpack.i.l.bf16.f32 v17  }
0x19e: {  	v16 =	vadd.f32 v17, v16;
	v17 =	vadd.f32 v53, v18;
	_ =	sdelay $0x1  }
0x19f: {  	v16 =	vadd.f32 v16, v17;
	_ =	sdelay $0x1  }
0x1a0: {  	[tilespmem:$0xEE20] =	vst v16  }
0x1a1: {  	v16 =	vld.idx.msk [tilespmem:v0+s21+$0x0], $0xffff;
	_ =	sdelay $0x1  }
0x1a2: {  	v17 =	vld.idx.msk [tilespmem:v1+s21+$0x0], $0xffff;
	_ =	sdelay $0x1  }
0x1a3: {  	v54 =	vld.idx.msk [tilespmem:v2+s21+$0x0], $0xffff  }
0x1a4: {  	v16 =	vadd.f32 $0.0e+00, v16  }
0x1a5: {  	v55 =	vld.idx.msk [tilespmem:v3+s21+$0x0], $0xffff  }
0x1a6: {  	v16 =	vadd.f32 v17, v16  }
0x1a7: {  	v17 =	vld.idx.msk [tilespmem:v4+s21+$0x0], $0xffff  }
0x1a8: {  	v16 =	vadd.f32 v54, v16  }
0x1a9: {  	v56 =	vld.idx.msk [tilespmem:v5+s21+$0x0], $0xffff  }
0x1aa: {  	v16 =	vadd.f32 v55, v16  }
0x1ab: {  	v57 =	vld.idx.msk [tilespmem:v6+s21+$0x0], $0xffff  }
0x1ac: {  	v16 =	vadd.f32 v17, v16  }
0x1ad: {  	v17 =	vld.idx.msk [tilespmem:v7+s21+$0x0], $0xffff  }
0x1ae: {  	v16 =	vadd.f32 v56, v16  }
0x1af: {  	v58 =	vld.idx.msk [tilespmem:v8+s21+$0x0], $0xffff  }
0x1b0: {  	v16 =	vadd.f32 v57, v16  }
0x1b1: {  	v59 =	vld.idx.msk [tilespmem:v9+s21+$0x0], $0xffff  }
0x1b2: {  	v16 =	vadd.f32 v17, v16  }
0x1b3: {  	v17 =	vld.idx.msk [tilespmem:v10+s21+$0x0], $0xffff  }
0x1b4: {  	v16 =	vadd.f32 v58, v16  }
0x1b5: {  	v60 =	vld.idx.msk [tilespmem:v11+s21+$0x0], $0xffff  }
0x1b6: {  	v16 =	vadd.f32 v59, v16  }
0x1b7: {  	v61 =	vld.idx.msk [tilespmem:v12+s21+$0x0], $0xffff  }
0x1b8: {  	v16 =	vadd.f32 v17, v16  }
0x1b9: {  	v17 =	vld.idx.msk [tilespmem:v13+s21+$0x0], $0xffff  }
0x1ba: {  	v16 =	vadd.f32 v60, v16  }
0x1bb: {  	v62 =	vld.idx.msk [tilespmem:v14+s21+$0x0], $0xffff  }
0x1bc: {  	v16 =	vadd.f32 v61, v16  }
0x1bd: {  	v63 =	vld.idx.msk [tilespmem:v15+s21+$0x0], $0xffff  }
0x1be: {  	v16 =	vadd.f32 v17, v16;
	_ =	sdelay $0x1  }
0x1bf: {  	v16 =	vadd.f32 v62, v16;
	_ =	sdelay $0x1  }
0x1c0: {  	v16 =	vadd.f32 v63, v16;
	_ =	sdelay $0x1  }
0x1c1: {  	v16 =	vsub.f32 $0.0e+00, v16;
	_ =	sdelay $0x1  }
0x1c2: {  	v16 =	vmul.f32 $1.442695020e+00, v16;
	_ =	sdelay $0x1  }
0x1c3: {  	(erf) = vpow2.f32 v16;
	_ =	sdelay $0x8  }
0x1c4: {  	v16 =	vpop (erf)  }
0x1c5: {  	v16 =	vadd.f32 $1.000000000e+00, v16;
	_ =	sdelay $0x1  }
0x1c6: {  	(erf) = vrcp.f32 v16;
	_ =	sdelay $0x4  }
0x1c7: {  	p0 =	sne.s32 s30, $0x4FC0  }
.Ltmp0:
0x1c8: {  	_ = 	snop;
	(pc) =	sbr.rel @p0 .LBB2_3-.Ltmp0, $3  }
0x1c9: {  	_ =	sdelay $0x1  }
0x1ca: {  	v16 =	vpop (erf)  }
0x1cb: {  	s30 =	sadd.s32 $0x1000, s30;
	[tilespmem:s31+$0x0] =	vst v16;
	s31 =	sadd.s32 $0x10, s31  }
0x1cc: {  	s1 =	sadd.s32 $0xA0, s29  }
0x1cd: {  	[tilespmem:s14], [sflag:$0x1] =	stream.indirect.gather [hbm4b:s3+s13], $0x40, s1, s13, $0xb8;
	[tilespmem:$0x11540] =	vst v63  }
0x1ce: {  	s31 =	sadd.s32 $0x27B0, s29  }
0x1cf: {  	[tilespmem:s15], [sflag:$0x1] =	stream.indirect.gather [hbm4b:s3+s13], $0x40, s31, s13, $0xb8;
	[tilespmem:$0x11540] =	vst v63  }
0x1d0: {  	s31 =	sadd.s32 $0x4EC0, s29  }
0x1d1: {  	[tilespmem:s16], [sflag:$0x1] =	stream.indirect.gather [hbm4b:s5+s13], $0x40, s31, s13, $0xb8;
	[tilespmem:$0x11540] =	vst v63  }
0x1d2: {  	_ =	swait.ge [sflag:s22], $0x1400  }
0x1d3: {  	[sflag:s22] =	ssyncset.done $0x0  }
0x1d4: {  	[sflag:s22] =	ssyncadd.s32 $0xFFFFEC00  }
0x1d5: {  	_ =	swait.ge [sflag:s22], $0x1400  }
0x1d6: {  	[sflag:s22] =	ssyncset.done $0x0  }
0x1d7: {  	[sflag:s22] =	ssyncadd.s32 $0xFFFFEC00  }
0x1d8: {  	_ =	swait.ge [sflag:s22], $0x1400  }
0x1d9: {  	[sflag:s22] =	ssyncset.done $0x0  }
0x1da: {  	s30 =	smov.u32 s25;
	s29 =	simm.s32 $0xFC0;
	[sflag:s22] =	ssyncadd.s32 $0xFFFFEC00  }
.LBB2_5:
0x1db: {  	s1 =	sshra.s32 s29, $0x2  }
0x1dc: {  	v16 =	vld [tilespmem:s1+$0xAD40]  }
0x1dd: {  	v17 =	vld [tilespmem:s1+$0xC140]  }
0x1de: {  	v18 =	vld [tilespmem:s1+$0xD540]  }
0x1df: {  	v19 =	vld [tilespmem:s1+$0xAD50]  }
0x1e0: {  	v20 =	vld [tilespmem:s1+$0xC150]  }
0x1e1: {  	v21 =	vld [tilespmem:s1+$0xD550]  }
0x1e2: {  	v22 =	vld [tilespmem:s1+$0xAD60]  }
0x1e3: {  	v23 =	vld [tilespmem:s1+$0xC160]  }
0x1e4: {  	v24 =	vld [tilespmem:s1+$0xD560]  }
0x1e5: {  	v46 =	vld [tilespmem:s1+$0xC170];
	v16 =	vmul.bf16 v17, v16  }
0x1e6: {  	v17 =	vld [tilespmem:s1+$0xAD70]  }
0x1e7: {  	v19 =	vmul.bf16 v20, v19;
	v16 =	vmul.bf16 v18, v16  }
0x1e8: {  	v48 =	vld [tilespmem:s1+$0xD570];
	v22 =	vmul.bf16 v23, v22  }
0x1e9: {  	v47 =	vmul.bf16 v21, v19;
	v49 =	vunpack.i.u.bf16.f32 v16;
	v16 =	vunpack.i.l.bf16.f32 v16  }
0x1ea: {  	v22 =	vmul.bf16 v24, v22;
	v16 =	vadd.f32 $0.0e+00, v16;
	v21 =	vadd.f32 $0.0e+00, v49  }
0x1eb: {  	v50 =	vunpack.i.u.bf16.f32 v47;
	v18 =	vunpack.i.l.bf16.f32 v47;
	v17 =	vmul.bf16 v46, v17  }
0x1ec: {  	v16 =	vadd.f32 v18, v16;
	v51 =	vadd.f32 v50, v21  }
0x1ed: {  	v52 =	vunpack.i.u.bf16.f32 v22;
	v53 =	vunpack.i.l.bf16.f32 v22;
	v17 =	vmul.bf16 v48, v17  }
0x1ee: {  	v16 =	vadd.f32 v53, v16;
	v18 =	vadd.f32 v52, v51  }
0x1ef: {  	v19 =	vunpack.i.u.bf16.f32 v17;
	v17 =	vunpack.i.l.bf16.f32 v17  }
0x1f0: {  	v16 =	vadd.f32 v17, v16;
	v17 =	vadd.f32 v19, v18;
	_ =	sdelay $0x1  }
0x1f1: {  	v16 =	vadd.f32 v16, v17;
	_ =	sdelay $0x1  }
0x1f2: {  	[tilespmem:$0xED30] =	vst v16  }
0x1f3: {  	v16 =	vld [tilespmem:s1+$0xAD80]  }
0x1f4: {  	v17 =	vld [tilespmem:s1+$0xC180]  }
0x1f5: {  	v54 =	vld [tilespmem:s1+$0xD580]  }
0x1f6: {  	v55 =	vld [tilespmem:s1+$0xAD90]  }
0x1f7: {  	v56 =	vld [tilespmem:s1+$0xC190]  }
0x1f8: {  	v57 =	vld [tilespmem:s1+$0xD590]  }
0x1f9: {  	v58 =	vld [tilespmem:s1+$0xADA0]  }
0x1fa: {  	v59 =	vld [tilespmem:s1+$0xC1A0]  }
0x1fb: {  	v60 =	vld [tilespmem:s1+$0xD5A0]  }
0x1fc: {  	v61 =	vld [tilespmem:s1+$0xC1B0];
	v16 =	vmul.bf16 v17, v16  }
0x1fd: {  	v17 =	vld [tilespmem:s1+$0xADB0]  }
0x1fe: {  	v19 =	vmul.bf16 v56, v55;
	v16 =	vmul.bf16 v54, v16  }
0x1ff: {  	v63 =	vld [tilespmem:s1+$0xD5B0];
	v22 =	vmul.bf16 v59, v58  }
0x200: {  	v62 =	vmul.bf16 v57, v19;
	v25 =	vunpack.i.u.bf16.f32 v16;
	v16 =	vunpack.i.l.bf16.f32 v16  }
0x201: {  	v22 =	vmul.bf16 v60, v22;
	v16 =	vadd.f32 $0.0e+00, v16;
	v21 =	vadd.f32 $0.0e+00, v25  }
0x202: {  	v26 =	vunpack.i.u.bf16.f32 v62;
	v18 =	vunpack.i.l.bf16.f32 v62;
	v17 =	vmul.bf16 v61, v17  }
0x203: {  	v16 =	vadd.f32 v18, v16;
	v27 =	vadd.f32 v26, v21  }
0x204: {  	v28 =	vunpack.i.u.bf16.f32 v22;
	v29 =	vunpack.i.l.bf16.f32 v22;
	v17 =	vmul.bf16 v63, v17  }
0x205: {  	v16 =	vadd.f32 v29, v16;
	v18 =	vadd.f32 v28, v27  }
0x206: {  	v19 =	vunpack.i.u.bf16.f32 v17;
	v17 =	vunpack.i.l.bf16.f32 v17  }
0x207: {  	v16 =	vadd.f32 v17, v16;
	v17 =	vadd.f32 v19, v18;
	_ =	sdelay $0x1  }
0x208: {  	v16 =	vadd.f32 v16, v17;
	_ =	sdelay $0x1  }
0x209: {  	[tilespmem:$0xED40] =	vst v16  }
0x20a: {  	v16 =	vld [tilespmem:s1+$0xADC0]  }
0x20b: {  	v17 =	vld [tilespmem:s1+$0xC1C0]  }
0x20c: {  	v30 =	vld [tilespmem:s1+$0xD5C0]  }
0x20d: {  	v31 =	vld [tilespmem:s1+$0xADD0]  }
0x20e: {  	v32 =	vld [tilespmem:s1+$0xC1D0]  }
0x20f: {  	v33 =	vld [tilespmem:s1+$0xD5D0]  }
0x210: {  	v34 =	vld [tilespmem:s1+$0xADE0]  }
0x211: {  	v35 =	vld [tilespmem:s1+$0xC1E0]  }
0x212: {  	v36 =	vld [tilespmem:s1+$0xD5E0]  }
0x213: {  	v37 =	vld [tilespmem:s1+$0xC1F0];
	v16 =	vmul.bf16 v17, v16  }
0x214: {  	v17 =	vld [tilespmem:s1+$0xADF0]  }
0x215: {  	v19 =	vmul.bf16 v32, v31;
	v16 =	vmul.bf16 v30, v16  }
0x216: {  	v39 =	vld [tilespmem:s1+$0xD5F0];
	v22 =	vmul.bf16 v35, v34  }
0x217: {  	v38 =	vmul.bf16 v33, v19;
	v40 =	vunpack.i.u.bf16.f32 v16;
	v16 =	vunpack.i.l.bf16.f32 v16  }
0x218: {  	v22 =	vmul.bf16 v36, v22;
	v16 =	vadd.f32 $0.0e+00, v16;
	v21 =	vadd.f32 $0.0e+00, v40  }
0x219: {  	v41 =	vunpack.i.u.bf16.f32 v38;
	v18 =	vunpack.i.l.bf16.f32 v38;
	v17 =	vmul.bf16 v37, v17  }
0x21a: {  	v16 =	vadd.f32 v18, v16;
	v42 =	vadd.f32 v41, v21  }
0x21b: {  	v43 =	vunpack.i.u.bf16.f32 v22;
	v44 =	vunpack.i.l.bf16.f32 v22;
	v17 =	vmul.bf16 v39, v17  }
0x21c: {  	v16 =	vadd.f32 v44, v16;
	v18 =	vadd.f32 v43, v42  }
0x21d: {  	v19 =	vunpack.i.u.bf16.f32 v17;
	v17 =	vunpack.i.l.bf16.f32 v17  }
0x21e: {  	v16 =	vadd.f32 v17, v16;
	v17 =	vadd.f32 v19, v18;
	_ =	sdelay $0x1  }
0x21f: {  	v16 =	vadd.f32 v16, v17;
	_ =	sdelay $0x1  }
0x220: {  	[tilespmem:$0xED50] =	vst v16  }
0x221: {  	v16 =	vld [tilespmem:s1+$0xAE00]  }
0x222: {  	v17 =	vld [tilespmem:s1+$0xC200]  }
0x223: {  	v45 =	vld [tilespmem:s1+$0xD600]  }
0x224: {  	v46 =	vld [tilespmem:s1+$0xAE10]  }
0x225: {  	v47 =	vld [tilespmem:s1+$0xC210]  }
0x226: {  	v48 =	vld [tilespmem:s1+$0xD610]  }
0x227: {  	v49 =	vld [tilespmem:s1+$0xAE20]  }
0x228: {  	v50 =	vld [tilespmem:s1+$0xC220]  }
0x229: {  	v51 =	vld [tilespmem:s1+$0xD620]  }
0x22a: {  	v52 =	vld [tilespmem:s1+$0xC230];
	v16 =	vmul.bf16 v17, v16  }
0x22b: {  	v17 =	vld [tilespmem:s1+$0xAE30]  }
0x22c: {  	v19 =	vmul.bf16 v47, v46;
	v16 =	vmul.bf16 v45, v16  }
0x22d: {  	v54 =	vld [tilespmem:s1+$0xD630];
	v22 =	vmul.bf16 v50, v49  }
0x22e: {  	v53 =	vmul.bf16 v48, v19;
	v55 =	vunpack.i.u.bf16.f32 v16;
	v16 =	vunpack.i.l.bf16.f32 v16  }
0x22f: {  	v22 =	vmul.bf16 v51, v22;
	v16 =	vadd.f32 $0.0e+00, v16;
	v21 =	vadd.f32 $0.0e+00, v55  }
0x230: {  	v56 =	vunpack.i.u.bf16.f32 v53;
	v18 =	vunpack.i.l.bf16.f32 v53;
	v17 =	vmul.bf16 v52, v17  }
0x231: {  	v16 =	vadd.f32 v18, v16;
	v57 =	vadd.f32 v56, v21  }
0x232: {  	v58 =	vunpack.i.u.bf16.f32 v22;
	v59 =	vunpack.i.l.bf16.f32 v22;
	v17 =	vmul.bf16 v54, v17  }
0x233: {  	v16 =	vadd.f32 v59, v16;
	v18 =	vadd.f32 v58, v57  }
0x234: {  	v19 =	vunpack.i.u.bf16.f32 v17;
	v17 =	vunpack.i.l.bf16.f32 v17  }
0x235: {  	v16 =	vadd.f32 v17, v16;
	v17 =	vadd.f32 v19, v18;
	_ =	sdelay $0x1  }
0x236: {  	v16 =	vadd.f32 v16, v17;
	_ =	sdelay $0x1  }
0x237: {  	[tilespmem:$0xED60] =	vst v16  }
0x238: {  	v16 =	vld [tilespmem:s1+$0xAE40]  }
0x239: {  	v17 =	vld [tilespmem:s1+$0xC240]  }
0x23a: {  	v60 =	vld [tilespmem:s1+$0xD640]  }
0x23b: {  	v61 =	vld [tilespmem:s1+$0xAE50]  }
0x23c: {  	v62 =	vld [tilespmem:s1+$0xC250]  }
0x23d: {  	v63 =	vld [tilespmem:s1+$0xD650]  }
0x23e: {  	v28 =	vld [tilespmem:s1+$0xAE60]  }
0x23f: {  	v29 =	vld [tilespmem:s1+$0xC260]  }
0x240: {  	v30 =	vld [tilespmem:s1+$0xD660]  }
0x241: {  	v31 =	vld [tilespmem:s1+$0xC270];
	v16 =	vmul.bf16 v17, v16  }
0x242: {  	v17 =	vld [tilespmem:s1+$0xAE70]  }
0x243: {  	v19 =	vmul.bf16 v62, v61;
	v16 =	vmul.bf16 v60, v16  }
0x244: {  	v33 =	vld [tilespmem:s1+$0xD670];
	v22 =	vmul.bf16 v29, v28  }
0x245: {  	v32 =	vmul.bf16 v63, v19;
	v34 =	vunpack.i.u.bf16.f32 v16;
	v16 =	vunpack.i.l.bf16.f32 v16  }
0x246: {  	v22 =	vmul.bf16 v30, v22;
	v16 =	vadd.f32 $0.0e+00, v16;
	v21 =	vadd.f32 $0.0e+00, v34  }
0x247: {  	v35 =	vunpack.i.u.bf16.f32 v32;
	v18 =	vunpack.i.l.bf16.f32 v32;
	v17 =	vmul.bf16 v31, v17  }
0x248: {  	v16 =	vadd.f32 v18, v16;
	v36 =	vadd.f32 v35, v21  }
0x249: {  	v37 =	vunpack.i.u.bf16.f32 v22;
	v38 =	vunpack.i.l.bf16.f32 v22;
	v17 =	vmul.bf16 v33, v17  }
0x24a: {  	v16 =	vadd.f32 v38, v16;
	v18 =	vadd.f32 v37, v36  }
0x24b: {  	v19 =	vunpack.i.u.bf16.f32 v17;
	v17 =	vunpack.i.l.bf16.f32 v17  }
0x24c: {  	v16 =	vadd.f32 v17, v16;
	v17 =	vadd.f32 v19, v18;
	_ =	sdelay $0x1  }
0x24d: {  	v16 =	vadd.f32 v16, v17;
	_ =	sdelay $0x1  }
0x24e: {  	[tilespmem:$0xED70] =	vst v16  }
0x24f: {  	v16 =	vld [tilespmem:s1+$0xAE80]  }
0x250: {  	v17 =	vld [tilespmem:s1+$0xC280]  }
0x251: {  	v39 =	vld [tilespmem:s1+$0xD680]  }
0x252: {  	v40 =	vld [tilespmem:s1+$0xAE90]  }
0x253: {  	v41 =	vld [tilespmem:s1+$0xC290]  }
0x254: {  	v42 =	vld [tilespmem:s1+$0xD690]  }
0x255: {  	v43 =	vld [tilespmem:s1+$0xAEA0]  }
0x256: {  	v44 =	vld [tilespmem:s1+$0xC2A0]  }
0x257: {  	v45 =	vld [tilespmem:s1+$0xD6A0]  }
0x258: {  	v46 =	vld [tilespmem:s1+$0xC2B0];
	v16 =	vmul.bf16 v17, v16  }
0x259: {  	v17 =	vld [tilespmem:s1+$0xAEB0]  }
0x25a: {  	v19 =	vmul.bf16 v41, v40;
	v16 =	vmul.bf16 v39, v16  }
0x25b: {  	v48 =	vld [tilespmem:s1+$0xD6B0];
	v22 =	vmul.bf16 v44, v43  }
0x25c: {  	v47 =	vmul.bf16 v42, v19;
	v49 =	vunpack.i.u.bf16.f32 v16;
	v16 =	vunpack.i.l.bf16.f32 v16  }
0x25d: {  	v22 =	vmul.bf16 v45, v22;
	v16 =	vadd.f32 $0.0e+00, v16;
	v21 =	vadd.f32 $0.0e+00, v49  }
0x25e: {  	v50 =	vunpack.i.u.bf16.f32 v47;
	v18 =	vunpack.i.l.bf16.f32 v47;
	v17 =	vmul.bf16 v46, v17  }
0x25f: {  	v16 =	vadd.f32 v18, v16;
	v51 =	vadd.f32 v50, v21  }
0x260: {  	v52 =	vunpack.i.u.bf16.f32 v22;
	v53 =	vunpack.i.l.bf16.f32 v22;
	v17 =	vmul.bf16 v48, v17  }
0x261: {  	v16 =	vadd.f32 v53, v16;
	v18 =	vadd.f32 v52, v51  }
0x262: {  	v19 =	vunpack.i.u.bf16.f32 v17;
	v17 =	vunpack.i.l.bf16.f32 v17  }
0x263: {  	v16 =	vadd.f32 v17, v16;
	v17 =	vadd.f32 v19, v18;
	_ =	sdelay $0x1  }
0x264: {  	v16 =	vadd.f32 v16, v17;
	_ =	sdelay $0x1  }
0x265: {  	[tilespmem:$0xED80] =	vst v16  }
0x266: {  	v16 =	vld [tilespmem:s1+$0xAEC0]  }
0x267: {  	v17 =	vld [tilespmem:s1+$0xC2C0]  }
0x268: {  	v54 =	vld [tilespmem:s1+$0xD6C0]  }
0x269: {  	v55 =	vld [tilespmem:s1+$0xAED0]  }
0x26a: {  	v56 =	vld [tilespmem:s1+$0xC2D0]  }
0x26b: {  	v57 =	vld [tilespmem:s1+$0xD6D0]  }
0x26c: {  	v58 =	vld [tilespmem:s1+$0xAEE0]  }
0x26d: {  	v59 =	vld [tilespmem:s1+$0xC2E0]  }
0x26e: {  	v60 =	vld [tilespmem:s1+$0xD6E0]  }
0x26f: {  	v61 =	vld [tilespmem:s1+$0xC2F0];
	v16 =	vmul.bf16 v17, v16  }
0x270: {  	v17 =	vld [tilespmem:s1+$0xAEF0]  }
0x271: {  	v19 =	vmul.bf16 v56, v55;
	v16 =	vmul.bf16 v54, v16  }
0x272: {  	v63 =	vld [tilespmem:s1+$0xD6F0];
	v22 =	vmul.bf16 v59, v58  }
0x273: {  	v62 =	vmul.bf16 v57, v19;
	v25 =	vunpack.i.u.bf16.f32 v16;
	v16 =	vunpack.i.l.bf16.f32 v16  }
0x274: {  	v22 =	vmul.bf16 v60, v22;
	v16 =	vadd.f32 $0.0e+00, v16;
	v21 =	vadd.f32 $0.0e+00, v25  }
0x275: {  	v26 =	vunpack.i.u.bf16.f32 v62;
	v18 =	vunpack.i.l.bf16.f32 v62;
	v17 =	vmul.bf16 v61, v17  }
0x276: {  	v16 =	vadd.f32 v18, v16;
	v27 =	vadd.f32 v26, v21  }
0x277: {  	v28 =	vunpack.i.u.bf16.f32 v22;
	v29 =	vunpack.i.l.bf16.f32 v22;
	v17 =	vmul.bf16 v63, v17  }
0x278: {  	v16 =	vadd.f32 v29, v16;
	v18 =	vadd.f32 v28, v27  }
0x279: {  	v19 =	vunpack.i.u.bf16.f32 v17;
	v17 =	vunpack.i.l.bf16.f32 v17  }
0x27a: {  	v16 =	vadd.f32 v17, v16;
	v17 =	vadd.f32 v19, v18;
	_ =	sdelay $0x1  }
0x27b: {  	v16 =	vadd.f32 v16, v17;
	_ =	sdelay $0x1  }
0x27c: {  	[tilespmem:$0xED90] =	vst v16  }
0x27d: {  	v16 =	vld [tilespmem:s1+$0xAF00]  }
0x27e: {  	v17 =	vld [tilespmem:s1+$0xC300]  }
0x27f: {  	v30 =	vld [tilespmem:s1+$0xD700]  }
0x280: {  	v31 =	vld [tilespmem:s1+$0xAF10]  }
0x281: {  	v32 =	vld [tilespmem:s1+$0xC310]  }
0x282: {  	v33 =	vld [tilespmem:s1+$0xD710]  }
0x283: {  	v34 =	vld [tilespmem:s1+$0xAF20]  }
0x284: {  	v35 =	vld [tilespmem:s1+$0xC320]  }
0x285: {  	v36 =	vld [tilespmem:s1+$0xD720]  }
0x286: {  	v37 =	vld [tilespmem:s1+$0xC330];
	v16 =	vmul.bf16 v17, v16  }
0x287: {  	v17 =	vld [tilespmem:s1+$0xAF30]  }
0x288: {  	v19 =	vmul.bf16 v32, v31;
	v16 =	vmul.bf16 v30, v16  }
0x289: {  	v39 =	vld [tilespmem:s1+$0xD730];
	v22 =	vmul.bf16 v35, v34  }
0x28a: {  	v38 =	vmul.bf16 v33, v19;
	v40 =	vunpack.i.u.bf16.f32 v16;
	v16 =	vunpack.i.l.bf16.f32 v16  }
0x28b: {  	v22 =	vmul.bf16 v36, v22;
	v16 =	vadd.f32 $0.0e+00, v16;
	v21 =	vadd.f32 $0.0e+00, v40  }
0x28c: {  	v41 =	vunpack.i.u.bf16.f32 v38;
	v18 =	vunpack.i.l.bf16.f32 v38;
	v17 =	vmul.bf16 v37, v17  }
0x28d: {  	v16 =	vadd.f32 v18, v16;
	v42 =	vadd.f32 v41, v21  }
0x28e: {  	v43 =	vunpack.i.u.bf16.f32 v22;
	v44 =	vunpack.i.l.bf16.f32 v22;
	v17 =	vmul.bf16 v39, v17  }
0x28f: {  	v16 =	vadd.f32 v44, v16;
	v18 =	vadd.f32 v43, v42  }
0x290: {  	v19 =	vunpack.i.u.bf16.f32 v17;
	v17 =	vunpack.i.l.bf16.f32 v17  }
0x291: {  	v16 =	vadd.f32 v17, v16;
	v17 =	vadd.f32 v19, v18;
	_ =	sdelay $0x1  }
0x292: {  	v16 =	vadd.f32 v16, v17;
	_ =	sdelay $0x1  }
0x293: {  	[tilespmem:$0xEDA0] =	vst v16  }
0x294: {  	v16 =	vld [tilespmem:s1+$0xAF40]  }
0x295: {  	v17 =	vld [tilespmem:s1+$0xC340]  }
0x296: {  	v45 =	vld [tilespmem:s1+$0xD740]  }
0x297: {  	v46 =	vld [tilespmem:s1+$0xAF50]  }
0x298: {  	v47 =	vld [tilespmem:s1+$0xC350]  }
0x299: {  	v48 =	vld [tilespmem:s1+$0xD750]  }
0x29a: {  	v49 =	vld [tilespmem:s1+$0xAF60]  }
0x29b: {  	v50 =	vld [tilespmem:s1+$0xC360]  }
0x29c: {  	v51 =	vld [tilespmem:s1+$0xD760]  }
0x29d: {  	v52 =	vld [tilespmem:s1+$0xC370];
	v16 =	vmul.bf16 v17, v16  }
0x29e: {  	v17 =	vld [tilespmem:s1+$0xAF70]  }
0x29f: {  	v19 =	vmul.bf16 v47, v46;
	v16 =	vmul.bf16 v45, v16  }
0x2a0: {  	v54 =	vld [tilespmem:s1+$0xD770];
	v22 =	vmul.bf16 v50, v49  }
0x2a1: {  	v53 =	vmul.bf16 v48, v19;
	v55 =	vunpack.i.u.bf16.f32 v16;
	v16 =	vunpack.i.l.bf16.f32 v16  }
0x2a2: {  	v22 =	vmul.bf16 v51, v22;
	v16 =	vadd.f32 $0.0e+00, v16;
	v21 =	vadd.f32 $0.0e+00, v55  }
0x2a3: {  	v56 =	vunpack.i.u.bf16.f32 v53;
	v18 =	vunpack.i.l.bf16.f32 v53;
	v17 =	vmul.bf16 v52, v17  }
0x2a4: {  	v16 =	vadd.f32 v18, v16;
	v57 =	vadd.f32 v56, v21  }
0x2a5: {  	v58 =	vunpack.i.u.bf16.f32 v22;
	v59 =	vunpack.i.l.bf16.f32 v22;
	v17 =	vmul.bf16 v54, v17  }
0x2a6: {  	v16 =	vadd.f32 v59, v16;
	v18 =	vadd.f32 v58, v57  }
0x2a7: {  	v19 =	vunpack.i.u.bf16.f32 v17;
	v17 =	vunpack.i.l.bf16.f32 v17  }
0x2a8: {  	v16 =	vadd.f32 v17, v16;
	v17 =	vadd.f32 v19, v18;
	_ =	sdelay $0x1  }
0x2a9: {  	v16 =	vadd.f32 v16, v17;
	_ =	sdelay $0x1  }
0x2aa: {  	[tilespmem:$0xEDB0] =	vst v16  }
0x2ab: {  	v16 =	vld [tilespmem:s1+$0xAF80]  }
0x2ac: {  	v17 =	vld [tilespmem:s1+$0xC380]  }
0x2ad: {  	v60 =	vld [tilespmem:s1+$0xD780]  }
0x2ae: {  	v61 =	vld [tilespmem:s1+$0xAF90]  }
0x2af: {  	v62 =	vld [tilespmem:s1+$0xC390]  }
0x2b0: {  	v63 =	vld [tilespmem:s1+$0xD790]  }
0x2b1: {  	v28 =	vld [tilespmem:s1+$0xAFA0]  }
0x2b2: {  	v29 =	vld [tilespmem:s1+$0xC3A0]  }
0x2b3: {  	v30 =	vld [tilespmem:s1+$0xD7A0]  }
0x2b4: {  	v31 =	vld [tilespmem:s1+$0xC3B0];
	v16 =	vmul.bf16 v17, v16  }
0x2b5: {  	v17 =	vld [tilespmem:s1+$0xAFB0]  }
0x2b6: {  	v19 =	vmul.bf16 v62, v61;
	v16 =	vmul.bf16 v60, v16  }
0x2b7: {  	v33 =	vld [tilespmem:s1+$0xD7B0];
	v22 =	vmul.bf16 v29, v28  }
0x2b8: {  	v32 =	vmul.bf16 v63, v19;
	v34 =	vunpack.i.u.bf16.f32 v16;
	v16 =	vunpack.i.l.bf16.f32 v16  }
0x2b9: {  	v22 =	vmul.bf16 v30, v22;
	v16 =	vadd.f32 $0.0e+00, v16;
	v21 =	vadd.f32 $0.0e+00, v34  }
0x2ba: {  	v35 =	vunpack.i.u.bf16.f32 v32;
	v18 =	vunpack.i.l.bf16.f32 v32;
	v17 =	vmul.bf16 v31, v17  }
0x2bb: {  	v16 =	vadd.f32 v18, v16;
	v36 =	vadd.f32 v35, v21  }
0x2bc: {  	v37 =	vunpack.i.u.bf16.f32 v22;
	v38 =	vunpack.i.l.bf16.f32 v22;
	v17 =	vmul.bf16 v33, v17  }
0x2bd: {  	v16 =	vadd.f32 v38, v16;
	v18 =	vadd.f32 v37, v36  }
0x2be: {  	v19 =	vunpack.i.u.bf16.f32 v17;
	v17 =	vunpack.i.l.bf16.f32 v17  }
0x2bf: {  	v16 =	vadd.f32 v17, v16;
	v17 =	vadd.f32 v19, v18;
	_ =	sdelay $0x1  }
0x2c0: {  	v16 =	vadd.f32 v16, v17;
	_ =	sdelay $0x1  }
0x2c1: {  	[tilespmem:$0xEDC0] =	vst v16  }
0x2c2: {  	v16 =	vld [tilespmem:s1+$0xAFC0]  }
0x2c3: {  	v17 =	vld [tilespmem:s1+$0xC3C0]  }
0x2c4: {  	v39 =	vld [tilespmem:s1+$0xD7C0]  }
0x2c5: {  	v40 =	vld [tilespmem:s1+$0xAFD0]  }
0x2c6: {  	v41 =	vld [tilespmem:s1+$0xC3D0]  }
0x2c7: {  	v42 =	vld [tilespmem:s1+$0xD7D0]  }
0x2c8: {  	v43 =	vld [tilespmem:s1+$0xAFE0]  }
0x2c9: {  	v44 =	vld [tilespmem:s1+$0xC3E0]  }
0x2ca: {  	v45 =	vld [tilespmem:s1+$0xD7E0]  }
0x2cb: {  	v46 =	vld [tilespmem:s1+$0xC3F0];
	v16 =	vmul.bf16 v17, v16  }
0x2cc: {  	v17 =	vld [tilespmem:s1+$0xAFF0]  }
0x2cd: {  	v19 =	vmul.bf16 v41, v40;
	v16 =	vmul.bf16 v39, v16  }
0x2ce: {  	v48 =	vld [tilespmem:s1+$0xD7F0];
	v22 =	vmul.bf16 v44, v43  }
0x2cf: {  	v47 =	vmul.bf16 v42, v19;
	v49 =	vunpack.i.u.bf16.f32 v16;
	v16 =	vunpack.i.l.bf16.f32 v16  }
0x2d0: {  	v22 =	vmul.bf16 v45, v22;
	v16 =	vadd.f32 $0.0e+00, v16;
	v21 =	vadd.f32 $0.0e+00, v49  }
0x2d1: {  	v50 =	vunpack.i.u.bf16.f32 v47;
	v18 =	vunpack.i.l.bf16.f32 v47;
	v17 =	vmul.bf16 v46, v17  }
0x2d2: {  	v16 =	vadd.f32 v18, v16;
	v51 =	vadd.f32 v50, v21  }
0x2d3: {  	v52 =	vunpack.i.u.bf16.f32 v22;
	v53 =	vunpack.i.l.bf16.f32 v22;
	v17 =	vmul.bf16 v48, v17  }
0x2d4: {  	v16 =	vadd.f32 v53, v16;
	v18 =	vadd.f32 v52, v51  }
0x2d5: {  	v19 =	vunpack.i.u.bf16.f32 v17;
	v17 =	vunpack.i.l.bf16.f32 v17  }
0x2d6: {  	v16 =	vadd.f32 v17, v16;
	v17 =	vadd.f32 v19, v18;
	_ =	sdelay $0x1  }
0x2d7: {  	v16 =	vadd.f32 v16, v17;
	_ =	sdelay $0x1  }
0x2d8: {  	[tilespmem:$0xEDD0] =	vst v16  }
0x2d9: {  	v16 =	vld [tilespmem:s1+$0xB000]  }
0x2da: {  	v17 =	vld [tilespmem:s1+$0xC400]  }
0x2db: {  	v54 =	vld [tilespmem:s1+$0xD800]  }
0x2dc: {  	v55 =	vld [tilespmem:s1+$0xB010]  }
0x2dd: {  	v56 =	vld [tilespmem:s1+$0xC410]  }
0x2de: {  	v57 =	vld [tilespmem:s1+$0xD810]  }
0x2df: {  	v58 =	vld [tilespmem:s1+$0xB020]  }
0x2e0: {  	v59 =	vld [tilespmem:s1+$0xC420]  }
0x2e1: {  	v60 =	vld [tilespmem:s1+$0xD820]  }
0x2e2: {  	v61 =	vld [tilespmem:s1+$0xC430];
	v16 =	vmul.bf16 v17, v16  }
0x2e3: {  	v17 =	vld [tilespmem:s1+$0xB030]  }
0x2e4: {  	v19 =	vmul.bf16 v56, v55;
	v16 =	vmul.bf16 v54, v16  }
0x2e5: {  	v63 =	vld [tilespmem:s1+$0xD830];
	v22 =	vmul.bf16 v59, v58  }
0x2e6: {  	v62 =	vmul.bf16 v57, v19;
	v25 =	vunpack.i.u.bf16.f32 v16;
	v16 =	vunpack.i.l.bf16.f32 v16  }
0x2e7: {  	v22 =	vmul.bf16 v60, v22;
	v16 =	vadd.f32 $0.0e+00, v16;
	v21 =	vadd.f32 $0.0e+00, v25  }
0x2e8: {  	v26 =	vunpack.i.u.bf16.f32 v62;
	v18 =	vunpack.i.l.bf16.f32 v62;
	v17 =	vmul.bf16 v61, v17  }
0x2e9: {  	v16 =	vadd.f32 v18, v16;
	v27 =	vadd.f32 v26, v21  }
0x2ea: {  	v28 =	vunpack.i.u.bf16.f32 v22;
	v29 =	vunpack.i.l.bf16.f32 v22;
	v17 =	vmul.bf16 v63, v17  }
0x2eb: {  	v16 =	vadd.f32 v29, v16;
	v18 =	vadd.f32 v28, v27  }
0x2ec: {  	v19 =	vunpack.i.u.bf16.f32 v17;
	v17 =	vunpack.i.l.bf16.f32 v17  }
0x2ed: {  	v16 =	vadd.f32 v17, v16;
	v17 =	vadd.f32 v19, v18;
	_ =	sdelay $0x1  }
0x2ee: {  	v16 =	vadd.f32 v16, v17;
	_ =	sdelay $0x1  }
0x2ef: {  	[tilespmem:$0xEDE0] =	vst v16  }
0x2f0: {  	v16 =	vld [tilespmem:s1+$0xB040]  }
0x2f1: {  	v17 =	vld [tilespmem:s1+$0xC440]  }
0x2f2: {  	v30 =	vld [tilespmem:s1+$0xD840]  }
0x2f3: {  	v31 =	vld [tilespmem:s1+$0xB050]  }
0x2f4: {  	v32 =	vld [tilespmem:s1+$0xC450]  }
0x2f5: {  	v33 =	vld [tilespmem:s1+$0xD850]  }
0x2f6: {  	v34 =	vld [tilespmem:s1+$0xB060]  }
0x2f7: {  	v35 =	vld [tilespmem:s1+$0xC460]  }
0x2f8: {  	v36 =	vld [tilespmem:s1+$0xD860]  }
0x2f9: {  	v37 =	vld [tilespmem:s1+$0xC470];
	v16 =	vmul.bf16 v17, v16  }
0x2fa: {  	v17 =	vld [tilespmem:s1+$0xB070]  }
0x2fb: {  	v19 =	vmul.bf16 v32, v31;
	v16 =	vmul.bf16 v30, v16  }
0x2fc: {  	v39 =	vld [tilespmem:s1+$0xD870];
	v22 =	vmul.bf16 v35, v34  }
0x2fd: {  	v38 =	vmul.bf16 v33, v19;
	v40 =	vunpack.i.u.bf16.f32 v16;
	v16 =	vunpack.i.l.bf16.f32 v16  }
0x2fe: {  	v22 =	vmul.bf16 v36, v22;
	v16 =	vadd.f32 $0.0e+00, v16;
	v21 =	vadd.f32 $0.0e+00, v40  }
0x2ff: {  	v41 =	vunpack.i.u.bf16.f32 v38;
	v18 =	vunpack.i.l.bf16.f32 v38;
	v17 =	vmul.bf16 v37, v17  }
0x300: {  	v16 =	vadd.f32 v18, v16;
	v42 =	vadd.f32 v41, v21  }
0x301: {  	v43 =	vunpack.i.u.bf16.f32 v22;
	v44 =	vunpack.i.l.bf16.f32 v22;
	v17 =	vmul.bf16 v39, v17  }
0x302: {  	v16 =	vadd.f32 v44, v16;
	v18 =	vadd.f32 v43, v42  }
0x303: {  	v19 =	vunpack.i.u.bf16.f32 v17;
	v17 =	vunpack.i.l.bf16.f32 v17  }
0x304: {  	v16 =	vadd.f32 v17, v16;
	v17 =	vadd.f32 v19, v18;
	_ =	sdelay $0x1  }
0x305: {  	v16 =	vadd.f32 v16, v17;
	_ =	sdelay $0x1  }
0x306: {  	[tilespmem:$0xEDF0] =	vst v16  }
0x307: {  	v16 =	vld [tilespmem:s1+$0xB080]  }
0x308: {  	v17 =	vld [tilespmem:s1+$0xC480]  }
0x309: {  	v45 =	vld [tilespmem:s1+$0xD880]  }
0x30a: {  	v46 =	vld [tilespmem:s1+$0xB090]  }
0x30b: {  	v47 =	vld [tilespmem:s1+$0xC490]  }
0x30c: {  	v48 =	vld [tilespmem:s1+$0xD890]  }
0x30d: {  	v49 =	vld [tilespmem:s1+$0xB0A0]  }
0x30e: {  	v50 =	vld [tilespmem:s1+$0xC4A0]  }
0x30f: {  	v51 =	vld [tilespmem:s1+$0xD8A0]  }
0x310: {  	v52 =	vld [tilespmem:s1+$0xC4B0];
	v16 =	vmul.bf16 v17, v16  }
0x311: {  	v17 =	vld [tilespmem:s1+$0xB0B0]  }
0x312: {  	v19 =	vmul.bf16 v47, v46;
	v16 =	vmul.bf16 v45, v16  }
0x313: {  	v54 =	vld [tilespmem:s1+$0xD8B0];
	v22 =	vmul.bf16 v50, v49  }
0x314: {  	v53 =	vmul.bf16 v48, v19;
	v55 =	vunpack.i.u.bf16.f32 v16;
	v16 =	vunpack.i.l.bf16.f32 v16  }
0x315: {  	v22 =	vmul.bf16 v51, v22;
	v16 =	vadd.f32 $0.0e+00, v16;
	v21 =	vadd.f32 $0.0e+00, v55  }
0x316: {  	v56 =	vunpack.i.u.bf16.f32 v53;
	v18 =	vunpack.i.l.bf16.f32 v53;
	v17 =	vmul.bf16 v52, v17  }
0x317: {  	v16 =	vadd.f32 v18, v16;
	v57 =	vadd.f32 v56, v21  }
0x318: {  	v58 =	vunpack.i.u.bf16.f32 v22;
	v59 =	vunpack.i.l.bf16.f32 v22;
	v17 =	vmul.bf16 v54, v17  }
0x319: {  	v16 =	vadd.f32 v59, v16;
	v18 =	vadd.f32 v58, v57  }
0x31a: {  	v19 =	vunpack.i.u.bf16.f32 v17;
	v17 =	vunpack.i.l.bf16.f32 v17  }
0x31b: {  	v16 =	vadd.f32 v17, v16;
	v17 =	vadd.f32 v19, v18;
	_ =	sdelay $0x1  }
0x31c: {  	v16 =	vadd.f32 v16, v17;
	_ =	sdelay $0x1  }
0x31d: {  	[tilespmem:$0xEE00] =	vst v16  }
0x31e: {  	v16 =	vld [tilespmem:s1+$0xB0C0]  }
0x31f: {  	v17 =	vld [tilespmem:s1+$0xC4C0]  }
0x320: {  	v60 =	vld [tilespmem:s1+$0xD8C0]  }
0x321: {  	v61 =	vld [tilespmem:s1+$0xB0D0]  }
0x322: {  	v62 =	vld [tilespmem:s1+$0xC4D0]  }
0x323: {  	v63 =	vld [tilespmem:s1+$0xD8D0]  }
0x324: {  	v28 =	vld [tilespmem:s1+$0xB0E0]  }
0x325: {  	v29 =	vld [tilespmem:s1+$0xC4E0]  }
0x326: {  	v30 =	vld [tilespmem:s1+$0xD8E0]  }
0x327: {  	v31 =	vld [tilespmem:s1+$0xC4F0];
	v16 =	vmul.bf16 v17, v16  }
0x328: {  	v17 =	vld [tilespmem:s1+$0xB0F0]  }
0x329: {  	v19 =	vmul.bf16 v62, v61;
	v16 =	vmul.bf16 v60, v16  }
0x32a: {  	v33 =	vld [tilespmem:s1+$0xD8F0];
	v22 =	vmul.bf16 v29, v28  }
0x32b: {  	v32 =	vmul.bf16 v63, v19;
	v34 =	vunpack.i.u.bf16.f32 v16;
	v16 =	vunpack.i.l.bf16.f32 v16  }
0x32c: {  	v22 =	vmul.bf16 v30, v22;
	v16 =	vadd.f32 $0.0e+00, v16;
	v21 =	vadd.f32 $0.0e+00, v34  }
0x32d: {  	v35 =	vunpack.i.u.bf16.f32 v32;
	v18 =	vunpack.i.l.bf16.f32 v32;
	v17 =	vmul.bf16 v31, v17  }
0x32e: {  	v16 =	vadd.f32 v18, v16;
	v36 =	vadd.f32 v35, v21  }
0x32f: {  	v37 =	vunpack.i.u.bf16.f32 v22;
	v38 =	vunpack.i.l.bf16.f32 v22;
	v17 =	vmul.bf16 v33, v17  }
0x330: {  	v16 =	vadd.f32 v38, v16;
	v18 =	vadd.f32 v37, v36  }
0x331: {  	v19 =	vunpack.i.u.bf16.f32 v17;
	v17 =	vunpack.i.l.bf16.f32 v17  }
0x332: {  	v16 =	vadd.f32 v17, v16;
	v17 =	vadd.f32 v19, v18;
	_ =	sdelay $0x1  }
0x333: {  	v16 =	vadd.f32 v16, v17;
	_ =	sdelay $0x1  }
0x334: {  	[tilespmem:$0xEE10] =	vst v16  }
0x335: {  	v16 =	vld [tilespmem:s1+$0xB100]  }
0x336: {  	v17 =	vld [tilespmem:s1+$0xC500]  }
0x337: {  	v39 =	vld [tilespmem:s1+$0xD900]  }
0x338: {  	v40 =	vld [tilespmem:s1+$0xB110]  }
0x339: {  	v41 =	vld [tilespmem:s1+$0xC510]  }
0x33a: {  	v42 =	vld [tilespmem:s1+$0xD910]  }
0x33b: {  	v43 =	vld [tilespmem:s1+$0xB120]  }
0x33c: {  	v44 =	vld [tilespmem:s1+$0xC520]  }
0x33d: {  	v45 =	vld [tilespmem:s1+$0xD920]  }
0x33e: {  	v25 =	vld [tilespmem:s1+$0xC530];
	v16 =	vmul.bf16 v17, v16  }
0x33f: {  	v17 =	vld [tilespmem:s1+$0xB130]  }
0x340: {  	v46 =	vmul.bf16 v41, v40;
	v16 =	vmul.bf16 v39, v16  }
0x341: {  	v48 =	vld [tilespmem:s1+$0xD930];
	v47 =	vmul.bf16 v44, v43  }
0x342: {  	v18 =	vmul.bf16 v42, v46;
	v49 =	vunpack.i.u.bf16.f32 v16;
	v16 =	vunpack.i.l.bf16.f32 v16  }
0x343: {  	v19 =	vmul.bf16 v45, v47;
	v16 =	vadd.f32 $0.0e+00, v16;
	v21 =	vadd.f32 $0.0e+00, v49  }
0x344: {  	v50 =	vunpack.i.u.bf16.f32 v18;
	v18 =	vunpack.i.l.bf16.f32 v18;
	v17 =	vmul.bf16 v25, v17  }
0x345: {  	v16 =	vadd.f32 v18, v16;
	v51 =	vadd.f32 v50, v21  }
0x346: {  	v52 =	vunpack.i.u.bf16.f32 v19;
	v19 =	vunpack.i.l.bf16.f32 v19;
	v17 =	vmul.bf16 v48, v17  }
0x347: {  	v16 =	vadd.f32 v19, v16;
	v18 =	vadd.f32 v52, v51  }
0x348: {  	v53 =	vunpack.i.u.bf16.f32 v17;
	v17 =	vunpack.i.l.bf16.f32 v17  }
0x349: {  	v16 =	vadd.f32 v17, v16;
	v17 =	vadd.f32 v53, v18;
	_ =	sdelay $0x1  }
0x34a: {  	v16 =	vadd.f32 v16, v17;
	_ =	sdelay $0x1  }
0x34b: {  	[tilespmem:$0xEE20] =	vst v16  }
0x34c: {  	v16 =	vld.idx.msk [tilespmem:v0+s21+$0x0], $0xffff;
	_ =	sdelay $0x1  }
0x34d: {  	v17 =	vld.idx.msk [tilespmem:v1+s21+$0x0], $0xffff;
	_ =	sdelay $0x1  }
0x34e: {  	v54 =	vld.idx.msk [tilespmem:v2+s21+$0x0], $0xffff  }
0x34f: {  	v16 =	vadd.f32 $0.0e+00, v16  }
0x350: {  	v55 =	vld.idx.msk [tilespmem:v3+s21+$0x0], $0xffff  }
0x351: {  	v16 =	vadd.f32 v17, v16  }
0x352: {  	v17 =	vld.idx.msk [tilespmem:v4+s21+$0x0], $0xffff  }
0x353: {  	v16 =	vadd.f32 v54, v16  }
0x354: {  	v56 =	vld.idx.msk [tilespmem:v5+s21+$0x0], $0xffff  }
0x355: {  	v16 =	vadd.f32 v55, v16  }
0x356: {  	v57 =	vld.idx.msk [tilespmem:v6+s21+$0x0], $0xffff  }
0x357: {  	v16 =	vadd.f32 v17, v16  }
0x358: {  	v17 =	vld.idx.msk [tilespmem:v7+s21+$0x0], $0xffff  }
0x359: {  	v16 =	vadd.f32 v56, v16  }
0x35a: {  	v58 =	vld.idx.msk [tilespmem:v8+s21+$0x0], $0xffff  }
0x35b: {  	v16 =	vadd.f32 v57, v16  }
0x35c: {  	v59 =	vld.idx.msk [tilespmem:v9+s21+$0x0], $0xffff  }
0x35d: {  	v16 =	vadd.f32 v17, v16  }
0x35e: {  	v17 =	vld.idx.msk [tilespmem:v10+s21+$0x0], $0xffff  }
0x35f: {  	v16 =	vadd.f32 v58, v16  }
0x360: {  	v60 =	vld.idx.msk [tilespmem:v11+s21+$0x0], $0xffff  }
0x361: {  	v16 =	vadd.f32 v59, v16  }
0x362: {  	v61 =	vld.idx.msk [tilespmem:v12+s21+$0x0], $0xffff  }
0x363: {  	v16 =	vadd.f32 v17, v16  }
0x364: {  	v17 =	vld.idx.msk [tilespmem:v13+s21+$0x0], $0xffff  }
0x365: {  	v16 =	vadd.f32 v60, v16  }
0x366: {  	v62 =	vld.idx.msk [tilespmem:v14+s21+$0x0], $0xffff  }
0x367: {  	v16 =	vadd.f32 v61, v16  }
0x368: {  	v63 =	vld.idx.msk [tilespmem:v15+s21+$0x0], $0xffff  }
0x369: {  	v16 =	vadd.f32 v17, v16;
	_ =	sdelay $0x1  }
0x36a: {  	v16 =	vadd.f32 v62, v16;
	_ =	sdelay $0x1  }
0x36b: {  	v16 =	vadd.f32 v63, v16;
	_ =	sdelay $0x1  }
0x36c: {  	v16 =	vsub.f32 $0.0e+00, v16;
	_ =	sdelay $0x1  }
0x36d: {  	v16 =	vmul.f32 $1.442695020e+00, v16;
	_ =	sdelay $0x1  }
0x36e: {  	(erf) = vpow2.f32 v16;
	_ =	sdelay $0x8  }
0x36f: {  	v16 =	vpop (erf)  }
0x370: {  	v16 =	vadd.f32 $1.000000000e+00, v16;
	_ =	sdelay $0x1  }
0x371: {  	(erf) = vrcp.f32 v16;
	_ =	sdelay $0x4  }
0x372: {  	p0 =	sne.s32 s29, $0x4FC0  }
.Ltmp1:
0x373: {  	_ = 	snop;
	(pc) =	sbr.rel @p0 .LBB2_5-.Ltmp1, $3  }
0x374: {  	_ =	sdelay $0x1  }
0x375: {  	v16 =	vpop (erf)  }
0x376: {  	s29 =	sadd.s32 $0x1000, s29;
	[tilespmem:s30+$0x0] =	vst v16;
	s30 =	sadd.s32 $0x10, s30  }
0x377: {  	s28 =	sadd.s32 $0x1, s28  }
0x378: {  	p0 =	sne.s32 s28, $0x3E  }
.Ltmp2:
0x379: {  	_ = 	snop;
	(pc) =	sbr.rel @p0 .LBB2_2-.Ltmp2, $2  }
0x37a: {  	_ =	sdelay $0x2  }
0x37b: {  	s26 =	sadd.s32 $0xA0, s26;
	s25 =	sadd.s32 $0xA0, s25  }
0x37c: {  	_ =	swait.ge [sflag:s20], $0x1400  }
0x37d: {  	[sflag:s20] =	ssyncset.done $0x0  }
0x37e: {  	[sflag:s20] =	ssyncadd.s32 $0xFFFFEC00  }
0x37f: {  	_ =	swait.ge [sflag:s20], $0x1400  }
0x380: {  	[sflag:s20] =	ssyncset.done $0x0  }
0x381: {  	[sflag:s20] =	ssyncadd.s32 $0xFFFFEC00  }
0x382: {  	_ =	swait.ge [sflag:s20], $0x1400  }
0x383: {  	[sflag:s20] =	ssyncset.done $0x0  }
0x384: {  	s25 =	simm.s32 $0xFC0;
	s26 =	simm.s32 $0x114F0;
	[sflag:s20] =	ssyncadd.s32 $0xFFFFEC00  }
.LBB2_8:
0x385: {  	s1 =	sshra.s32 s25, $0x2  }
0x386: {  	v16 =	vld [tilespmem:s1+$0x7140]  }
0x387: {  	v17 =	vld [tilespmem:s1+$0x8540]  }
0x388: {  	v18 =	vld [tilespmem:s1+$0x9940]  }
0x389: {  	v19 =	vld [tilespmem:s1+$0x7150]  }
0x38a: {  	v20 =	vld [tilespmem:s1+$0x8550]  }
0x38b: {  	v21 =	vld [tilespmem:s1+$0x9950]  }
0x38c: {  	v22 =	vld [tilespmem:s1+$0x7160]  }
0x38d: {  	v23 =	vld [tilespmem:s1+$0x8560]  }
0x38e: {  	v24 =	vld [tilespmem:s1+$0x9960]  }
0x38f: {  	v46 =	vld [tilespmem:s1+$0x8570];
	v16 =	vmul.bf16 v17, v16  }
0x390: {  	v17 =	vld [tilespmem:s1+$0x7170]  }
0x391: {  	v19 =	vmul.bf16 v20, v19;
	v16 =	vmul.bf16 v18, v16  }
0x392: {  	v48 =	vld [tilespmem:s1+$0x9970];
	v22 =	vmul.bf16 v23, v22  }
0x393: {  	v47 =	vmul.bf16 v21, v19;
	v49 =	vunpack.i.u.bf16.f32 v16;
	v16 =	vunpack.i.l.bf16.f32 v16  }
0x394: {  	v22 =	vmul.bf16 v24, v22;
	v16 =	vadd.f32 $0.0e+00, v16;
	v21 =	vadd.f32 $0.0e+00, v49  }
0x395: {  	v50 =	vunpack.i.u.bf16.f32 v47;
	v18 =	vunpack.i.l.bf16.f32 v47;
	v17 =	vmul.bf16 v46, v17  }
0x396: {  	v16 =	vadd.f32 v18, v16;
	v51 =	vadd.f32 v50, v21  }
0x397: {  	v52 =	vunpack.i.u.bf16.f32 v22;
	v53 =	vunpack.i.l.bf16.f32 v22;
	v17 =	vmul.bf16 v48, v17  }
0x398: {  	v16 =	vadd.f32 v53, v16;
	v18 =	vadd.f32 v52, v51  }
0x399: {  	v19 =	vunpack.i.u.bf16.f32 v17;
	v17 =	vunpack.i.l.bf16.f32 v17  }
0x39a: {  	v16 =	vadd.f32 v17, v16;
	v17 =	vadd.f32 v19, v18;
	_ =	sdelay $0x1  }
0x39b: {  	v16 =	vadd.f32 v16, v17;
	_ =	sdelay $0x1  }
0x39c: {  	[tilespmem:$0xED30] =	vst v16  }
0x39d: {  	v16 =	vld [tilespmem:s1+$0x7180]  }
0x39e: {  	v17 =	vld [tilespmem:s1+$0x8580]  }
0x39f: {  	v54 =	vld [tilespmem:s1+$0x9980]  }
0x3a0: {  	v55 =	vld [tilespmem:s1+$0x7190]  }
0x3a1: {  	v56 =	vld [tilespmem:s1+$0x8590]  }
0x3a2: {  	v57 =	vld [tilespmem:s1+$0x9990]  }
0x3a3: {  	v58 =	vld [tilespmem:s1+$0x71A0]  }
0x3a4: {  	v59 =	vld [tilespmem:s1+$0x85A0]  }
0x3a5: {  	v60 =	vld [tilespmem:s1+$0x99A0]  }
0x3a6: {  	v61 =	vld [tilespmem:s1+$0x85B0];
	v16 =	vmul.bf16 v17, v16  }
0x3a7: {  	v17 =	vld [tilespmem:s1+$0x71B0]  }
0x3a8: {  	v19 =	vmul.bf16 v56, v55;
	v16 =	vmul.bf16 v54, v16  }
0x3a9: {  	v63 =	vld [tilespmem:s1+$0x99B0];
	v22 =	vmul.bf16 v59, v58  }
0x3aa: {  	v62 =	vmul.bf16 v57, v19;
	v25 =	vunpack.i.u.bf16.f32 v16;
	v16 =	vunpack.i.l.bf16.f32 v16  }
0x3ab: {  	v22 =	vmul.bf16 v60, v22;
	v16 =	vadd.f32 $0.0e+00, v16;
	v21 =	vadd.f32 $0.0e+00, v25  }
0x3ac: {  	v26 =	vunpack.i.u.bf16.f32 v62;
	v18 =	vunpack.i.l.bf16.f32 v62;
	v17 =	vmul.bf16 v61, v17  }
0x3ad: {  	v16 =	vadd.f32 v18, v16;
	v27 =	vadd.f32 v26, v21  }
0x3ae: {  	v28 =	vunpack.i.u.bf16.f32 v22;
	v29 =	vunpack.i.l.bf16.f32 v22;
	v17 =	vmul.bf16 v63, v17  }
0x3af: {  	v16 =	vadd.f32 v29, v16;
	v18 =	vadd.f32 v28, v27  }
0x3b0: {  	v19 =	vunpack.i.u.bf16.f32 v17;
	v17 =	vunpack.i.l.bf16.f32 v17  }
0x3b1: {  	v16 =	vadd.f32 v17, v16;
	v17 =	vadd.f32 v19, v18;
	_ =	sdelay $0x1  }
0x3b2: {  	v16 =	vadd.f32 v16, v17;
	_ =	sdelay $0x1  }
0x3b3: {  	[tilespmem:$0xED40] =	vst v16  }
0x3b4: {  	v16 =	vld [tilespmem:s1+$0x71C0]  }
0x3b5: {  	v17 =	vld [tilespmem:s1+$0x85C0]  }
0x3b6: {  	v30 =	vld [tilespmem:s1+$0x99C0]  }
0x3b7: {  	v31 =	vld [tilespmem:s1+$0x71D0]  }
0x3b8: {  	v32 =	vld [tilespmem:s1+$0x85D0]  }
0x3b9: {  	v33 =	vld [tilespmem:s1+$0x99D0]  }
0x3ba: {  	v34 =	vld [tilespmem:s1+$0x71E0]  }
0x3bb: {  	v35 =	vld [tilespmem:s1+$0x85E0]  }
0x3bc: {  	v36 =	vld [tilespmem:s1+$0x99E0]  }
0x3bd: {  	v37 =	vld [tilespmem:s1+$0x85F0];
	v16 =	vmul.bf16 v17, v16  }
0x3be: {  	v17 =	vld [tilespmem:s1+$0x71F0]  }
0x3bf: {  	v19 =	vmul.bf16 v32, v31;
	v16 =	vmul.bf16 v30, v16  }
0x3c0: {  	v39 =	vld [tilespmem:s1+$0x99F0];
	v22 =	vmul.bf16 v35, v34  }
0x3c1: {  	v38 =	vmul.bf16 v33, v19;
	v40 =	vunpack.i.u.bf16.f32 v16;
	v16 =	vunpack.i.l.bf16.f32 v16  }
0x3c2: {  	v22 =	vmul.bf16 v36, v22;
	v16 =	vadd.f32 $0.0e+00, v16;
	v21 =	vadd.f32 $0.0e+00, v40  }
0x3c3: {  	v41 =	vunpack.i.u.bf16.f32 v38;
	v18 =	vunpack.i.l.bf16.f32 v38;
	v17 =	vmul.bf16 v37, v17  }
0x3c4: {  	v16 =	vadd.f32 v18, v16;
	v42 =	vadd.f32 v41, v21  }
0x3c5: {  	v43 =	vunpack.i.u.bf16.f32 v22;
	v44 =	vunpack.i.l.bf16.f32 v22;
	v17 =	vmul.bf16 v39, v17  }
0x3c6: {  	v16 =	vadd.f32 v44, v16;
	v18 =	vadd.f32 v43, v42  }
0x3c7: {  	v19 =	vunpack.i.u.bf16.f32 v17;
	v17 =	vunpack.i.l.bf16.f32 v17  }
0x3c8: {  	v16 =	vadd.f32 v17, v16;
	v17 =	vadd.f32 v19, v18;
	_ =	sdelay $0x1  }
0x3c9: {  	v16 =	vadd.f32 v16, v17;
	_ =	sdelay $0x1  }
0x3ca: {  	[tilespmem:$0xED50] =	vst v16  }
0x3cb: {  	v16 =	vld [tilespmem:s1+$0x7200]  }
0x3cc: {  	v17 =	vld [tilespmem:s1+$0x8600]  }
0x3cd: {  	v45 =	vld [tilespmem:s1+$0x9A00]  }
0x3ce: {  	v46 =	vld [tilespmem:s1+$0x7210]  }
0x3cf: {  	v47 =	vld [tilespmem:s1+$0x8610]  }
0x3d0: {  	v48 =	vld [tilespmem:s1+$0x9A10]  }
0x3d1: {  	v49 =	vld [tilespmem:s1+$0x7220]  }
0x3d2: {  	v50 =	vld [tilespmem:s1+$0x8620]  }
0x3d3: {  	v51 =	vld [tilespmem:s1+$0x9A20]  }
0x3d4: {  	v52 =	vld [tilespmem:s1+$0x8630];
	v16 =	vmul.bf16 v17, v16  }
0x3d5: {  	v17 =	vld [tilespmem:s1+$0x7230]  }
0x3d6: {  	v19 =	vmul.bf16 v47, v46;
	v16 =	vmul.bf16 v45, v16  }
0x3d7: {  	v54 =	vld [tilespmem:s1+$0x9A30];
	v22 =	vmul.bf16 v50, v49  }
0x3d8: {  	v53 =	vmul.bf16 v48, v19;
	v55 =	vunpack.i.u.bf16.f32 v16;
	v16 =	vunpack.i.l.bf16.f32 v16  }
0x3d9: {  	v22 =	vmul.bf16 v51, v22;
	v16 =	vadd.f32 $0.0e+00, v16;
	v21 =	vadd.f32 $0.0e+00, v55  }
0x3da: {  	v56 =	vunpack.i.u.bf16.f32 v53;
	v18 =	vunpack.i.l.bf16.f32 v53;
	v17 =	vmul.bf16 v52, v17  }
0x3db: {  	v16 =	vadd.f32 v18, v16;
	v57 =	vadd.f32 v56, v21  }
0x3dc: {  	v58 =	vunpack.i.u.bf16.f32 v22;
	v59 =	vunpack.i.l.bf16.f32 v22;
	v17 =	vmul.bf16 v54, v17  }
0x3dd: {  	v16 =	vadd.f32 v59, v16;
	v18 =	vadd.f32 v58, v57  }
0x3de: {  	v19 =	vunpack.i.u.bf16.f32 v17;
	v17 =	vunpack.i.l.bf16.f32 v17  }
0x3df: {  	v16 =	vadd.f32 v17, v16;
	v17 =	vadd.f32 v19, v18;
	_ =	sdelay $0x1  }
0x3e0: {  	v16 =	vadd.f32 v16, v17;
	_ =	sdelay $0x1  }
0x3e1: {  	[tilespmem:$0xED60] =	vst v16  }
0x3e2: {  	v16 =	vld [tilespmem:s1+$0x7240]  }
0x3e3: {  	v17 =	vld [tilespmem:s1+$0x8640]  }
0x3e4: {  	v60 =	vld [tilespmem:s1+$0x9A40]  }
0x3e5: {  	v61 =	vld [tilespmem:s1+$0x7250]  }
0x3e6: {  	v62 =	vld [tilespmem:s1+$0x8650]  }
0x3e7: {  	v63 =	vld [tilespmem:s1+$0x9A50]  }
0x3e8: {  	v28 =	vld [tilespmem:s1+$0x7260]  }
0x3e9: {  	v29 =	vld [tilespmem:s1+$0x8660]  }
0x3ea: {  	v30 =	vld [tilespmem:s1+$0x9A60]  }
0x3eb: {  	v31 =	vld [tilespmem:s1+$0x8670];
	v16 =	vmul.bf16 v17, v16  }
0x3ec: {  	v17 =	vld [tilespmem:s1+$0x7270]  }
0x3ed: {  	v19 =	vmul.bf16 v62, v61;
	v16 =	vmul.bf16 v60, v16  }
0x3ee: {  	v33 =	vld [tilespmem:s1+$0x9A70];
	v22 =	vmul.bf16 v29, v28  }
0x3ef: {  	v32 =	vmul.bf16 v63, v19;
	v34 =	vunpack.i.u.bf16.f32 v16;
	v16 =	vunpack.i.l.bf16.f32 v16  }
0x3f0: {  	v22 =	vmul.bf16 v30, v22;
	v16 =	vadd.f32 $0.0e+00, v16;
	v21 =	vadd.f32 $0.0e+00, v34  }
0x3f1: {  	v35 =	vunpack.i.u.bf16.f32 v32;
	v18 =	vunpack.i.l.bf16.f32 v32;
	v17 =	vmul.bf16 v31, v17  }
0x3f2: {  	v16 =	vadd.f32 v18, v16;
	v36 =	vadd.f32 v35, v21  }
0x3f3: {  	v37 =	vunpack.i.u.bf16.f32 v22;
	v38 =	vunpack.i.l.bf16.f32 v22;
	v17 =	vmul.bf16 v33, v17  }
0x3f4: {  	v16 =	vadd.f32 v38, v16;
	v18 =	vadd.f32 v37, v36  }
0x3f5: {  	v19 =	vunpack.i.u.bf16.f32 v17;
	v17 =	vunpack.i.l.bf16.f32 v17  }
0x3f6: {  	v16 =	vadd.f32 v17, v16;
	v17 =	vadd.f32 v19, v18;
	_ =	sdelay $0x1  }
0x3f7: {  	v16 =	vadd.f32 v16, v17;
	_ =	sdelay $0x1  }
0x3f8: {  	[tilespmem:$0xED70] =	vst v16  }
0x3f9: {  	v16 =	vld [tilespmem:s1+$0x7280]  }
0x3fa: {  	v17 =	vld [tilespmem:s1+$0x8680]  }
0x3fb: {  	v39 =	vld [tilespmem:s1+$0x9A80]  }
0x3fc: {  	v40 =	vld [tilespmem:s1+$0x7290]  }
0x3fd: {  	v41 =	vld [tilespmem:s1+$0x8690]  }
0x3fe: {  	v42 =	vld [tilespmem:s1+$0x9A90]  }
0x3ff: {  	v43 =	vld [tilespmem:s1+$0x72A0]  }
0x400: {  	v44 =	vld [tilespmem:s1+$0x86A0]  }
0x401: {  	v45 =	vld [tilespmem:s1+$0x9AA0]  }
0x402: {  	v46 =	vld [tilespmem:s1+$0x86B0];
	v16 =	vmul.bf16 v17, v16  }
0x403: {  	v17 =	vld [tilespmem:s1+$0x72B0]  }
0x404: {  	v19 =	vmul.bf16 v41, v40;
	v16 =	vmul.bf16 v39, v16  }
0x405: {  	v48 =	vld [tilespmem:s1+$0x9AB0];
	v22 =	vmul.bf16 v44, v43  }
0x406: {  	v47 =	vmul.bf16 v42, v19;
	v49 =	vunpack.i.u.bf16.f32 v16;
	v16 =	vunpack.i.l.bf16.f32 v16  }
0x407: {  	v22 =	vmul.bf16 v45, v22;
	v16 =	vadd.f32 $0.0e+00, v16;
	v21 =	vadd.f32 $0.0e+00, v49  }
0x408: {  	v50 =	vunpack.i.u.bf16.f32 v47;
	v18 =	vunpack.i.l.bf16.f32 v47;
	v17 =	vmul.bf16 v46, v17  }
0x409: {  	v16 =	vadd.f32 v18, v16;
	v51 =	vadd.f32 v50, v21  }
0x40a: {  	v52 =	vunpack.i.u.bf16.f32 v22;
	v53 =	vunpack.i.l.bf16.f32 v22;
	v17 =	vmul.bf16 v48, v17  }
0x40b: {  	v16 =	vadd.f32 v53, v16;
	v18 =	vadd.f32 v52, v51  }
0x40c: {  	v19 =	vunpack.i.u.bf16.f32 v17;
	v17 =	vunpack.i.l.bf16.f32 v17  }
0x40d: {  	v16 =	vadd.f32 v17, v16;
	v17 =	vadd.f32 v19, v18;
	_ =	sdelay $0x1  }
0x40e: {  	v16 =	vadd.f32 v16, v17;
	_ =	sdelay $0x1  }
0x40f: {  	[tilespmem:$0xED80] =	vst v16  }
0x410: {  	v16 =	vld [tilespmem:s1+$0x72C0]  }
0x411: {  	v17 =	vld [tilespmem:s1+$0x86C0]  }
0x412: {  	v54 =	vld [tilespmem:s1+$0x9AC0]  }
0x413: {  	v55 =	vld [tilespmem:s1+$0x72D0]  }
0x414: {  	v56 =	vld [tilespmem:s1+$0x86D0]  }
0x415: {  	v57 =	vld [tilespmem:s1+$0x9AD0]  }
0x416: {  	v58 =	vld [tilespmem:s1+$0x72E0]  }
0x417: {  	v59 =	vld [tilespmem:s1+$0x86E0]  }
0x418: {  	v60 =	vld [tilespmem:s1+$0x9AE0]  }
0x419: {  	v61 =	vld [tilespmem:s1+$0x86F0];
	v16 =	vmul.bf16 v17, v16  }
0x41a: {  	v17 =	vld [tilespmem:s1+$0x72F0]  }
0x41b: {  	v19 =	vmul.bf16 v56, v55;
	v16 =	vmul.bf16 v54, v16  }
0x41c: {  	v63 =	vld [tilespmem:s1+$0x9AF0];
	v22 =	vmul.bf16 v59, v58  }
0x41d: {  	v62 =	vmul.bf16 v57, v19;
	v25 =	vunpack.i.u.bf16.f32 v16;
	v16 =	vunpack.i.l.bf16.f32 v16  }
0x41e: {  	v22 =	vmul.bf16 v60, v22;
	v16 =	vadd.f32 $0.0e+00, v16;
	v21 =	vadd.f32 $0.0e+00, v25  }
0x41f: {  	v26 =	vunpack.i.u.bf16.f32 v62;
	v18 =	vunpack.i.l.bf16.f32 v62;
	v17 =	vmul.bf16 v61, v17  }
0x420: {  	v16 =	vadd.f32 v18, v16;
	v27 =	vadd.f32 v26, v21  }
0x421: {  	v28 =	vunpack.i.u.bf16.f32 v22;
	v29 =	vunpack.i.l.bf16.f32 v22;
	v17 =	vmul.bf16 v63, v17  }
0x422: {  	v16 =	vadd.f32 v29, v16;
	v18 =	vadd.f32 v28, v27  }
0x423: {  	v19 =	vunpack.i.u.bf16.f32 v17;
	v17 =	vunpack.i.l.bf16.f32 v17  }
0x424: {  	v16 =	vadd.f32 v17, v16;
	v17 =	vadd.f32 v19, v18;
	_ =	sdelay $0x1  }
0x425: {  	v16 =	vadd.f32 v16, v17;
	_ =	sdelay $0x1  }
0x426: {  	[tilespmem:$0xED90] =	vst v16  }
0x427: {  	v16 =	vld [tilespmem:s1+$0x7300]  }
0x428: {  	v17 =	vld [tilespmem:s1+$0x8700]  }
0x429: {  	v30 =	vld [tilespmem:s1+$0x9B00]  }
0x42a: {  	v31 =	vld [tilespmem:s1+$0x7310]  }
0x42b: {  	v32 =	vld [tilespmem:s1+$0x8710]  }
0x42c: {  	v33 =	vld [tilespmem:s1+$0x9B10]  }
0x42d: {  	v34 =	vld [tilespmem:s1+$0x7320]  }
0x42e: {  	v35 =	vld [tilespmem:s1+$0x8720]  }
0x42f: {  	v36 =	vld [tilespmem:s1+$0x9B20]  }
0x430: {  	v37 =	vld [tilespmem:s1+$0x8730];
	v16 =	vmul.bf16 v17, v16  }
0x431: {  	v17 =	vld [tilespmem:s1+$0x7330]  }
0x432: {  	v19 =	vmul.bf16 v32, v31;
	v16 =	vmul.bf16 v30, v16  }
0x433: {  	v39 =	vld [tilespmem:s1+$0x9B30];
	v22 =	vmul.bf16 v35, v34  }
0x434: {  	v38 =	vmul.bf16 v33, v19;
	v40 =	vunpack.i.u.bf16.f32 v16;
	v16 =	vunpack.i.l.bf16.f32 v16  }
0x435: {  	v22 =	vmul.bf16 v36, v22;
	v16 =	vadd.f32 $0.0e+00, v16;
	v21 =	vadd.f32 $0.0e+00, v40  }
0x436: {  	v41 =	vunpack.i.u.bf16.f32 v38;
	v18 =	vunpack.i.l.bf16.f32 v38;
	v17 =	vmul.bf16 v37, v17  }
0x437: {  	v16 =	vadd.f32 v18, v16;
	v42 =	vadd.f32 v41, v21  }
0x438: {  	v43 =	vunpack.i.u.bf16.f32 v22;
	v44 =	vunpack.i.l.bf16.f32 v22;
	v17 =	vmul.bf16 v39, v17  }
0x439: {  	v16 =	vadd.f32 v44, v16;
	v18 =	vadd.f32 v43, v42  }
0x43a: {  	v19 =	vunpack.i.u.bf16.f32 v17;
	v17 =	vunpack.i.l.bf16.f32 v17  }
0x43b: {  	v16 =	vadd.f32 v17, v16;
	v17 =	vadd.f32 v19, v18;
	_ =	sdelay $0x1  }
0x43c: {  	v16 =	vadd.f32 v16, v17;
	_ =	sdelay $0x1  }
0x43d: {  	[tilespmem:$0xEDA0] =	vst v16  }
0x43e: {  	v16 =	vld [tilespmem:s1+$0x7340]  }
0x43f: {  	v17 =	vld [tilespmem:s1+$0x8740]  }
0x440: {  	v45 =	vld [tilespmem:s1+$0x9B40]  }
0x441: {  	v46 =	vld [tilespmem:s1+$0x7350]  }
0x442: {  	v47 =	vld [tilespmem:s1+$0x8750]  }
0x443: {  	v48 =	vld [tilespmem:s1+$0x9B50]  }
0x444: {  	v49 =	vld [tilespmem:s1+$0x7360]  }
0x445: {  	v50 =	vld [tilespmem:s1+$0x8760]  }
0x446: {  	v51 =	vld [tilespmem:s1+$0x9B60]  }
0x447: {  	v52 =	vld [tilespmem:s1+$0x8770];
	v16 =	vmul.bf16 v17, v16  }
0x448: {  	v17 =	vld [tilespmem:s1+$0x7370]  }
0x449: {  	v19 =	vmul.bf16 v47, v46;
	v16 =	vmul.bf16 v45, v16  }
0x44a: {  	v54 =	vld [tilespmem:s1+$0x9B70];
	v22 =	vmul.bf16 v50, v49  }
0x44b: {  	v53 =	vmul.bf16 v48, v19;
	v55 =	vunpack.i.u.bf16.f32 v16;
	v16 =	vunpack.i.l.bf16.f32 v16  }
0x44c: {  	v22 =	vmul.bf16 v51, v22;
	v16 =	vadd.f32 $0.0e+00, v16;
	v21 =	vadd.f32 $0.0e+00, v55  }
0x44d: {  	v56 =	vunpack.i.u.bf16.f32 v53;
	v18 =	vunpack.i.l.bf16.f32 v53;
	v17 =	vmul.bf16 v52, v17  }
0x44e: {  	v16 =	vadd.f32 v18, v16;
	v57 =	vadd.f32 v56, v21  }
0x44f: {  	v58 =	vunpack.i.u.bf16.f32 v22;
	v59 =	vunpack.i.l.bf16.f32 v22;
	v17 =	vmul.bf16 v54, v17  }
0x450: {  	v16 =	vadd.f32 v59, v16;
	v18 =	vadd.f32 v58, v57  }
0x451: {  	v19 =	vunpack.i.u.bf16.f32 v17;
	v17 =	vunpack.i.l.bf16.f32 v17  }
0x452: {  	v16 =	vadd.f32 v17, v16;
	v17 =	vadd.f32 v19, v18;
	_ =	sdelay $0x1  }
0x453: {  	v16 =	vadd.f32 v16, v17;
	_ =	sdelay $0x1  }
0x454: {  	[tilespmem:$0xEDB0] =	vst v16  }
0x455: {  	v16 =	vld [tilespmem:s1+$0x7380]  }
0x456: {  	v17 =	vld [tilespmem:s1+$0x8780]  }
0x457: {  	v60 =	vld [tilespmem:s1+$0x9B80]  }
0x458: {  	v61 =	vld [tilespmem:s1+$0x7390]  }
0x459: {  	v62 =	vld [tilespmem:s1+$0x8790]  }
0x45a: {  	v63 =	vld [tilespmem:s1+$0x9B90]  }
0x45b: {  	v28 =	vld [tilespmem:s1+$0x73A0]  }
0x45c: {  	v29 =	vld [tilespmem:s1+$0x87A0]  }
0x45d: {  	v30 =	vld [tilespmem:s1+$0x9BA0]  }
0x45e: {  	v31 =	vld [tilespmem:s1+$0x87B0];
	v16 =	vmul.bf16 v17, v16  }
0x45f: {  	v17 =	vld [tilespmem:s1+$0x73B0]  }
0x460: {  	v19 =	vmul.bf16 v62, v61;
	v16 =	vmul.bf16 v60, v16  }
0x461: {  	v33 =	vld [tilespmem:s1+$0x9BB0];
	v22 =	vmul.bf16 v29, v28  }
0x462: {  	v32 =	vmul.bf16 v63, v19;
	v34 =	vunpack.i.u.bf16.f32 v16;
	v16 =	vunpack.i.l.bf16.f32 v16  }
0x463: {  	v22 =	vmul.bf16 v30, v22;
	v16 =	vadd.f32 $0.0e+00, v16;
	v21 =	vadd.f32 $0.0e+00, v34  }
0x464: {  	v35 =	vunpack.i.u.bf16.f32 v32;
	v18 =	vunpack.i.l.bf16.f32 v32;
	v17 =	vmul.bf16 v31, v17  }
0x465: {  	v16 =	vadd.f32 v18, v16;
	v36 =	vadd.f32 v35, v21  }
0x466: {  	v37 =	vunpack.i.u.bf16.f32 v22;
	v38 =	vunpack.i.l.bf16.f32 v22;
	v17 =	vmul.bf16 v33, v17  }
0x467: {  	v16 =	vadd.f32 v38, v16;
	v18 =	vadd.f32 v37, v36  }
0x468: {  	v19 =	vunpack.i.u.bf16.f32 v17;
	v17 =	vunpack.i.l.bf16.f32 v17  }
0x469: {  	v16 =	vadd.f32 v17, v16;
	v17 =	vadd.f32 v19, v18;
	_ =	sdelay $0x1  }
0x46a: {  	v16 =	vadd.f32 v16, v17;
	_ =	sdelay $0x1  }
0x46b: {  	[tilespmem:$0xEDC0] =	vst v16  }
0x46c: {  	v16 =	vld [tilespmem:s1+$0x73C0]  }
0x46d: {  	v17 =	vld [tilespmem:s1+$0x87C0]  }
0x46e: {  	v39 =	vld [tilespmem:s1+$0x9BC0]  }
0x46f: {  	v40 =	vld [tilespmem:s1+$0x73D0]  }
0x470: {  	v41 =	vld [tilespmem:s1+$0x87D0]  }
0x471: {  	v42 =	vld [tilespmem:s1+$0x9BD0]  }
0x472: {  	v43 =	vld [tilespmem:s1+$0x73E0]  }
0x473: {  	v44 =	vld [tilespmem:s1+$0x87E0]  }
0x474: {  	v45 =	vld [tilespmem:s1+$0x9BE0]  }
0x475: {  	v46 =	vld [tilespmem:s1+$0x87F0];
	v16 =	vmul.bf16 v17, v16  }
0x476: {  	v17 =	vld [tilespmem:s1+$0x73F0]  }
0x477: {  	v19 =	vmul.bf16 v41, v40;
	v16 =	vmul.bf16 v39, v16  }
0x478: {  	v48 =	vld [tilespmem:s1+$0x9BF0];
	v22 =	vmul.bf16 v44, v43  }
0x479: {  	v47 =	vmul.bf16 v42, v19;
	v49 =	vunpack.i.u.bf16.f32 v16;
	v16 =	vunpack.i.l.bf16.f32 v16  }
0x47a: {  	v22 =	vmul.bf16 v45, v22;
	v16 =	vadd.f32 $0.0e+00, v16;
	v21 =	vadd.f32 $0.0e+00, v49  }
0x47b: {  	v50 =	vunpack.i.u.bf16.f32 v47;
	v18 =	vunpack.i.l.bf16.f32 v47;
	v17 =	vmul.bf16 v46, v17  }
0x47c: {  	v16 =	vadd.f32 v18, v16;
	v51 =	vadd.f32 v50, v21  }
0x47d: {  	v52 =	vunpack.i.u.bf16.f32 v22;
	v53 =	vunpack.i.l.bf16.f32 v22;
	v17 =	vmul.bf16 v48, v17  }
0x47e: {  	v16 =	vadd.f32 v53, v16;
	v18 =	vadd.f32 v52, v51  }
0x47f: {  	v19 =	vunpack.i.u.bf16.f32 v17;
	v17 =	vunpack.i.l.bf16.f32 v17  }
0x480: {  	v16 =	vadd.f32 v17, v16;
	v17 =	vadd.f32 v19, v18;
	_ =	sdelay $0x1  }
0x481: {  	v16 =	vadd.f32 v16, v17;
	_ =	sdelay $0x1  }
0x482: {  	[tilespmem:$0xEDD0] =	vst v16  }
0x483: {  	v16 =	vld [tilespmem:s1+$0x7400]  }
0x484: {  	v17 =	vld [tilespmem:s1+$0x8800]  }
0x485: {  	v54 =	vld [tilespmem:s1+$0x9C00]  }
0x486: {  	v55 =	vld [tilespmem:s1+$0x7410]  }
0x487: {  	v56 =	vld [tilespmem:s1+$0x8810]  }
0x488: {  	v57 =	vld [tilespmem:s1+$0x9C10]  }
0x489: {  	v58 =	vld [tilespmem:s1+$0x7420]  }
0x48a: {  	v59 =	vld [tilespmem:s1+$0x8820]  }
0x48b: {  	v60 =	vld [tilespmem:s1+$0x9C20]  }
0x48c: {  	v61 =	vld [tilespmem:s1+$0x8830];
	v16 =	vmul.bf16 v17, v16  }
0x48d: {  	v17 =	vld [tilespmem:s1+$0x7430]  }
0x48e: {  	v19 =	vmul.bf16 v56, v55;
	v16 =	vmul.bf16 v54, v16  }
0x48f: {  	v63 =	vld [tilespmem:s1+$0x9C30];
	v22 =	vmul.bf16 v59, v58  }
0x490: {  	v62 =	vmul.bf16 v57, v19;
	v25 =	vunpack.i.u.bf16.f32 v16;
	v16 =	vunpack.i.l.bf16.f32 v16  }
0x491: {  	v22 =	vmul.bf16 v60, v22;
	v16 =	vadd.f32 $0.0e+00, v16;
	v21 =	vadd.f32 $0.0e+00, v25  }
0x492: {  	v26 =	vunpack.i.u.bf16.f32 v62;
	v18 =	vunpack.i.l.bf16.f32 v62;
	v17 =	vmul.bf16 v61, v17  }
0x493: {  	v16 =	vadd.f32 v18, v16;
	v27 =	vadd.f32 v26, v21  }
0x494: {  	v28 =	vunpack.i.u.bf16.f32 v22;
	v29 =	vunpack.i.l.bf16.f32 v22;
	v17 =	vmul.bf16 v63, v17  }
0x495: {  	v16 =	vadd.f32 v29, v16;
	v18 =	vadd.f32 v28, v27  }
0x496: {  	v19 =	vunpack.i.u.bf16.f32 v17;
	v17 =	vunpack.i.l.bf16.f32 v17  }
0x497: {  	v16 =	vadd.f32 v17, v16;
	v17 =	vadd.f32 v19, v18;
	_ =	sdelay $0x1  }
0x498: {  	v16 =	vadd.f32 v16, v17;
	_ =	sdelay $0x1  }
0x499: {  	[tilespmem:$0xEDE0] =	vst v16  }
0x49a: {  	v16 =	vld [tilespmem:s1+$0x7440]  }
0x49b: {  	v17 =	vld [tilespmem:s1+$0x8840]  }
0x49c: {  	v30 =	vld [tilespmem:s1+$0x9C40]  }
0x49d: {  	v31 =	vld [tilespmem:s1+$0x7450]  }
0x49e: {  	v32 =	vld [tilespmem:s1+$0x8850]  }
0x49f: {  	v33 =	vld [tilespmem:s1+$0x9C50]  }
0x4a0: {  	v34 =	vld [tilespmem:s1+$0x7460]  }
0x4a1: {  	v35 =	vld [tilespmem:s1+$0x8860]  }
0x4a2: {  	v36 =	vld [tilespmem:s1+$0x9C60]  }
0x4a3: {  	v37 =	vld [tilespmem:s1+$0x8870];
	v16 =	vmul.bf16 v17, v16  }
0x4a4: {  	v17 =	vld [tilespmem:s1+$0x7470]  }
0x4a5: {  	v19 =	vmul.bf16 v32, v31;
	v16 =	vmul.bf16 v30, v16  }
0x4a6: {  	v39 =	vld [tilespmem:s1+$0x9C70];
	v22 =	vmul.bf16 v35, v34  }
0x4a7: {  	v38 =	vmul.bf16 v33, v19;
	v40 =	vunpack.i.u.bf16.f32 v16;
	v16 =	vunpack.i.l.bf16.f32 v16  }
0x4a8: {  	v22 =	vmul.bf16 v36, v22;
	v16 =	vadd.f32 $0.0e+00, v16;
	v21 =	vadd.f32 $0.0e+00, v40  }
0x4a9: {  	v41 =	vunpack.i.u.bf16.f32 v38;
	v18 =	vunpack.i.l.bf16.f32 v38;
	v17 =	vmul.bf16 v37, v17  }
0x4aa: {  	v16 =	vadd.f32 v18, v16;
	v42 =	vadd.f32 v41, v21  }
0x4ab: {  	v43 =	vunpack.i.u.bf16.f32 v22;
	v44 =	vunpack.i.l.bf16.f32 v22;
	v17 =	vmul.bf16 v39, v17  }
0x4ac: {  	v16 =	vadd.f32 v44, v16;
	v18 =	vadd.f32 v43, v42  }
0x4ad: {  	v19 =	vunpack.i.u.bf16.f32 v17;
	v17 =	vunpack.i.l.bf16.f32 v17  }
0x4ae: {  	v16 =	vadd.f32 v17, v16;
	v17 =	vadd.f32 v19, v18;
	_ =	sdelay $0x1  }
0x4af: {  	v16 =	vadd.f32 v16, v17;
	_ =	sdelay $0x1  }
0x4b0: {  	[tilespmem:$0xEDF0] =	vst v16  }
0x4b1: {  	v16 =	vld [tilespmem:s1+$0x7480]  }
0x4b2: {  	v17 =	vld [tilespmem:s1+$0x8880]  }
0x4b3: {  	v45 =	vld [tilespmem:s1+$0x9C80]  }
0x4b4: {  	v46 =	vld [tilespmem:s1+$0x7490]  }
0x4b5: {  	v47 =	vld [tilespmem:s1+$0x8890]  }
0x4b6: {  	v48 =	vld [tilespmem:s1+$0x9C90]  }
0x4b7: {  	v49 =	vld [tilespmem:s1+$0x74A0]  }
0x4b8: {  	v50 =	vld [tilespmem:s1+$0x88A0]  }
0x4b9: {  	v51 =	vld [tilespmem:s1+$0x9CA0]  }
0x4ba: {  	v52 =	vld [tilespmem:s1+$0x88B0];
	v16 =	vmul.bf16 v17, v16  }
0x4bb: {  	v17 =	vld [tilespmem:s1+$0x74B0]  }
0x4bc: {  	v19 =	vmul.bf16 v47, v46;
	v16 =	vmul.bf16 v45, v16  }
0x4bd: {  	v54 =	vld [tilespmem:s1+$0x9CB0];
	v22 =	vmul.bf16 v50, v49  }
0x4be: {  	v53 =	vmul.bf16 v48, v19;
	v55 =	vunpack.i.u.bf16.f32 v16;
	v16 =	vunpack.i.l.bf16.f32 v16  }
0x4bf: {  	v22 =	vmul.bf16 v51, v22;
	v16 =	vadd.f32 $0.0e+00, v16;
	v21 =	vadd.f32 $0.0e+00, v55  }
0x4c0: {  	v56 =	vunpack.i.u.bf16.f32 v53;
	v18 =	vunpack.i.l.bf16.f32 v53;
	v17 =	vmul.bf16 v52, v17  }
0x4c1: {  	v16 =	vadd.f32 v18, v16;
	v57 =	vadd.f32 v56, v21  }
0x4c2: {  	v58 =	vunpack.i.u.bf16.f32 v22;
	v59 =	vunpack.i.l.bf16.f32 v22;
	v17 =	vmul.bf16 v54, v17  }
0x4c3: {  	v16 =	vadd.f32 v59, v16;
	v18 =	vadd.f32 v58, v57  }
0x4c4: {  	v19 =	vunpack.i.u.bf16.f32 v17;
	v17 =	vunpack.i.l.bf16.f32 v17  }
0x4c5: {  	v16 =	vadd.f32 v17, v16;
	v17 =	vadd.f32 v19, v18;
	_ =	sdelay $0x1  }
0x4c6: {  	v16 =	vadd.f32 v16, v17;
	_ =	sdelay $0x1  }
0x4c7: {  	[tilespmem:$0xEE00] =	vst v16  }
0x4c8: {  	v16 =	vld [tilespmem:s1+$0x74C0]  }
0x4c9: {  	v17 =	vld [tilespmem:s1+$0x88C0]  }
0x4ca: {  	v60 =	vld [tilespmem:s1+$0x9CC0]  }
0x4cb: {  	v61 =	vld [tilespmem:s1+$0x74D0]  }
0x4cc: {  	v62 =	vld [tilespmem:s1+$0x88D0]  }
0x4cd: {  	v63 =	vld [tilespmem:s1+$0x9CD0]  }
0x4ce: {  	v28 =	vld [tilespmem:s1+$0x74E0]  }
0x4cf: {  	v29 =	vld [tilespmem:s1+$0x88E0]  }
0x4d0: {  	v30 =	vld [tilespmem:s1+$0x9CE0]  }
0x4d1: {  	v31 =	vld [tilespmem:s1+$0x88F0];
	v16 =	vmul.bf16 v17, v16  }
0x4d2: {  	v17 =	vld [tilespmem:s1+$0x74F0]  }
0x4d3: {  	v19 =	vmul.bf16 v62, v61;
	v16 =	vmul.bf16 v60, v16  }
0x4d4: {  	v33 =	vld [tilespmem:s1+$0x9CF0];
	v22 =	vmul.bf16 v29, v28  }
0x4d5: {  	v32 =	vmul.bf16 v63, v19;
	v34 =	vunpack.i.u.bf16.f32 v16;
	v16 =	vunpack.i.l.bf16.f32 v16  }
0x4d6: {  	v22 =	vmul.bf16 v30, v22;
	v16 =	vadd.f32 $0.0e+00, v16;
	v21 =	vadd.f32 $0.0e+00, v34  }
0x4d7: {  	v35 =	vunpack.i.u.bf16.f32 v32;
	v18 =	vunpack.i.l.bf16.f32 v32;
	v17 =	vmul.bf16 v31, v17  }
0x4d8: {  	v16 =	vadd.f32 v18, v16;
	v36 =	vadd.f32 v35, v21  }
0x4d9: {  	v37 =	vunpack.i.u.bf16.f32 v22;
	v38 =	vunpack.i.l.bf16.f32 v22;
	v17 =	vmul.bf16 v33, v17  }
0x4da: {  	v16 =	vadd.f32 v38, v16;
	v18 =	vadd.f32 v37, v36  }
0x4db: {  	v19 =	vunpack.i.u.bf16.f32 v17;
	v17 =	vunpack.i.l.bf16.f32 v17  }
0x4dc: {  	v16 =	vadd.f32 v17, v16;
	v17 =	vadd.f32 v19, v18;
	_ =	sdelay $0x1  }
0x4dd: {  	v16 =	vadd.f32 v16, v17;
	_ =	sdelay $0x1  }
0x4de: {  	[tilespmem:$0xEE10] =	vst v16  }
0x4df: {  	v16 =	vld [tilespmem:s1+$0x7500]  }
0x4e0: {  	v17 =	vld [tilespmem:s1+$0x8900]  }
0x4e1: {  	v39 =	vld [tilespmem:s1+$0x9D00]  }
0x4e2: {  	v40 =	vld [tilespmem:s1+$0x7510]  }
0x4e3: {  	v41 =	vld [tilespmem:s1+$0x8910]  }
0x4e4: {  	v42 =	vld [tilespmem:s1+$0x9D10]  }
0x4e5: {  	v43 =	vld [tilespmem:s1+$0x7520]  }
0x4e6: {  	v44 =	vld [tilespmem:s1+$0x8920]  }
0x4e7: {  	v45 =	vld [tilespmem:s1+$0x9D20]  }
0x4e8: {  	v25 =	vld [tilespmem:s1+$0x8930];
	v16 =	vmul.bf16 v17, v16  }
0x4e9: {  	v17 =	vld [tilespmem:s1+$0x7530]  }
0x4ea: {  	v46 =	vmul.bf16 v41, v40;
	v16 =	vmul.bf16 v39, v16  }
0x4eb: {  	v48 =	vld [tilespmem:s1+$0x9D30];
	v47 =	vmul.bf16 v44, v43  }
0x4ec: {  	v18 =	vmul.bf16 v42, v46;
	v49 =	vunpack.i.u.bf16.f32 v16;
	v16 =	vunpack.i.l.bf16.f32 v16  }
0x4ed: {  	v19 =	vmul.bf16 v45, v47;
	v16 =	vadd.f32 $0.0e+00, v16;
	v21 =	vadd.f32 $0.0e+00, v49  }
0x4ee: {  	v50 =	vunpack.i.u.bf16.f32 v18;
	v18 =	vunpack.i.l.bf16.f32 v18;
	v17 =	vmul.bf16 v25, v17  }
0x4ef: {  	v16 =	vadd.f32 v18, v16;
	v51 =	vadd.f32 v50, v21  }
0x4f0: {  	v52 =	vunpack.i.u.bf16.f32 v19;
	v19 =	vunpack.i.l.bf16.f32 v19;
	v17 =	vmul.bf16 v48, v17  }
0x4f1: {  	v16 =	vadd.f32 v19, v16;
	v18 =	vadd.f32 v52, v51  }
0x4f2: {  	v53 =	vunpack.i.u.bf16.f32 v17;
	v17 =	vunpack.i.l.bf16.f32 v17  }
0x4f3: {  	v16 =	vadd.f32 v17, v16;
	v17 =	vadd.f32 v53, v18;
	_ =	sdelay $0x1  }
0x4f4: {  	v16 =	vadd.f32 v16, v17;
	_ =	sdelay $0x1  }
0x4f5: {  	[tilespmem:$0xEE20] =	vst v16  }
0x4f6: {  	v16 =	vld.idx.msk [tilespmem:v0+s21+$0x0], $0xffff;
	_ =	sdelay $0x1  }
0x4f7: {  	v17 =	vld.idx.msk [tilespmem:v1+s21+$0x0], $0xffff;
	_ =	sdelay $0x1  }
0x4f8: {  	v54 =	vld.idx.msk [tilespmem:v2+s21+$0x0], $0xffff  }
0x4f9: {  	v16 =	vadd.f32 $0.0e+00, v16  }
0x4fa: {  	v55 =	vld.idx.msk [tilespmem:v3+s21+$0x0], $0xffff  }
0x4fb: {  	v16 =	vadd.f32 v17, v16  }
0x4fc: {  	v17 =	vld.idx.msk [tilespmem:v4+s21+$0x0], $0xffff  }
0x4fd: {  	v16 =	vadd.f32 v54, v16  }
0x4fe: {  	v56 =	vld.idx.msk [tilespmem:v5+s21+$0x0], $0xffff  }
0x4ff: {  	v16 =	vadd.f32 v55, v16  }
0x500: {  	v57 =	vld.idx.msk [tilespmem:v6+s21+$0x0], $0xffff  }
0x501: {  	v16 =	vadd.f32 v17, v16  }
0x502: {  	v17 =	vld.idx.msk [tilespmem:v7+s21+$0x0], $0xffff  }
0x503: {  	v16 =	vadd.f32 v56, v16  }
0x504: {  	v58 =	vld.idx.msk [tilespmem:v8+s21+$0x0], $0xffff  }
0x505: {  	v16 =	vadd.f32 v57, v16  }
0x506: {  	v59 =	vld.idx.msk [tilespmem:v9+s21+$0x0], $0xffff  }
0x507: {  	v16 =	vadd.f32 v17, v16  }
0x508: {  	v17 =	vld.idx.msk [tilespmem:v10+s21+$0x0], $0xffff  }
0x509: {  	v16 =	vadd.f32 v58, v16  }
0x50a: {  	v60 =	vld.idx.msk [tilespmem:v11+s21+$0x0], $0xffff  }
0x50b: {  	v16 =	vadd.f32 v59, v16  }
0x50c: {  	v61 =	vld.idx.msk [tilespmem:v12+s21+$0x0], $0xffff  }
0x50d: {  	v16 =	vadd.f32 v17, v16  }
0x50e: {  	v17 =	vld.idx.msk [tilespmem:v13+s21+$0x0], $0xffff  }
0x50f: {  	v16 =	vadd.f32 v60, v16  }
0x510: {  	v62 =	vld.idx.msk [tilespmem:v14+s21+$0x0], $0xffff  }
0x511: {  	v16 =	vadd.f32 v61, v16  }
0x512: {  	v63 =	vld.idx.msk [tilespmem:v15+s21+$0x0], $0xffff  }
0x513: {  	v16 =	vadd.f32 v17, v16;
	_ =	sdelay $0x1  }
0x514: {  	v16 =	vadd.f32 v62, v16;
	_ =	sdelay $0x1  }
0x515: {  	v16 =	vadd.f32 v63, v16;
	_ =	sdelay $0x1  }
0x516: {  	v16 =	vsub.f32 $0.0e+00, v16;
	_ =	sdelay $0x1  }
0x517: {  	v16 =	vmul.f32 $1.442695020e+00, v16;
	_ =	sdelay $0x1  }
0x518: {  	(erf) = vpow2.f32 v16;
	_ =	sdelay $0x8  }
0x519: {  	v16 =	vpop (erf)  }
0x51a: {  	v16 =	vadd.f32 $1.000000000e+00, v16;
	_ =	sdelay $0x1  }
0x51b: {  	(erf) = vrcp.f32 v16;
	_ =	sdelay $0x4  }
0x51c: {  	p0 =	sne.s32 s25, $0x4FC0  }
.Ltmp3:
0x51d: {  	_ = 	snop;
	(pc) =	sbr.rel @p0 .LBB2_8-.Ltmp3, $3  }
0x51e: {  	_ =	sdelay $0x1  }
0x51f: {  	v16 =	vpop (erf)  }
0x520: {  	s25 =	sadd.s32 $0x1000, s25;
	[tilespmem:s26+$0x0] =	vst v16;
	s26 =	sadd.s32 $0x10, s26  }
0x521: {  	s24 =	sadd.s32 $0x1, s24  }
0x522: {  	p0 =	sne.s32 s24, s9  }
.Ltmp4:
0x523: {  	_ = 	snop;
	(pc) =	sbr.rel @p0 .LBB2_1-.Ltmp4, $4  }
0x524: {  	[hbm4b:s8+s2] =	stream.linear.scatter [tilespmem:s23], [sflag:$0x3], $0x2710, $0x38;
	[tilespmem:$0x11540] =	vst v63  }
0x525: {  	_ =	swait.ge [sflag:s10], $0x2710  }
0x526: {  	[sflag:s10] =	ssyncset.done $0x0  }
0x527: {  	[sflag:s10] =	ssyncadd.s32 $0xFFFFD8F0  }
0x528: {  	_ =	sfence.sel $0x180000  }
0x529: {  	[bflag:$0x0] =	sbarrier.arrive $0xFFFF  }
0x52a: {  	_ =	strace $0x90000047  }
0x52b: {  	[bflag:$0x2] =	sbarrier.arrive $0xFFFF  }
0x52c: {  	p0 =	sne.s32 s0, $0x0;
	s0 =	rddreg [dreg:$0x3]  }
0x52d: {  	s0 =	sadd.s32 @!p0 $0x100000, s0  }
0x52e: {  	[sflag:s0] =	ssyncadd.tile.s32 @!p0 $0x1;
	_ =	shalt  }
.Lfunc_end2:
_tile_overlayer_lowered:
.L_overlay_start_2:
0x52f: {  	(tag) =	ssettag $0x2  }
0x530: {  	s0 =	rddreg [dreg:$0x0];
	s2 =	stileid.u32  }
0x531: {  	s1 =	rddreg [dreg:$0x1];
	p0 =	sne.s32 s2, $0x0  }
0x532: {  	s3 =	rddreg [dreg:$0x2];
	[bflag:$0x3] =	sbarrier.arrive $0xFFFF;
	s2 =	simm.s32 @!p0 $0x1C03  }
0x533: {  	[timem:s3], [sflag:s2] =	dma.local @!p0 [hbm:s0], s1  }
0x534: {  	s0 =	simm.s32 @!p0 $0x3  }
0x535: {  	_ =	swait.ge @!p0 [sflag:s0], s1  }
0x536: {  	s1 =	ssub.s32 @!p0 $0x0, s1;
	[sflag:s0] =	ssyncset.done @!p0 $0x0  }
0x537: {  	[sflag:s0] =	ssyncadd.s32 @!p0 s1  }
0x538: {  	[bflag:$0x3] =	sbarrier.arrive $0xFFFF  }
0x539: {  	_ =	shalt  }

</sc_bundles>
